<compile_context>
chip_gen: v7x
topology: tpu7x:2x2x1
jax: 0.10.2.dev20260603
libtpu: 0.0.44.dev20260713+nightly
codegen_flags: <defaults>
</compile_context>

<pallas_src>
import functools

import jax
import jax.numpy as jnp
from jax import lax
from jax.experimental import pallas as pl
from jax.experimental.pallas import tpu as pltpu
from jax.experimental.pallas import tpu_sc as plsc

_N = 10000
_E = 320000
_NC = 2
_NS = 16
_RPT = _N // _NS
_R = 2000


def _mm_first_body(x_ref, w_ref, o_ref):
    h = jnp.dot(x_ref[...], w_ref[...], preferred_element_type=jnp.float32)
    o_ref[0, :, :] = h[:, :128]
    o_ref[1, :, :] = h[:, 128:]


def _mm_first(x, w):
    return pl.pallas_call(
        _mm_first_body,
        grid=(_N // _R,),
        in_specs=[pl.BlockSpec((_R, 128), lambda i: (i, 0)),
                  pl.BlockSpec((128, 256), lambda i: (0, 0))],
        out_specs=pl.BlockSpec((2, _R, 128), lambda i: (0, i, 0)),
        out_shape=jax.ShapeDtypeStruct((2, _N, 128), jnp.float32),
    )(x, w)


def _mm_mid_body(a_ref, w_ref, o_ref):
    x = jnp.concatenate([a_ref[0, :, :], a_ref[1, :, :]], axis=1)
    h = jnp.dot(jnp.tanh(x), w_ref[...], preferred_element_type=jnp.float32)
    o_ref[0, :, :] = h[:, :128]
    o_ref[1, :, :] = h[:, 128:]


def _mm_mid(a, w):
    return pl.pallas_call(
        _mm_mid_body,
        grid=(_N // _R,),
        in_specs=[pl.BlockSpec((2, _R, 128), lambda i: (0, i, 0)),
                  pl.BlockSpec((256, 256), lambda i: (0, 0))],
        out_specs=pl.BlockSpec((2, _R, 128), lambda i: (0, i, 0)),
        out_shape=jax.ShapeDtypeStruct((2, _N, 128), jnp.float32),
    )(a, w)


def _mm_full_body(a_ref, w_ref, o_ref):
    x = jnp.concatenate([a_ref[0, :, :], a_ref[1, :, :]], axis=1)
    o_ref[...] = jnp.dot(jnp.tanh(x), w_ref[...],
                         preferred_element_type=jnp.float32)


def _mm_full(a, w):
    dout = w.shape[1]
    return pl.pallas_call(
        _mm_full_body,
        grid=(_N // _R,),
        in_specs=[pl.BlockSpec((2, _R, 128), lambda i: (0, i, 0)),
                  pl.BlockSpec(w.shape, lambda i: (0, 0))],
        out_specs=pl.BlockSpec((_R, dout), lambda i: (i, 0)),
        out_shape=jax.ShapeDtypeStruct((_N, dout), jnp.float32),
    )(a, w)


def _tanh_sum_body(a_ref, o_ref):
    o_ref[...] = jnp.tanh(a_ref[0, :, :] + a_ref[1, :, :])


def _final_tanh_sum(a):
    return pl.pallas_call(
        _tanh_sum_body,
        grid=(_N // _R,),
        in_specs=[pl.BlockSpec((2, _R, 128), lambda i: (0, i, 0))],
        out_specs=pl.BlockSpec((_R, 128), lambda i: (i, 0)),
        out_shape=jax.ShapeDtypeStruct((_N, 128), jnp.float32),
    )(a)


@functools.lru_cache(maxsize=None)
def _make_agg(edge_split):
    chunk = 80 if edge_split else 160
    nchunk = 25
    eblk = nchunk * chunk
    ept = (_E // (_NC * _NS)) if edge_split else (_E // _NS)
    nblk = ept // eblk
    mesh = plsc.VectorSubcoreMesh(core_axis_name="c", subcore_axis_name="s")

    @functools.partial(
        pl.kernel, mesh=mesh,
        out_type=jax.ShapeDtypeStruct((_NC * _N, 128), jnp.float32),
        scratch_types=[
            pltpu.VMEM((eblk,), jnp.int32),
            pltpu.VMEM((eblk,), jnp.int32),
            pltpu.VMEM((chunk, 128), jnp.float32),
            pltpu.VMEM((chunk, 128), jnp.float32),
            pltpu.VMEM_SHARED((_N, 128), jnp.float32),
            pltpu.SemaphoreType.DMA,
            pltpu.SemaphoreType.DMA,
        ],
    )
    def agg(h0_hbm, h1_hbm, src_hbm, dst_hbm, out_hbm, sidx, didx, rows_a,
            rows_b, accum, sem_a, sem_b):
        cid = lax.axis_index("c")
        sid = lax.axis_index("s")
        off0 = cid * _N

        def gather(i, buf, sem):
            idx = sidx.at[pl.ds(i * chunk, chunk)]

            @pl.when(cid == 0)
            def _g0():
                pltpu.make_async_copy(h0_hbm.at[idx], buf, sem).start()

            @pl.when(cid == 1)
            def _g1():
                pltpu.make_async_copy(h1_hbm.at[idx], buf, sem).start()

        def wait_gather(i, buf, sem):
            idx = sidx.at[pl.ds(i * chunk, chunk)]
            pltpu.make_async_copy(h0_hbm.at[idx], buf, sem).wait()

        def scatter(i, buf):
            idx = didx.at[pl.ds(i * chunk, chunk)]
            pltpu.sync_copy(buf, accum.at[idx], add=True)

        def ebase(blk):
            if edge_split:
                return cid * (_E // _NC) + sid * ept + blk * eblk
            return sid * ept + blk * eblk

        def run_block(blk, b0, s0, b1, s1, preloaded):
            if not preloaded:
                pltpu.sync_copy(src_hbm.at[pl.ds(ebase(blk), eblk)], sidx)
                pltpu.sync_copy(dst_hbm.at[pl.ds(ebase(blk), eblk)], didx)
                gather(0, b0, s0)

            def pair(p, _):
                i = p * 2
                gather(i + 1, b1, s1)
                wait_gather(i, b0, s0)
                scatter(i, b0)

                @pl.when(i + 2 < nchunk)
                def _next():
                    gather(i + 2, b0, s0)
                wait_gather(i + 1, b1, s1)
                scatter(i + 1, b1)
                return 0
            lax.fori_loop(0, nchunk // 2, pair, 0)
            wait_gather(nchunk - 1, b0, s0)
            scatter(nchunk - 1, b0)

        pltpu.sync_copy(src_hbm.at[pl.ds(ebase(0), eblk)], sidx)
        pltpu.sync_copy(dst_hbm.at[pl.ds(ebase(0), eblk)], didx)
        gather(0, rows_b, sem_b)

        def zrow(r, _):
            def zcol(j, _):
                rows_a[r, pl.ds(j * 16, 16)] = jnp.zeros((16,), jnp.float32)
                return 0
            return lax.fori_loop(0, 128 // 16, zcol, 0)
        lax.fori_loop(0, chunk, zrow, 0)
        rbase = sid * _RPT
        nz = _RPT // chunk
        for z in range(nz):
            pltpu.sync_copy(rows_a, accum.at[pl.ds(rbase + z * chunk, chunk)])
        rem = _RPT - nz * chunk
        pltpu.sync_copy(rows_a.at[pl.ds(0, rem)],
                        accum.at[pl.ds(rbase + nz * chunk, rem)])
        plsc.subcore_barrier()

        run_block(0, rows_b, sem_b, rows_a, sem_a, True)
        for blk in range(1, nblk):
            run_block(blk, rows_a, sem_a, rows_b, sem_b, False)
        plsc.subcore_barrier()

        cbase = sid * 624
        pltpu.sync_copy(accum.at[pl.ds(cbase, 624)],
                        out_hbm.at[pl.ds(off0 + cbase, 624)])

        @pl.when(sid == _NS - 1)
        def _tail():
            pltpu.sync_copy(accum.at[pl.ds(9984, 16)],
                            out_hbm.at[pl.ds(off0 + 9984, 16)])

    return agg


def kernel(features, edge_index, W0, W1, W2):
    src = edge_index[0].astype(jnp.int32)
    dst = edge_index[1].astype(jnp.int32)
    fagg = _make_agg(False)
    eagg = _make_agg(True)
    hp = _mm_first(features, W0)
    a0 = fagg(hp[0], hp[1], src, dst).reshape(_NC, _N, 128)
    hp = _mm_mid(a0, W1)
    a1 = fagg(hp[0], hp[1], src, dst).reshape(_NC, _N, 128)
    h2 = _mm_full(a1, W2)
    a2 = eagg(h2, h2, src, dst).reshape(_NC, _N, 128)
    return _final_tanh_sum(a2)

# --- scband reference (transcript-rebuilt; emitter-appended) ---
"""Pipeline reference for scband-dgl-gcnnet-20109036880247 (READ-ONLY COPY).

The authoritative reference and input builder live on the scoring server;
editing this copy changes nothing except your own understanding.
"""

import jax, jax.numpy as jnp
import numpy as np

N_NODES = 10000
N_EDGES = 320000
D_FEAT = 128
D_HID = 256
D_OUT = 128


def setup_inputs(seed: int = 0) -> dict:
    key = jax.random.key(seed)
    k1, k2, k3, k4, k5 = jax.random.split(key, 5)
    features = jax.random.normal(k1, (N_NODES, D_FEAT), dtype=jnp.float32)
    edge_index = jax.random.randint(k2, (2, N_EDGES), 0, N_NODES, dtype=jnp.int64)
    # Glorot-style init for the 3 GraphConv layer weights (bias=False)
    W0 = jax.random.normal(k3, (D_FEAT, D_HID), dtype=jnp.float32) / jnp.sqrt(D_FEAT)
    W1 = jax.random.normal(k4, (D_HID, D_HID), dtype=jnp.float32) / jnp.sqrt(D_HID)
    W2 = jax.random.normal(k5, (D_HID, D_OUT), dtype=jnp.float32) / jnp.sqrt(D_HID)
    return {"features": features, "edge_index": edge_index, "W0": W0, "W1": W1, "W2": W2}


def _graph_conv(x, W, src, dst, n_nodes):
    # GraphConv with graph_norm=False, bias=False, activation=tanh:
    # transform node features, then sum-aggregate messages along edges.
    h = x @ W
    msgs = jnp.take(h, src, axis=0)
    agg = jax.ops.segment_sum(msgs, dst, num_segments=n_nodes)
    return jnp.tanh(agg)


def reference(features, edge_index, W0, W1, W2):
    src = edge_index[0]
    dst = edge_index[1]
    x = _graph_conv(features, W0, src, dst, N_NODES)
    x = _graph_conv(x, W1, src, dst, N_NODES)
    x = _graph_conv(x, W2, src, dst, N_NODES)
    return x

if __name__ == "__main__":
    import jax
    _d = setup_inputs()
    print(jax.jit(kernel)(*tuple(_d.values())))

</pallas_src>

<mosaic_0001>
#map = affine_map<(d0, d1) -> (0, 0)>
#map1 = affine_map<(d0, d1) -> (0)>
module attributes {stable_mosaic.version = 14 : i64} {
  func.func @agg(%arg0: i32, %arg1: i32, %arg2: memref<10000x128xf32, #tpu.memory_space<hbm>>, %arg3: memref<10000x128xf32, #tpu.memory_space<hbm>>, %arg4: memref<320000xi32, #tpu.memory_space<hbm>>, %arg5: memref<320000xi32, #tpu.memory_space<hbm>>, %arg6: memref<20000x128xf32, #tpu.memory_space<hbm>>, %arg7: memref<4000xi32, #tpu.memory_space<vmem>>, %arg8: memref<4000xi32, #tpu.memory_space<vmem>>, %arg9: memref<160x128xf32, #tpu.memory_space<vmem>>, %arg10: memref<160x128xf32, #tpu.memory_space<vmem>>, %arg11: memref<10000x128xf32, #tpu.memory_space<vmem_shared>>, %arg12: memref<!tpu.dma_semaphore, #tpu.memory_space<semaphore_mem>>, %arg13: memref<!tpu.dma_semaphore, #tpu.memory_space<semaphore_mem>>) attributes {dimension_semantics = [#tpu.dimension_semantics<core_parallel>, #tpu.dimension_semantics<subcore_parallel>], iteration_bounds = array<i64: 2, 16>, scalar_prefetch = 0 : i64, scratch_operands = 7 : i64, tpu.core_type = #tpu.core_type<sc_vector_subcore>, window_params = [{transform_indices = #map}, {transform_indices = #map}, {transform_indices = #map1}, {transform_indices = #map1}, {transform_indices = #map}]} {
    %mul3A = arith.constant 10000 : i32
    %mul3A_0 = arith.muli %arg0, %mul3A : i32
    %mul3A_1 = arith.constant 20000 : i32
    %mul3A_2 = arith.muli %arg1, %mul3A_1 : i32
    %add3A = arith.constant 0 : i32
    %add3A_3 = arith.addi %mul3A_2, %add3A : i32
    "tpu.region"() ({
      %run_scoped3A = tpu.sem_alloc : memref<!tpu.dma_semaphore, #tpu.memory_space<semaphore_mem>>
      %dma_start3A = tpu.memref_slice %arg4[%add3A_3] : memref<320000xi32, #tpu.memory_space<hbm>> -> memref<4000xi32, #tpu.memory_space<hbm>>
      %dma_start3A_171 = tpu.memref_slice %arg4[%add3A_3] : memref<320000xi32, #tpu.memory_space<hbm>> -> memref<4000xi32, #tpu.memory_space<hbm>>
      tpu.enqueue_dma source(%dma_start3A_171 : memref<4000xi32, #tpu.memory_space<hbm>>) target(%arg7 : memref<4000xi32, #tpu.memory_space<vmem>>) target_semaphore(%run_scoped3A : memref<!tpu.dma_semaphore, #tpu.memory_space<semaphore_mem>>)
      %dma_wait3A_172 = tpu.memref_slice %arg4[%add3A_3] : memref<320000xi32, #tpu.memory_space<hbm>> -> memref<4000xi32, #tpu.memory_space<hbm>>
      %dma_wait3A_173 = tpu.memref_slice %arg4[%add3A_3] : memref<320000xi32, #tpu.memory_space<hbm>> -> memref<4000xi32, #tpu.memory_space<hbm>>
      tpu.wait_dma2 semaphore(%run_scoped3A : memref<!tpu.dma_semaphore, #tpu.memory_space<semaphore_mem>>) src(%dma_wait3A_173 : memref<4000xi32, #tpu.memory_space<hbm>>) dst(%arg7 : memref<4000xi32, #tpu.memory_space<vmem>>)
      tpu.yield
    }) : () -> ()
    %mul3A_4 = arith.constant 20000 : i32
    %mul3A_5 = arith.muli %arg1, %mul3A_4 : i32
    %add3A_6 = arith.constant 0 : i32
    %add3A_7 = arith.addi %mul3A_5, %add3A_6 : i32
    "tpu.region"() ({
      %run_scoped3A = tpu.sem_alloc : memref<!tpu.dma_semaphore, #tpu.memory_space<semaphore_mem>>
      %dma_start3A = tpu.memref_slice %arg5[%add3A_7] : memref<320000xi32, #tpu.memory_space<hbm>> -> memref<4000xi32, #tpu.memory_space<hbm>>
      %dma_start3A_171 = tpu.memref_slice %arg5[%add3A_7] : memref<320000xi32, #tpu.memory_space<hbm>> -> memref<4000xi32, #tpu.memory_space<hbm>>
      tpu.enqueue_dma source(%dma_start3A_171 : memref<4000xi32, #tpu.memory_space<hbm>>) target(%arg8 : memref<4000xi32, #tpu.memory_space<vmem>>) target_semaphore(%run_scoped3A : memref<!tpu.dma_semaphore, #tpu.memory_space<semaphore_mem>>)
      %dma_wait3A_172 = tpu.memref_slice %arg5[%add3A_7] : memref<320000xi32, #tpu.memory_space<hbm>> -> memref<4000xi32, #tpu.memory_space<hbm>>
      %dma_wait3A_173 = tpu.memref_slice %arg5[%add3A_7] : memref<320000xi32, #tpu.memory_space<hbm>> -> memref<4000xi32, #tpu.memory_space<hbm>>
      tpu.wait_dma2 semaphore(%run_scoped3A : memref<!tpu.dma_semaphore, #tpu.memory_space<semaphore_mem>>) src(%dma_wait3A_173 : memref<4000xi32, #tpu.memory_space<hbm>>) dst(%arg8 : memref<4000xi32, #tpu.memory_space<vmem>>)
      tpu.yield
    }) : () -> ()
    %eq3A = arith.constant 0 : i32
    %eq3A_8 = arith.cmpi eq, %arg0, %eq3A : i32
    %convert_element_type3A = arith.extui %eq3A_8 : i1 to i32
    %cond3A = arith.constant 0 : i32
    %cond3A_9 = arith.cmpi ne, %convert_element_type3A, %cond3A : i32
    scf.if %cond3A_9 {
      %dma_start3A = arith.constant 0 : i32
      %dma_start3A_171 = tpu.memref_slice %arg7[%dma_start3A] : memref<4000xi32, #tpu.memory_space<vmem>> -> memref<160xi32, #tpu.memory_space<vmem>>
      %dma_start3A_172 = arith.constant 0 : i32
      %dma_start3A_173 = arith.constant 0 : i32
      %dma_start3A_174 = tpu.memref_slice %arg2[%dma_start3A_172, %dma_start3A_173] : memref<10000x128xf32, #tpu.memory_space<hbm>> -> memref<10000x128xf32, #tpu.memory_space<hbm>>
      tpu.enqueue_indirect_dma source(%dma_start3A_174 : memref<10000x128xf32, #tpu.memory_space<hbm>>) target(%arg10 : memref<160x128xf32, #tpu.memory_space<vmem>>) offsets(%dma_start3A_171 : memref<160xi32, #tpu.memory_space<vmem>>) semaphore(%arg13 : memref<!tpu.dma_semaphore, #tpu.memory_space<semaphore_mem>>)
    } else {
    }
    %eq3A_10 = arith.constant 1 : i32
    %eq3A_11 = arith.cmpi eq, %arg0, %eq3A_10 : i32
    %convert_element_type3A_12 = arith.extui %eq3A_11 : i1 to i32
    %cond3A_13 = arith.constant 0 : i32
    %cond3A_14 = arith.cmpi ne, %convert_element_type3A_12, %cond3A_13 : i32
    scf.if %cond3A_14 {
      %dma_start3A = arith.constant 0 : i32
      %dma_start3A_171 = tpu.memref_slice %arg7[%dma_start3A] : memref<4000xi32, #tpu.memory_space<vmem>> -> memref<160xi32, #tpu.memory_space<vmem>>
      %dma_start3A_172 = arith.constant 0 : i32
      %dma_start3A_173 = arith.constant 0 : i32
      %dma_start3A_174 = tpu.memref_slice %arg3[%dma_start3A_172, %dma_start3A_173] : memref<10000x128xf32, #tpu.memory_space<hbm>> -> memref<10000x128xf32, #tpu.memory_space<hbm>>
      tpu.enqueue_indirect_dma source(%dma_start3A_174 : memref<10000x128xf32, #tpu.memory_space<hbm>>) target(%arg10 : memref<160x128xf32, #tpu.memory_space<vmem>>) offsets(%dma_start3A_171 : memref<160xi32, #tpu.memory_space<vmem>>) semaphore(%arg13 : memref<!tpu.dma_semaphore, #tpu.memory_space<semaphore_mem>>)
    } else {
    }
    %scan3A = arith.constant 0 : i32
    %scan3A_15 = arith.constant 0 : i32
    %scan3A_16 = arith.constant 160 : i32
    %scan3A_17 = arith.addi %scan3A_15, %scan3A_16 : i32
    %scan3A_18 = arith.constant 1 : i32
    %scan3A_19 = scf.for %scan3A_171 = %scan3A_15 to %scan3A_17 step %scan3A_18 iter_args(%scan3A_172 = %scan3A) -> (i32)  : i32 {
      %scan3A_173 = arith.constant 0 : i32
      %scan3A_174 = arith.constant 0 : i32
      %scan3A_175 = arith.constant 8 : i32
      %scan3A_176 = arith.addi %scan3A_174, %scan3A_175 : i32
      %scan3A_177 = arith.constant 1 : i32
      %scan3A_178 = scf.for %scan3A_180 = %scan3A_174 to %scan3A_176 step %scan3A_177 iter_args(%scan3A_181 = %scan3A_173) -> (i32)  : i32 {
        %broadcast_in_dim3A = arith.constant 0.000000e+00 : f32
        %broadcast_in_dim3A_182 = vector.broadcast %broadcast_in_dim3A : f32 to vector<16xf32>
        %mul3A_183 = arith.constant 16 : i32
        %mul3A_184 = arith.muli %scan3A_180, %mul3A_183 : i32
        %swap3A = arith.index_cast %scan3A_171 : i32 to index
        %swap3A_185 = arith.index_cast %mul3A_184 : i32 to index
        %swap3A_186 = tpu.vector_load %arg9[%swap3A, %swap3A_185] {strides = array<i32>} : memref<160x128xf32, #tpu.memory_space<vmem>>, vector<1x16xf32>,
        %swap3A_187 = vector.shape_cast %swap3A_186 : vector<1x16xf32> to vector<16xf32>
        %swap3A_188 = vector.shape_cast %broadcast_in_dim3A_182 : vector<16xf32> to vector<1x16xf32>
        tpu.vector_store %arg9[%swap3A, %swap3A_185], %swap3A_188 {strides = array<i32>} : memref<160x128xf32, #tpu.memory_space<vmem>>, vector<1x16xf32>,
        %scan3A_189 = arith.constant 0 : i32
        scf.yield %scan3A_189 : i32
      }
      %scan3A_179 = arith.constant 8 : i32
      scf.yield %scan3A_178 : i32
    }
    %scan3A_20 = arith.constant 160 : i32
    %mul3A_21 = arith.constant 625 : i32
    %mul3A_22 = arith.muli %arg1, %mul3A_21 : i32
    %add3A_23 = arith.constant 0 : i32
    %add3A_24 = arith.addi %mul3A_22, %add3A_23 : i32
    "tpu.region"() ({
      %run_scoped3A = tpu.sem_alloc : memref<!tpu.dma_semaphore, #tpu.memory_space<semaphore_mem>>
      %dma_start3A = arith.constant 0 : i32
      %dma_start3A_171 = tpu.memref_slice %arg11[%add3A_24, %dma_start3A] : memref<10000x128xf32, #tpu.memory_space<vmem_shared>> -> memref<160x128xf32, #tpu.memory_space<vmem_shared>>
      %dma_start3A_172 = arith.constant 0 : i32
      %dma_start3A_173 = tpu.memref_slice %arg11[%add3A_24, %dma_start3A_172] : memref<10000x128xf32, #tpu.memory_space<vmem_shared>> -> memref<160x128xf32, #tpu.memory_space<vmem_shared>>
      tpu.enqueue_dma source(%arg9 : memref<160x128xf32, #tpu.memory_space<vmem>>) target(%dma_start3A_173 : memref<160x128xf32, #tpu.memory_space<vmem_shared>>) target_semaphore(%run_scoped3A : memref<!tpu.dma_semaphore, #tpu.memory_space<semaphore_mem>>)
      %dma_wait3A_174 = arith.constant 0 : i32
      %dma_wait3A_175 = tpu.memref_slice %arg11[%add3A_24, %dma_wait3A_174] : memref<10000x128xf32, #tpu.memory_space<vmem_shared>> -> memref<160x128xf32, #tpu.memory_space<vmem_shared>>
      %dma_wait3A_176 = arith.constant 0 : i32
      %dma_wait3A_177 = tpu.memref_slice %arg11[%add3A_24, %dma_wait3A_176] : memref<10000x128xf32, #tpu.memory_space<vmem_shared>> -> memref<160x128xf32, #tpu.memory_space<vmem_shared>>
      tpu.wait_dma2 semaphore(%run_scoped3A : memref<!tpu.dma_semaphore, #tpu.memory_space<semaphore_mem>>) src(%arg9 : memref<160x128xf32, #tpu.memory_space<vmem>>) dst(%dma_wait3A_177 : memref<160x128xf32, #tpu.memory_space<vmem_shared>>)
      tpu.yield
    }) : () -> ()
    %add3A_25 = arith.constant 160 : i32
    %add3A_26 = arith.addi %mul3A_22, %add3A_25 : i32
    "tpu.region"() ({
      %run_scoped3A = tpu.sem_alloc : memref<!tpu.dma_semaphore, #tpu.memory_space<semaphore_mem>>
      %dma_start3A = arith.constant 0 : i32
      %dma_start3A_171 = tpu.memref_slice %arg11[%add3A_26, %dma_start3A] : memref<10000x128xf32, #tpu.memory_space<vmem_shared>> -> memref<160x128xf32, #tpu.memory_space<vmem_shared>>
      %dma_start3A_172 = arith.constant 0 : i32
      %dma_start3A_173 = tpu.memref_slice %arg11[%add3A_26, %dma_start3A_172] : memref<10000x128xf32, #tpu.memory_space<vmem_shared>> -> memref<160x128xf32, #tpu.memory_space<vmem_shared>>
      tpu.enqueue_dma source(%arg9 : memref<160x128xf32, #tpu.memory_space<vmem>>) target(%dma_start3A_173 : memref<160x128xf32, #tpu.memory_space<vmem_shared>>) target_semaphore(%run_scoped3A : memref<!tpu.dma_semaphore, #tpu.memory_space<semaphore_mem>>)
      %dma_wait3A_174 = arith.constant 0 : i32
      %dma_wait3A_175 = tpu.memref_slice %arg11[%add3A_26, %dma_wait3A_174] : memref<10000x128xf32, #tpu.memory_space<vmem_shared>> -> memref<160x128xf32, #tpu.memory_space<vmem_shared>>
      %dma_wait3A_176 = arith.constant 0 : i32
      %dma_wait3A_177 = tpu.memref_slice %arg11[%add3A_26, %dma_wait3A_176] : memref<10000x128xf32, #tpu.memory_space<vmem_shared>> -> memref<160x128xf32, #tpu.memory_space<vmem_shared>>
      tpu.wait_dma2 semaphore(%run_scoped3A : memref<!tpu.dma_semaphore, #tpu.memory_space<semaphore_mem>>) src(%arg9 : memref<160x128xf32, #tpu.memory_space<vmem>>) dst(%dma_wait3A_177 : memref<160x128xf32, #tpu.memory_space<vmem_shared>>)
      tpu.yield
    }) : () -> ()
    %add3A_27 = arith.constant 320 : i32
    %add3A_28 = arith.addi %mul3A_22, %add3A_27 : i32
    "tpu.region"() ({
      %run_scoped3A = tpu.sem_alloc : memref<!tpu.dma_semaphore, #tpu.memory_space<semaphore_mem>>
      %dma_start3A = arith.constant 0 : i32
      %dma_start3A_171 = tpu.memref_slice %arg11[%add3A_28, %dma_start3A] : memref<10000x128xf32, #tpu.memory_space<vmem_shared>> -> memref<160x128xf32, #tpu.memory_space<vmem_shared>>
      %dma_start3A_172 = arith.constant 0 : i32
      %dma_start3A_173 = tpu.memref_slice %arg11[%add3A_28, %dma_start3A_172] : memref<10000x128xf32, #tpu.memory_space<vmem_shared>> -> memref<160x128xf32, #tpu.memory_space<vmem_shared>>
      tpu.enqueue_dma source(%arg9 : memref<160x128xf32, #tpu.memory_space<vmem>>) target(%dma_start3A_173 : memref<160x128xf32, #tpu.memory_space<vmem_shared>>) target_semaphore(%run_scoped3A : memref<!tpu.dma_semaphore, #tpu.memory_space<semaphore_mem>>)
      %dma_wait3A_174 = arith.constant 0 : i32
      %dma_wait3A_175 = tpu.memref_slice %arg11[%add3A_28, %dma_wait3A_174] : memref<10000x128xf32, #tpu.memory_space<vmem_shared>> -> memref<160x128xf32, #tpu.memory_space<vmem_shared>>
      %dma_wait3A_176 = arith.constant 0 : i32
      %dma_wait3A_177 = tpu.memref_slice %arg11[%add3A_28, %dma_wait3A_176] : memref<10000x128xf32, #tpu.memory_space<vmem_shared>> -> memref<160x128xf32, #tpu.memory_space<vmem_shared>>
      tpu.wait_dma2 semaphore(%run_scoped3A : memref<!tpu.dma_semaphore, #tpu.memory_space<semaphore_mem>>) src(%arg9 : memref<160x128xf32, #tpu.memory_space<vmem>>) dst(%dma_wait3A_177 : memref<160x128xf32, #tpu.memory_space<vmem_shared>>)
      tpu.yield
    }) : () -> ()
    %add3A_29 = arith.constant 480 : i32
    %add3A_30 = arith.addi %mul3A_22, %add3A_29 : i32
    "tpu.region"() ({
      %run_scoped3A = tpu.sem_alloc : memref<!tpu.dma_semaphore, #tpu.memory_space<semaphore_mem>>
      %dma_start3A = arith.constant 0 : i32
      %dma_start3A_171 = arith.constant 0 : i32
      %dma_start3A_172 = tpu.memref_slice %arg9[%dma_start3A, %dma_start3A_171] : memref<160x128xf32, #tpu.memory_space<vmem>> -> memref<145x128xf32, #tpu.memory_space<vmem>>
      %dma_start3A_173 = arith.constant 0 : i32
      %dma_start3A_174 = tpu.memref_slice %arg11[%add3A_30, %dma_start3A_173] : memref<10000x128xf32, #tpu.memory_space<vmem_shared>> -> memref<145x128xf32, #tpu.memory_space<vmem_shared>>
      %dma_start3A_175 = arith.constant 0 : i32
      %dma_start3A_176 = tpu.memref_slice %arg11[%add3A_30, %dma_start3A_175] : memref<10000x128xf32, #tpu.memory_space<vmem_shared>> -> memref<145x128xf32, #tpu.memory_space<vmem_shared>>
      %dma_start3A_177 = arith.constant 0 : i32
      %dma_start3A_178 = arith.constant 0 : i32
      %dma_start3A_179 = tpu.memref_slice %arg9[%dma_start3A_177, %dma_start3A_178] : memref<160x128xf32, #tpu.memory_space<vmem>> -> memref<145x128xf32, #tpu.memory_space<vmem>>
      tpu.enqueue_dma source(%dma_start3A_179 : memref<145x128xf32, #tpu.memory_space<vmem>>) target(%dma_start3A_176 : memref<145x128xf32, #tpu.memory_space<vmem_shared>>) target_semaphore(%run_scoped3A : memref<!tpu.dma_semaphore, #tpu.memory_space<semaphore_mem>>)
      %dma_wait3A_180 = arith.constant 0 : i32
      %dma_wait3A_181 = arith.constant 0 : i32
      %dma_wait3A_182 = tpu.memref_slice %arg9[%dma_wait3A_180, %dma_wait3A_181] : memref<160x128xf32, #tpu.memory_space<vmem>> -> memref<145x128xf32, #tpu.memory_space<vmem>>
      %dma_wait3A_183 = arith.constant 0 : i32
      %dma_wait3A_184 = tpu.memref_slice %arg11[%add3A_30, %dma_wait3A_183] : memref<10000x128xf32, #tpu.memory_space<vmem_shared>> -> memref<145x128xf32, #tpu.memory_space<vmem_shared>>
      %dma_wait3A_185 = arith.constant 0 : i32
      %dma_wait3A_186 = tpu.memref_slice %arg11[%add3A_30, %dma_wait3A_185] : memref<10000x128xf32, #tpu.memory_space<vmem_shared>> -> memref<145x128xf32, #tpu.memory_space<vmem_shared>>
      %dma_wait3A_187 = arith.constant 0 : i32
      %dma_wait3A_188 = arith.constant 0 : i32
      %dma_wait3A_189 = tpu.memref_slice %arg9[%dma_wait3A_187, %dma_wait3A_188] : memref<160x128xf32, #tpu.memory_space<vmem>> -> memref<145x128xf32, #tpu.memory_space<vmem>>
      tpu.wait_dma2 semaphore(%run_scoped3A : memref<!tpu.dma_semaphore, #tpu.memory_space<semaphore_mem>>) src(%dma_wait3A_189 : memref<145x128xf32, #tpu.memory_space<vmem>>) dst(%dma_wait3A_186 : memref<145x128xf32, #tpu.memory_space<vmem_shared>>)
      tpu.yield
    }) : () -> ()
    %barrier3A = arith.constant 0 : index
    tpu.barrier barrier_id(%barrier3A)
    %scan3A_31 = arith.constant 0 : i32
    %scan3A_32 = arith.constant 0 : i32
    %scan3A_33 = arith.constant 12 : i32
    %scan3A_34 = arith.addi %scan3A_32, %scan3A_33 : i32
    %scan3A_35 = arith.constant 1 : i32
    %scan3A_36 = scf.for %scan3A_171 = %scan3A_32 to %scan3A_34 step %scan3A_35 iter_args(%scan3A_172 = %scan3A_31) -> (i32)  : i32 {
      %mul3A_173 = arith.constant 2 : i32
      %mul3A_174 = arith.muli %scan3A_171, %mul3A_173 : i32
      %add3A_175 = arith.constant 1 : i32
      %add3A_176 = arith.addi %mul3A_174, %add3A_175 : i32
      %mul3A_177 = arith.constant 160 : i32
      %mul3A_178 = arith.muli %add3A_176, %mul3A_177 : i32
      %eq3A_179 = arith.constant 0 : i32
      %eq3A_180 = arith.cmpi eq, %arg0, %eq3A_179 : i32
      %convert_element_type3A_181 = arith.extui %eq3A_180 : i1 to i32
      %cond3A_182 = arith.constant 0 : i32
      %cond3A_183 = arith.cmpi ne, %convert_element_type3A_181, %cond3A_182 : i32
      scf.if %cond3A_183 {
        %dma_start3A = tpu.memref_slice %arg7[%mul3A_178] : memref<4000xi32, #tpu.memory_space<vmem>> -> memref<160xi32, #tpu.memory_space<vmem>>
        %dma_start3A_216 = arith.constant 0 : i32
        %dma_start3A_217 = arith.constant 0 : i32
        %dma_start3A_218 = tpu.memref_slice %arg2[%dma_start3A_216, %dma_start3A_217] : memref<10000x128xf32, #tpu.memory_space<hbm>> -> memref<10000x128xf32, #tpu.memory_space<hbm>>
        tpu.enqueue_indirect_dma source(%dma_start3A_218 : memref<10000x128xf32, #tpu.memory_space<hbm>>) target(%arg9 : memref<160x128xf32, #tpu.memory_space<vmem>>) offsets(%dma_start3A : memref<160xi32, #tpu.memory_space<vmem>>) semaphore(%arg12 : memref<!tpu.dma_semaphore, #tpu.memory_space<semaphore_mem>>)
      } else {
      }
      %eq3A_184 = arith.constant 1 : i32
      %eq3A_185 = arith.cmpi eq, %arg0, %eq3A_184 : i32
      %convert_element_type3A_186 = arith.extui %eq3A_185 : i1 to i32
      %cond3A_187 = arith.constant 0 : i32
      %cond3A_188 = arith.cmpi ne, %convert_element_type3A_186, %cond3A_187 : i32
      scf.if %cond3A_188 {
        %dma_start3A = tpu.memref_slice %arg7[%mul3A_178] : memref<4000xi32, #tpu.memory_space<vmem>> -> memref<160xi32, #tpu.memory_space<vmem>>
        %dma_start3A_216 = arith.constant 0 : i32
        %dma_start3A_217 = arith.constant 0 : i32
        %dma_start3A_218 = tpu.memref_slice %arg3[%dma_start3A_216, %dma_start3A_217] : memref<10000x128xf32, #tpu.memory_space<hbm>> -> memref<10000x128xf32, #tpu.memory_space<hbm>>
        tpu.enqueue_indirect_dma source(%dma_start3A_218 : memref<10000x128xf32, #tpu.memory_space<hbm>>) target(%arg9 : memref<160x128xf32, #tpu.memory_space<vmem>>) offsets(%dma_start3A : memref<160xi32, #tpu.memory_space<vmem>>) semaphore(%arg12 : memref<!tpu.dma_semaphore, #tpu.memory_space<semaphore_mem>>)
      } else {
      }
      %mul3A_189 = arith.constant 160 : i32
      %mul3A_190 = arith.muli %mul3A_174, %mul3A_189 : i32
      %dma_wait3A_191 = tpu.memref_slice %arg7[%mul3A_190] : memref<4000xi32, #tpu.memory_space<vmem>> -> memref<160xi32, #tpu.memory_space<vmem>>
      %dma_wait3A_192 = arith.constant 0 : i32
      %dma_wait3A_193 = arith.constant 0 : i32
      %dma_wait3A_194 = tpu.memref_slice %arg2[%dma_wait3A_192, %dma_wait3A_193] : memref<10000x128xf32, #tpu.memory_space<hbm>> -> memref<10000x128xf32, #tpu.memory_space<hbm>>
      tpu.wait_indirect_dma semaphore(%arg13 : memref<!tpu.dma_semaphore, #tpu.memory_space<semaphore_mem>>) src(%dma_wait3A_194 : memref<10000x128xf32, #tpu.memory_space<hbm>>) dst(%arg10 : memref<160x128xf32, #tpu.memory_space<vmem>>)
      %mul3A_195 = arith.constant 160 : i32
      %mul3A_196 = arith.muli %mul3A_174, %mul3A_195 : i32
      "tpu.region"() ({
        %run_scoped3A = tpu.sem_alloc : memref<!tpu.dma_semaphore, #tpu.memory_space<semaphore_mem>>
        %dma_start3A = tpu.memref_slice %arg8[%mul3A_196] : memref<4000xi32, #tpu.memory_space<vmem>> -> memref<160xi32, #tpu.memory_space<vmem>>
        %dma_start3A_216 = arith.constant 0 : i32
        %dma_start3A_217 = arith.constant 0 : i32
        %dma_start3A_218 = tpu.memref_slice %arg11[%dma_start3A_216, %dma_start3A_217] : memref<10000x128xf32, #tpu.memory_space<vmem_shared>> -> memref<10000x128xf32, #tpu.memory_space<vmem_shared>>
        tpu.enqueue_indirect_dma source(%arg10 : memref<160x128xf32, #tpu.memory_space<vmem>>) target(%dma_start3A_218 : memref<10000x128xf32, #tpu.memory_space<vmem_shared>>) offsets(%dma_start3A : memref<160xi32, #tpu.memory_space<vmem>>) semaphore(%run_scoped3A : memref<!tpu.dma_semaphore, #tpu.memory_space<semaphore_mem>>) {add = true}
        %dma_wait3A_219 = tpu.memref_slice %arg8[%mul3A_196] : memref<4000xi32, #tpu.memory_space<vmem>> -> memref<160xi32, #tpu.memory_space<vmem>>
        %dma_wait3A_220 = arith.constant 0 : i32
        %dma_wait3A_221 = arith.constant 0 : i32
        %dma_wait3A_222 = tpu.memref_slice %arg11[%dma_wait3A_220, %dma_wait3A_221] : memref<10000x128xf32, #tpu.memory_space<vmem_shared>> -> memref<10000x128xf32, #tpu.memory_space<vmem_shared>>
        tpu.wait_indirect_dma semaphore(%run_scoped3A : memref<!tpu.dma_semaphore, #tpu.memory_space<semaphore_mem>>) src(%arg10 : memref<160x128xf32, #tpu.memory_space<vmem>>) dst(%dma_wait3A_222 : memref<10000x128xf32, #tpu.memory_space<vmem_shared>>)
        tpu.yield
      }) : () -> ()
      %add3A_197 = arith.constant 2 : i32
      %add3A_198 = arith.addi %mul3A_174, %add3A_197 : i32
      %lt3A = arith.constant 25 : i32
      %lt3A_199 = arith.cmpi slt, %add3A_198, %lt3A : i32
      %convert_element_type3A_200 = arith.extui %lt3A_199 : i1 to i32
      %cond3A_201 = arith.constant 0 : i32
      %cond3A_202 = arith.cmpi ne, %convert_element_type3A_200, %cond3A_201 : i32
      scf.if %cond3A_202 {
        %add3A_216 = arith.constant 2 : i32
        %add3A_217 = arith.addi %mul3A_174, %add3A_216 : i32
        %mul3A_218 = arith.constant 160 : i32
        %mul3A_219 = arith.muli %add3A_217, %mul3A_218 : i32
        %eq3A_220 = arith.constant 0 : i32
        %eq3A_221 = arith.cmpi eq, %arg0, %eq3A_220 : i32
        %convert_element_type3A_222 = arith.extui %eq3A_221 : i1 to i32
        %cond3A_223 = arith.constant 0 : i32
        %cond3A_224 = arith.cmpi ne, %convert_element_type3A_222, %cond3A_223 : i32
        scf.if %cond3A_224 {
          %dma_start3A = tpu.memref_slice %arg7[%mul3A_219] : memref<4000xi32, #tpu.memory_space<vmem>> -> memref<160xi32, #tpu.memory_space<vmem>>
          %dma_start3A_230 = arith.constant 0 : i32
          %dma_start3A_231 = arith.constant 0 : i32
          %dma_start3A_232 = tpu.memref_slice %arg2[%dma_start3A_230, %dma_start3A_231] : memref<10000x128xf32, #tpu.memory_space<hbm>> -> memref<10000x128xf32, #tpu.memory_space<hbm>>
          tpu.enqueue_indirect_dma source(%dma_start3A_232 : memref<10000x128xf32, #tpu.memory_space<hbm>>) target(%arg10 : memref<160x128xf32, #tpu.memory_space<vmem>>) offsets(%dma_start3A : memref<160xi32, #tpu.memory_space<vmem>>) semaphore(%arg13 : memref<!tpu.dma_semaphore, #tpu.memory_space<semaphore_mem>>)
        } else {
        }
        %eq3A_225 = arith.constant 1 : i32
        %eq3A_226 = arith.cmpi eq, %arg0, %eq3A_225 : i32
        %convert_element_type3A_227 = arith.extui %eq3A_226 : i1 to i32
        %cond3A_228 = arith.constant 0 : i32
        %cond3A_229 = arith.cmpi ne, %convert_element_type3A_227, %cond3A_228 : i32
        scf.if %cond3A_229 {
          %dma_start3A = tpu.memref_slice %arg7[%mul3A_219] : memref<4000xi32, #tpu.memory_space<vmem>> -> memref<160xi32, #tpu.memory_space<vmem>>
          %dma_start3A_230 = arith.constant 0 : i32
          %dma_start3A_231 = arith.constant 0 : i32
          %dma_start3A_232 = tpu.memref_slice %arg3[%dma_start3A_230, %dma_start3A_231] : memref<10000x128xf32, #tpu.memory_space<hbm>> -> memref<10000x128xf32, #tpu.memory_space<hbm>>
          tpu.enqueue_indirect_dma source(%dma_start3A_232 : memref<10000x128xf32, #tpu.memory_space<hbm>>) target(%arg10 : memref<160x128xf32, #tpu.memory_space<vmem>>) offsets(%dma_start3A : memref<160xi32, #tpu.memory_space<vmem>>) semaphore(%arg13 : memref<!tpu.dma_semaphore, #tpu.memory_space<semaphore_mem>>)
        } else {
        }
      } else {
      }
      %add3A_203 = arith.constant 1 : i32
      %add3A_204 = arith.addi %mul3A_174, %add3A_203 : i32
      %mul3A_205 = arith.constant 160 : i32
      %mul3A_206 = arith.muli %add3A_204, %mul3A_205 : i32
      %dma_wait3A_207 = tpu.memref_slice %arg7[%mul3A_206] : memref<4000xi32, #tpu.memory_space<vmem>> -> memref<160xi32, #tpu.memory_space<vmem>>
      %dma_wait3A_208 = arith.constant 0 : i32
      %dma_wait3A_209 = arith.constant 0 : i32
      %dma_wait3A_210 = tpu.memref_slice %arg2[%dma_wait3A_208, %dma_wait3A_209] : memref<10000x128xf32, #tpu.memory_space<hbm>> -> memref<10000x128xf32, #tpu.memory_space<hbm>>
      tpu.wait_indirect_dma semaphore(%arg12 : memref<!tpu.dma_semaphore, #tpu.memory_space<semaphore_mem>>) src(%dma_wait3A_210 : memref<10000x128xf32, #tpu.memory_space<hbm>>) dst(%arg9 : memref<160x128xf32, #tpu.memory_space<vmem>>)
      %add3A_211 = arith.constant 1 : i32
      %add3A_212 = arith.addi %mul3A_174, %add3A_211 : i32
      %mul3A_213 = arith.constant 160 : i32
      %mul3A_214 = arith.muli %add3A_212, %mul3A_213 : i32
      "tpu.region"() ({
        %run_scoped3A = tpu.sem_alloc : memref<!tpu.dma_semaphore, #tpu.memory_space<semaphore_mem>>
        %dma_start3A = tpu.memref_slice %arg8[%mul3A_214] : memref<4000xi32, #tpu.memory_space<vmem>> -> memref<160xi32, #tpu.memory_space<vmem>>
        %dma_start3A_216 = arith.constant 0 : i32
        %dma_start3A_217 = arith.constant 0 : i32
        %dma_start3A_218 = tpu.memref_slice %arg11[%dma_start3A_216, %dma_start3A_217] : memref<10000x128xf32, #tpu.memory_space<vmem_shared>> -> memref<10000x128xf32, #tpu.memory_space<vmem_shared>>
        tpu.enqueue_indirect_dma source(%arg9 : memref<160x128xf32, #tpu.memory_space<vmem>>) target(%dma_start3A_218 : memref<10000x128xf32, #tpu.memory_space<vmem_shared>>) offsets(%dma_start3A : memref<160xi32, #tpu.memory_space<vmem>>) semaphore(%run_scoped3A : memref<!tpu.dma_semaphore, #tpu.memory_space<semaphore_mem>>) {add = true}
        %dma_wait3A_219 = tpu.memref_slice %arg8[%mul3A_214] : memref<4000xi32, #tpu.memory_space<vmem>> -> memref<160xi32, #tpu.memory_space<vmem>>
        %dma_wait3A_220 = arith.constant 0 : i32
        %dma_wait3A_221 = arith.constant 0 : i32
        %dma_wait3A_222 = tpu.memref_slice %arg11[%dma_wait3A_220, %dma_wait3A_221] : memref<10000x128xf32, #tpu.memory_space<vmem_shared>> -> memref<10000x128xf32, #tpu.memory_space<vmem_shared>>
        tpu.wait_indirect_dma semaphore(%run_scoped3A : memref<!tpu.dma_semaphore, #tpu.memory_space<semaphore_mem>>) src(%arg9 : memref<160x128xf32, #tpu.memory_space<vmem>>) dst(%dma_wait3A_222 : memref<10000x128xf32, #tpu.memory_space<vmem_shared>>)
        tpu.yield
      }) : () -> ()
      %scan3A_215 = arith.constant 0 : i32
      scf.yield %scan3A_215 : i32
    }
    %scan3A_37 = arith.constant 12 : i32
    %dma_wait3A = arith.constant 3840 : i32
    %dma_wait3A_38 = tpu.memref_slice %arg7[%dma_wait3A] : memref<4000xi32, #tpu.memory_space<vmem>> -> memref<160xi32, #tpu.memory_space<vmem>>
    %dma_wait3A_39 = arith.constant 0 : i32
    %dma_wait3A_40 = arith.constant 0 : i32
    %dma_wait3A_41 = tpu.memref_slice %arg2[%dma_wait3A_39, %dma_wait3A_40] : memref<10000x128xf32, #tpu.memory_space<hbm>> -> memref<10000x128xf32, #tpu.memory_space<hbm>>
    tpu.wait_indirect_dma semaphore(%arg13 : memref<!tpu.dma_semaphore, #tpu.memory_space<semaphore_mem>>) src(%dma_wait3A_41 : memref<10000x128xf32, #tpu.memory_space<hbm>>) dst(%arg10 : memref<160x128xf32, #tpu.memory_space<vmem>>)
    "tpu.region"() ({
      %run_scoped3A = tpu.sem_alloc : memref<!tpu.dma_semaphore, #tpu.memory_space<semaphore_mem>>
      %dma_start3A = arith.constant 3840 : i32
      %dma_start3A_171 = tpu.memref_slice %arg8[%dma_start3A] : memref<4000xi32, #tpu.memory_space<vmem>> -> memref<160xi32, #tpu.memory_space<vmem>>
      %dma_start3A_172 = arith.constant 0 : i32
      %dma_start3A_173 = arith.constant 0 : i32
      %dma_start3A_174 = tpu.memref_slice %arg11[%dma_start3A_172, %dma_start3A_173] : memref<10000x128xf32, #tpu.memory_space<vmem_shared>> -> memref<10000x128xf32, #tpu.memory_space<vmem_shared>>
      tpu.enqueue_indirect_dma source(%arg10 : memref<160x128xf32, #tpu.memory_space<vmem>>) target(%dma_start3A_174 : memref<10000x128xf32, #tpu.memory_space<vmem_shared>>) offsets(%dma_start3A_171 : memref<160xi32, #tpu.memory_space<vmem>>) semaphore(%run_scoped3A : memref<!tpu.dma_semaphore, #tpu.memory_space<semaphore_mem>>) {add = true}
      %dma_wait3A_175 = arith.constant 3840 : i32
      %dma_wait3A_176 = tpu.memref_slice %arg8[%dma_wait3A_175] : memref<4000xi32, #tpu.memory_space<vmem>> -> memref<160xi32, #tpu.memory_space<vmem>>
      %dma_wait3A_177 = arith.constant 0 : i32
      %dma_wait3A_178 = arith.constant 0 : i32
      %dma_wait3A_179 = tpu.memref_slice %arg11[%dma_wait3A_177, %dma_wait3A_178] : memref<10000x128xf32, #tpu.memory_space<vmem_shared>> -> memref<10000x128xf32, #tpu.memory_space<vmem_shared>>
      tpu.wait_indirect_dma semaphore(%run_scoped3A : memref<!tpu.dma_semaphore, #tpu.memory_space<semaphore_mem>>) src(%arg10 : memref<160x128xf32, #tpu.memory_space<vmem>>) dst(%dma_wait3A_179 : memref<10000x128xf32, #tpu.memory_space<vmem_shared>>)
      tpu.yield
    }) : () -> ()
    %mul3A_42 = arith.constant 20000 : i32
    %mul3A_43 = arith.muli %arg1, %mul3A_42 : i32
    %add3A_44 = arith.constant 4000 : i32
    %add3A_45 = arith.addi %mul3A_43, %add3A_44 : i32
    "tpu.region"() ({
      %run_scoped3A = tpu.sem_alloc : memref<!tpu.dma_semaphore, #tpu.memory_space<semaphore_mem>>
      %dma_start3A = tpu.memref_slice %arg4[%add3A_45] : memref<320000xi32, #tpu.memory_space<hbm>> -> memref<4000xi32, #tpu.memory_space<hbm>>
      %dma_start3A_171 = tpu.memref_slice %arg4[%add3A_45] : memref<320000xi32, #tpu.memory_space<hbm>> -> memref<4000xi32, #tpu.memory_space<hbm>>
      tpu.enqueue_dma source(%dma_start3A_171 : memref<4000xi32, #tpu.memory_space<hbm>>) target(%arg7 : memref<4000xi32, #tpu.memory_space<vmem>>) target_semaphore(%run_scoped3A : memref<!tpu.dma_semaphore, #tpu.memory_space<semaphore_mem>>)
      %dma_wait3A_172 = tpu.memref_slice %arg4[%add3A_45] : memref<320000xi32, #tpu.memory_space<hbm>> -> memref<4000xi32, #tpu.memory_space<hbm>>
      %dma_wait3A_173 = tpu.memref_slice %arg4[%add3A_45] : memref<320000xi32, #tpu.memory_space<hbm>> -> memref<4000xi32, #tpu.memory_space<hbm>>
      tpu.wait_dma2 semaphore(%run_scoped3A : memref<!tpu.dma_semaphore, #tpu.memory_space<semaphore_mem>>) src(%dma_wait3A_173 : memref<4000xi32, #tpu.memory_space<hbm>>) dst(%arg7 : memref<4000xi32, #tpu.memory_space<vmem>>)
      tpu.yield
    }) : () -> ()
    %mul3A_46 = arith.constant 20000 : i32
    %mul3A_47 = arith.muli %arg1, %mul3A_46 : i32
    %add3A_48 = arith.constant 4000 : i32
    %add3A_49 = arith.addi %mul3A_47, %add3A_48 : i32
    "tpu.region"() ({
      %run_scoped3A = tpu.sem_alloc : memref<!tpu.dma_semaphore, #tpu.memory_space<semaphore_mem>>
      %dma_start3A = tpu.memref_slice %arg5[%add3A_49] : memref<320000xi32, #tpu.memory_space<hbm>> -> memref<4000xi32, #tpu.memory_space<hbm>>
      %dma_start3A_171 = tpu.memref_slice %arg5[%add3A_49] : memref<320000xi32, #tpu.memory_space<hbm>> -> memref<4000xi32, #tpu.memory_space<hbm>>
      tpu.enqueue_dma source(%dma_start3A_171 : memref<4000xi32, #tpu.memory_space<hbm>>) target(%arg8 : memref<4000xi32, #tpu.memory_space<vmem>>) target_semaphore(%run_scoped3A : memref<!tpu.dma_semaphore, #tpu.memory_space<semaphore_mem>>)
      %dma_wait3A_172 = tpu.memref_slice %arg5[%add3A_49] : memref<320000xi32, #tpu.memory_space<hbm>> -> memref<4000xi32, #tpu.memory_space<hbm>>
      %dma_wait3A_173 = tpu.memref_slice %arg5[%add3A_49] : memref<320000xi32, #tpu.memory_space<hbm>> -> memref<4000xi32, #tpu.memory_space<hbm>>
      tpu.wait_dma2 semaphore(%run_scoped3A : memref<!tpu.dma_semaphore, #tpu.memory_space<semaphore_mem>>) src(%dma_wait3A_173 : memref<4000xi32, #tpu.memory_space<hbm>>) dst(%arg8 : memref<4000xi32, #tpu.memory_space<vmem>>)
      tpu.yield
    }) : () -> ()
    %eq3A_50 = arith.constant 0 : i32
    %eq3A_51 = arith.cmpi eq, %arg0, %eq3A_50 : i32
    %convert_element_type3A_52 = arith.extui %eq3A_51 : i1 to i32
    %cond3A_53 = arith.constant 0 : i32
    %cond3A_54 = arith.cmpi ne, %convert_element_type3A_52, %cond3A_53 : i32
    scf.if %cond3A_54 {
      %dma_start3A = arith.constant 0 : i32
      %dma_start3A_171 = tpu.memref_slice %arg7[%dma_start3A] : memref<4000xi32, #tpu.memory_space<vmem>> -> memref<160xi32, #tpu.memory_space<vmem>>
      %dma_start3A_172 = arith.constant 0 : i32
      %dma_start3A_173 = arith.constant 0 : i32
      %dma_start3A_174 = tpu.memref_slice %arg2[%dma_start3A_172, %dma_start3A_173] : memref<10000x128xf32, #tpu.memory_space<hbm>> -> memref<10000x128xf32, #tpu.memory_space<hbm>>
      tpu.enqueue_indirect_dma source(%dma_start3A_174 : memref<10000x128xf32, #tpu.memory_space<hbm>>) target(%arg9 : memref<160x128xf32, #tpu.memory_space<vmem>>) offsets(%dma_start3A_171 : memref<160xi32, #tpu.memory_space<vmem>>) semaphore(%arg12 : memref<!tpu.dma_semaphore, #tpu.memory_space<semaphore_mem>>)
    } else {
    }
    %eq3A_55 = arith.constant 1 : i32
    %eq3A_56 = arith.cmpi eq, %arg0, %eq3A_55 : i32
    %convert_element_type3A_57 = arith.extui %eq3A_56 : i1 to i32
    %cond3A_58 = arith.constant 0 : i32
    %cond3A_59 = arith.cmpi ne, %convert_element_type3A_57, %cond3A_58 : i32
    scf.if %cond3A_59 {
      %dma_start3A = arith.constant 0 : i32
      %dma_start3A_171 = tpu.memref_slice %arg7[%dma_start3A] : memref<4000xi32, #tpu.memory_space<vmem>> -> memref<160xi32, #tpu.memory_space<vmem>>
      %dma_start3A_172 = arith.constant 0 : i32
      %dma_start3A_173 = arith.constant 0 : i32
      %dma_start3A_174 = tpu.memref_slice %arg3[%dma_start3A_172, %dma_start3A_173] : memref<10000x128xf32, #tpu.memory_space<hbm>> -> memref<10000x128xf32, #tpu.memory_space<hbm>>
      tpu.enqueue_indirect_dma source(%dma_start3A_174 : memref<10000x128xf32, #tpu.memory_space<hbm>>) target(%arg9 : memref<160x128xf32, #tpu.memory_space<vmem>>) offsets(%dma_start3A_171 : memref<160xi32, #tpu.memory_space<vmem>>) semaphore(%arg12 : memref<!tpu.dma_semaphore, #tpu.memory_space<semaphore_mem>>)
    } else {
    }
    %scan3A_60 = arith.constant 0 : i32
    %scan3A_61 = arith.constant 0 : i32
    %scan3A_62 = arith.constant 12 : i32
    %scan3A_63 = arith.addi %scan3A_61, %scan3A_62 : i32
    %scan3A_64 = arith.constant 1 : i32
    %scan3A_65 = scf.for %scan3A_171 = %scan3A_61 to %scan3A_63 step %scan3A_64 iter_args(%scan3A_172 = %scan3A_60) -> (i32)  : i32 {
      %mul3A_173 = arith.constant 2 : i32
      %mul3A_174 = arith.muli %scan3A_171, %mul3A_173 : i32
      %add3A_175 = arith.constant 1 : i32
      %add3A_176 = arith.addi %mul3A_174, %add3A_175 : i32
      %mul3A_177 = arith.constant 160 : i32
      %mul3A_178 = arith.muli %add3A_176, %mul3A_177 : i32
      %eq3A_179 = arith.constant 0 : i32
      %eq3A_180 = arith.cmpi eq, %arg0, %eq3A_179 : i32
      %convert_element_type3A_181 = arith.extui %eq3A_180 : i1 to i32
      %cond3A_182 = arith.constant 0 : i32
      %cond3A_183 = arith.cmpi ne, %convert_element_type3A_181, %cond3A_182 : i32
      scf.if %cond3A_183 {
        %dma_start3A = tpu.memref_slice %arg7[%mul3A_178] : memref<4000xi32, #tpu.memory_space<vmem>> -> memref<160xi32, #tpu.memory_space<vmem>>
        %dma_start3A_216 = arith.constant 0 : i32
        %dma_start3A_217 = arith.constant 0 : i32
        %dma_start3A_218 = tpu.memref_slice %arg2[%dma_start3A_216, %dma_start3A_217] : memref<10000x128xf32, #tpu.memory_space<hbm>> -> memref<10000x128xf32, #tpu.memory_space<hbm>>
        tpu.enqueue_indirect_dma source(%dma_start3A_218 : memref<10000x128xf32, #tpu.memory_space<hbm>>) target(%arg10 : memref<160x128xf32, #tpu.memory_space<vmem>>) offsets(%dma_start3A : memref<160xi32, #tpu.memory_space<vmem>>) semaphore(%arg13 : memref<!tpu.dma_semaphore, #tpu.memory_space<semaphore_mem>>)
      } else {
      }
      %eq3A_184 = arith.constant 1 : i32
      %eq3A_185 = arith.cmpi eq, %arg0, %eq3A_184 : i32
      %convert_element_type3A_186 = arith.extui %eq3A_185 : i1 to i32
      %cond3A_187 = arith.constant 0 : i32
      %cond3A_188 = arith.cmpi ne, %convert_element_type3A_186, %cond3A_187 : i32
      scf.if %cond3A_188 {
        %dma_start3A = tpu.memref_slice %arg7[%mul3A_178] : memref<4000xi32, #tpu.memory_space<vmem>> -> memref<160xi32, #tpu.memory_space<vmem>>
        %dma_start3A_216 = arith.constant 0 : i32
        %dma_start3A_217 = arith.constant 0 : i32
        %dma_start3A_218 = tpu.memref_slice %arg3[%dma_start3A_216, %dma_start3A_217] : memref<10000x128xf32, #tpu.memory_space<hbm>> -> memref<10000x128xf32, #tpu.memory_space<hbm>>
        tpu.enqueue_indirect_dma source(%dma_start3A_218 : memref<10000x128xf32, #tpu.memory_space<hbm>>) target(%arg10 : memref<160x128xf32, #tpu.memory_space<vmem>>) offsets(%dma_start3A : memref<160xi32, #tpu.memory_space<vmem>>) semaphore(%arg13 : memref<!tpu.dma_semaphore, #tpu.memory_space<semaphore_mem>>)
      } else {
      }
      %mul3A_189 = arith.constant 160 : i32
      %mul3A_190 = arith.muli %mul3A_174, %mul3A_189 : i32
      %dma_wait3A_191 = tpu.memref_slice %arg7[%mul3A_190] : memref<4000xi32, #tpu.memory_space<vmem>> -> memref<160xi32, #tpu.memory_space<vmem>>
      %dma_wait3A_192 = arith.constant 0 : i32
      %dma_wait3A_193 = arith.constant 0 : i32
      %dma_wait3A_194 = tpu.memref_slice %arg2[%dma_wait3A_192, %dma_wait3A_193] : memref<10000x128xf32, #tpu.memory_space<hbm>> -> memref<10000x128xf32, #tpu.memory_space<hbm>>
      tpu.wait_indirect_dma semaphore(%arg12 : memref<!tpu.dma_semaphore, #tpu.memory_space<semaphore_mem>>) src(%dma_wait3A_194 : memref<10000x128xf32, #tpu.memory_space<hbm>>) dst(%arg9 : memref<160x128xf32, #tpu.memory_space<vmem>>)
      %mul3A_195 = arith.constant 160 : i32
      %mul3A_196 = arith.muli %mul3A_174, %mul3A_195 : i32
      "tpu.region"() ({
        %run_scoped3A = tpu.sem_alloc : memref<!tpu.dma_semaphore, #tpu.memory_space<semaphore_mem>>
        %dma_start3A = tpu.memref_slice %arg8[%mul3A_196] : memref<4000xi32, #tpu.memory_space<vmem>> -> memref<160xi32, #tpu.memory_space<vmem>>
        %dma_start3A_216 = arith.constant 0 : i32
        %dma_start3A_217 = arith.constant 0 : i32
        %dma_start3A_218 = tpu.memref_slice %arg11[%dma_start3A_216, %dma_start3A_217] : memref<10000x128xf32, #tpu.memory_space<vmem_shared>> -> memref<10000x128xf32, #tpu.memory_space<vmem_shared>>
        tpu.enqueue_indirect_dma source(%arg9 : memref<160x128xf32, #tpu.memory_space<vmem>>) target(%dma_start3A_218 : memref<10000x128xf32, #tpu.memory_space<vmem_shared>>) offsets(%dma_start3A : memref<160xi32, #tpu.memory_space<vmem>>) semaphore(%run_scoped3A : memref<!tpu.dma_semaphore, #tpu.memory_space<semaphore_mem>>) {add = true}
        %dma_wait3A_219 = tpu.memref_slice %arg8[%mul3A_196] : memref<4000xi32, #tpu.memory_space<vmem>> -> memref<160xi32, #tpu.memory_space<vmem>>
        %dma_wait3A_220 = arith.constant 0 : i32
        %dma_wait3A_221 = arith.constant 0 : i32
        %dma_wait3A_222 = tpu.memref_slice %arg11[%dma_wait3A_220, %dma_wait3A_221] : memref<10000x128xf32, #tpu.memory_space<vmem_shared>> -> memref<10000x128xf32, #tpu.memory_space<vmem_shared>>
        tpu.wait_indirect_dma semaphore(%run_scoped3A : memref<!tpu.dma_semaphore, #tpu.memory_space<semaphore_mem>>) src(%arg9 : memref<160x128xf32, #tpu.memory_space<vmem>>) dst(%dma_wait3A_222 : memref<10000x128xf32, #tpu.memory_space<vmem_shared>>)
        tpu.yield
      }) : () -> ()
      %add3A_197 = arith.constant 2 : i32
      %add3A_198 = arith.addi %mul3A_174, %add3A_197 : i32
      %lt3A = arith.constant 25 : i32
      %lt3A_199 = arith.cmpi slt, %add3A_198, %lt3A : i32
      %convert_element_type3A_200 = arith.extui %lt3A_199 : i1 to i32
      %cond3A_201 = arith.constant 0 : i32
      %cond3A_202 = arith.cmpi ne, %convert_element_type3A_200, %cond3A_201 : i32
      scf.if %cond3A_202 {
        %add3A_216 = arith.constant 2 : i32
        %add3A_217 = arith.addi %mul3A_174, %add3A_216 : i32
        %mul3A_218 = arith.constant 160 : i32
        %mul3A_219 = arith.muli %add3A_217, %mul3A_218 : i32
        %eq3A_220 = arith.constant 0 : i32
        %eq3A_221 = arith.cmpi eq, %arg0, %eq3A_220 : i32
        %convert_element_type3A_222 = arith.extui %eq3A_221 : i1 to i32
        %cond3A_223 = arith.constant 0 : i32
        %cond3A_224 = arith.cmpi ne, %convert_element_type3A_222, %cond3A_223 : i32
        scf.if %cond3A_224 {
          %dma_start3A = tpu.memref_slice %arg7[%mul3A_219] : memref<4000xi32, #tpu.memory_space<vmem>> -> memref<160xi32, #tpu.memory_space<vmem>>
          %dma_start3A_230 = arith.constant 0 : i32
          %dma_start3A_231 = arith.constant 0 : i32
          %dma_start3A_232 = tpu.memref_slice %arg2[%dma_start3A_230, %dma_start3A_231] : memref<10000x128xf32, #tpu.memory_space<hbm>> -> memref<10000x128xf32, #tpu.memory_space<hbm>>
          tpu.enqueue_indirect_dma source(%dma_start3A_232 : memref<10000x128xf32, #tpu.memory_space<hbm>>) target(%arg9 : memref<160x128xf32, #tpu.memory_space<vmem>>) offsets(%dma_start3A : memref<160xi32, #tpu.memory_space<vmem>>) semaphore(%arg12 : memref<!tpu.dma_semaphore, #tpu.memory_space<semaphore_mem>>)
        } else {
        }
        %eq3A_225 = arith.constant 1 : i32
        %eq3A_226 = arith.cmpi eq, %arg0, %eq3A_225 : i32
        %convert_element_type3A_227 = arith.extui %eq3A_226 : i1 to i32
        %cond3A_228 = arith.constant 0 : i32
        %cond3A_229 = arith.cmpi ne, %convert_element_type3A_227, %cond3A_228 : i32
        scf.if %cond3A_229 {
          %dma_start3A = tpu.memref_slice %arg7[%mul3A_219] : memref<4000xi32, #tpu.memory_space<vmem>> -> memref<160xi32, #tpu.memory_space<vmem>>
          %dma_start3A_230 = arith.constant 0 : i32
          %dma_start3A_231 = arith.constant 0 : i32
          %dma_start3A_232 = tpu.memref_slice %arg3[%dma_start3A_230, %dma_start3A_231] : memref<10000x128xf32, #tpu.memory_space<hbm>> -> memref<10000x128xf32, #tpu.memory_space<hbm>>
          tpu.enqueue_indirect_dma source(%dma_start3A_232 : memref<10000x128xf32, #tpu.memory_space<hbm>>) target(%arg9 : memref<160x128xf32, #tpu.memory_space<vmem>>) offsets(%dma_start3A : memref<160xi32, #tpu.memory_space<vmem>>) semaphore(%arg12 : memref<!tpu.dma_semaphore, #tpu.memory_space<semaphore_mem>>)
        } else {
        }
      } else {
      }
      %add3A_203 = arith.constant 1 : i32
      %add3A_204 = arith.addi %mul3A_174, %add3A_203 : i32
      %mul3A_205 = arith.constant 160 : i32
      %mul3A_206 = arith.muli %add3A_204, %mul3A_205 : i32
      %dma_wait3A_207 = tpu.memref_slice %arg7[%mul3A_206] : memref<4000xi32, #tpu.memory_space<vmem>> -> memref<160xi32, #tpu.memory_space<vmem>>
      %dma_wait3A_208 = arith.constant 0 : i32
      %dma_wait3A_209 = arith.constant 0 : i32
      %dma_wait3A_210 = tpu.memref_slice %arg2[%dma_wait3A_208, %dma_wait3A_209] : memref<10000x128xf32, #tpu.memory_space<hbm>> -> memref<10000x128xf32, #tpu.memory_space<hbm>>
      tpu.wait_indirect_dma semaphore(%arg13 : memref<!tpu.dma_semaphore, #tpu.memory_space<semaphore_mem>>) src(%dma_wait3A_210 : memref<10000x128xf32, #tpu.memory_space<hbm>>) dst(%arg10 : memref<160x128xf32, #tpu.memory_space<vmem>>)
      %add3A_211 = arith.constant 1 : i32
      %add3A_212 = arith.addi %mul3A_174, %add3A_211 : i32
      %mul3A_213 = arith.constant 160 : i32
      %mul3A_214 = arith.muli %add3A_212, %mul3A_213 : i32
      "tpu.region"() ({
        %run_scoped3A = tpu.sem_alloc : memref<!tpu.dma_semaphore, #tpu.memory_space<semaphore_mem>>
        %dma_start3A = tpu.memref_slice %arg8[%mul3A_214] : memref<4000xi32, #tpu.memory_space<vmem>> -> memref<160xi32, #tpu.memory_space<vmem>>
        %dma_start3A_216 = arith.constant 0 : i32
        %dma_start3A_217 = arith.constant 0 : i32
        %dma_start3A_218 = tpu.memref_slice %arg11[%dma_start3A_216, %dma_start3A_217] : memref<10000x128xf32, #tpu.memory_space<vmem_shared>> -> memref<10000x128xf32, #tpu.memory_space<vmem_shared>>
        tpu.enqueue_indirect_dma source(%arg10 : memref<160x128xf32, #tpu.memory_space<vmem>>) target(%dma_start3A_218 : memref<10000x128xf32, #tpu.memory_space<vmem_shared>>) offsets(%dma_start3A : memref<160xi32, #tpu.memory_space<vmem>>) semaphore(%run_scoped3A : memref<!tpu.dma_semaphore, #tpu.memory_space<semaphore_mem>>) {add = true}
        %dma_wait3A_219 = tpu.memref_slice %arg8[%mul3A_214] : memref<4000xi32, #tpu.memory_space<vmem>> -> memref<160xi32, #tpu.memory_space<vmem>>
        %dma_wait3A_220 = arith.constant 0 : i32
        %dma_wait3A_221 = arith.constant 0 : i32
        %dma_wait3A_222 = tpu.memref_slice %arg11[%dma_wait3A_220, %dma_wait3A_221] : memref<10000x128xf32, #tpu.memory_space<vmem_shared>> -> memref<10000x128xf32, #tpu.memory_space<vmem_shared>>
        tpu.wait_indirect_dma semaphore(%run_scoped3A : memref<!tpu.dma_semaphore, #tpu.memory_space<semaphore_mem>>) src(%arg10 : memref<160x128xf32, #tpu.memory_space<vmem>>) dst(%dma_wait3A_222 : memref<10000x128xf32, #tpu.memory_space<vmem_shared>>)
        tpu.yield
      }) : () -> ()
      %scan3A_215 = arith.constant 0 : i32
      scf.yield %scan3A_215 : i32
    }
    %scan3A_66 = arith.constant 12 : i32
    %dma_wait3A_67 = arith.constant 3840 : i32
    %dma_wait3A_68 = tpu.memref_slice %arg7[%dma_wait3A_67] : memref<4000xi32, #tpu.memory_space<vmem>> -> memref<160xi32, #tpu.memory_space<vmem>>
    %dma_wait3A_69 = arith.constant 0 : i32
    %dma_wait3A_70 = arith.constant 0 : i32
    %dma_wait3A_71 = tpu.memref_slice %arg2[%dma_wait3A_69, %dma_wait3A_70] : memref<10000x128xf32, #tpu.memory_space<hbm>> -> memref<10000x128xf32, #tpu.memory_space<hbm>>
    tpu.wait_indirect_dma semaphore(%arg12 : memref<!tpu.dma_semaphore, #tpu.memory_space<semaphore_mem>>) src(%dma_wait3A_71 : memref<10000x128xf32, #tpu.memory_space<hbm>>) dst(%arg9 : memref<160x128xf32, #tpu.memory_space<vmem>>)
    "tpu.region"() ({
      %run_scoped3A = tpu.sem_alloc : memref<!tpu.dma_semaphore, #tpu.memory_space<semaphore_mem>>
      %dma_start3A = arith.constant 3840 : i32
      %dma_start3A_171 = tpu.memref_slice %arg8[%dma_start3A] : memref<4000xi32, #tpu.memory_space<vmem>> -> memref<160xi32, #tpu.memory_space<vmem>>
      %dma_start3A_172 = arith.constant 0 : i32
      %dma_start3A_173 = arith.constant 0 : i32
      %dma_start3A_174 = tpu.memref_slice %arg11[%dma_start3A_172, %dma_start3A_173] : memref<10000x128xf32, #tpu.memory_space<vmem_shared>> -> memref<10000x128xf32, #tpu.memory_space<vmem_shared>>
      tpu.enqueue_indirect_dma source(%arg9 : memref<160x128xf32, #tpu.memory_space<vmem>>) target(%dma_start3A_174 : memref<10000x128xf32, #tpu.memory_space<vmem_shared>>) offsets(%dma_start3A_171 : memref<160xi32, #tpu.memory_space<vmem>>) semaphore(%run_scoped3A : memref<!tpu.dma_semaphore, #tpu.memory_space<semaphore_mem>>) {add = true}
      %dma_wait3A_175 = arith.constant 3840 : i32
      %dma_wait3A_176 = tpu.memref_slice %arg8[%dma_wait3A_175] : memref<4000xi32, #tpu.memory_space<vmem>> -> memref<160xi32, #tpu.memory_space<vmem>>
      %dma_wait3A_177 = arith.constant 0 : i32
      %dma_wait3A_178 = arith.constant 0 : i32
      %dma_wait3A_179 = tpu.memref_slice %arg11[%dma_wait3A_177, %dma_wait3A_178] : memref<10000x128xf32, #tpu.memory_space<vmem_shared>> -> memref<10000x128xf32, #tpu.memory_space<vmem_shared>>
      tpu.wait_indirect_dma semaphore(%run_scoped3A : memref<!tpu.dma_semaphore, #tpu.memory_space<semaphore_mem>>) src(%arg9 : memref<160x128xf32, #tpu.memory_space<vmem>>) dst(%dma_wait3A_179 : memref<10000x128xf32, #tpu.memory_space<vmem_shared>>)
      tpu.yield
    }) : () -> ()
    %mul3A_72 = arith.constant 20000 : i32
    %mul3A_73 = arith.muli %arg1, %mul3A_72 : i32
    %add3A_74 = arith.constant 8000 : i32
    %add3A_75 = arith.addi %mul3A_73, %add3A_74 : i32
    "tpu.region"() ({
      %run_scoped3A = tpu.sem_alloc : memref<!tpu.dma_semaphore, #tpu.memory_space<semaphore_mem>>
      %dma_start3A = tpu.memref_slice %arg4[%add3A_75] : memref<320000xi32, #tpu.memory_space<hbm>> -> memref<4000xi32, #tpu.memory_space<hbm>>
      %dma_start3A_171 = tpu.memref_slice %arg4[%add3A_75] : memref<320000xi32, #tpu.memory_space<hbm>> -> memref<4000xi32, #tpu.memory_space<hbm>>
      tpu.enqueue_dma source(%dma_start3A_171 : memref<4000xi32, #tpu.memory_space<hbm>>) target(%arg7 : memref<4000xi32, #tpu.memory_space<vmem>>) target_semaphore(%run_scoped3A : memref<!tpu.dma_semaphore, #tpu.memory_space<semaphore_mem>>)
      %dma_wait3A_172 = tpu.memref_slice %arg4[%add3A_75] : memref<320000xi32, #tpu.memory_space<hbm>> -> memref<4000xi32, #tpu.memory_space<hbm>>
      %dma_wait3A_173 = tpu.memref_slice %arg4[%add3A_75] : memref<320000xi32, #tpu.memory_space<hbm>> -> memref<4000xi32, #tpu.memory_space<hbm>>
      tpu.wait_dma2 semaphore(%run_scoped3A : memref<!tpu.dma_semaphore, #tpu.memory_space<semaphore_mem>>) src(%dma_wait3A_173 : memref<4000xi32, #tpu.memory_space<hbm>>) dst(%arg7 : memref<4000xi32, #tpu.memory_space<vmem>>)
      tpu.yield
    }) : () -> ()
    %mul3A_76 = arith.constant 20000 : i32
    %mul3A_77 = arith.muli %arg1, %mul3A_76 : i32
    %add3A_78 = arith.constant 8000 : i32
    %add3A_79 = arith.addi %mul3A_77, %add3A_78 : i32
    "tpu.region"() ({
      %run_scoped3A = tpu.sem_alloc : memref<!tpu.dma_semaphore, #tpu.memory_space<semaphore_mem>>
      %dma_start3A = tpu.memref_slice %arg5[%add3A_79] : memref<320000xi32, #tpu.memory_space<hbm>> -> memref<4000xi32, #tpu.memory_space<hbm>>
      %dma_start3A_171 = tpu.memref_slice %arg5[%add3A_79] : memref<320000xi32, #tpu.memory_space<hbm>> -> memref<4000xi32, #tpu.memory_space<hbm>>
      tpu.enqueue_dma source(%dma_start3A_171 : memref<4000xi32, #tpu.memory_space<hbm>>) target(%arg8 : memref<4000xi32, #tpu.memory_space<vmem>>) target_semaphore(%run_scoped3A : memref<!tpu.dma_semaphore, #tpu.memory_space<semaphore_mem>>)
      %dma_wait3A_172 = tpu.memref_slice %arg5[%add3A_79] : memref<320000xi32, #tpu.memory_space<hbm>> -> memref<4000xi32, #tpu.memory_space<hbm>>
      %dma_wait3A_173 = tpu.memref_slice %arg5[%add3A_79] : memref<320000xi32, #tpu.memory_space<hbm>> -> memref<4000xi32, #tpu.memory_space<hbm>>
      tpu.wait_dma2 semaphore(%run_scoped3A : memref<!tpu.dma_semaphore, #tpu.memory_space<semaphore_mem>>) src(%dma_wait3A_173 : memref<4000xi32, #tpu.memory_space<hbm>>) dst(%arg8 : memref<4000xi32, #tpu.memory_space<vmem>>)
      tpu.yield
    }) : () -> ()
    %eq3A_80 = arith.constant 0 : i32
    %eq3A_81 = arith.cmpi eq, %arg0, %eq3A_80 : i32
    %convert_element_type3A_82 = arith.extui %eq3A_81 : i1 to i32
    %cond3A_83 = arith.constant 0 : i32
    %cond3A_84 = arith.cmpi ne, %convert_element_type3A_82, %cond3A_83 : i32
    scf.if %cond3A_84 {
      %dma_start3A = arith.constant 0 : i32
      %dma_start3A_171 = tpu.memref_slice %arg7[%dma_start3A] : memref<4000xi32, #tpu.memory_space<vmem>> -> memref<160xi32, #tpu.memory_space<vmem>>
      %dma_start3A_172 = arith.constant 0 : i32
      %dma_start3A_173 = arith.constant 0 : i32
      %dma_start3A_174 = tpu.memref_slice %arg2[%dma_start3A_172, %dma_start3A_173] : memref<10000x128xf32, #tpu.memory_space<hbm>> -> memref<10000x128xf32, #tpu.memory_space<hbm>>
      tpu.enqueue_indirect_dma source(%dma_start3A_174 : memref<10000x128xf32, #tpu.memory_space<hbm>>) target(%arg9 : memref<160x128xf32, #tpu.memory_space<vmem>>) offsets(%dma_start3A_171 : memref<160xi32, #tpu.memory_space<vmem>>) semaphore(%arg12 : memref<!tpu.dma_semaphore, #tpu.memory_space<semaphore_mem>>)
    } else {
    }
    %eq3A_85 = arith.constant 1 : i32
    %eq3A_86 = arith.cmpi eq, %arg0, %eq3A_85 : i32
    %convert_element_type3A_87 = arith.extui %eq3A_86 : i1 to i32
    %cond3A_88 = arith.constant 0 : i32
    %cond3A_89 = arith.cmpi ne, %convert_element_type3A_87, %cond3A_88 : i32
    scf.if %cond3A_89 {
      %dma_start3A = arith.constant 0 : i32
      %dma_start3A_171 = tpu.memref_slice %arg7[%dma_start3A] : memref<4000xi32, #tpu.memory_space<vmem>> -> memref<160xi32, #tpu.memory_space<vmem>>
      %dma_start3A_172 = arith.constant 0 : i32
      %dma_start3A_173 = arith.constant 0 : i32
      %dma_start3A_174 = tpu.memref_slice %arg3[%dma_start3A_172, %dma_start3A_173] : memref<10000x128xf32, #tpu.memory_space<hbm>> -> memref<10000x128xf32, #tpu.memory_space<hbm>>
      tpu.enqueue_indirect_dma source(%dma_start3A_174 : memref<10000x128xf32, #tpu.memory_space<hbm>>) target(%arg9 : memref<160x128xf32, #tpu.memory_space<vmem>>) offsets(%dma_start3A_171 : memref<160xi32, #tpu.memory_space<vmem>>) semaphore(%arg12 : memref<!tpu.dma_semaphore, #tpu.memory_space<semaphore_mem>>)
    } else {
    }
    %scan3A_90 = arith.constant 0 : i32
    %scan3A_91 = arith.constant 0 : i32
    %scan3A_92 = arith.constant 12 : i32
    %scan3A_93 = arith.addi %scan3A_91, %scan3A_92 : i32
    %scan3A_94 = arith.constant 1 : i32
    %scan3A_95 = scf.for %scan3A_171 = %scan3A_91 to %scan3A_93 step %scan3A_94 iter_args(%scan3A_172 = %scan3A_90) -> (i32)  : i32 {
      %mul3A_173 = arith.constant 2 : i32
      %mul3A_174 = arith.muli %scan3A_171, %mul3A_173 : i32
      %add3A_175 = arith.constant 1 : i32
      %add3A_176 = arith.addi %mul3A_174, %add3A_175 : i32
      %mul3A_177 = arith.constant 160 : i32
      %mul3A_178 = arith.muli %add3A_176, %mul3A_177 : i32
      %eq3A_179 = arith.constant 0 : i32
      %eq3A_180 = arith.cmpi eq, %arg0, %eq3A_179 : i32
      %convert_element_type3A_181 = arith.extui %eq3A_180 : i1 to i32
      %cond3A_182 = arith.constant 0 : i32
      %cond3A_183 = arith.cmpi ne, %convert_element_type3A_181, %cond3A_182 : i32
      scf.if %cond3A_183 {
        %dma_start3A = tpu.memref_slice %arg7[%mul3A_178] : memref<4000xi32, #tpu.memory_space<vmem>> -> memref<160xi32, #tpu.memory_space<vmem>>
        %dma_start3A_216 = arith.constant 0 : i32
        %dma_start3A_217 = arith.constant 0 : i32
        %dma_start3A_218 = tpu.memref_slice %arg2[%dma_start3A_216, %dma_start3A_217] : memref<10000x128xf32, #tpu.memory_space<hbm>> -> memref<10000x128xf32, #tpu.memory_space<hbm>>
        tpu.enqueue_indirect_dma source(%dma_start3A_218 : memref<10000x128xf32, #tpu.memory_space<hbm>>) target(%arg10 : memref<160x128xf32, #tpu.memory_space<vmem>>) offsets(%dma_start3A : memref<160xi32, #tpu.memory_space<vmem>>) semaphore(%arg13 : memref<!tpu.dma_semaphore, #tpu.memory_space<semaphore_mem>>)
      } else {
      }
      %eq3A_184 = arith.constant 1 : i32
      %eq3A_185 = arith.cmpi eq, %arg0, %eq3A_184 : i32
      %convert_element_type3A_186 = arith.extui %eq3A_185 : i1 to i32
      %cond3A_187 = arith.constant 0 : i32
      %cond3A_188 = arith.cmpi ne, %convert_element_type3A_186, %cond3A_187 : i32
      scf.if %cond3A_188 {
        %dma_start3A = tpu.memref_slice %arg7[%mul3A_178] : memref<4000xi32, #tpu.memory_space<vmem>> -> memref<160xi32, #tpu.memory_space<vmem>>
        %dma_start3A_216 = arith.constant 0 : i32
        %dma_start3A_217 = arith.constant 0 : i32
        %dma_start3A_218 = tpu.memref_slice %arg3[%dma_start3A_216, %dma_start3A_217] : memref<10000x128xf32, #tpu.memory_space<hbm>> -> memref<10000x128xf32, #tpu.memory_space<hbm>>
        tpu.enqueue_indirect_dma source(%dma_start3A_218 : memref<10000x128xf32, #tpu.memory_space<hbm>>) target(%arg10 : memref<160x128xf32, #tpu.memory_space<vmem>>) offsets(%dma_start3A : memref<160xi32, #tpu.memory_space<vmem>>) semaphore(%arg13 : memref<!tpu.dma_semaphore, #tpu.memory_space<semaphore_mem>>)
      } else {
      }
      %mul3A_189 = arith.constant 160 : i32
      %mul3A_190 = arith.muli %mul3A_174, %mul3A_189 : i32
      %dma_wait3A_191 = tpu.memref_slice %arg7[%mul3A_190] : memref<4000xi32, #tpu.memory_space<vmem>> -> memref<160xi32, #tpu.memory_space<vmem>>
      %dma_wait3A_192 = arith.constant 0 : i32
      %dma_wait3A_193 = arith.constant 0 : i32
      %dma_wait3A_194 = tpu.memref_slice %arg2[%dma_wait3A_192, %dma_wait3A_193] : memref<10000x128xf32, #tpu.memory_space<hbm>> -> memref<10000x128xf32, #tpu.memory_space<hbm>>
      tpu.wait_indirect_dma semaphore(%arg12 : memref<!tpu.dma_semaphore, #tpu.memory_space<semaphore_mem>>) src(%dma_wait3A_194 : memref<10000x128xf32, #tpu.memory_space<hbm>>) dst(%arg9 : memref<160x128xf32, #tpu.memory_space<vmem>>)
      %mul3A_195 = arith.constant 160 : i32
      %mul3A_196 = arith.muli %mul3A_174, %mul3A_195 : i32
      "tpu.region"() ({
        %run_scoped3A = tpu.sem_alloc : memref<!tpu.dma_semaphore, #tpu.memory_space<semaphore_mem>>
        %dma_start3A = tpu.memref_slice %arg8[%mul3A_196] : memref<4000xi32, #tpu.memory_space<vmem>> -> memref<160xi32, #tpu.memory_space<vmem>>
        %dma_start3A_216 = arith.constant 0 : i32
        %dma_start3A_217 = arith.constant 0 : i32
        %dma_start3A_218 = tpu.memref_slice %arg11[%dma_start3A_216, %dma_start3A_217] : memref<10000x128xf32, #tpu.memory_space<vmem_shared>> -> memref<10000x128xf32, #tpu.memory_space<vmem_shared>>
        tpu.enqueue_indirect_dma source(%arg9 : memref<160x128xf32, #tpu.memory_space<vmem>>) target(%dma_start3A_218 : memref<10000x128xf32, #tpu.memory_space<vmem_shared>>) offsets(%dma_start3A : memref<160xi32, #tpu.memory_space<vmem>>) semaphore(%run_scoped3A : memref<!tpu.dma_semaphore, #tpu.memory_space<semaphore_mem>>) {add = true}
        %dma_wait3A_219 = tpu.memref_slice %arg8[%mul3A_196] : memref<4000xi32, #tpu.memory_space<vmem>> -> memref<160xi32, #tpu.memory_space<vmem>>
        %dma_wait3A_220 = arith.constant 0 : i32
        %dma_wait3A_221 = arith.constant 0 : i32
        %dma_wait3A_222 = tpu.memref_slice %arg11[%dma_wait3A_220, %dma_wait3A_221] : memref<10000x128xf32, #tpu.memory_space<vmem_shared>> -> memref<10000x128xf32, #tpu.memory_space<vmem_shared>>
        tpu.wait_indirect_dma semaphore(%run_scoped3A : memref<!tpu.dma_semaphore, #tpu.memory_space<semaphore_mem>>) src(%arg9 : memref<160x128xf32, #tpu.memory_space<vmem>>) dst(%dma_wait3A_222 : memref<10000x128xf32, #tpu.memory_space<vmem_shared>>)
        tpu.yield
      }) : () -> ()
      %add3A_197 = arith.constant 2 : i32
      %add3A_198 = arith.addi %mul3A_174, %add3A_197 : i32
      %lt3A = arith.constant 25 : i32
      %lt3A_199 = arith.cmpi slt, %add3A_198, %lt3A : i32
      %convert_element_type3A_200 = arith.extui %lt3A_199 : i1 to i32
      %cond3A_201 = arith.constant 0 : i32
      %cond3A_202 = arith.cmpi ne, %convert_element_type3A_200, %cond3A_201 : i32
      scf.if %cond3A_202 {
        %add3A_216 = arith.constant 2 : i32
        %add3A_217 = arith.addi %mul3A_174, %add3A_216 : i32
        %mul3A_218 = arith.constant 160 : i32
        %mul3A_219 = arith.muli %add3A_217, %mul3A_218 : i32
        %eq3A_220 = arith.constant 0 : i32
        %eq3A_221 = arith.cmpi eq, %arg0, %eq3A_220 : i32
        %convert_element_type3A_222 = arith.extui %eq3A_221 : i1 to i32
        %cond3A_223 = arith.constant 0 : i32
        %cond3A_224 = arith.cmpi ne, %convert_element_type3A_222, %cond3A_223 : i32
        scf.if %cond3A_224 {
          %dma_start3A = tpu.memref_slice %arg7[%mul3A_219] : memref<4000xi32, #tpu.memory_space<vmem>> -> memref<160xi32, #tpu.memory_space<vmem>>
          %dma_start3A_230 = arith.constant 0 : i32
          %dma_start3A_231 = arith.constant 0 : i32
          %dma_start3A_232 = tpu.memref_slice %arg2[%dma_start3A_230, %dma_start3A_231] : memref<10000x128xf32, #tpu.memory_space<hbm>> -> memref<10000x128xf32, #tpu.memory_space<hbm>>
          tpu.enqueue_indirect_dma source(%dma_start3A_232 : memref<10000x128xf32, #tpu.memory_space<hbm>>) target(%arg9 : memref<160x128xf32, #tpu.memory_space<vmem>>) offsets(%dma_start3A : memref<160xi32, #tpu.memory_space<vmem>>) semaphore(%arg12 : memref<!tpu.dma_semaphore, #tpu.memory_space<semaphore_mem>>)
        } else {
        }
        %eq3A_225 = arith.constant 1 : i32
        %eq3A_226 = arith.cmpi eq, %arg0, %eq3A_225 : i32
        %convert_element_type3A_227 = arith.extui %eq3A_226 : i1 to i32
        %cond3A_228 = arith.constant 0 : i32
        %cond3A_229 = arith.cmpi ne, %convert_element_type3A_227, %cond3A_228 : i32
        scf.if %cond3A_229 {
          %dma_start3A = tpu.memref_slice %arg7[%mul3A_219] : memref<4000xi32, #tpu.memory_space<vmem>> -> memref<160xi32, #tpu.memory_space<vmem>>
          %dma_start3A_230 = arith.constant 0 : i32
          %dma_start3A_231 = arith.constant 0 : i32
          %dma_start3A_232 = tpu.memref_slice %arg3[%dma_start3A_230, %dma_start3A_231] : memref<10000x128xf32, #tpu.memory_space<hbm>> -> memref<10000x128xf32, #tpu.memory_space<hbm>>
          tpu.enqueue_indirect_dma source(%dma_start3A_232 : memref<10000x128xf32, #tpu.memory_space<hbm>>) target(%arg9 : memref<160x128xf32, #tpu.memory_space<vmem>>) offsets(%dma_start3A : memref<160xi32, #tpu.memory_space<vmem>>) semaphore(%arg12 : memref<!tpu.dma_semaphore, #tpu.memory_space<semaphore_mem>>)
        } else {
        }
      } else {
      }
      %add3A_203 = arith.constant 1 : i32
      %add3A_204 = arith.addi %mul3A_174, %add3A_203 : i32
      %mul3A_205 = arith.constant 160 : i32
      %mul3A_206 = arith.muli %add3A_204, %mul3A_205 : i32
      %dma_wait3A_207 = tpu.memref_slice %arg7[%mul3A_206] : memref<4000xi32, #tpu.memory_space<vmem>> -> memref<160xi32, #tpu.memory_space<vmem>>
      %dma_wait3A_208 = arith.constant 0 : i32
      %dma_wait3A_209 = arith.constant 0 : i32
      %dma_wait3A_210 = tpu.memref_slice %arg2[%dma_wait3A_208, %dma_wait3A_209] : memref<10000x128xf32, #tpu.memory_space<hbm>> -> memref<10000x128xf32, #tpu.memory_space<hbm>>
      tpu.wait_indirect_dma semaphore(%arg13 : memref<!tpu.dma_semaphore, #tpu.memory_space<semaphore_mem>>) src(%dma_wait3A_210 : memref<10000x128xf32, #tpu.memory_space<hbm>>) dst(%arg10 : memref<160x128xf32, #tpu.memory_space<vmem>>)
      %add3A_211 = arith.constant 1 : i32
      %add3A_212 = arith.addi %mul3A_174, %add3A_211 : i32
      %mul3A_213 = arith.constant 160 : i32
      %mul3A_214 = arith.muli %add3A_212, %mul3A_213 : i32
      "tpu.region"() ({
        %run_scoped3A = tpu.sem_alloc : memref<!tpu.dma_semaphore, #tpu.memory_space<semaphore_mem>>
        %dma_start3A = tpu.memref_slice %arg8[%mul3A_214] : memref<4000xi32, #tpu.memory_space<vmem>> -> memref<160xi32, #tpu.memory_space<vmem>>
        %dma_start3A_216 = arith.constant 0 : i32
        %dma_start3A_217 = arith.constant 0 : i32
        %dma_start3A_218 = tpu.memref_slice %arg11[%dma_start3A_216, %dma_start3A_217] : memref<10000x128xf32, #tpu.memory_space<vmem_shared>> -> memref<10000x128xf32, #tpu.memory_space<vmem_shared>>
        tpu.enqueue_indirect_dma source(%arg10 : memref<160x128xf32, #tpu.memory_space<vmem>>) target(%dma_start3A_218 : memref<10000x128xf32, #tpu.memory_space<vmem_shared>>) offsets(%dma_start3A : memref<160xi32, #tpu.memory_space<vmem>>) semaphore(%run_scoped3A : memref<!tpu.dma_semaphore, #tpu.memory_space<semaphore_mem>>) {add = true}
        %dma_wait3A_219 = tpu.memref_slice %arg8[%mul3A_214] : memref<4000xi32, #tpu.memory_space<vmem>> -> memref<160xi32, #tpu.memory_space<vmem>>
        %dma_wait3A_220 = arith.constant 0 : i32
        %dma_wait3A_221 = arith.constant 0 : i32
        %dma_wait3A_222 = tpu.memref_slice %arg11[%dma_wait3A_220, %dma_wait3A_221] : memref<10000x128xf32, #tpu.memory_space<vmem_shared>> -> memref<10000x128xf32, #tpu.memory_space<vmem_shared>>
        tpu.wait_indirect_dma semaphore(%run_scoped3A : memref<!tpu.dma_semaphore, #tpu.memory_space<semaphore_mem>>) src(%arg10 : memref<160x128xf32, #tpu.memory_space<vmem>>) dst(%dma_wait3A_222 : memref<10000x128xf32, #tpu.memory_space<vmem_shared>>)
        tpu.yield
      }) : () -> ()
      %scan3A_215 = arith.constant 0 : i32
      scf.yield %scan3A_215 : i32
    }
    %scan3A_96 = arith.constant 12 : i32
    %dma_wait3A_97 = arith.constant 3840 : i32
    %dma_wait3A_98 = tpu.memref_slice %arg7[%dma_wait3A_97] : memref<4000xi32, #tpu.memory_space<vmem>> -> memref<160xi32, #tpu.memory_space<vmem>>
    %dma_wait3A_99 = arith.constant 0 : i32
    %dma_wait3A_100 = arith.constant 0 : i32
    %dma_wait3A_101 = tpu.memref_slice %arg2[%dma_wait3A_99, %dma_wait3A_100] : memref<10000x128xf32, #tpu.memory_space<hbm>> -> memref<10000x128xf32, #tpu.memory_space<hbm>>
    tpu.wait_indirect_dma semaphore(%arg12 : memref<!tpu.dma_semaphore, #tpu.memory_space<semaphore_mem>>) src(%dma_wait3A_101 : memref<10000x128xf32, #tpu.memory_space<hbm>>) dst(%arg9 : memref<160x128xf32, #tpu.memory_space<vmem>>)
    "tpu.region"() ({
      %run_scoped3A = tpu.sem_alloc : memref<!tpu.dma_semaphore, #tpu.memory_space<semaphore_mem>>
      %dma_start3A = arith.constant 3840 : i32
      %dma_start3A_171 = tpu.memref_slice %arg8[%dma_start3A] : memref<4000xi32, #tpu.memory_space<vmem>> -> memref<160xi32, #tpu.memory_space<vmem>>
      %dma_start3A_172 = arith.constant 0 : i32
      %dma_start3A_173 = arith.constant 0 : i32
      %dma_start3A_174 = tpu.memref_slice %arg11[%dma_start3A_172, %dma_start3A_173] : memref<10000x128xf32, #tpu.memory_space<vmem_shared>> -> memref<10000x128xf32, #tpu.memory_space<vmem_shared>>
      tpu.enqueue_indirect_dma source(%arg9 : memref<160x128xf32, #tpu.memory_space<vmem>>) target(%dma_start3A_174 : memref<10000x128xf32, #tpu.memory_space<vmem_shared>>) offsets(%dma_start3A_171 : memref<160xi32, #tpu.memory_space<vmem>>) semaphore(%run_scoped3A : memref<!tpu.dma_semaphore, #tpu.memory_space<semaphore_mem>>) {add = true}
      %dma_wait3A_175 = arith.constant 3840 : i32
      %dma_wait3A_176 = tpu.memref_slice %arg8[%dma_wait3A_175] : memref<4000xi32, #tpu.memory_space<vmem>> -> memref<160xi32, #tpu.memory_space<vmem>>
      %dma_wait3A_177 = arith.constant 0 : i32
      %dma_wait3A_178 = arith.constant 0 : i32
      %dma_wait3A_179 = tpu.memref_slice %arg11[%dma_wait3A_177, %dma_wait3A_178] : memref<10000x128xf32, #tpu.memory_space<vmem_shared>> -> memref<10000x128xf32, #tpu.memory_space<vmem_shared>>
      tpu.wait_indirect_dma semaphore(%run_scoped3A : memref<!tpu.dma_semaphore, #tpu.memory_space<semaphore_mem>>) src(%arg9 : memref<160x128xf32, #tpu.memory_space<vmem>>) dst(%dma_wait3A_179 : memref<10000x128xf32, #tpu.memory_space<vmem_shared>>)
      tpu.yield
    }) : () -> ()
    %mul3A_102 = arith.constant 20000 : i32
    %mul3A_103 = arith.muli %arg1, %mul3A_102 : i32
    %add3A_104 = arith.constant 12000 : i32
    %add3A_105 = arith.addi %mul3A_103, %add3A_104 : i32
    "tpu.region"() ({
      %run_scoped3A = tpu.sem_alloc : memref<!tpu.dma_semaphore, #tpu.memory_space<semaphore_mem>>
      %dma_start3A = tpu.memref_slice %arg4[%add3A_105] : memref<320000xi32, #tpu.memory_space<hbm>> -> memref<4000xi32, #tpu.memory_space<hbm>>
      %dma_start3A_171 = tpu.memref_slice %arg4[%add3A_105] : memref<320000xi32, #tpu.memory_space<hbm>> -> memref<4000xi32, #tpu.memory_space<hbm>>
      tpu.enqueue_dma source(%dma_start3A_171 : memref<4000xi32, #tpu.memory_space<hbm>>) target(%arg7 : memref<4000xi32, #tpu.memory_space<vmem>>) target_semaphore(%run_scoped3A : memref<!tpu.dma_semaphore, #tpu.memory_space<semaphore_mem>>)
      %dma_wait3A_172 = tpu.memref_slice %arg4[%add3A_105] : memref<320000xi32, #tpu.memory_space<hbm>> -> memref<4000xi32, #tpu.memory_space<hbm>>
      %dma_wait3A_173 = tpu.memref_slice %arg4[%add3A_105] : memref<320000xi32, #tpu.memory_space<hbm>> -> memref<4000xi32, #tpu.memory_space<hbm>>
      tpu.wait_dma2 semaphore(%run_scoped3A : memref<!tpu.dma_semaphore, #tpu.memory_space<semaphore_mem>>) src(%dma_wait3A_173 : memref<4000xi32, #tpu.memory_space<hbm>>) dst(%arg7 : memref<4000xi32, #tpu.memory_space<vmem>>)
      tpu.yield
    }) : () -> ()
    %mul3A_106 = arith.constant 20000 : i32
    %mul3A_107 = arith.muli %arg1, %mul3A_106 : i32
    %add3A_108 = arith.constant 12000 : i32
    %add3A_109 = arith.addi %mul3A_107, %add3A_108 : i32
    "tpu.region"() ({
      %run_scoped3A = tpu.sem_alloc : memref<!tpu.dma_semaphore, #tpu.memory_space<semaphore_mem>>
      %dma_start3A = tpu.memref_slice %arg5[%add3A_109] : memref<320000xi32, #tpu.memory_space<hbm>> -> memref<4000xi32, #tpu.memory_space<hbm>>
      %dma_start3A_171 = tpu.memref_slice %arg5[%add3A_109] : memref<320000xi32, #tpu.memory_space<hbm>> -> memref<4000xi32, #tpu.memory_space<hbm>>
      tpu.enqueue_dma source(%dma_start3A_171 : memref<4000xi32, #tpu.memory_space<hbm>>) target(%arg8 : memref<4000xi32, #tpu.memory_space<vmem>>) target_semaphore(%run_scoped3A : memref<!tpu.dma_semaphore, #tpu.memory_space<semaphore_mem>>)
      %dma_wait3A_172 = tpu.memref_slice %arg5[%add3A_109] : memref<320000xi32, #tpu.memory_space<hbm>> -> memref<4000xi32, #tpu.memory_space<hbm>>
      %dma_wait3A_173 = tpu.memref_slice %arg5[%add3A_109] : memref<320000xi32, #tpu.memory_space<hbm>> -> memref<4000xi32, #tpu.memory_space<hbm>>
      tpu.wait_dma2 semaphore(%run_scoped3A : memref<!tpu.dma_semaphore, #tpu.memory_space<semaphore_mem>>) src(%dma_wait3A_173 : memref<4000xi32, #tpu.memory_space<hbm>>) dst(%arg8 : memref<4000xi32, #tpu.memory_space<vmem>>)
      tpu.yield
    }) : () -> ()
    %eq3A_110 = arith.constant 0 : i32
    %eq3A_111 = arith.cmpi eq, %arg0, %eq3A_110 : i32
    %convert_element_type3A_112 = arith.extui %eq3A_111 : i1 to i32
    %cond3A_113 = arith.constant 0 : i32
    %cond3A_114 = arith.cmpi ne, %convert_element_type3A_112, %cond3A_113 : i32
    scf.if %cond3A_114 {
      %dma_start3A = arith.constant 0 : i32
      %dma_start3A_171 = tpu.memref_slice %arg7[%dma_start3A] : memref<4000xi32, #tpu.memory_space<vmem>> -> memref<160xi32, #tpu.memory_space<vmem>>
      %dma_start3A_172 = arith.constant 0 : i32
      %dma_start3A_173 = arith.constant 0 : i32
      %dma_start3A_174 = tpu.memref_slice %arg2[%dma_start3A_172, %dma_start3A_173] : memref<10000x128xf32, #tpu.memory_space<hbm>> -> memref<10000x128xf32, #tpu.memory_space<hbm>>
      tpu.enqueue_indirect_dma source(%dma_start3A_174 : memref<10000x128xf32, #tpu.memory_space<hbm>>) target(%arg9 : memref<160x128xf32, #tpu.memory_space<vmem>>) offsets(%dma_start3A_171 : memref<160xi32, #tpu.memory_space<vmem>>) semaphore(%arg12 : memref<!tpu.dma_semaphore, #tpu.memory_space<semaphore_mem>>)
    } else {
    }
    %eq3A_115 = arith.constant 1 : i32
    %eq3A_116 = arith.cmpi eq, %arg0, %eq3A_115 : i32
    %convert_element_type3A_117 = arith.extui %eq3A_116 : i1 to i32
    %cond3A_118 = arith.constant 0 : i32
    %cond3A_119 = arith.cmpi ne, %convert_element_type3A_117, %cond3A_118 : i32
    scf.if %cond3A_119 {
      %dma_start3A = arith.constant 0 : i32
      %dma_start3A_171 = tpu.memref_slice %arg7[%dma_start3A] : memref<4000xi32, #tpu.memory_space<vmem>> -> memref<160xi32, #tpu.memory_space<vmem>>
      %dma_start3A_172 = arith.constant 0 : i32
      %dma_start3A_173 = arith.constant 0 : i32
      %dma_start3A_174 = tpu.memref_slice %arg3[%dma_start3A_172, %dma_start3A_173] : memref<10000x128xf32, #tpu.memory_space<hbm>> -> memref<10000x128xf32, #tpu.memory_space<hbm>>
      tpu.enqueue_indirect_dma source(%dma_start3A_174 : memref<10000x128xf32, #tpu.memory_space<hbm>>) target(%arg9 : memref<160x128xf32, #tpu.memory_space<vmem>>) offsets(%dma_start3A_171 : memref<160xi32, #tpu.memory_space<vmem>>) semaphore(%arg12 : memref<!tpu.dma_semaphore, #tpu.memory_space<semaphore_mem>>)
    } else {
    }
    %scan3A_120 = arith.constant 0 : i32
    %scan3A_121 = arith.constant 0 : i32
    %scan3A_122 = arith.constant 12 : i32
    %scan3A_123 = arith.addi %scan3A_121, %scan3A_122 : i32
    %scan3A_124 = arith.constant 1 : i32
    %scan3A_125 = scf.for %scan3A_171 = %scan3A_121 to %scan3A_123 step %scan3A_124 iter_args(%scan3A_172 = %scan3A_120) -> (i32)  : i32 {
      %mul3A_173 = arith.constant 2 : i32
      %mul3A_174 = arith.muli %scan3A_171, %mul3A_173 : i32
      %add3A_175 = arith.constant 1 : i32
      %add3A_176 = arith.addi %mul3A_174, %add3A_175 : i32
      %mul3A_177 = arith.constant 160 : i32
      %mul3A_178 = arith.muli %add3A_176, %mul3A_177 : i32
      %eq3A_179 = arith.constant 0 : i32
      %eq3A_180 = arith.cmpi eq, %arg0, %eq3A_179 : i32
      %convert_element_type3A_181 = arith.extui %eq3A_180 : i1 to i32
      %cond3A_182 = arith.constant 0 : i32
      %cond3A_183 = arith.cmpi ne, %convert_element_type3A_181, %cond3A_182 : i32
      scf.if %cond3A_183 {
        %dma_start3A = tpu.memref_slice %arg7[%mul3A_178] : memref<4000xi32, #tpu.memory_space<vmem>> -> memref<160xi32, #tpu.memory_space<vmem>>
        %dma_start3A_216 = arith.constant 0 : i32
        %dma_start3A_217 = arith.constant 0 : i32
        %dma_start3A_218 = tpu.memref_slice %arg2[%dma_start3A_216, %dma_start3A_217] : memref<10000x128xf32, #tpu.memory_space<hbm>> -> memref<10000x128xf32, #tpu.memory_space<hbm>>
        tpu.enqueue_indirect_dma source(%dma_start3A_218 : memref<10000x128xf32, #tpu.memory_space<hbm>>) target(%arg10 : memref<160x128xf32, #tpu.memory_space<vmem>>) offsets(%dma_start3A : memref<160xi32, #tpu.memory_space<vmem>>) semaphore(%arg13 : memref<!tpu.dma_semaphore, #tpu.memory_space<semaphore_mem>>)
      } else {
      }
      %eq3A_184 = arith.constant 1 : i32
      %eq3A_185 = arith.cmpi eq, %arg0, %eq3A_184 : i32
      %convert_element_type3A_186 = arith.extui %eq3A_185 : i1 to i32
      %cond3A_187 = arith.constant 0 : i32
      %cond3A_188 = arith.cmpi ne, %convert_element_type3A_186, %cond3A_187 : i32
      scf.if %cond3A_188 {
        %dma_start3A = tpu.memref_slice %arg7[%mul3A_178] : memref<4000xi32, #tpu.memory_space<vmem>> -> memref<160xi32, #tpu.memory_space<vmem>>
        %dma_start3A_216 = arith.constant 0 : i32
        %dma_start3A_217 = arith.constant 0 : i32
        %dma_start3A_218 = tpu.memref_slice %arg3[%dma_start3A_216, %dma_start3A_217] : memref<10000x128xf32, #tpu.memory_space<hbm>> -> memref<10000x128xf32, #tpu.memory_space<hbm>>
        tpu.enqueue_indirect_dma source(%dma_start3A_218 : memref<10000x128xf32, #tpu.memory_space<hbm>>) target(%arg10 : memref<160x128xf32, #tpu.memory_space<vmem>>) offsets(%dma_start3A : memref<160xi32, #tpu.memory_space<vmem>>) semaphore(%arg13 : memref<!tpu.dma_semaphore, #tpu.memory_space<semaphore_mem>>)
      } else {
      }
      %mul3A_189 = arith.constant 160 : i32
      %mul3A_190 = arith.muli %mul3A_174, %mul3A_189 : i32
      %dma_wait3A_191 = tpu.memref_slice %arg7[%mul3A_190] : memref<4000xi32, #tpu.memory_space<vmem>> -> memref<160xi32, #tpu.memory_space<vmem>>
      %dma_wait3A_192 = arith.constant 0 : i32
      %dma_wait3A_193 = arith.constant 0 : i32
      %dma_wait3A_194 = tpu.memref_slice %arg2[%dma_wait3A_192, %dma_wait3A_193] : memref<10000x128xf32, #tpu.memory_space<hbm>> -> memref<10000x128xf32, #tpu.memory_space<hbm>>
      tpu.wait_indirect_dma semaphore(%arg12 : memref<!tpu.dma_semaphore, #tpu.memory_space<semaphore_mem>>) src(%dma_wait3A_194 : memref<10000x128xf32, #tpu.memory_space<hbm>>) dst(%arg9 : memref<160x128xf32, #tpu.memory_space<vmem>>)
      %mul3A_195 = arith.constant 160 : i32
      %mul3A_196 = arith.muli %mul3A_174, %mul3A_195 : i32
      "tpu.region"() ({
        %run_scoped3A = tpu.sem_alloc : memref<!tpu.dma_semaphore, #tpu.memory_space<semaphore_mem>>
        %dma_start3A = tpu.memref_slice %arg8[%mul3A_196] : memref<4000xi32, #tpu.memory_space<vmem>> -> memref<160xi32, #tpu.memory_space<vmem>>
        %dma_start3A_216 = arith.constant 0 : i32
        %dma_start3A_217 = arith.constant 0 : i32
        %dma_start3A_218 = tpu.memref_slice %arg11[%dma_start3A_216, %dma_start3A_217] : memref<10000x128xf32, #tpu.memory_space<vmem_shared>> -> memref<10000x128xf32, #tpu.memory_space<vmem_shared>>
        tpu.enqueue_indirect_dma source(%arg9 : memref<160x128xf32, #tpu.memory_space<vmem>>) target(%dma_start3A_218 : memref<10000x128xf32, #tpu.memory_space<vmem_shared>>) offsets(%dma_start3A : memref<160xi32, #tpu.memory_space<vmem>>) semaphore(%run_scoped3A : memref<!tpu.dma_semaphore, #tpu.memory_space<semaphore_mem>>) {add = true}
        %dma_wait3A_219 = tpu.memref_slice %arg8[%mul3A_196] : memref<4000xi32, #tpu.memory_space<vmem>> -> memref<160xi32, #tpu.memory_space<vmem>>
        %dma_wait3A_220 = arith.constant 0 : i32
        %dma_wait3A_221 = arith.constant 0 : i32
        %dma_wait3A_222 = tpu.memref_slice %arg11[%dma_wait3A_220, %dma_wait3A_221] : memref<10000x128xf32, #tpu.memory_space<vmem_shared>> -> memref<10000x128xf32, #tpu.memory_space<vmem_shared>>
        tpu.wait_indirect_dma semaphore(%run_scoped3A : memref<!tpu.dma_semaphore, #tpu.memory_space<semaphore_mem>>) src(%arg9 : memref<160x128xf32, #tpu.memory_space<vmem>>) dst(%dma_wait3A_222 : memref<10000x128xf32, #tpu.memory_space<vmem_shared>>)
        tpu.yield
      }) : () -> ()
      %add3A_197 = arith.constant 2 : i32
      %add3A_198 = arith.addi %mul3A_174, %add3A_197 : i32
      %lt3A = arith.constant 25 : i32
      %lt3A_199 = arith.cmpi slt, %add3A_198, %lt3A : i32
      %convert_element_type3A_200 = arith.extui %lt3A_199 : i1 to i32
      %cond3A_201 = arith.constant 0 : i32
      %cond3A_202 = arith.cmpi ne, %convert_element_type3A_200, %cond3A_201 : i32
      scf.if %cond3A_202 {
        %add3A_216 = arith.constant 2 : i32
        %add3A_217 = arith.addi %mul3A_174, %add3A_216 : i32
        %mul3A_218 = arith.constant 160 : i32
        %mul3A_219 = arith.muli %add3A_217, %mul3A_218 : i32
        %eq3A_220 = arith.constant 0 : i32
        %eq3A_221 = arith.cmpi eq, %arg0, %eq3A_220 : i32
        %convert_element_type3A_222 = arith.extui %eq3A_221 : i1 to i32
        %cond3A_223 = arith.constant 0 : i32
        %cond3A_224 = arith.cmpi ne, %convert_element_type3A_222, %cond3A_223 : i32
        scf.if %cond3A_224 {
          %dma_start3A = tpu.memref_slice %arg7[%mul3A_219] : memref<4000xi32, #tpu.memory_space<vmem>> -> memref<160xi32, #tpu.memory_space<vmem>>
          %dma_start3A_230 = arith.constant 0 : i32
          %dma_start3A_231 = arith.constant 0 : i32
          %dma_start3A_232 = tpu.memref_slice %arg2[%dma_start3A_230, %dma_start3A_231] : memref<10000x128xf32, #tpu.memory_space<hbm>> -> memref<10000x128xf32, #tpu.memory_space<hbm>>
          tpu.enqueue_indirect_dma source(%dma_start3A_232 : memref<10000x128xf32, #tpu.memory_space<hbm>>) target(%arg9 : memref<160x128xf32, #tpu.memory_space<vmem>>) offsets(%dma_start3A : memref<160xi32, #tpu.memory_space<vmem>>) semaphore(%arg12 : memref<!tpu.dma_semaphore, #tpu.memory_space<semaphore_mem>>)
        } else {
        }
        %eq3A_225 = arith.constant 1 : i32
        %eq3A_226 = arith.cmpi eq, %arg0, %eq3A_225 : i32
        %convert_element_type3A_227 = arith.extui %eq3A_226 : i1 to i32
        %cond3A_228 = arith.constant 0 : i32
        %cond3A_229 = arith.cmpi ne, %convert_element_type3A_227, %cond3A_228 : i32
        scf.if %cond3A_229 {
          %dma_start3A = tpu.memref_slice %arg7[%mul3A_219] : memref<4000xi32, #tpu.memory_space<vmem>> -> memref<160xi32, #tpu.memory_space<vmem>>
          %dma_start3A_230 = arith.constant 0 : i32
          %dma_start3A_231 = arith.constant 0 : i32
          %dma_start3A_232 = tpu.memref_slice %arg3[%dma_start3A_230, %dma_start3A_231] : memref<10000x128xf32, #tpu.memory_space<hbm>> -> memref<10000x128xf32, #tpu.memory_space<hbm>>
          tpu.enqueue_indirect_dma source(%dma_start3A_232 : memref<10000x128xf32, #tpu.memory_space<hbm>>) target(%arg9 : memref<160x128xf32, #tpu.memory_space<vmem>>) offsets(%dma_start3A : memref<160xi32, #tpu.memory_space<vmem>>) semaphore(%arg12 : memref<!tpu.dma_semaphore, #tpu.memory_space<semaphore_mem>>)
        } else {
        }
      } else {
      }
      %add3A_203 = arith.constant 1 : i32
      %add3A_204 = arith.addi %mul3A_174, %add3A_203 : i32
      %mul3A_205 = arith.constant 160 : i32
      %mul3A_206 = arith.muli %add3A_204, %mul3A_205 : i32
      %dma_wait3A_207 = tpu.memref_slice %arg7[%mul3A_206] : memref<4000xi32, #tpu.memory_space<vmem>> -> memref<160xi32, #tpu.memory_space<vmem>>
      %dma_wait3A_208 = arith.constant 0 : i32
      %dma_wait3A_209 = arith.constant 0 : i32
      %dma_wait3A_210 = tpu.memref_slice %arg2[%dma_wait3A_208, %dma_wait3A_209] : memref<10000x128xf32, #tpu.memory_space<hbm>> -> memref<10000x128xf32, #tpu.memory_space<hbm>>
      tpu.wait_indirect_dma semaphore(%arg13 : memref<!tpu.dma_semaphore, #tpu.memory_space<semaphore_mem>>) src(%dma_wait3A_210 : memref<10000x128xf32, #tpu.memory_space<hbm>>) dst(%arg10 : memref<160x128xf32, #tpu.memory_space<vmem>>)
      %add3A_211 = arith.constant 1 : i32
      %add3A_212 = arith.addi %mul3A_174, %add3A_211 : i32
      %mul3A_213 = arith.constant 160 : i32
      %mul3A_214 = arith.muli %add3A_212, %mul3A_213 : i32
      "tpu.region"() ({
        %run_scoped3A = tpu.sem_alloc : memref<!tpu.dma_semaphore, #tpu.memory_space<semaphore_mem>>
        %dma_start3A = tpu.memref_slice %arg8[%mul3A_214] : memref<4000xi32, #tpu.memory_space<vmem>> -> memref<160xi32, #tpu.memory_space<vmem>>
        %dma_start3A_216 = arith.constant 0 : i32
        %dma_start3A_217 = arith.constant 0 : i32
        %dma_start3A_218 = tpu.memref_slice %arg11[%dma_start3A_216, %dma_start3A_217] : memref<10000x128xf32, #tpu.memory_space<vmem_shared>> -> memref<10000x128xf32, #tpu.memory_space<vmem_shared>>
        tpu.enqueue_indirect_dma source(%arg10 : memref<160x128xf32, #tpu.memory_space<vmem>>) target(%dma_start3A_218 : memref<10000x128xf32, #tpu.memory_space<vmem_shared>>) offsets(%dma_start3A : memref<160xi32, #tpu.memory_space<vmem>>) semaphore(%run_scoped3A : memref<!tpu.dma_semaphore, #tpu.memory_space<semaphore_mem>>) {add = true}
        %dma_wait3A_219 = tpu.memref_slice %arg8[%mul3A_214] : memref<4000xi32, #tpu.memory_space<vmem>> -> memref<160xi32, #tpu.memory_space<vmem>>
        %dma_wait3A_220 = arith.constant 0 : i32
        %dma_wait3A_221 = arith.constant 0 : i32
        %dma_wait3A_222 = tpu.memref_slice %arg11[%dma_wait3A_220, %dma_wait3A_221] : memref<10000x128xf32, #tpu.memory_space<vmem_shared>> -> memref<10000x128xf32, #tpu.memory_space<vmem_shared>>
        tpu.wait_indirect_dma semaphore(%run_scoped3A : memref<!tpu.dma_semaphore, #tpu.memory_space<semaphore_mem>>) src(%arg10 : memref<160x128xf32, #tpu.memory_space<vmem>>) dst(%dma_wait3A_222 : memref<10000x128xf32, #tpu.memory_space<vmem_shared>>)
        tpu.yield
      }) : () -> ()
      %scan3A_215 = arith.constant 0 : i32
      scf.yield %scan3A_215 : i32
    }
    %scan3A_126 = arith.constant 12 : i32
    %dma_wait3A_127 = arith.constant 3840 : i32
    %dma_wait3A_128 = tpu.memref_slice %arg7[%dma_wait3A_127] : memref<4000xi32, #tpu.memory_space<vmem>> -> memref<160xi32, #tpu.memory_space<vmem>>
    %dma_wait3A_129 = arith.constant 0 : i32
    %dma_wait3A_130 = arith.constant 0 : i32
    %dma_wait3A_131 = tpu.memref_slice %arg2[%dma_wait3A_129, %dma_wait3A_130] : memref<10000x128xf32, #tpu.memory_space<hbm>> -> memref<10000x128xf32, #tpu.memory_space<hbm>>
    tpu.wait_indirect_dma semaphore(%arg12 : memref<!tpu.dma_semaphore, #tpu.memory_space<semaphore_mem>>) src(%dma_wait3A_131 : memref<10000x128xf32, #tpu.memory_space<hbm>>) dst(%arg9 : memref<160x128xf32, #tpu.memory_space<vmem>>)
    "tpu.region"() ({
      %run_scoped3A = tpu.sem_alloc : memref<!tpu.dma_semaphore, #tpu.memory_space<semaphore_mem>>
      %dma_start3A = arith.constant 3840 : i32
      %dma_start3A_171 = tpu.memref_slice %arg8[%dma_start3A] : memref<4000xi32, #tpu.memory_space<vmem>> -> memref<160xi32, #tpu.memory_space<vmem>>
      %dma_start3A_172 = arith.constant 0 : i32
      %dma_start3A_173 = arith.constant 0 : i32
      %dma_start3A_174 = tpu.memref_slice %arg11[%dma_start3A_172, %dma_start3A_173] : memref<10000x128xf32, #tpu.memory_space<vmem_shared>> -> memref<10000x128xf32, #tpu.memory_space<vmem_shared>>
      tpu.enqueue_indirect_dma source(%arg9 : memref<160x128xf32, #tpu.memory_space<vmem>>) target(%dma_start3A_174 : memref<10000x128xf32, #tpu.memory_space<vmem_shared>>) offsets(%dma_start3A_171 : memref<160xi32, #tpu.memory_space<vmem>>) semaphore(%run_scoped3A : memref<!tpu.dma_semaphore, #tpu.memory_space<semaphore_mem>>) {add = true}
      %dma_wait3A_175 = arith.constant 3840 : i32
      %dma_wait3A_176 = tpu.memref_slice %arg8[%dma_wait3A_175] : memref<4000xi32, #tpu.memory_space<vmem>> -> memref<160xi32, #tpu.memory_space<vmem>>
      %dma_wait3A_177 = arith.constant 0 : i32
      %dma_wait3A_178 = arith.constant 0 : i32
      %dma_wait3A_179 = tpu.memref_slice %arg11[%dma_wait3A_177, %dma_wait3A_178] : memref<10000x128xf32, #tpu.memory_space<vmem_shared>> -> memref<10000x128xf32, #tpu.memory_space<vmem_shared>>
      tpu.wait_indirect_dma semaphore(%run_scoped3A : memref<!tpu.dma_semaphore, #tpu.memory_space<semaphore_mem>>) src(%arg9 : memref<160x128xf32, #tpu.memory_space<vmem>>) dst(%dma_wait3A_179 : memref<10000x128xf32, #tpu.memory_space<vmem_shared>>)
      tpu.yield
    }) : () -> ()
    %mul3A_132 = arith.constant 20000 : i32
    %mul3A_133 = arith.muli %arg1, %mul3A_132 : i32
    %add3A_134 = arith.constant 16000 : i32
    %add3A_135 = arith.addi %mul3A_133, %add3A_134 : i32
    "tpu.region"() ({
      %run_scoped3A = tpu.sem_alloc : memref<!tpu.dma_semaphore, #tpu.memory_space<semaphore_mem>>
      %dma_start3A = tpu.memref_slice %arg4[%add3A_135] : memref<320000xi32, #tpu.memory_space<hbm>> -> memref<4000xi32, #tpu.memory_space<hbm>>
      %dma_start3A_171 = tpu.memref_slice %arg4[%add3A_135] : memref<320000xi32, #tpu.memory_space<hbm>> -> memref<4000xi32, #tpu.memory_space<hbm>>
      tpu.enqueue_dma source(%dma_start3A_171 : memref<4000xi32, #tpu.memory_space<hbm>>) target(%arg7 : memref<4000xi32, #tpu.memory_space<vmem>>) target_semaphore(%run_scoped3A : memref<!tpu.dma_semaphore, #tpu.memory_space<semaphore_mem>>)
      %dma_wait3A_172 = tpu.memref_slice %arg4[%add3A_135] : memref<320000xi32, #tpu.memory_space<hbm>> -> memref<4000xi32, #tpu.memory_space<hbm>>
      %dma_wait3A_173 = tpu.memref_slice %arg4[%add3A_135] : memref<320000xi32, #tpu.memory_space<hbm>> -> memref<4000xi32, #tpu.memory_space<hbm>>
      tpu.wait_dma2 semaphore(%run_scoped3A : memref<!tpu.dma_semaphore, #tpu.memory_space<semaphore_mem>>) src(%dma_wait3A_173 : memref<4000xi32, #tpu.memory_space<hbm>>) dst(%arg7 : memref<4000xi32, #tpu.memory_space<vmem>>)
      tpu.yield
    }) : () -> ()
    %mul3A_136 = arith.constant 20000 : i32
    %mul3A_137 = arith.muli %arg1, %mul3A_136 : i32
    %add3A_138 = arith.constant 16000 : i32
    %add3A_139 = arith.addi %mul3A_137, %add3A_138 : i32
    "tpu.region"() ({
      %run_scoped3A = tpu.sem_alloc : memref<!tpu.dma_semaphore, #tpu.memory_space<semaphore_mem>>
      %dma_start3A = tpu.memref_slice %arg5[%add3A_139] : memref<320000xi32, #tpu.memory_space<hbm>> -> memref<4000xi32, #tpu.memory_space<hbm>>
      %dma_start3A_171 = tpu.memref_slice %arg5[%add3A_139] : memref<320000xi32, #tpu.memory_space<hbm>> -> memref<4000xi32, #tpu.memory_space<hbm>>
      tpu.enqueue_dma source(%dma_start3A_171 : memref<4000xi32, #tpu.memory_space<hbm>>) target(%arg8 : memref<4000xi32, #tpu.memory_space<vmem>>) target_semaphore(%run_scoped3A : memref<!tpu.dma_semaphore, #tpu.memory_space<semaphore_mem>>)
      %dma_wait3A_172 = tpu.memref_slice %arg5[%add3A_139] : memref<320000xi32, #tpu.memory_space<hbm>> -> memref<4000xi32, #tpu.memory_space<hbm>>
      %dma_wait3A_173 = tpu.memref_slice %arg5[%add3A_139] : memref<320000xi32, #tpu.memory_space<hbm>> -> memref<4000xi32, #tpu.memory_space<hbm>>
      tpu.wait_dma2 semaphore(%run_scoped3A : memref<!tpu.dma_semaphore, #tpu.memory_space<semaphore_mem>>) src(%dma_wait3A_173 : memref<4000xi32, #tpu.memory_space<hbm>>) dst(%arg8 : memref<4000xi32, #tpu.memory_space<vmem>>)
      tpu.yield
    }) : () -> ()
    %eq3A_140 = arith.constant 0 : i32
    %eq3A_141 = arith.cmpi eq, %arg0, %eq3A_140 : i32
    %convert_element_type3A_142 = arith.extui %eq3A_141 : i1 to i32
    %cond3A_143 = arith.constant 0 : i32
    %cond3A_144 = arith.cmpi ne, %convert_element_type3A_142, %cond3A_143 : i32
    scf.if %cond3A_144 {
      %dma_start3A = arith.constant 0 : i32
      %dma_start3A_171 = tpu.memref_slice %arg7[%dma_start3A] : memref<4000xi32, #tpu.memory_space<vmem>> -> memref<160xi32, #tpu.memory_space<vmem>>
      %dma_start3A_172 = arith.constant 0 : i32
      %dma_start3A_173 = arith.constant 0 : i32
      %dma_start3A_174 = tpu.memref_slice %arg2[%dma_start3A_172, %dma_start3A_173] : memref<10000x128xf32, #tpu.memory_space<hbm>> -> memref<10000x128xf32, #tpu.memory_space<hbm>>
      tpu.enqueue_indirect_dma source(%dma_start3A_174 : memref<10000x128xf32, #tpu.memory_space<hbm>>) target(%arg9 : memref<160x128xf32, #tpu.memory_space<vmem>>) offsets(%dma_start3A_171 : memref<160xi32, #tpu.memory_space<vmem>>) semaphore(%arg12 : memref<!tpu.dma_semaphore, #tpu.memory_space<semaphore_mem>>)
    } else {
    }
    %eq3A_145 = arith.constant 1 : i32
    %eq3A_146 = arith.cmpi eq, %arg0, %eq3A_145 : i32
    %convert_element_type3A_147 = arith.extui %eq3A_146 : i1 to i32
    %cond3A_148 = arith.constant 0 : i32
    %cond3A_149 = arith.cmpi ne, %convert_element_type3A_147, %cond3A_148 : i32
    scf.if %cond3A_149 {
      %dma_start3A = arith.constant 0 : i32
      %dma_start3A_171 = tpu.memref_slice %arg7[%dma_start3A] : memref<4000xi32, #tpu.memory_space<vmem>> -> memref<160xi32, #tpu.memory_space<vmem>>
      %dma_start3A_172 = arith.constant 0 : i32
      %dma_start3A_173 = arith.constant 0 : i32
      %dma_start3A_174 = tpu.memref_slice %arg3[%dma_start3A_172, %dma_start3A_173] : memref<10000x128xf32, #tpu.memory_space<hbm>> -> memref<10000x128xf32, #tpu.memory_space<hbm>>
      tpu.enqueue_indirect_dma source(%dma_start3A_174 : memref<10000x128xf32, #tpu.memory_space<hbm>>) target(%arg9 : memref<160x128xf32, #tpu.memory_space<vmem>>) offsets(%dma_start3A_171 : memref<160xi32, #tpu.memory_space<vmem>>) semaphore(%arg12 : memref<!tpu.dma_semaphore, #tpu.memory_space<semaphore_mem>>)
    } else {
    }
    %scan3A_150 = arith.constant 0 : i32
    %scan3A_151 = arith.constant 0 : i32
    %scan3A_152 = arith.constant 12 : i32
    %scan3A_153 = arith.addi %scan3A_151, %scan3A_152 : i32
    %scan3A_154 = arith.constant 1 : i32
    %scan3A_155 = scf.for %scan3A_171 = %scan3A_151 to %scan3A_153 step %scan3A_154 iter_args(%scan3A_172 = %scan3A_150) -> (i32)  : i32 {
      %mul3A_173 = arith.constant 2 : i32
      %mul3A_174 = arith.muli %scan3A_171, %mul3A_173 : i32
      %add3A_175 = arith.constant 1 : i32
      %add3A_176 = arith.addi %mul3A_174, %add3A_175 : i32
      %mul3A_177 = arith.constant 160 : i32
      %mul3A_178 = arith.muli %add3A_176, %mul3A_177 : i32
      %eq3A_179 = arith.constant 0 : i32
      %eq3A_180 = arith.cmpi eq, %arg0, %eq3A_179 : i32
      %convert_element_type3A_181 = arith.extui %eq3A_180 : i1 to i32
      %cond3A_182 = arith.constant 0 : i32
      %cond3A_183 = arith.cmpi ne, %convert_element_type3A_181, %cond3A_182 : i32
      scf.if %cond3A_183 {
        %dma_start3A = tpu.memref_slice %arg7[%mul3A_178] : memref<4000xi32, #tpu.memory_space<vmem>> -> memref<160xi32, #tpu.memory_space<vmem>>
        %dma_start3A_216 = arith.constant 0 : i32
        %dma_start3A_217 = arith.constant 0 : i32
        %dma_start3A_218 = tpu.memref_slice %arg2[%dma_start3A_216, %dma_start3A_217] : memref<10000x128xf32, #tpu.memory_space<hbm>> -> memref<10000x128xf32, #tpu.memory_space<hbm>>
        tpu.enqueue_indirect_dma source(%dma_start3A_218 : memref<10000x128xf32, #tpu.memory_space<hbm>>) target(%arg10 : memref<160x128xf32, #tpu.memory_space<vmem>>) offsets(%dma_start3A : memref<160xi32, #tpu.memory_space<vmem>>) semaphore(%arg13 : memref<!tpu.dma_semaphore, #tpu.memory_space<semaphore_mem>>)
      } else {
      }
      %eq3A_184 = arith.constant 1 : i32
      %eq3A_185 = arith.cmpi eq, %arg0, %eq3A_184 : i32
      %convert_element_type3A_186 = arith.extui %eq3A_185 : i1 to i32
      %cond3A_187 = arith.constant 0 : i32
      %cond3A_188 = arith.cmpi ne, %convert_element_type3A_186, %cond3A_187 : i32
      scf.if %cond3A_188 {
        %dma_start3A = tpu.memref_slice %arg7[%mul3A_178] : memref<4000xi32, #tpu.memory_space<vmem>> -> memref<160xi32, #tpu.memory_space<vmem>>
        %dma_start3A_216 = arith.constant 0 : i32
        %dma_start3A_217 = arith.constant 0 : i32
        %dma_start3A_218 = tpu.memref_slice %arg3[%dma_start3A_216, %dma_start3A_217] : memref<10000x128xf32, #tpu.memory_space<hbm>> -> memref<10000x128xf32, #tpu.memory_space<hbm>>
        tpu.enqueue_indirect_dma source(%dma_start3A_218 : memref<10000x128xf32, #tpu.memory_space<hbm>>) target(%arg10 : memref<160x128xf32, #tpu.memory_space<vmem>>) offsets(%dma_start3A : memref<160xi32, #tpu.memory_space<vmem>>) semaphore(%arg13 : memref<!tpu.dma_semaphore, #tpu.memory_space<semaphore_mem>>)
      } else {
      }
      %mul3A_189 = arith.constant 160 : i32
      %mul3A_190 = arith.muli %mul3A_174, %mul3A_189 : i32
      %dma_wait3A_191 = tpu.memref_slice %arg7[%mul3A_190] : memref<4000xi32, #tpu.memory_space<vmem>> -> memref<160xi32, #tpu.memory_space<vmem>>
      %dma_wait3A_192 = arith.constant 0 : i32
      %dma_wait3A_193 = arith.constant 0 : i32
      %dma_wait3A_194 = tpu.memref_slice %arg2[%dma_wait3A_192, %dma_wait3A_193] : memref<10000x128xf32, #tpu.memory_space<hbm>> -> memref<10000x128xf32, #tpu.memory_space<hbm>>
      tpu.wait_indirect_dma semaphore(%arg12 : memref<!tpu.dma_semaphore, #tpu.memory_space<semaphore_mem>>) src(%dma_wait3A_194 : memref<10000x128xf32, #tpu.memory_space<hbm>>) dst(%arg9 : memref<160x128xf32, #tpu.memory_space<vmem>>)
      %mul3A_195 = arith.constant 160 : i32
      %mul3A_196 = arith.muli %mul3A_174, %mul3A_195 : i32
      "tpu.region"() ({
        %run_scoped3A = tpu.sem_alloc : memref<!tpu.dma_semaphore, #tpu.memory_space<semaphore_mem>>
        %dma_start3A = tpu.memref_slice %arg8[%mul3A_196] : memref<4000xi32, #tpu.memory_space<vmem>> -> memref<160xi32, #tpu.memory_space<vmem>>
        %dma_start3A_216 = arith.constant 0 : i32
        %dma_start3A_217 = arith.constant 0 : i32
        %dma_start3A_218 = tpu.memref_slice %arg11[%dma_start3A_216, %dma_start3A_217] : memref<10000x128xf32, #tpu.memory_space<vmem_shared>> -> memref<10000x128xf32, #tpu.memory_space<vmem_shared>>
        tpu.enqueue_indirect_dma source(%arg9 : memref<160x128xf32, #tpu.memory_space<vmem>>) target(%dma_start3A_218 : memref<10000x128xf32, #tpu.memory_space<vmem_shared>>) offsets(%dma_start3A : memref<160xi32, #tpu.memory_space<vmem>>) semaphore(%run_scoped3A : memref<!tpu.dma_semaphore, #tpu.memory_space<semaphore_mem>>) {add = true}
        %dma_wait3A_219 = tpu.memref_slice %arg8[%mul3A_196] : memref<4000xi32, #tpu.memory_space<vmem>> -> memref<160xi32, #tpu.memory_space<vmem>>
        %dma_wait3A_220 = arith.constant 0 : i32
        %dma_wait3A_221 = arith.constant 0 : i32
        %dma_wait3A_222 = tpu.memref_slice %arg11[%dma_wait3A_220, %dma_wait3A_221] : memref<10000x128xf32, #tpu.memory_space<vmem_shared>> -> memref<10000x128xf32, #tpu.memory_space<vmem_shared>>
        tpu.wait_indirect_dma semaphore(%run_scoped3A : memref<!tpu.dma_semaphore, #tpu.memory_space<semaphore_mem>>) src(%arg9 : memref<160x128xf32, #tpu.memory_space<vmem>>) dst(%dma_wait3A_222 : memref<10000x128xf32, #tpu.memory_space<vmem_shared>>)
        tpu.yield
      }) : () -> ()
      %add3A_197 = arith.constant 2 : i32
      %add3A_198 = arith.addi %mul3A_174, %add3A_197 : i32
      %lt3A = arith.constant 25 : i32
      %lt3A_199 = arith.cmpi slt, %add3A_198, %lt3A : i32
      %convert_element_type3A_200 = arith.extui %lt3A_199 : i1 to i32
      %cond3A_201 = arith.constant 0 : i32
      %cond3A_202 = arith.cmpi ne, %convert_element_type3A_200, %cond3A_201 : i32
      scf.if %cond3A_202 {
        %add3A_216 = arith.constant 2 : i32
        %add3A_217 = arith.addi %mul3A_174, %add3A_216 : i32
        %mul3A_218 = arith.constant 160 : i32
        %mul3A_219 = arith.muli %add3A_217, %mul3A_218 : i32
        %eq3A_220 = arith.constant 0 : i32
        %eq3A_221 = arith.cmpi eq, %arg0, %eq3A_220 : i32
        %convert_element_type3A_222 = arith.extui %eq3A_221 : i1 to i32
        %cond3A_223 = arith.constant 0 : i32
        %cond3A_224 = arith.cmpi ne, %convert_element_type3A_222, %cond3A_223 : i32
        scf.if %cond3A_224 {
          %dma_start3A = tpu.memref_slice %arg7[%mul3A_219] : memref<4000xi32, #tpu.memory_space<vmem>> -> memref<160xi32, #tpu.memory_space<vmem>>
          %dma_start3A_230 = arith.constant 0 : i32
          %dma_start3A_231 = arith.constant 0 : i32
          %dma_start3A_232 = tpu.memref_slice %arg2[%dma_start3A_230, %dma_start3A_231] : memref<10000x128xf32, #tpu.memory_space<hbm>> -> memref<10000x128xf32, #tpu.memory_space<hbm>>
          tpu.enqueue_indirect_dma source(%dma_start3A_232 : memref<10000x128xf32, #tpu.memory_space<hbm>>) target(%arg9 : memref<160x128xf32, #tpu.memory_space<vmem>>) offsets(%dma_start3A : memref<160xi32, #tpu.memory_space<vmem>>) semaphore(%arg12 : memref<!tpu.dma_semaphore, #tpu.memory_space<semaphore_mem>>)
        } else {
        }
        %eq3A_225 = arith.constant 1 : i32
        %eq3A_226 = arith.cmpi eq, %arg0, %eq3A_225 : i32
        %convert_element_type3A_227 = arith.extui %eq3A_226 : i1 to i32
        %cond3A_228 = arith.constant 0 : i32
        %cond3A_229 = arith.cmpi ne, %convert_element_type3A_227, %cond3A_228 : i32
        scf.if %cond3A_229 {
          %dma_start3A = tpu.memref_slice %arg7[%mul3A_219] : memref<4000xi32, #tpu.memory_space<vmem>> -> memref<160xi32, #tpu.memory_space<vmem>>
          %dma_start3A_230 = arith.constant 0 : i32
          %dma_start3A_231 = arith.constant 0 : i32
          %dma_start3A_232 = tpu.memref_slice %arg3[%dma_start3A_230, %dma_start3A_231] : memref<10000x128xf32, #tpu.memory_space<hbm>> -> memref<10000x128xf32, #tpu.memory_space<hbm>>
          tpu.enqueue_indirect_dma source(%dma_start3A_232 : memref<10000x128xf32, #tpu.memory_space<hbm>>) target(%arg9 : memref<160x128xf32, #tpu.memory_space<vmem>>) offsets(%dma_start3A : memref<160xi32, #tpu.memory_space<vmem>>) semaphore(%arg12 : memref<!tpu.dma_semaphore, #tpu.memory_space<semaphore_mem>>)
        } else {
        }
      } else {
      }
      %add3A_203 = arith.constant 1 : i32
      %add3A_204 = arith.addi %mul3A_174, %add3A_203 : i32
      %mul3A_205 = arith.constant 160 : i32
      %mul3A_206 = arith.muli %add3A_204, %mul3A_205 : i32
      %dma_wait3A_207 = tpu.memref_slice %arg7[%mul3A_206] : memref<4000xi32, #tpu.memory_space<vmem>> -> memref<160xi32, #tpu.memory_space<vmem>>
      %dma_wait3A_208 = arith.constant 0 : i32
      %dma_wait3A_209 = arith.constant 0 : i32
      %dma_wait3A_210 = tpu.memref_slice %arg2[%dma_wait3A_208, %dma_wait3A_209] : memref<10000x128xf32, #tpu.memory_space<hbm>> -> memref<10000x128xf32, #tpu.memory_space<hbm>>
      tpu.wait_indirect_dma semaphore(%arg13 : memref<!tpu.dma_semaphore, #tpu.memory_space<semaphore_mem>>) src(%dma_wait3A_210 : memref<10000x128xf32, #tpu.memory_space<hbm>>) dst(%arg10 : memref<160x128xf32, #tpu.memory_space<vmem>>)
      %add3A_211 = arith.constant 1 : i32
      %add3A_212 = arith.addi %mul3A_174, %add3A_211 : i32
      %mul3A_213 = arith.constant 160 : i32
      %mul3A_214 = arith.muli %add3A_212, %mul3A_213 : i32
      "tpu.region"() ({
        %run_scoped3A = tpu.sem_alloc : memref<!tpu.dma_semaphore, #tpu.memory_space<semaphore_mem>>
        %dma_start3A = tpu.memref_slice %arg8[%mul3A_214] : memref<4000xi32, #tpu.memory_space<vmem>> -> memref<160xi32, #tpu.memory_space<vmem>>
        %dma_start3A_216 = arith.constant 0 : i32
        %dma_start3A_217 = arith.constant 0 : i32
        %dma_start3A_218 = tpu.memref_slice %arg11[%dma_start3A_216, %dma_start3A_217] : memref<10000x128xf32, #tpu.memory_space<vmem_shared>> -> memref<10000x128xf32, #tpu.memory_space<vmem_shared>>
        tpu.enqueue_indirect_dma source(%arg10 : memref<160x128xf32, #tpu.memory_space<vmem>>) target(%dma_start3A_218 : memref<10000x128xf32, #tpu.memory_space<vmem_shared>>) offsets(%dma_start3A : memref<160xi32, #tpu.memory_space<vmem>>) semaphore(%run_scoped3A : memref<!tpu.dma_semaphore, #tpu.memory_space<semaphore_mem>>) {add = true}
        %dma_wait3A_219 = tpu.memref_slice %arg8[%mul3A_214] : memref<4000xi32, #tpu.memory_space<vmem>> -> memref<160xi32, #tpu.memory_space<vmem>>
        %dma_wait3A_220 = arith.constant 0 : i32
        %dma_wait3A_221 = arith.constant 0 : i32
        %dma_wait3A_222 = tpu.memref_slice %arg11[%dma_wait3A_220, %dma_wait3A_221] : memref<10000x128xf32, #tpu.memory_space<vmem_shared>> -> memref<10000x128xf32, #tpu.memory_space<vmem_shared>>
        tpu.wait_indirect_dma semaphore(%run_scoped3A : memref<!tpu.dma_semaphore, #tpu.memory_space<semaphore_mem>>) src(%arg10 : memref<160x128xf32, #tpu.memory_space<vmem>>) dst(%dma_wait3A_222 : memref<10000x128xf32, #tpu.memory_space<vmem_shared>>)
        tpu.yield
      }) : () -> ()
      %scan3A_215 = arith.constant 0 : i32
      scf.yield %scan3A_215 : i32
    }
    %scan3A_156 = arith.constant 12 : i32
    %dma_wait3A_157 = arith.constant 3840 : i32
    %dma_wait3A_158 = tpu.memref_slice %arg7[%dma_wait3A_157] : memref<4000xi32, #tpu.memory_space<vmem>> -> memref<160xi32, #tpu.memory_space<vmem>>
    %dma_wait3A_159 = arith.constant 0 : i32
    %dma_wait3A_160 = arith.constant 0 : i32
    %dma_wait3A_161 = tpu.memref_slice %arg2[%dma_wait3A_159, %dma_wait3A_160] : memref<10000x128xf32, #tpu.memory_space<hbm>> -> memref<10000x128xf32, #tpu.memory_space<hbm>>
    tpu.wait_indirect_dma semaphore(%arg12 : memref<!tpu.dma_semaphore, #tpu.memory_space<semaphore_mem>>) src(%dma_wait3A_161 : memref<10000x128xf32, #tpu.memory_space<hbm>>) dst(%arg9 : memref<160x128xf32, #tpu.memory_space<vmem>>)
    "tpu.region"() ({
      %run_scoped3A = tpu.sem_alloc : memref<!tpu.dma_semaphore, #tpu.memory_space<semaphore_mem>>
      %dma_start3A = arith.constant 3840 : i32
      %dma_start3A_171 = tpu.memref_slice %arg8[%dma_start3A] : memref<4000xi32, #tpu.memory_space<vmem>> -> memref<160xi32, #tpu.memory_space<vmem>>
      %dma_start3A_172 = arith.constant 0 : i32
      %dma_start3A_173 = arith.constant 0 : i32
      %dma_start3A_174 = tpu.memref_slice %arg11[%dma_start3A_172, %dma_start3A_173] : memref<10000x128xf32, #tpu.memory_space<vmem_shared>> -> memref<10000x128xf32, #tpu.memory_space<vmem_shared>>
      tpu.enqueue_indirect_dma source(%arg9 : memref<160x128xf32, #tpu.memory_space<vmem>>) target(%dma_start3A_174 : memref<10000x128xf32, #tpu.memory_space<vmem_shared>>) offsets(%dma_start3A_171 : memref<160xi32, #tpu.memory_space<vmem>>) semaphore(%run_scoped3A : memref<!tpu.dma_semaphore, #tpu.memory_space<semaphore_mem>>) {add = true}
      %dma_wait3A_175 = arith.constant 3840 : i32
      %dma_wait3A_176 = tpu.memref_slice %arg8[%dma_wait3A_175] : memref<4000xi32, #tpu.memory_space<vmem>> -> memref<160xi32, #tpu.memory_space<vmem>>
      %dma_wait3A_177 = arith.constant 0 : i32
      %dma_wait3A_178 = arith.constant 0 : i32
      %dma_wait3A_179 = tpu.memref_slice %arg11[%dma_wait3A_177, %dma_wait3A_178] : memref<10000x128xf32, #tpu.memory_space<vmem_shared>> -> memref<10000x128xf32, #tpu.memory_space<vmem_shared>>
      tpu.wait_indirect_dma semaphore(%run_scoped3A : memref<!tpu.dma_semaphore, #tpu.memory_space<semaphore_mem>>) src(%arg9 : memref<160x128xf32, #tpu.memory_space<vmem>>) dst(%dma_wait3A_179 : memref<10000x128xf32, #tpu.memory_space<vmem_shared>>)
      tpu.yield
    }) : () -> ()
    %barrier3A_162 = arith.constant 0 : index
    tpu.barrier barrier_id(%barrier3A_162)
    %mul3A_163 = arith.constant 624 : i32
    %mul3A_164 = arith.muli %arg1, %mul3A_163 : i32
    %add3A_165 = arith.addi %mul3A_0, %mul3A_164 : i32
    "tpu.region"() ({
      %run_scoped3A = tpu.sem_alloc : memref<!tpu.dma_semaphore, #tpu.memory_space<semaphore_mem>>
      %dma_start3A = arith.constant 0 : i32
      %dma_start3A_171 = tpu.memref_slice %arg6[%add3A_165, %dma_start3A] : memref<20000x128xf32, #tpu.memory_space<hbm>> -> memref<624x128xf32, #tpu.memory_space<hbm>>
      %dma_start3A_172 = arith.constant 0 : i32
      %dma_start3A_173 = tpu.memref_slice %arg11[%mul3A_164, %dma_start3A_172] : memref<10000x128xf32, #tpu.memory_space<vmem_shared>> -> memref<624x128xf32, #tpu.memory_space<vmem_shared>>
      tpu.enqueue_dma source(%dma_start3A_173 : memref<624x128xf32, #tpu.memory_space<vmem_shared>>) target(%dma_start3A_171 : memref<624x128xf32, #tpu.memory_space<hbm>>) target_semaphore(%run_scoped3A : memref<!tpu.dma_semaphore, #tpu.memory_space<semaphore_mem>>)
      %dma_wait3A_174 = arith.constant 0 : i32
      %dma_wait3A_175 = tpu.memref_slice %arg6[%add3A_165, %dma_wait3A_174] : memref<20000x128xf32, #tpu.memory_space<hbm>> -> memref<624x128xf32, #tpu.memory_space<hbm>>
      %dma_wait3A_176 = arith.constant 0 : i32
      %dma_wait3A_177 = tpu.memref_slice %arg11[%mul3A_164, %dma_wait3A_176] : memref<10000x128xf32, #tpu.memory_space<vmem_shared>> -> memref<624x128xf32, #tpu.memory_space<vmem_shared>>
      tpu.wait_dma2 semaphore(%run_scoped3A : memref<!tpu.dma_semaphore, #tpu.memory_space<semaphore_mem>>) src(%dma_wait3A_177 : memref<624x128xf32, #tpu.memory_space<vmem_shared>>) dst(%dma_wait3A_175 : memref<624x128xf32, #tpu.memory_space<hbm>>)
      tpu.yield
    }) : () -> ()
    %eq3A_166 = arith.constant 15 : i32
    %eq3A_167 = arith.cmpi eq, %arg1, %eq3A_166 : i32
    %convert_element_type3A_168 = arith.extui %eq3A_167 : i1 to i32
    %cond3A_169 = arith.constant 0 : i32
    %cond3A_170 = arith.cmpi ne, %convert_element_type3A_168, %cond3A_169 : i32
    scf.if %cond3A_170 {
      %add3A_171 = arith.constant 9984 : i32
      %add3A_172 = arith.addi %mul3A_0, %add3A_171 : i32
      "tpu.region"() ({
        %run_scoped3A = tpu.sem_alloc : memref<!tpu.dma_semaphore, #tpu.memory_space<semaphore_mem>>
        %dma_start3A = arith.constant 0 : i32
        %dma_start3A_173 = tpu.memref_slice %arg6[%add3A_172, %dma_start3A] : memref<20000x128xf32, #tpu.memory_space<hbm>> -> memref<16x128xf32, #tpu.memory_space<hbm>>
        %dma_start3A_174 = arith.constant 9984 : i32
        %dma_start3A_175 = arith.constant 0 : i32
        %dma_start3A_176 = tpu.memref_slice %arg11[%dma_start3A_174, %dma_start3A_175] : memref<10000x128xf32, #tpu.memory_space<vmem_shared>> -> memref<16x128xf32, #tpu.memory_space<vmem_shared>>
        tpu.enqueue_dma source(%dma_start3A_176 : memref<16x128xf32, #tpu.memory_space<vmem_shared>>) target(%dma_start3A_173 : memref<16x128xf32, #tpu.memory_space<hbm>>) target_semaphore(%run_scoped3A : memref<!tpu.dma_semaphore, #tpu.memory_space<semaphore_mem>>)
        %dma_wait3A_177 = arith.constant 0 : i32
        %dma_wait3A_178 = tpu.memref_slice %arg6[%add3A_172, %dma_wait3A_177] : memref<20000x128xf32, #tpu.memory_space<hbm>> -> memref<16x128xf32, #tpu.memory_space<hbm>>
        %dma_wait3A_179 = arith.constant 9984 : i32
        %dma_wait3A_180 = arith.constant 0 : i32
        %dma_wait3A_181 = tpu.memref_slice %arg11[%dma_wait3A_179, %dma_wait3A_180] : memref<10000x128xf32, #tpu.memory_space<vmem_shared>> -> memref<16x128xf32, #tpu.memory_space<vmem_shared>>
        tpu.wait_dma2 semaphore(%run_scoped3A : memref<!tpu.dma_semaphore, #tpu.memory_space<semaphore_mem>>) src(%dma_wait3A_181 : memref<16x128xf32, #tpu.memory_space<vmem_shared>>) dst(%dma_wait3A_178 : memref<16x128xf32, #tpu.memory_space<hbm>>)
        tpu.yield
      }) : () -> ()
    } else {
    }
    return
  }
}

#map = affine_map<(d0, d1) -> (0, 0)>
#map1 = affine_map<(d0, d1) -> (0)>
module attributes {stable_mosaic.version = 14 : i64} {
  func.func @agg(%arg0: i32, %arg1: i32, %arg2: memref<10000x128xf32, #tpu.memory_space<hbm>>, %arg3: memref<10000x128xf32, #tpu.memory_space<hbm>>, %arg4: memref<320000xi32, #tpu.memory_space<hbm>>, %arg5: memref<320000xi32, #tpu.memory_space<hbm>>, %arg6: memref<20000x128xf32, #tpu.memory_space<hbm>>, %arg7: memref<4000xi32, #tpu.memory_space<vmem>>, %arg8: memref<4000xi32, #tpu.memory_space<vmem>>, %arg9: memref<160x128xf32, #tpu.memory_space<vmem>>, %arg10: memref<160x128xf32, #tpu.memory_space<vmem>>, %arg11: memref<10000x128xf32, #tpu.memory_space<vmem_shared>>, %arg12: memref<!tpu.dma_semaphore, #tpu.memory_space<semaphore_mem>>, %arg13: memref<!tpu.dma_semaphore, #tpu.memory_space<semaphore_mem>>) attributes {dimension_semantics = [#tpu.dimension_semantics<core_parallel>, #tpu.dimension_semantics<subcore_parallel>], iteration_bounds = array<i64: 2, 16>, scalar_prefetch = 0 : i64, scratch_operands = 7 : i64, tpu.core_type = #tpu.core_type<sc_vector_subcore>, window_params = [{transform_indices = #map}, {transform_indices = #map}, {transform_indices = #map1}, {transform_indices = #map1}, {transform_indices = #map}]} {
    %mul3A = arith.constant 10000 : i32
    %mul3A_0 = arith.muli %arg0, %mul3A : i32
    %mul3A_1 = arith.constant 20000 : i32
    %mul3A_2 = arith.muli %arg1, %mul3A_1 : i32
    %add3A = arith.constant 0 : i32
    %add3A_3 = arith.addi %mul3A_2, %add3A : i32
    "tpu.region"() ({
      %run_scoped3A = tpu.sem_alloc : memref<!tpu.dma_semaphore, #tpu.memory_space<semaphore_mem>>
      %dma_start3A = tpu.memref_slice %arg4[%add3A_3] : memref<320000xi32, #tpu.memory_space<hbm>> -> memref<4000xi32, #tpu.memory_space<hbm>>
      %dma_start3A_171 = tpu.memref_slice %arg4[%add3A_3] : memref<320000xi32, #tpu.memory_space<hbm>> -> memref<4000xi32, #tpu.memory_space<hbm>>
      tpu.enqueue_dma source(%dma_start3A_171 : memref<4000xi32, #tpu.memory_space<hbm>>) target(%arg7 : memref<4000xi32, #tpu.memory_space<vmem>>) target_semaphore(%run_scoped3A : memref<!tpu.dma_semaphore, #tpu.memory_space<semaphore_mem>>)
      %dma_wait3A_172 = tpu.memref_slice %arg4[%add3A_3] : memref<320000xi32, #tpu.memory_space<hbm>> -> memref<4000xi32, #tpu.memory_space<hbm>>
      %dma_wait3A_173 = tpu.memref_slice %arg4[%add3A_3] : memref<320000xi32, #tpu.memory_space<hbm>> -> memref<4000xi32, #tpu.memory_space<hbm>>
      tpu.wait_dma2 semaphore(%run_scoped3A : memref<!tpu.dma_semaphore, #tpu.memory_space<semaphore_mem>>) src(%dma_wait3A_173 : memref<4000xi32, #tpu.memory_space<hbm>>) dst(%arg7 : memref<4000xi32, #tpu.memory_space<vmem>>)
      tpu.yield
    }) : () -> ()
    %mul3A_4 = arith.constant 20000 : i32
    %mul3A_5 = arith.muli %arg1, %mul3A_4 : i32
    %add3A_6 = arith.constant 0 : i32
    %add3A_7 = arith.addi %mul3A_5, %add3A_6 : i32
    "tpu.region"() ({
      %run_scoped3A = tpu.sem_alloc : memref<!tpu.dma_semaphore, #tpu.memory_space<semaphore_mem>>
      %dma_start3A = tpu.memref_slice %arg5[%add3A_7] : memref<320000xi32, #tpu.memory_space<hbm>> -> memref<4000xi32, #tpu.memory_space<hbm>>
      %dma_start3A_171 = tpu.memref_slice %arg5[%add3A_7] : memref<320000xi32, #tpu.memory_space<hbm>> -> memref<4000xi32, #tpu.memory_space<hbm>>
      tpu.enqueue_dma source(%dma_start3A_171 : memref<4000xi32, #tpu.memory_space<hbm>>) target(%arg8 : memref<4000xi32, #tpu.memory_space<vmem>>) target_semaphore(%run_scoped3A : memref<!tpu.dma_semaphore, #tpu.memory_space<semaphore_mem>>)
      %dma_wait3A_172 = tpu.memref_slice %arg5[%add3A_7] : memref<320000xi32, #tpu.memory_space<hbm>> -> memref<4000xi32, #tpu.memory_space<hbm>>
      %dma_wait3A_173 = tpu.memref_slice %arg5[%add3A_7] : memref<320000xi32, #tpu.memory_space<hbm>> -> memref<4000xi32, #tpu.memory_space<hbm>>
      tpu.wait_dma2 semaphore(%run_scoped3A : memref<!tpu.dma_semaphore, #tpu.memory_space<semaphore_mem>>) src(%dma_wait3A_173 : memref<4000xi32, #tpu.memory_space<hbm>>) dst(%arg8 : memref<4000xi32, #tpu.memory_space<vmem>>)
      tpu.yield
    }) : () -> ()
    %eq3A = arith.constant 0 : i32
    %eq3A_8 = arith.cmpi eq, %arg0, %eq3A : i32
    %convert_element_type3A = arith.extui %eq3A_8 : i1 to i32
    %cond3A = arith.constant 0 : i32
    %cond3A_9 = arith.cmpi ne, %convert_element_type3A, %cond3A : i32
    scf.if %cond3A_9 {
      %dma_start3A = arith.constant 0 : i32
      %dma_start3A_171 = tpu.memref_slice %arg7[%dma_start3A] : memref<4000xi32, #tpu.memory_space<vmem>> -> memref<160xi32, #tpu.memory_space<vmem>>
      %dma_start3A_172 = arith.constant 0 : i32
      %dma_start3A_173 = arith.constant 0 : i32
      %dma_start3A_174 = tpu.memref_slice %arg2[%dma_start3A_172, %dma_start3A_173] : memref<10000x128xf32, #tpu.memory_space<hbm>> -> memref<10000x128xf32, #tpu.memory_space<hbm>>
      tpu.enqueue_indirect_dma source(%dma_start3A_174 : memref<10000x128xf32, #tpu.memory_space<hbm>>) target(%arg10 : memref<160x128xf32, #tpu.memory_space<vmem>>) offsets(%dma_start3A_171 : memref<160xi32, #tpu.memory_space<vmem>>) semaphore(%arg13 : memref<!tpu.dma_semaphore, #tpu.memory_space<semaphore_mem>>)
    } else {
    }
    %eq3A_10 = arith.constant 1 : i32
    %eq3A_11 = arith.cmpi eq, %arg0, %eq3A_10 : i32
    %convert_element_type3A_12 = arith.extui %eq3A_11 : i1 to i32
    %cond3A_13 = arith.constant 0 : i32
    %cond3A_14 = arith.cmpi ne, %convert_element_type3A_12, %cond3A_13 : i32
    scf.if %cond3A_14 {
      %dma_start3A = arith.constant 0 : i32
      %dma_start3A_171 = tpu.memref_slice %arg7[%dma_start3A] : memref<4000xi32, #tpu.memory_space<vmem>> -> memref<160xi32, #tpu.memory_space<vmem>>
      %dma_start3A_172 = arith.constant 0 : i32
      %dma_start3A_173 = arith.constant 0 : i32
      %dma_start3A_174 = tpu.memref_slice %arg3[%dma_start3A_172, %dma_start3A_173] : memref<10000x128xf32, #tpu.memory_space<hbm>> -> memref<10000x128xf32, #tpu.memory_space<hbm>>
      tpu.enqueue_indirect_dma source(%dma_start3A_174 : memref<10000x128xf32, #tpu.memory_space<hbm>>) target(%arg10 : memref<160x128xf32, #tpu.memory_space<vmem>>) offsets(%dma_start3A_171 : memref<160xi32, #tpu.memory_space<vmem>>) semaphore(%arg13 : memref<!tpu.dma_semaphore, #tpu.memory_space<semaphore_mem>>)
    } else {
    }
    %scan3A = arith.constant 0 : i32
    %scan3A_15 = arith.constant 0 : i32
    %scan3A_16 = arith.constant 160 : i32
    %scan3A_17 = arith.addi %scan3A_15, %scan3A_16 : i32
    %scan3A_18 = arith.constant 1 : i32
    %scan3A_19 = scf.for %scan3A_171 = %scan3A_15 to %scan3A_17 step %scan3A_18 iter_args(%scan3A_172 = %scan3A) -> (i32)  : i32 {
      %scan3A_173 = arith.constant 0 : i32
      %scan3A_174 = arith.constant 0 : i32
      %scan3A_175 = arith.constant 8 : i32
      %scan3A_176 = arith.addi %scan3A_174, %scan3A_175 : i32
      %scan3A_177 = arith.constant 1 : i32
      %scan3A_178 = scf.for %scan3A_180 = %scan3A_174 to %scan3A_176 step %scan3A_177 iter_args(%scan3A_181 = %scan3A_173) -> (i32)  : i32 {
        %broadcast_in_dim3A = arith.constant 0.000000e+00 : f32
        %broadcast_in_dim3A_182 = vector.broadcast %broadcast_in_dim3A : f32 to vector<16xf32>
        %mul3A_183 = arith.constant 16 : i32
        %mul3A_184 = arith.muli %scan3A_180, %mul3A_183 : i32
        %swap3A = arith.index_cast %scan3A_171 : i32 to index
        %swap3A_185 = arith.index_cast %mul3A_184 : i32 to index
        %swap3A_186 = tpu.vector_load %arg9[%swap3A, %swap3A_185] {strides = array<i32>} : memref<160x128xf32, #tpu.memory_space<vmem>>, vector<1x16xf32>,
        %swap3A_187 = vector.shape_cast %swap3A_186 : vector<1x16xf32> to vector<16xf32>
        %swap3A_188 = vector.shape_cast %broadcast_in_dim3A_182 : vector<16xf32> to vector<1x16xf32>
        tpu.vector_store %arg9[%swap3A, %swap3A_185], %swap3A_188 {strides = array<i32>} : memref<160x128xf32, #tpu.memory_space<vmem>>, vector<1x16xf32>,
        %scan3A_189 = arith.constant 0 : i32
        scf.yield %scan3A_189 : i32
      }
      %scan3A_179 = arith.constant 8 : i32
      scf.yield %scan3A_178 : i32
    }
    %scan3A_20 = arith.constant 160 : i32
    %mul3A_21 = arith.constant 625 : i32
    %mul3A_22 = arith.muli %arg1, %mul3A_21 : i32
    %add3A_23 = arith.constant 0 : i32
    %add3A_24 = arith.addi %mul3A_22, %add3A_23 : i32
    "tpu.region"() ({
      %run_scoped3A = tpu.sem_alloc : memref<!tpu.dma_semaphore, #tpu.memory_space<semaphore_mem>>
      %dma_start3A = arith.constant 0 : i32
      %dma_start3A_171 = tpu.memref_slice %arg11[%add3A_24, %dma_start3A] : memref<10000x128xf32, #tpu.memory_space<vmem_shared>> -> memref<160x128xf32, #tpu.memory_space<vmem_shared>>
      %dma_start3A_172 = arith.constant 0 : i32
      %dma_start3A_173 = tpu.memref_slice %arg11[%add3A_24, %dma_start3A_172] : memref<10000x128xf32, #tpu.memory_space<vmem_shared>> -> memref<160x128xf32, #tpu.memory_space<vmem_shared>>
      tpu.enqueue_dma source(%arg9 : memref<160x128xf32, #tpu.memory_space<vmem>>) target(%dma_start3A_173 : memref<160x128xf32, #tpu.memory_space<vmem_shared>>) target_semaphore(%run_scoped3A : memref<!tpu.dma_semaphore, #tpu.memory_space<semaphore_mem>>)
      %dma_wait3A_174 = arith.constant 0 : i32
      %dma_wait3A_175 = tpu.memref_slice %arg11[%add3A_24, %dma_wait3A_174] : memref<10000x128xf32, #tpu.memory_space<vmem_shared>> -> memref<160x128xf32, #tpu.memory_space<vmem_shared>>
      %dma_wait3A_176 = arith.constant 0 : i32
      %dma_wait3A_177 = tpu.memref_slice %arg11[%add3A_24, %dma_wait3A_176] : memref<10000x128xf32, #tpu.memory_space<vmem_shared>> -> memref<160x128xf32, #tpu.memory_space<vmem_shared>>
      tpu.wait_dma2 semaphore(%run_scoped3A : memref<!tpu.dma_semaphore, #tpu.memory_space<semaphore_mem>>) src(%arg9 : memref<160x128xf32, #tpu.memory_space<vmem>>) dst(%dma_wait3A_177 : memref<160x128xf32, #tpu.memory_space<vmem_shared>>)
      tpu.yield
    }) : () -> ()
    %add3A_25 = arith.constant 160 : i32
    %add3A_26 = arith.addi %mul3A_22, %add3A_25 : i32
    "tpu.region"() ({
      %run_scoped3A = tpu.sem_alloc : memref<!tpu.dma_semaphore, #tpu.memory_space<semaphore_mem>>
      %dma_start3A = arith.constant 0 : i32
      %dma_start3A_171 = tpu.memref_slice %arg11[%add3A_26, %dma_start3A] : memref<10000x128xf32, #tpu.memory_space<vmem_shared>> -> memref<160x128xf32, #tpu.memory_space<vmem_shared>>
      %dma_start3A_172 = arith.constant 0 : i32
      %dma_start3A_173 = tpu.memref_slice %arg11[%add3A_26, %dma_start3A_172] : memref<10000x128xf32, #tpu.memory_space<vmem_shared>> -> memref<160x128xf32, #tpu.memory_space<vmem_shared>>
      tpu.enqueue_dma source(%arg9 : memref<160x128xf32, #tpu.memory_space<vmem>>) target(%dma_start3A_173 : memref<160x128xf32, #tpu.memory_space<vmem_shared>>) target_semaphore(%run_scoped3A : memref<!tpu.dma_semaphore, #tpu.memory_space<semaphore_mem>>)
      %dma_wait3A_174 = arith.constant 0 : i32
      %dma_wait3A_175 = tpu.memref_slice %arg11[%add3A_26, %dma_wait3A_174] : memref<10000x128xf32, #tpu.memory_space<vmem_shared>> -> memref<160x128xf32, #tpu.memory_space<vmem_shared>>
      %dma_wait3A_176 = arith.constant 0 : i32
      %dma_wait3A_177 = tpu.memref_slice %arg11[%add3A_26, %dma_wait3A_176] : memref<10000x128xf32, #tpu.memory_space<vmem_shared>> -> memref<160x128xf32, #tpu.memory_space<vmem_shared>>
      tpu.wait_dma2 semaphore(%run_scoped3A : memref<!tpu.dma_semaphore, #tpu.memory_space<semaphore_mem>>) src(%arg9 : memref<160x128xf32, #tpu.memory_space<vmem>>) dst(%dma_wait3A_177 : memref<160x128xf32, #tpu.memory_space<vmem_shared>>)
      tpu.yield
    }) : () -> ()
    %add3A_27 = arith.constant 320 : i32
    %add3A_28 = arith.addi %mul3A_22, %add3A_27 : i32
    "tpu.region"() ({
      %run_scoped3A = tpu.sem_alloc : memref<!tpu.dma_semaphore, #tpu.memory_space<semaphore_mem>>
      %dma_start3A = arith.constant 0 : i32
      %dma_start3A_171 = tpu.memref_slice %arg11[%add3A_28, %dma_start3A] : memref<10000x128xf32, #tpu.memory_space<vmem_shared>> -> memref<160x128xf32, #tpu.memory_space<vmem_shared>>
      %dma_start3A_172 = arith.constant 0 : i32
      %dma_start3A_173 = tpu.memref_slice %arg11[%add3A_28, %dma_start3A_172] : memref<10000x128xf32, #tpu.memory_space<vmem_shared>> -> memref<160x128xf32, #tpu.memory_space<vmem_shared>>
      tpu.enqueue_dma source(%arg9 : memref<160x128xf32, #tpu.memory_space<vmem>>) target(%dma_start3A_173 : memref<160x128xf32, #tpu.memory_space<vmem_shared>>) target_semaphore(%run_scoped3A : memref<!tpu.dma_semaphore, #tpu.memory_space<semaphore_mem>>)
      %dma_wait3A_174 = arith.constant 0 : i32
      %dma_wait3A_175 = tpu.memref_slice %arg11[%add3A_28, %dma_wait3A_174] : memref<10000x128xf32, #tpu.memory_space<vmem_shared>> -> memref<160x128xf32, #tpu.memory_space<vmem_shared>>
      %dma_wait3A_176 = arith.constant 0 : i32
      %dma_wait3A_177 = tpu.memref_slice %arg11[%add3A_28, %dma_wait3A_176] : memref<10000x128xf32, #tpu.memory_space<vmem_shared>> -> memref<160x128xf32, #tpu.memory_space<vmem_shared>>
      tpu.wait_dma2 semaphore(%run_scoped3A : memref<!tpu.dma_semaphore, #tpu.memory_space<semaphore_mem>>) src(%arg9 : memref<160x128xf32, #tpu.memory_space<vmem>>) dst(%dma_wait3A_177 : memref<160x128xf32, #tpu.memory_space<vmem_shared>>)
      tpu.yield
    }) : () -> ()
    %add3A_29 = arith.constant 480 : i32
    %add3A_30 = arith.addi %mul3A_22, %add3A_29 : i32
    "tpu.region"() ({
      %run_scoped3A = tpu.sem_alloc : memref<!tpu.dma_semaphore, #tpu.memory_space<semaphore_mem>>
      %dma_start3A = arith.constant 0 : i32
      %dma_start3A_171 = arith.constant 0 : i32
      %dma_start3A_172 = tpu.memref_slice %arg9[%dma_start3A, %dma_start3A_171] : memref<160x128xf32, #tpu.memory_space<vmem>> -> memref<145x128xf32, #tpu.memory_space<vmem>>
      %dma_start3A_173 = arith.constant 0 : i32
      %dma_start3A_174 = tpu.memref_slice %arg11[%add3A_30, %dma_start3A_173] : memref<10000x128xf32, #tpu.memory_space<vmem_shared>> -> memref<145x128xf32, #tpu.memory_space<vmem_shared>>
      %dma_start3A_175 = arith.constant 0 : i32
      %dma_start3A_176 = tpu.memref_slice %arg11[%add3A_30, %dma_start3A_175] : memref<10000x128xf32, #tpu.memory_space<vmem_shared>> -> memref<145x128xf32, #tpu.memory_space<vmem_shared>>
      %dma_start3A_177 = arith.constant 0 : i32
      %dma_start3A_178 = arith.constant 0 : i32
      %dma_start3A_179 = tpu.memref_slice %arg9[%dma_start3A_177, %dma_start3A_178] : memref<160x128xf32, #tpu.memory_space<vmem>> -> memref<145x128xf32, #tpu.memory_space<vmem>>
      tpu.enqueue_dma source(%dma_start3A_179 : memref<145x128xf32, #tpu.memory_space<vmem>>) target(%dma_start3A_176 : memref<145x128xf32, #tpu.memory_space<vmem_shared>>) target_semaphore(%run_scoped3A : memref<!tpu.dma_semaphore, #tpu.memory_space<semaphore_mem>>)
      %dma_wait3A_180 = arith.constant 0 : i32
      %dma_wait3A_181 = arith.constant 0 : i32
      %dma_wait3A_182 = tpu.memref_slice %arg9[%dma_wait3A_180, %dma_wait3A_181] : memref<160x128xf32, #tpu.memory_space<vmem>> -> memref<145x128xf32, #tpu.memory_space<vmem>>
      %dma_wait3A_183 = arith.constant 0 : i32
      %dma_wait3A_184 = tpu.memref_slice %arg11[%add3A_30, %dma_wait3A_183] : memref<10000x128xf32, #tpu.memory_space<vmem_shared>> -> memref<145x128xf32, #tpu.memory_space<vmem_shared>>
      %dma_wait3A_185 = arith.constant 0 : i32
      %dma_wait3A_186 = tpu.memref_slice %arg11[%add3A_30, %dma_wait3A_185] : memref<10000x128xf32, #tpu.memory_space<vmem_shared>> -> memref<145x128xf32, #tpu.memory_space<vmem_shared>>
      %dma_wait3A_187 = arith.constant 0 : i32
      %dma_wait3A_188 = arith.constant 0 : i32
      %dma_wait3A_189 = tpu.memref_slice %arg9[%dma_wait3A_187, %dma_wait3A_188] : memref<160x128xf32, #tpu.memory_space<vmem>> -> memref<145x128xf32, #tpu.memory_space<vmem>>
      tpu.wait_dma2 semaphore(%run_scoped3A : memref<!tpu.dma_semaphore, #tpu.memory_space<semaphore_mem>>) src(%dma_wait3A_189 : memref<145x128xf32, #tpu.memory_space<vmem>>) dst(%dma_wait3A_186 : memref<145x128xf32, #tpu.memory_space<vmem_shared>>)
      tpu.yield
    }) : () -> ()
    %barrier3A = arith.constant 0 : index
    tpu.barrier barrier_id(%barrier3A)
    %scan3A_31 = arith.constant 0 : i32
    %scan3A_32 = arith.constant 0 : i32
    %scan3A_33 = arith.constant 12 : i32
    %scan3A_34 = arith.addi %scan3A_32, %scan3A_33 : i32
    %scan3A_35 = arith.constant 1 : i32
    %scan3A_36 = scf.for %scan3A_171 = %scan3A_32 to %scan3A_34 step %scan3A_35 iter_args(%scan3A_172 = %scan3A_31) -> (i32)  : i32 {
      %mul3A_173 = arith.constant 2 : i32
      %mul3A_174 = arith.muli %scan3A_171, %mul3A_173 : i32
      %add3A_175 = arith.constant 1 : i32
      %add3A_176 = arith.addi %mul3A_174, %add3A_175 : i32
      %mul3A_177 = arith.constant 160 : i32
      %mul3A_178 = arith.muli %add3A_176, %mul3A_177 : i32
      %eq3A_179 = arith.constant 0 : i32
      %eq3A_180 = arith.cmpi eq, %arg0, %eq3A_179 : i32
      %convert_element_type3A_181 = arith.extui %eq3A_180 : i1 to i32
      %cond3A_182 = arith.constant 0 : i32
      %cond3A_183 = arith.cmpi ne, %convert_element_type3A_181, %cond3A_182 : i32
      scf.if %cond3A_183 {
        %dma_start3A = tpu.memref_slice %arg7[%mul3A_178] : memref<4000xi32, #tpu.memory_space<vmem>> -> memref<160xi32, #tpu.memory_space<vmem>>
        %dma_start3A_216 = arith.constant 0 : i32
        %dma_start3A_217 = arith.constant 0 : i32
        %dma_start3A_218 = tpu.memref_slice %arg2[%dma_start3A_216, %dma_start3A_217] : memref<10000x128xf32, #tpu.memory_space<hbm>> -> memref<10000x128xf32, #tpu.memory_space<hbm>>
        tpu.enqueue_indirect_dma source(%dma_start3A_218 : memref<10000x128xf32, #tpu.memory_space<hbm>>) target(%arg9 : memref<160x128xf32, #tpu.memory_space<vmem>>) offsets(%dma_start3A : memref<160xi32, #tpu.memory_space<vmem>>) semaphore(%arg12 : memref<!tpu.dma_semaphore, #tpu.memory_space<semaphore_mem>>)
      } else {
      }
      %eq3A_184 = arith.constant 1 : i32
      %eq3A_185 = arith.cmpi eq, %arg0, %eq3A_184 : i32
      %convert_element_type3A_186 = arith.extui %eq3A_185 : i1 to i32
      %cond3A_187 = arith.constant 0 : i32
      %cond3A_188 = arith.cmpi ne, %convert_element_type3A_186, %cond3A_187 : i32
      scf.if %cond3A_188 {
        %dma_start3A = tpu.memref_slice %arg7[%mul3A_178] : memref<4000xi32, #tpu.memory_space<vmem>> -> memref<160xi32, #tpu.memory_space<vmem>>
        %dma_start3A_216 = arith.constant 0 : i32
        %dma_start3A_217 = arith.constant 0 : i32
        %dma_start3A_218 = tpu.memref_slice %arg3[%dma_start3A_216, %dma_start3A_217] : memref<10000x128xf32, #tpu.memory_space<hbm>> -> memref<10000x128xf32, #tpu.memory_space<hbm>>
        tpu.enqueue_indirect_dma source(%dma_start3A_218 : memref<10000x128xf32, #tpu.memory_space<hbm>>) target(%arg9 : memref<160x128xf32, #tpu.memory_space<vmem>>) offsets(%dma_start3A : memref<160xi32, #tpu.memory_space<vmem>>) semaphore(%arg12 : memref<!tpu.dma_semaphore, #tpu.memory_space<semaphore_mem>>)
      } else {
      }
      %mul3A_189 = arith.constant 160 : i32
      %mul3A_190 = arith.muli %mul3A_174, %mul3A_189 : i32
      %dma_wait3A_191 = tpu.memref_slice %arg7[%mul3A_190] : memref<4000xi32, #tpu.memory_space<vmem>> -> memref<160xi32, #tpu.memory_space<vmem>>
      %dma_wait3A_192 = arith.constant 0 : i32
      %dma_wait3A_193 = arith.constant 0 : i32
      %dma_wait3A_194 = tpu.memref_slice %arg2[%dma_wait3A_192, %dma_wait3A_193] : memref<10000x128xf32, #tpu.memory_space<hbm>> -> memref<10000x128xf32, #tpu.memory_space<hbm>>
      tpu.wait_indirect_dma semaphore(%arg13 : memref<!tpu.dma_semaphore, #tpu.memory_space<semaphore_mem>>) src(%dma_wait3A_194 : memref<10000x128xf32, #tpu.memory_space<hbm>>) dst(%arg10 : memref<160x128xf32, #tpu.memory_space<vmem>>)
      %mul3A_195 = arith.constant 160 : i32
      %mul3A_196 = arith.muli %mul3A_174, %mul3A_195 : i32
      "tpu.region"() ({
        %run_scoped3A = tpu.sem_alloc : memref<!tpu.dma_semaphore, #tpu.memory_space<semaphore_mem>>
        %dma_start3A = tpu.memref_slice %arg8[%mul3A_196] : memref<4000xi32, #tpu.memory_space<vmem>> -> memref<160xi32, #tpu.memory_space<vmem>>
        %dma_start3A_216 = arith.constant 0 : i32
        %dma_start3A_217 = arith.constant 0 : i32
        %dma_start3A_218 = tpu.memref_slice %arg11[%dma_start3A_216, %dma_start3A_217] : memref<10000x128xf32, #tpu.memory_space<vmem_shared>> -> memref<10000x128xf32, #tpu.memory_space<vmem_shared>>
        tpu.enqueue_indirect_dma source(%arg10 : memref<160x128xf32, #tpu.memory_space<vmem>>) target(%dma_start3A_218 : memref<10000x128xf32, #tpu.memory_space<vmem_shared>>) offsets(%dma_start3A : memref<160xi32, #tpu.memory_space<vmem>>) semaphore(%run_scoped3A : memref<!tpu.dma_semaphore, #tpu.memory_space<semaphore_mem>>) {add = true}
        %dma_wait3A_219 = tpu.memref_slice %arg8[%mul3A_196] : memref<4000xi32, #tpu.memory_space<vmem>> -> memref<160xi32, #tpu.memory_space<vmem>>
        %dma_wait3A_220 = arith.constant 0 : i32
        %dma_wait3A_221 = arith.constant 0 : i32
        %dma_wait3A_222 = tpu.memref_slice %arg11[%dma_wait3A_220, %dma_wait3A_221] : memref<10000x128xf32, #tpu.memory_space<vmem_shared>> -> memref<10000x128xf32, #tpu.memory_space<vmem_shared>>
        tpu.wait_indirect_dma semaphore(%run_scoped3A : memref<!tpu.dma_semaphore, #tpu.memory_space<semaphore_mem>>) src(%arg10 : memref<160x128xf32, #tpu.memory_space<vmem>>) dst(%dma_wait3A_222 : memref<10000x128xf32, #tpu.memory_space<vmem_shared>>)
        tpu.yield
      }) : () -> ()
      %add3A_197 = arith.constant 2 : i32
      %add3A_198 = arith.addi %mul3A_174, %add3A_197 : i32
      %lt3A = arith.constant 25 : i32
      %lt3A_199 = arith.cmpi slt, %add3A_198, %lt3A : i32
      %convert_element_type3A_200 = arith.extui %lt3A_199 : i1 to i32
      %cond3A_201 = arith.constant 0 : i32
      %cond3A_202 = arith.cmpi ne, %convert_element_type3A_200, %cond3A_201 : i32
      scf.if %cond3A_202 {
        %add3A_216 = arith.constant 2 : i32
        %add3A_217 = arith.addi %mul3A_174, %add3A_216 : i32
        %mul3A_218 = arith.constant 160 : i32
        %mul3A_219 = arith.muli %add3A_217, %mul3A_218 : i32
        %eq3A_220 = arith.constant 0 : i32
        %eq3A_221 = arith.cmpi eq, %arg0, %eq3A_220 : i32
        %convert_element_type3A_222 = arith.extui %eq3A_221 : i1 to i32
        %cond3A_223 = arith.constant 0 : i32
        %cond3A_224 = arith.cmpi ne, %convert_element_type3A_222, %cond3A_223 : i32
        scf.if %cond3A_224 {
          %dma_start3A = tpu.memref_slice %arg7[%mul3A_219] : memref<4000xi32, #tpu.memory_space<vmem>> -> memref<160xi32, #tpu.memory_space<vmem>>
          %dma_start3A_230 = arith.constant 0 : i32
          %dma_start3A_231 = arith.constant 0 : i32
          %dma_start3A_232 = tpu.memref_slice %arg2[%dma_start3A_230, %dma_start3A_231] : memref<10000x128xf32, #tpu.memory_space<hbm>> -> memref<10000x128xf32, #tpu.memory_space<hbm>>
          tpu.enqueue_indirect_dma source(%dma_start3A_232 : memref<10000x128xf32, #tpu.memory_space<hbm>>) target(%arg10 : memref<160x128xf32, #tpu.memory_space<vmem>>) offsets(%dma_start3A : memref<160xi32, #tpu.memory_space<vmem>>) semaphore(%arg13 : memref<!tpu.dma_semaphore, #tpu.memory_space<semaphore_mem>>)
        } else {
        }
        %eq3A_225 = arith.constant 1 : i32
        %eq3A_226 = arith.cmpi eq, %arg0, %eq3A_225 : i32
        %convert_element_type3A_227 = arith.extui %eq3A_226 : i1 to i32
        %cond3A_228 = arith.constant 0 : i32
        %cond3A_229 = arith.cmpi ne, %convert_element_type3A_227, %cond3A_228 : i32
        scf.if %cond3A_229 {
          %dma_start3A = tpu.memref_slice %arg7[%mul3A_219] : memref<4000xi32, #tpu.memory_space<vmem>> -> memref<160xi32, #tpu.memory_space<vmem>>
          %dma_start3A_230 = arith.constant 0 : i32
          %dma_start3A_231 = arith.constant 0 : i32
          %dma_start3A_232 = tpu.memref_slice %arg3[%dma_start3A_230, %dma_start3A_231] : memref<10000x128xf32, #tpu.memory_space<hbm>> -> memref<10000x128xf32, #tpu.memory_space<hbm>>
          tpu.enqueue_indirect_dma source(%dma_start3A_232 : memref<10000x128xf32, #tpu.memory_space<hbm>>) target(%arg10 : memref<160x128xf32, #tpu.memory_space<vmem>>) offsets(%dma_start3A : memref<160xi32, #tpu.memory_space<vmem>>) semaphore(%arg13 : memref<!tpu.dma_semaphore, #tpu.memory_space<semaphore_mem>>)
        } else {
        }
      } else {
      }
      %add3A_203 = arith.constant 1 : i32
      %add3A_204 = arith.addi %mul3A_174, %add3A_203 : i32
      %mul3A_205 = arith.constant 160 : i32
      %mul3A_206 = arith.muli %add3A_204, %mul3A_205 : i32
      %dma_wait3A_207 = tpu.memref_slice %arg7[%mul3A_206] : memref<4000xi32, #tpu.memory_space<vmem>> -> memref<160xi32, #tpu.memory_space<vmem>>
      %dma_wait3A_208 = arith.constant 0 : i32
      %dma_wait3A_209 = arith.constant 0 : i32
      %dma_wait3A_210 = tpu.memref_slice %arg2[%dma_wait3A_208, %dma_wait3A_209] : memref<10000x128xf32, #tpu.memory_space<hbm>> -> memref<10000x128xf32, #tpu.memory_space<hbm>>
      tpu.wait_indirect_dma semaphore(%arg12 : memref<!tpu.dma_semaphore, #tpu.memory_space<semaphore_mem>>) src(%dma_wait3A_210 : memref<10000x128xf32, #tpu.memory_space<hbm>>) dst(%arg9 : memref<160x128xf32, #tpu.memory_space<vmem>>)
      %add3A_211 = arith.constant 1 : i32
      %add3A_212 = arith.addi %mul3A_174, %add3A_211 : i32
      %mul3A_213 = arith.constant 160 : i32
      %mul3A_214 = arith.muli %add3A_212, %mul3A_213 : i32
      "tpu.region"() ({
        %run_scoped3A = tpu.sem_alloc : memref<!tpu.dma_semaphore, #tpu.memory_space<semaphore_mem>>
        %dma_start3A = tpu.memref_slice %arg8[%mul3A_214] : memref<4000xi32, #tpu.memory_space<vmem>> -> memref<160xi32, #tpu.memory_space<vmem>>
        %dma_start3A_216 = arith.constant 0 : i32
        %dma_start3A_217 = arith.constant 0 : i32
        %dma_start3A_218 = tpu.memref_slice %arg11[%dma_start3A_216, %dma_start3A_217] : memref<10000x128xf32, #tpu.memory_space<vmem_shared>> -> memref<10000x128xf32, #tpu.memory_space<vmem_shared>>
        tpu.enqueue_indirect_dma source(%arg9 : memref<160x128xf32, #tpu.memory_space<vmem>>) target(%dma_start3A_218 : memref<10000x128xf32, #tpu.memory_space<vmem_shared>>) offsets(%dma_start3A : memref<160xi32, #tpu.memory_space<vmem>>) semaphore(%run_scoped3A : memref<!tpu.dma_semaphore, #tpu.memory_space<semaphore_mem>>) {add = true}
        %dma_wait3A_219 = tpu.memref_slice %arg8[%mul3A_214] : memref<4000xi32, #tpu.memory_space<vmem>> -> memref<160xi32, #tpu.memory_space<vmem>>
        %dma_wait3A_220 = arith.constant 0 : i32
        %dma_wait3A_221 = arith.constant 0 : i32
        %dma_wait3A_222 = tpu.memref_slice %arg11[%dma_wait3A_220, %dma_wait3A_221] : memref<10000x128xf32, #tpu.memory_space<vmem_shared>> -> memref<10000x128xf32, #tpu.memory_space<vmem_shared>>
        tpu.wait_indirect_dma semaphore(%run_scoped3A : memref<!tpu.dma_semaphore, #tpu.memory_space<semaphore_mem>>) src(%arg9 : memref<160x128xf32, #tpu.memory_space<vmem>>) dst(%dma_wait3A_222 : memref<10000x128xf32, #tpu.memory_space<vmem_shared>>)
        tpu.yield
      }) : () -> ()
      %scan3A_215 = arith.constant 0 : i32
      scf.yield %scan3A_215 : i32
    }
    %scan3A_37 = arith.constant 12 : i32
    %dma_wait3A = arith.constant 3840 : i32
    %dma_wait3A_38 = tpu.memref_slice %arg7[%dma_wait3A] : memref<4000xi32, #tpu.memory_space<vmem>> -> memref<160xi32, #tpu.memory_space<vmem>>
    %dma_wait3A_39 = arith.constant 0 : i32
    %dma_wait3A_40 = arith.constant 0 : i32
    %dma_wait3A_41 = tpu.memref_slice %arg2[%dma_wait3A_39, %dma_wait3A_40] : memref<10000x128xf32, #tpu.memory_space<hbm>> -> memref<10000x128xf32, #tpu.memory_space<hbm>>
    tpu.wait_indirect_dma semaphore(%arg13 : memref<!tpu.dma_semaphore, #tpu.memory_space<semaphore_mem>>) src(%dma_wait3A_41 : memref<10000x128xf32, #tpu.memory_space<hbm>>) dst(%arg10 : memref<160x128xf32, #tpu.memory_space<vmem>>)
    "tpu.region"() ({
      %run_scoped3A = tpu.sem_alloc : memref<!tpu.dma_semaphore, #tpu.memory_space<semaphore_mem>>
      %dma_start3A = arith.constant 3840 : i32
      %dma_start3A_171 = tpu.memref_slice %arg8[%dma_start3A] : memref<4000xi32, #tpu.memory_space<vmem>> -> memref<160xi32, #tpu.memory_space<vmem>>
      %dma_start3A_172 = arith.constant 0 : i32
      %dma_start3A_173 = arith.constant 0 : i32
      %dma_start3A_174 = tpu.memref_slice %arg11[%dma_start3A_172, %dma_start3A_173] : memref<10000x128xf32, #tpu.memory_space<vmem_shared>> -> memref<10000x128xf32, #tpu.memory_space<vmem_shared>>
      tpu.enqueue_indirect_dma source(%arg10 : memref<160x128xf32, #tpu.memory_space<vmem>>) target(%dma_start3A_174 : memref<10000x128xf32, #tpu.memory_space<vmem_shared>>) offsets(%dma_start3A_171 : memref<160xi32, #tpu.memory_space<vmem>>) semaphore(%run_scoped3A : memref<!tpu.dma_semaphore, #tpu.memory_space<semaphore_mem>>) {add = true}
      %dma_wait3A_175 = arith.constant 3840 : i32
      %dma_wait3A_176 = tpu.memref_slice %arg8[%dma_wait3A_175] : memref<4000xi32, #tpu.memory_space<vmem>> -> memref<160xi32, #tpu.memory_space<vmem>>
      %dma_wait3A_177 = arith.constant 0 : i32
      %dma_wait3A_178 = arith.constant 0 : i32
      %dma_wait3A_179 = tpu.memref_slice %arg11[%dma_wait3A_177, %dma_wait3A_178] : memref<10000x128xf32, #tpu.memory_space<vmem_shared>> -> memref<10000x128xf32, #tpu.memory_space<vmem_shared>>
      tpu.wait_indirect_dma semaphore(%run_scoped3A : memref<!tpu.dma_semaphore, #tpu.memory_space<semaphore_mem>>) src(%arg10 : memref<160x128xf32, #tpu.memory_space<vmem>>) dst(%dma_wait3A_179 : memref<10000x128xf32, #tpu.memory_space<vmem_shared>>)
      tpu.yield
    }) : () -> ()
    %mul3A_42 = arith.constant 20000 : i32
    %mul3A_43 = arith.muli %arg1, %mul3A_42 : i32
    %add3A_44 = arith.constant 4000 : i32
    %add3A_45 = arith.addi %mul3A_43, %add3A_44 : i32
    "tpu.region"() ({
      %run_scoped3A = tpu.sem_alloc : memref<!tpu.dma_semaphore, #tpu.memory_space<semaphore_mem>>
      %dma_start3A = tpu.memref_slice %arg4[%add3A_45] : memref<320000xi32, #tpu.memory_space<hbm>> -> memref<4000xi32, #tpu.memory_space<hbm>>
      %dma_start3A_171 = tpu.memref_slice %arg4[%add3A_45] : memref<320000xi32, #tpu.memory_space<hbm>> -> memref<4000xi32, #tpu.memory_space<hbm>>
      tpu.enqueue_dma source(%dma_start3A_171 : memref<4000xi32, #tpu.memory_space<hbm>>) target(%arg7 : memref<4000xi32, #tpu.memory_space<vmem>>) target_semaphore(%run_scoped3A : memref<!tpu.dma_semaphore, #tpu.memory_space<semaphore_mem>>)
      %dma_wait3A_172 = tpu.memref_slice %arg4[%add3A_45] : memref<320000xi32, #tpu.memory_space<hbm>> -> memref<4000xi32, #tpu.memory_space<hbm>>
      %dma_wait3A_173 = tpu.memref_slice %arg4[%add3A_45] : memref<320000xi32, #tpu.memory_space<hbm>> -> memref<4000xi32, #tpu.memory_space<hbm>>
      tpu.wait_dma2 semaphore(%run_scoped3A : memref<!tpu.dma_semaphore, #tpu.memory_space<semaphore_mem>>) src(%dma_wait3A_173 : memref<4000xi32, #tpu.memory_space<hbm>>) dst(%arg7 : memref<4000xi32, #tpu.memory_space<vmem>>)
      tpu.yield
    }) : () -> ()
    %mul3A_46 = arith.constant 20000 : i32
    %mul3A_47 = arith.muli %arg1, %mul3A_46 : i32
    %add3A_48 = arith.constant 4000 : i32
    %add3A_49 = arith.addi %mul3A_47, %add3A_48 : i32
    "tpu.region"() ({
      %run_scoped3A = tpu.sem_alloc : memref<!tpu.dma_semaphore, #tpu.memory_space<semaphore_mem>>
      %dma_start3A = tpu.memref_slice %arg5[%add3A_49] : memref<320000xi32, #tpu.memory_space<hbm>> -> memref<4000xi32, #tpu.memory_space<hbm>>
      %dma_start3A_171 = tpu.memref_slice %arg5[%add3A_49] : memref<320000xi32, #tpu.memory_space<hbm>> -> memref<4000xi32, #tpu.memory_space<hbm>>
      tpu.enqueue_dma source(%dma_start3A_171 : memref<4000xi32, #tpu.memory_space<hbm>>) target(%arg8 : memref<4000xi32, #tpu.memory_space<vmem>>) target_semaphore(%run_scoped3A : memref<!tpu.dma_semaphore, #tpu.memory_space<semaphore_mem>>)
      %dma_wait3A_172 = tpu.memref_slice %arg5[%add3A_49] : memref<320000xi32, #tpu.memory_space<hbm>> -> memref<4000xi32, #tpu.memory_space<hbm>>
      %dma_wait3A_173 = tpu.memref_slice %arg5[%add3A_49] : memref<320000xi32, #tpu.memory_space<hbm>> -> memref<4000xi32, #tpu.memory_space<hbm>>
      tpu.wait_dma2 semaphore(%run_scoped3A : memref<!tpu.dma_semaphore, #tpu.memory_space<semaphore_mem>>) src(%dma_wait3A_173 : memref<4000xi32, #tpu.memory_space<hbm>>) dst(%arg8 : memref<4000xi32, #tpu.memory_space<vmem>>)
      tpu.yield
    }) : () -> ()
    %eq3A_50 = arith.constant 0 : i32
    %eq3A_51 = arith.cmpi eq, %arg0, %eq3A_50 : i32
    %convert_element_type3A_52 = arith.extui %eq3A_51 : i1 to i32
    %cond3A_53 = arith.constant 0 : i32
    %cond3A_54 = arith.cmpi ne, %convert_element_type3A_52, %cond3A_53 : i32
    scf.if %cond3A_54 {
      %dma_start3A = arith.constant 0 : i32
      %dma_start3A_171 = tpu.memref_slice %arg7[%dma_start3A] : memref<4000xi32, #tpu.memory_space<vmem>> -> memref<160xi32, #tpu.memory_space<vmem>>
      %dma_start3A_172 = arith.constant 0 : i32
      %dma_start3A_173 = arith.constant 0 : i32
      %dma_start3A_174 = tpu.memref_slice %arg2[%dma_start3A_172, %dma_start3A_173] : memref<10000x128xf32, #tpu.memory_space<hbm>> -> memref<10000x128xf32, #tpu.memory_space<hbm>>
      tpu.enqueue_indirect_dma source(%dma_start3A_174 : memref<10000x128xf32, #tpu.memory_space<hbm>>) target(%arg9 : memref<160x128xf32, #tpu.memory_space<vmem>>) offsets(%dma_start3A_171 : memref<160xi32, #tpu.memory_space<vmem>>) semaphore(%arg12 : memref<!tpu.dma_semaphore, #tpu.memory_space<semaphore_mem>>)
    } else {
    }
    %eq3A_55 = arith.constant 1 : i32
    %eq3A_56 = arith.cmpi eq, %arg0, %eq3A_55 : i32
    %convert_element_type3A_57 = arith.extui %eq3A_56 : i1 to i32
    %cond3A_58 = arith.constant 0 : i32
    %cond3A_59 = arith.cmpi ne, %convert_element_type3A_57, %cond3A_58 : i32
    scf.if %cond3A_59 {
      %dma_start3A = arith.constant 0 : i32
      %dma_start3A_171 = tpu.memref_slice %arg7[%dma_start3A] : memref<4000xi32, #tpu.memory_space<vmem>> -> memref<160xi32, #tpu.memory_space<vmem>>
      %dma_start3A_172 = arith.constant 0 : i32
      %dma_start3A_173 = arith.constant 0 : i32
      %dma_start3A_174 = tpu.memref_slice %arg3[%dma_start3A_172, %dma_start3A_173] : memref<10000x128xf32, #tpu.memory_space<hbm>> -> memref<10000x128xf32, #tpu.memory_space<hbm>>
      tpu.enqueue_indirect_dma source(%dma_start3A_174 : memref<10000x128xf32, #tpu.memory_space<hbm>>) target(%arg9 : memref<160x128xf32, #tpu.memory_space<vmem>>) offsets(%dma_start3A_171 : memref<160xi32, #tpu.memory_space<vmem>>) semaphore(%arg12 : memref<!tpu.dma_semaphore, #tpu.memory_space<semaphore_mem>>)
    } else {
    }
    %scan3A_60 = arith.constant 0 : i32
    %scan3A_61 = arith.constant 0 : i32
    %scan3A_62 = arith.constant 12 : i32
    %scan3A_63 = arith.addi %scan3A_61, %scan3A_62 : i32
    %scan3A_64 = arith.constant 1 : i32
    %scan3A_65 = scf.for %scan3A_171 = %scan3A_61 to %scan3A_63 step %scan3A_64 iter_args(%scan3A_172 = %scan3A_60) -> (i32)  : i32 {
      %mul3A_173 = arith.constant 2 : i32
      %mul3A_174 = arith.muli %scan3A_171, %mul3A_173 : i32
      %add3A_175 = arith.constant 1 : i32
      %add3A_176 = arith.addi %mul3A_174, %add3A_175 : i32
      %mul3A_177 = arith.constant 160 : i32
      %mul3A_178 = arith.muli %add3A_176, %mul3A_177 : i32
      %eq3A_179 = arith.constant 0 : i32
      %eq3A_180 = arith.cmpi eq, %arg0, %eq3A_179 : i32
      %convert_element_type3A_181 = arith.extui %eq3A_180 : i1 to i32
      %cond3A_182 = arith.constant 0 : i32
      %cond3A_183 = arith.cmpi ne, %convert_element_type3A_181, %cond3A_182 : i32
      scf.if %cond3A_183 {
        %dma_start3A = tpu.memref_slice %arg7[%mul3A_178] : memref<4000xi32, #tpu.memory_space<vmem>> -> memref<160xi32, #tpu.memory_space<vmem>>
        %dma_start3A_216 = arith.constant 0 : i32
        %dma_start3A_217 = arith.constant 0 : i32
        %dma_start3A_218 = tpu.memref_slice %arg2[%dma_start3A_216, %dma_start3A_217] : memref<10000x128xf32, #tpu.memory_space<hbm>> -> memref<10000x128xf32, #tpu.memory_space<hbm>>
        tpu.enqueue_indirect_dma source(%dma_start3A_218 : memref<10000x128xf32, #tpu.memory_space<hbm>>) target(%arg10 : memref<160x128xf32, #tpu.memory_space<vmem>>) offsets(%dma_start3A : memref<160xi32, #tpu.memory_space<vmem>>) semaphore(%arg13 : memref<!tpu.dma_semaphore, #tpu.memory_space<semaphore_mem>>)
      } else {
      }
      %eq3A_184 = arith.constant 1 : i32
      %eq3A_185 = arith.cmpi eq, %arg0, %eq3A_184 : i32
      %convert_element_type3A_186 = arith.extui %eq3A_185 : i1 to i32
      %cond3A_187 = arith.constant 0 : i32
      %cond3A_188 = arith.cmpi ne, %convert_element_type3A_186, %cond3A_187 : i32
      scf.if %cond3A_188 {
        %dma_start3A = tpu.memref_slice %arg7[%mul3A_178] : memref<4000xi32, #tpu.memory_space<vmem>> -> memref<160xi32, #tpu.memory_space<vmem>>
        %dma_start3A_216 = arith.constant 0 : i32
        %dma_start3A_217 = arith.constant 0 : i32
        %dma_start3A_218 = tpu.memref_slice %arg3[%dma_start3A_216, %dma_start3A_217] : memref<10000x128xf32, #tpu.memory_space<hbm>> -> memref<10000x128xf32, #tpu.memory_space<hbm>>
        tpu.enqueue_indirect_dma source(%dma_start3A_218 : memref<10000x128xf32, #tpu.memory_space<hbm>>) target(%arg10 : memref<160x128xf32, #tpu.memory_space<vmem>>) offsets(%dma_start3A : memref<160xi32, #tpu.memory_space<vmem>>) semaphore(%arg13 : memref<!tpu.dma_semaphore, #tpu.memory_space<semaphore_mem>>)
      } else {
      }
      %mul3A_189 = arith.constant 160 : i32
      %mul3A_190 = arith.muli %mul3A_174, %mul3A_189 : i32
      %dma_wait3A_191 = tpu.memref_slice %arg7[%mul3A_190] : memref<4000xi32, #tpu.memory_space<vmem>> -> memref<160xi32, #tpu.memory_space<vmem>>
      %dma_wait3A_192 = arith.constant 0 : i32
      %dma_wait3A_193 = arith.constant 0 : i32
      %dma_wait3A_194 = tpu.memref_slice %arg2[%dma_wait3A_192, %dma_wait3A_193] : memref<10000x128xf32, #tpu.memory_space<hbm>> -> memref<10000x128xf32, #tpu.memory_space<hbm>>
      tpu.wait_indirect_dma semaphore(%arg12 : memref<!tpu.dma_semaphore, #tpu.memory_space<semaphore_mem>>) src(%dma_wait3A_194 : memref<10000x128xf32, #tpu.memory_space<hbm>>) dst(%arg9 : memref<160x128xf32, #tpu.memory_space<vmem>>)
      %mul3A_195 = arith.constant 160 : i32
      %mul3A_196 = arith.muli %mul3A_174, %mul3A_195 : i32
      "tpu.region"() ({
        %run_scoped3A = tpu.sem_alloc : memref<!tpu.dma_semaphore, #tpu.memory_space<semaphore_mem>>
        %dma_start3A = tpu.memref_slice %arg8[%mul3A_196] : memref<4000xi32, #tpu.memory_space<vmem>> -> memref<160xi32, #tpu.memory_space<vmem>>
        %dma_start3A_216 = arith.constant 0 : i32
        %dma_start3A_217 = arith.constant 0 : i32
        %dma_start3A_218 = tpu.memref_slice %arg11[%dma_start3A_216, %dma_start3A_217] : memref<10000x128xf32, #tpu.memory_space<vmem_shared>> -> memref<10000x128xf32, #tpu.memory_space<vmem_shared>>
        tpu.enqueue_indirect_dma source(%arg9 : memref<160x128xf32, #tpu.memory_space<vmem>>) target(%dma_start3A_218 : memref<10000x128xf32, #tpu.memory_space<vmem_shared>>) offsets(%dma_start3A : memref<160xi32, #tpu.memory_space<vmem>>) semaphore(%run_scoped3A : memref<!tpu.dma_semaphore, #tpu.memory_space<semaphore_mem>>) {add = true}
        %dma_wait3A_219 = tpu.memref_slice %arg8[%mul3A_196] : memref<4000xi32, #tpu.memory_space<vmem>> -> memref<160xi32, #tpu.memory_space<vmem>>
        %dma_wait3A_220 = arith.constant 0 : i32
        %dma_wait3A_221 = arith.constant 0 : i32
        %dma_wait3A_222 = tpu.memref_slice %arg11[%dma_wait3A_220, %dma_wait3A_221] : memref<10000x128xf32, #tpu.memory_space<vmem_shared>> -> memref<10000x128xf32, #tpu.memory_space<vmem_shared>>
        tpu.wait_indirect_dma semaphore(%run_scoped3A : memref<!tpu.dma_semaphore, #tpu.memory_space<semaphore_mem>>) src(%arg9 : memref<160x128xf32, #tpu.memory_space<vmem>>) dst(%dma_wait3A_222 : memref<10000x128xf32, #tpu.memory_space<vmem_shared>>)
        tpu.yield
      }) : () -> ()
      %add3A_197 = arith.constant 2 : i32
      %add3A_198 = arith.addi %mul3A_174, %add3A_197 : i32
      %lt3A = arith.constant 25 : i32
      %lt3A_199 = arith.cmpi slt, %add3A_198, %lt3A : i32
      %convert_element_type3A_200 = arith.extui %lt3A_199 : i1 to i32
      %cond3A_201 = arith.constant 0 : i32
      %cond3A_202 = arith.cmpi ne, %convert_element_type3A_200, %cond3A_201 : i32
      scf.if %cond3A_202 {
        %add3A_216 = arith.constant 2 : i32
        %add3A_217 = arith.addi %mul3A_174, %add3A_216 : i32
        %mul3A_218 = arith.constant 160 : i32
        %mul3A_219 = arith.muli %add3A_217, %mul3A_218 : i32
        %eq3A_220 = arith.constant 0 : i32
        %eq3A_221 = arith.cmpi eq, %arg0, %eq3A_220 : i32
        %convert_element_type3A_222 = arith.extui %eq3A_221 : i1 to i32
        %cond3A_223 = arith.constant 0 : i32
        %cond3A_224 = arith.cmpi ne, %convert_element_type3A_222, %cond3A_223 : i32
        scf.if %cond3A_224 {
          %dma_start3A = tpu.memref_slice %arg7[%mul3A_219] : memref<4000xi32, #tpu.memory_space<vmem>> -> memref<160xi32, #tpu.memory_space<vmem>>
          %dma_start3A_230 = arith.constant 0 : i32
          %dma_start3A_231 = arith.constant 0 : i32
          %dma_start3A_232 = tpu.memref_slice %arg2[%dma_start3A_230, %dma_start3A_231] : memref<10000x128xf32, #tpu.memory_space<hbm>> -> memref<10000x128xf32, #tpu.memory_space<hbm>>
          tpu.enqueue_indirect_dma source(%dma_start3A_232 : memref<10000x128xf32, #tpu.memory_space<hbm>>) target(%arg9 : memref<160x128xf32, #tpu.memory_space<vmem>>) offsets(%dma_start3A : memref<160xi32, #tpu.memory_space<vmem>>) semaphore(%arg12 : memref<!tpu.dma_semaphore, #tpu.memory_space<semaphore_mem>>)
        } else {
        }
        %eq3A_225 = arith.constant 1 : i32
        %eq3A_226 = arith.cmpi eq, %arg0, %eq3A_225 : i32
        %convert_element_type3A_227 = arith.extui %eq3A_226 : i1 to i32
        %cond3A_228 = arith.constant 0 : i32
        %cond3A_229 = arith.cmpi ne, %convert_element_type3A_227, %cond3A_228 : i32
        scf.if %cond3A_229 {
          %dma_start3A = tpu.memref_slice %arg7[%mul3A_219] : memref<4000xi32, #tpu.memory_space<vmem>> -> memref<160xi32, #tpu.memory_space<vmem>>
          %dma_start3A_230 = arith.constant 0 : i32
          %dma_start3A_231 = arith.constant 0 : i32
          %dma_start3A_232 = tpu.memref_slice %arg3[%dma_start3A_230, %dma_start3A_231] : memref<10000x128xf32, #tpu.memory_space<hbm>> -> memref<10000x128xf32, #tpu.memory_space<hbm>>
          tpu.enqueue_indirect_dma source(%dma_start3A_232 : memref<10000x128xf32, #tpu.memory_space<hbm>>) target(%arg9 : memref<160x128xf32, #tpu.memory_space<vmem>>) offsets(%dma_start3A : memref<160xi32, #tpu.memory_space<vmem>>) semaphore(%arg12 : memref<!tpu.dma_semaphore, #tpu.memory_space<semaphore_mem>>)
        } else {
        }
      } else {
      }
      %add3A_203 = arith.constant 1 : i32
      %add3A_204 = arith.addi %mul3A_174, %add3A_203 : i32
      %mul3A_205 = arith.constant 160 : i32
      %mul3A_206 = arith.muli %add3A_204, %mul3A_205 : i32
      %dma_wait3A_207 = tpu.memref_slice %arg7[%mul3A_206] : memref<4000xi32, #tpu.memory_space<vmem>> -> memref<160xi32, #tpu.memory_space<vmem>>
      %dma_wait3A_208 = arith.constant 0 : i32
      %dma_wait3A_209 = arith.constant 0 : i32
      %dma_wait3A_210 = tpu.memref_slice %arg2[%dma_wait3A_208, %dma_wait3A_209] : memref<10000x128xf32, #tpu.memory_space<hbm>> -> memref<10000x128xf32, #tpu.memory_space<hbm>>
      tpu.wait_indirect_dma semaphore(%arg13 : memref<!tpu.dma_semaphore, #tpu.memory_space<semaphore_mem>>) src(%dma_wait3A_210 : memref<10000x128xf32, #tpu.memory_space<hbm>>) dst(%arg10 : memref<160x128xf32, #tpu.memory_space<vmem>>)
      %add3A_211 = arith.constant 1 : i32
      %add3A_212 = arith.addi %mul3A_174, %add3A_211 : i32
      %mul3A_213 = arith.constant 160 : i32
      %mul3A_214 = arith.muli %add3A_212, %mul3A_213 : i32
      "tpu.region"() ({
        %run_scoped3A = tpu.sem_alloc : memref<!tpu.dma_semaphore, #tpu.memory_space<semaphore_mem>>
        %dma_start3A = tpu.memref_slice %arg8[%mul3A_214] : memref<4000xi32, #tpu.memory_space<vmem>> -> memref<160xi32, #tpu.memory_space<vmem>>
        %dma_start3A_216 = arith.constant 0 : i32
        %dma_start3A_217 = arith.constant 0 : i32
        %dma_start3A_218 = tpu.memref_slice %arg11[%dma_start3A_216, %dma_start3A_217] : memref<10000x128xf32, #tpu.memory_space<vmem_shared>> -> memref<10000x128xf32, #tpu.memory_space<vmem_shared>>
        tpu.enqueue_indirect_dma source(%arg10 : memref<160x128xf32, #tpu.memory_space<vmem>>) target(%dma_start3A_218 : memref<10000x128xf32, #tpu.memory_space<vmem_shared>>) offsets(%dma_start3A : memref<160xi32, #tpu.memory_space<vmem>>) semaphore(%run_scoped3A : memref<!tpu.dma_semaphore, #tpu.memory_space<semaphore_mem>>) {add = true}
        %dma_wait3A_219 = tpu.memref_slice %arg8[%mul3A_214] : memref<4000xi32, #tpu.memory_space<vmem>> -> memref<160xi32, #tpu.memory_space<vmem>>
        %dma_wait3A_220 = arith.constant 0 : i32
        %dma_wait3A_221 = arith.constant 0 : i32
        %dma_wait3A_222 = tpu.memref_slice %arg11[%dma_wait3A_220, %dma_wait3A_221] : memref<10000x128xf32, #tpu.memory_space<vmem_shared>> -> memref<10000x128xf32, #tpu.memory_space<vmem_shared>>
        tpu.wait_indirect_dma semaphore(%run_scoped3A : memref<!tpu.dma_semaphore, #tpu.memory_space<semaphore_mem>>) src(%arg10 : memref<160x128xf32, #tpu.memory_space<vmem>>) dst(%dma_wait3A_222 : memref<10000x128xf32, #tpu.memory_space<vmem_shared>>)
        tpu.yield
      }) : () -> ()
      %scan3A_215 = arith.constant 0 : i32
      scf.yield %scan3A_215 : i32
    }
    %scan3A_66 = arith.constant 12 : i32
    %dma_wait3A_67 = arith.constant 3840 : i32
    %dma_wait3A_68 = tpu.memref_slice %arg7[%dma_wait3A_67] : memref<4000xi32, #tpu.memory_space<vmem>> -> memref<160xi32, #tpu.memory_space<vmem>>
    %dma_wait3A_69 = arith.constant 0 : i32
    %dma_wait3A_70 = arith.constant 0 : i32
    %dma_wait3A_71 = tpu.memref_slice %arg2[%dma_wait3A_69, %dma_wait3A_70] : memref<10000x128xf32, #tpu.memory_space<hbm>> -> memref<10000x128xf32, #tpu.memory_space<hbm>>
    tpu.wait_indirect_dma semaphore(%arg12 : memref<!tpu.dma_semaphore, #tpu.memory_space<semaphore_mem>>) src(%dma_wait3A_71 : memref<10000x128xf32, #tpu.memory_space<hbm>>) dst(%arg9 : memref<160x128xf32, #tpu.memory_space<vmem>>)
    "tpu.region"() ({
      %run_scoped3A = tpu.sem_alloc : memref<!tpu.dma_semaphore, #tpu.memory_space<semaphore_mem>>
      %dma_start3A = arith.constant 3840 : i32
      %dma_start3A_171 = tpu.memref_slice %arg8[%dma_start3A] : memref<4000xi32, #tpu.memory_space<vmem>> -> memref<160xi32, #tpu.memory_space<vmem>>
      %dma_start3A_172 = arith.constant 0 : i32
      %dma_start3A_173 = arith.constant 0 : i32
      %dma_start3A_174 = tpu.memref_slice %arg11[%dma_start3A_172, %dma_start3A_173] : memref<10000x128xf32, #tpu.memory_space<vmem_shared>> -> memref<10000x128xf32, #tpu.memory_space<vmem_shared>>
      tpu.enqueue_indirect_dma source(%arg9 : memref<160x128xf32, #tpu.memory_space<vmem>>) target(%dma_start3A_174 : memref<10000x128xf32, #tpu.memory_space<vmem_shared>>) offsets(%dma_start3A_171 : memref<160xi32, #tpu.memory_space<vmem>>) semaphore(%run_scoped3A : memref<!tpu.dma_semaphore, #tpu.memory_space<semaphore_mem>>) {add = true}
      %dma_wait3A_175 = arith.constant 3840 : i32
      %dma_wait3A_176 = tpu.memref_slice %arg8[%dma_wait3A_175] : memref<4000xi32, #tpu.memory_space<vmem>> -> memref<160xi32, #tpu.memory_space<vmem>>
      %dma_wait3A_177 = arith.constant 0 : i32
      %dma_wait3A_178 = arith.constant 0 : i32
      %dma_wait3A_179 = tpu.memref_slice %arg11[%dma_wait3A_177, %dma_wait3A_178] : memref<10000x128xf32, #tpu.memory_space<vmem_shared>> -> memref<10000x128xf32, #tpu.memory_space<vmem_shared>>
      tpu.wait_indirect_dma semaphore(%run_scoped3A : memref<!tpu.dma_semaphore, #tpu.memory_space<semaphore_mem>>) src(%arg9 : memref<160x128xf32, #tpu.memory_space<vmem>>) dst(%dma_wait3A_179 : memref<10000x128xf32, #tpu.memory_space<vmem_shared>>)
      tpu.yield
    }) : () -> ()
    %mul3A_72 = arith.constant 20000 : i32
    %mul3A_73 = arith.muli %arg1, %mul3A_72 : i32
    %add3A_74 = arith.constant 8000 : i32
    %add3A_75 = arith.addi %mul3A_73, %add3A_74 : i32
    "tpu.region"() ({
      %run_scoped3A = tpu.sem_alloc : memref<!tpu.dma_semaphore, #tpu.memory_space<semaphore_mem>>
      %dma_start3A = tpu.memref_slice %arg4[%add3A_75] : memref<320000xi32, #tpu.memory_space<hbm>> -> memref<4000xi32, #tpu.memory_space<hbm>>
      %dma_start3A_171 = tpu.memref_slice %arg4[%add3A_75] : memref<320000xi32, #tpu.memory_space<hbm>> -> memref<4000xi32, #tpu.memory_space<hbm>>
      tpu.enqueue_dma source(%dma_start3A_171 : memref<4000xi32, #tpu.memory_space<hbm>>) target(%arg7 : memref<4000xi32, #tpu.memory_space<vmem>>) target_semaphore(%run_scoped3A : memref<!tpu.dma_semaphore, #tpu.memory_space<semaphore_mem>>)
      %dma_wait3A_172 = tpu.memref_slice %arg4[%add3A_75] : memref<320000xi32, #tpu.memory_space<hbm>> -> memref<4000xi32, #tpu.memory_space<hbm>>
      %dma_wait3A_173 = tpu.memref_slice %arg4[%add3A_75] : memref<320000xi32, #tpu.memory_space<hbm>> -> memref<4000xi32, #tpu.memory_space<hbm>>
      tpu.wait_dma2 semaphore(%run_scoped3A : memref<!tpu.dma_semaphore, #tpu.memory_space<semaphore_mem>>) src(%dma_wait3A_173 : memref<4000xi32, #tpu.memory_space<hbm>>) dst(%arg7 : memref<4000xi32, #tpu.memory_space<vmem>>)
      tpu.yield
    }) : () -> ()
    %mul3A_76 = arith.constant 20000 : i32
    %mul3A_77 = arith.muli %arg1, %mul3A_76 : i32
    %add3A_78 = arith.constant 8000 : i32
    %add3A_79 = arith.addi %mul3A_77, %add3A_78 : i32
    "tpu.region"() ({
      %run_scoped3A = tpu.sem_alloc : memref<!tpu.dma_semaphore, #tpu.memory_space<semaphore_mem>>
      %dma_start3A = tpu.memref_slice %arg5[%add3A_79] : memref<320000xi32, #tpu.memory_space<hbm>> -> memref<4000xi32, #tpu.memory_space<hbm>>
      %dma_start3A_171 = tpu.memref_slice %arg5[%add3A_79] : memref<320000xi32, #tpu.memory_space<hbm>> -> memref<4000xi32, #tpu.memory_space<hbm>>
      tpu.enqueue_dma source(%dma_start3A_171 : memref<4000xi32, #tpu.memory_space<hbm>>) target(%arg8 : memref<4000xi32, #tpu.memory_space<vmem>>) target_semaphore(%run_scoped3A : memref<!tpu.dma_semaphore, #tpu.memory_space<semaphore_mem>>)
      %dma_wait3A_172 = tpu.memref_slice %arg5[%add3A_79] : memref<320000xi32, #tpu.memory_space<hbm>> -> memref<4000xi32, #tpu.memory_space<hbm>>
      %dma_wait3A_173 = tpu.memref_slice %arg5[%add3A_79] : memref<320000xi32, #tpu.memory_space<hbm>> -> memref<4000xi32, #tpu.memory_space<hbm>>
      tpu.wait_dma2 semaphore(%run_scoped3A : memref<!tpu.dma_semaphore, #tpu.memory_space<semaphore_mem>>) src(%dma_wait3A_173 : memref<4000xi32, #tpu.memory_space<hbm>>) dst(%arg8 : memref<4000xi32, #tpu.memory_space<vmem>>)
      tpu.yield
    }) : () -> ()
    %eq3A_80 = arith.constant 0 : i32
    %eq3A_81 = arith.cmpi eq, %arg0, %eq3A_80 : i32
    %convert_element_type3A_82 = arith.extui %eq3A_81 : i1 to i32
    %cond3A_83 = arith.constant 0 : i32
    %cond3A_84 = arith.cmpi ne, %convert_element_type3A_82, %cond3A_83 : i32
    scf.if %cond3A_84 {
      %dma_start3A = arith.constant 0 : i32
      %dma_start3A_171 = tpu.memref_slice %arg7[%dma_start3A] : memref<4000xi32, #tpu.memory_space<vmem>> -> memref<160xi32, #tpu.memory_space<vmem>>
      %dma_start3A_172 = arith.constant 0 : i32
      %dma_start3A_173 = arith.constant 0 : i32
      %dma_start3A_174 = tpu.memref_slice %arg2[%dma_start3A_172, %dma_start3A_173] : memref<10000x128xf32, #tpu.memory_space<hbm>> -> memref<10000x128xf32, #tpu.memory_space<hbm>>
      tpu.enqueue_indirect_dma source(%dma_start3A_174 : memref<10000x128xf32, #tpu.memory_space<hbm>>) target(%arg9 : memref<160x128xf32, #tpu.memory_space<vmem>>) offsets(%dma_start3A_171 : memref<160xi32, #tpu.memory_space<vmem>>) semaphore(%arg12 : memref<!tpu.dma_semaphore, #tpu.memory_space<semaphore_mem>>)
    } else {
    }
    %eq3A_85 = arith.constant 1 : i32
    %eq3A_86 = arith.cmpi eq, %arg0, %eq3A_85 : i32
    %convert_element_type3A_87 = arith.extui %eq3A_86 : i1 to i32
    %cond3A_88 = arith.constant 0 : i32
    %cond3A_89 = arith.cmpi ne, %convert_element_type3A_87, %cond3A_88 : i32
    scf.if %cond3A_89 {
      %dma_start3A = arith.constant 0 : i32
      %dma_start3A_171 = tpu.memref_slice %arg7[%dma_start3A] : memref<4000xi32, #tpu.memory_space<vmem>> -> memref<160xi32, #tpu.memory_space<vmem>>
      %dma_start3A_172 = arith.constant 0 : i32
      %dma_start3A_173 = arith.constant 0 : i32
      %dma_start3A_174 = tpu.memref_slice %arg3[%dma_start3A_172, %dma_start3A_173] : memref<10000x128xf32, #tpu.memory_space<hbm>> -> memref<10000x128xf32, #tpu.memory_space<hbm>>
      tpu.enqueue_indirect_dma source(%dma_start3A_174 : memref<10000x128xf32, #tpu.memory_space<hbm>>) target(%arg9 : memref<160x128xf32, #tpu.memory_space<vmem>>) offsets(%dma_start3A_171 : memref<160xi32, #tpu.memory_space<vmem>>) semaphore(%arg12 : memref<!tpu.dma_semaphore, #tpu.memory_space<semaphore_mem>>)
    } else {
    }
    %scan3A_90 = arith.constant 0 : i32
    %scan3A_91 = arith.constant 0 : i32
    %scan3A_92 = arith.constant 12 : i32
    %scan3A_93 = arith.addi %scan3A_91, %scan3A_92 : i32
    %scan3A_94 = arith.constant 1 : i32
    %scan3A_95 = scf.for %scan3A_171 = %scan3A_91 to %scan3A_93 step %scan3A_94 iter_args(%scan3A_172 = %scan3A_90) -> (i32)  : i32 {
      %mul3A_173 = arith.constant 2 : i32
      %mul3A_174 = arith.muli %scan3A_171, %mul3A_173 : i32
      %add3A_175 = arith.constant 1 : i32
      %add3A_176 = arith.addi %mul3A_174, %add3A_175 : i32
      %mul3A_177 = arith.constant 160 : i32
      %mul3A_178 = arith.muli %add3A_176, %mul3A_177 : i32
      %eq3A_179 = arith.constant 0 : i32
      %eq3A_180 = arith.cmpi eq, %arg0, %eq3A_179 : i32
      %convert_element_type3A_181 = arith.extui %eq3A_180 : i1 to i32
      %cond3A_182 = arith.constant 0 : i32
      %cond3A_183 = arith.cmpi ne, %convert_element_type3A_181, %cond3A_182 : i32
      scf.if %cond3A_183 {
        %dma_start3A = tpu.memref_slice %arg7[%mul3A_178] : memref<4000xi32, #tpu.memory_space<vmem>> -> memref<160xi32, #tpu.memory_space<vmem>>
        %dma_start3A_216 = arith.constant 0 : i32
        %dma_start3A_217 = arith.constant 0 : i32
        %dma_start3A_218 = tpu.memref_slice %arg2[%dma_start3A_216, %dma_start3A_217] : memref<10000x128xf32, #tpu.memory_space<hbm>> -> memref<10000x128xf32, #tpu.memory_space<hbm>>
        tpu.enqueue_indirect_dma source(%dma_start3A_218 : memref<10000x128xf32, #tpu.memory_space<hbm>>) target(%arg10 : memref<160x128xf32, #tpu.memory_space<vmem>>) offsets(%dma_start3A : memref<160xi32, #tpu.memory_space<vmem>>) semaphore(%arg13 : memref<!tpu.dma_semaphore, #tpu.memory_space<semaphore_mem>>)
      } else {
      }
      %eq3A_184 = arith.constant 1 : i32
      %eq3A_185 = arith.cmpi eq, %arg0, %eq3A_184 : i32
      %convert_element_type3A_186 = arith.extui %eq3A_185 : i1 to i32
      %cond3A_187 = arith.constant 0 : i32
      %cond3A_188 = arith.cmpi ne, %convert_element_type3A_186, %cond3A_187 : i32
      scf.if %cond3A_188 {
        %dma_start3A = tpu.memref_slice %arg7[%mul3A_178] : memref<4000xi32, #tpu.memory_space<vmem>> -> memref<160xi32, #tpu.memory_space<vmem>>
        %dma_start3A_216 = arith.constant 0 : i32
        %dma_start3A_217 = arith.constant 0 : i32
        %dma_start3A_218 = tpu.memref_slice %arg3[%dma_start3A_216, %dma_start3A_217] : memref<10000x128xf32, #tpu.memory_space<hbm>> -> memref<10000x128xf32, #tpu.memory_space<hbm>>
        tpu.enqueue_indirect_dma source(%dma_start3A_218 : memref<10000x128xf32, #tpu.memory_space<hbm>>) target(%arg10 : memref<160x128xf32, #tpu.memory_space<vmem>>) offsets(%dma_start3A : memref<160xi32, #tpu.memory_space<vmem>>) semaphore(%arg13 : memref<!tpu.dma_semaphore, #tpu.memory_space<semaphore_mem>>)
      } else {
      }
      %mul3A_189 = arith.constant 160 : i32
      %mul3A_190 = arith.muli %mul3A_174, %mul3A_189 : i32
      %dma_wait3A_191 = tpu.memref_slice %arg7[%mul3A_190] : memref<4000xi32, #tpu.memory_space<vmem>> -> memref<160xi32, #tpu.memory_space<vmem>>
      %dma_wait3A_192 = arith.constant 0 : i32
      %dma_wait3A_193 = arith.constant 0 : i32
      %dma_wait3A_194 = tpu.memref_slice %arg2[%dma_wait3A_192, %dma_wait3A_193] : memref<10000x128xf32, #tpu.memory_space<hbm>> -> memref<10000x128xf32, #tpu.memory_space<hbm>>
      tpu.wait_indirect_dma semaphore(%arg12 : memref<!tpu.dma_semaphore, #tpu.memory_space<semaphore_mem>>) src(%dma_wait3A_194 : memref<10000x128xf32, #tpu.memory_space<hbm>>) dst(%arg9 : memref<160x128xf32, #tpu.memory_space<vmem>>)
      %mul3A_195 = arith.constant 160 : i32
      %mul3A_196 = arith.muli %mul3A_174, %mul3A_195 : i32
      "tpu.region"() ({
        %run_scoped3A = tpu.sem_alloc : memref<!tpu.dma_semaphore, #tpu.memory_space<semaphore_mem>>
        %dma_start3A = tpu.memref_slice %arg8[%mul3A_196] : memref<4000xi32, #tpu.memory_space<vmem>> -> memref<160xi32, #tpu.memory_space<vmem>>
        %dma_start3A_216 = arith.constant 0 : i32
        %dma_start3A_217 = arith.constant 0 : i32
        %dma_start3A_218 = tpu.memref_slice %arg11[%dma_start3A_216, %dma_start3A_217] : memref<10000x128xf32, #tpu.memory_space<vmem_shared>> -> memref<10000x128xf32, #tpu.memory_space<vmem_shared>>
        tpu.enqueue_indirect_dma source(%arg9 : memref<160x128xf32, #tpu.memory_space<vmem>>) target(%dma_start3A_218 : memref<10000x128xf32, #tpu.memory_space<vmem_shared>>) offsets(%dma_start3A : memref<160xi32, #tpu.memory_space<vmem>>) semaphore(%run_scoped3A : memref<!tpu.dma_semaphore, #tpu.memory_space<semaphore_mem>>) {add = true}
        %dma_wait3A_219 = tpu.memref_slice %arg8[%mul3A_196] : memref<4000xi32, #tpu.memory_space<vmem>> -> memref<160xi32, #tpu.memory_space<vmem>>
        %dma_wait3A_220 = arith.constant 0 : i32
        %dma_wait3A_221 = arith.constant 0 : i32
        %dma_wait3A_222 = tpu.memref_slice %arg11[%dma_wait3A_220, %dma_wait3A_221] : memref<10000x128xf32, #tpu.memory_space<vmem_shared>> -> memref<10000x128xf32, #tpu.memory_space<vmem_shared>>
        tpu.wait_indirect_dma semaphore(%run_scoped3A : memref<!tpu.dma_semaphore, #tpu.memory_space<semaphore_mem>>) src(%arg9 : memref<160x128xf32, #tpu.memory_space<vmem>>) dst(%dma_wait3A_222 : memref<10000x128xf32, #tpu.memory_space<vmem_shared>>)
        tpu.yield
      }) : () -> ()
      %add3A_197 = arith.constant 2 : i32
      %add3A_198 = arith.addi %mul3A_174, %add3A_197 : i32
      %lt3A = arith.constant 25 : i32
      %lt3A_199 = arith.cmpi slt, %add3A_198, %lt3A : i32
      %convert_element_type3A_200 = arith.extui %lt3A_199 : i1 to i32
      %cond3A_201 = arith.constant 0 : i32
      %cond3A_202 = arith.cmpi ne, %convert_element_type3A_200, %cond3A_201 : i32
      scf.if %cond3A_202 {
        %add3A_216 = arith.constant 2 : i32
        %add3A_217 = arith.addi %mul3A_174, %add3A_216 : i32
        %mul3A_218 = arith.constant 160 : i32
        %mul3A_219 = arith.muli %add3A_217, %mul3A_218 : i32
        %eq3A_220 = arith.constant 0 : i32
        %eq3A_221 = arith.cmpi eq, %arg0, %eq3A_220 : i32
        %convert_element_type3A_222 = arith.extui %eq3A_221 : i1 to i32
        %cond3A_223 = arith.constant 0 : i32
        %cond3A_224 = arith.cmpi ne, %convert_element_type3A_222, %cond3A_223 : i32
        scf.if %cond3A_224 {
          %dma_start3A = tpu.memref_slice %arg7[%mul3A_219] : memref<4000xi32, #tpu.memory_space<vmem>> -> memref<160xi32, #tpu.memory_space<vmem>>
          %dma_start3A_230 = arith.constant 0 : i32
          %dma_start3A_231 = arith.constant 0 : i32
          %dma_start3A_232 = tpu.memref_slice %arg2[%dma_start3A_230, %dma_start3A_231] : memref<10000x128xf32, #tpu.memory_space<hbm>> -> memref<10000x128xf32, #tpu.memory_space<hbm>>
          tpu.enqueue_indirect_dma source(%dma_start3A_232 : memref<10000x128xf32, #tpu.memory_space<hbm>>) target(%arg9 : memref<160x128xf32, #tpu.memory_space<vmem>>) offsets(%dma_start3A : memref<160xi32, #tpu.memory_space<vmem>>) semaphore(%arg12 : memref<!tpu.dma_semaphore, #tpu.memory_space<semaphore_mem>>)
        } else {
        }
        %eq3A_225 = arith.constant 1 : i32
        %eq3A_226 = arith.cmpi eq, %arg0, %eq3A_225 : i32
        %convert_element_type3A_227 = arith.extui %eq3A_226 : i1 to i32
        %cond3A_228 = arith.constant 0 : i32
        %cond3A_229 = arith.cmpi ne, %convert_element_type3A_227, %cond3A_228 : i32
        scf.if %cond3A_229 {
          %dma_start3A = tpu.memref_slice %arg7[%mul3A_219] : memref<4000xi32, #tpu.memory_space<vmem>> -> memref<160xi32, #tpu.memory_space<vmem>>
          %dma_start3A_230 = arith.constant 0 : i32
          %dma_start3A_231 = arith.constant 0 : i32
          %dma_start3A_232 = tpu.memref_slice %arg3[%dma_start3A_230, %dma_start3A_231] : memref<10000x128xf32, #tpu.memory_space<hbm>> -> memref<10000x128xf32, #tpu.memory_space<hbm>>
          tpu.enqueue_indirect_dma source(%dma_start3A_232 : memref<10000x128xf32, #tpu.memory_space<hbm>>) target(%arg9 : memref<160x128xf32, #tpu.memory_space<vmem>>) offsets(%dma_start3A : memref<160xi32, #tpu.memory_space<vmem>>) semaphore(%arg12 : memref<!tpu.dma_semaphore, #tpu.memory_space<semaphore_mem>>)
        } else {
        }
      } else {
      }
      %add3A_203 = arith.constant 1 : i32
      %add3A_204 = arith.addi %mul3A_174, %add3A_203 : i32
      %mul3A_205 = arith.constant 160 : i32
      %mul3A_206 = arith.muli %add3A_204, %mul3A_205 : i32
      %dma_wait3A_207 = tpu.memref_slice %arg7[%mul3A_206] : memref<4000xi32, #tpu.memory_space<vmem>> -> memref<160xi32, #tpu.memory_space<vmem>>
      %dma_wait3A_208 = arith.constant 0 : i32
      %dma_wait3A_209 = arith.constant 0 : i32
      %dma_wait3A_210 = tpu.memref_slice %arg2[%dma_wait3A_208, %dma_wait3A_209] : memref<10000x128xf32, #tpu.memory_space<hbm>> -> memref<10000x128xf32, #tpu.memory_space<hbm>>
      tpu.wait_indirect_dma semaphore(%arg13 : memref<!tpu.dma_semaphore, #tpu.memory_space<semaphore_mem>>) src(%dma_wait3A_210 : memref<10000x128xf32, #tpu.memory_space<hbm>>) dst(%arg10 : memref<160x128xf32, #tpu.memory_space<vmem>>)
      %add3A_211 = arith.constant 1 : i32
      %add3A_212 = arith.addi %mul3A_174, %add3A_211 : i32
      %mul3A_213 = arith.constant 160 : i32
      %mul3A_214 = arith.muli %add3A_212, %mul3A_213 : i32
      "tpu.region"() ({
        %run_scoped3A = tpu.sem_alloc : memref<!tpu.dma_semaphore, #tpu.memory_space<semaphore_mem>>
        %dma_start3A = tpu.memref_slice %arg8[%mul3A_214] : memref<4000xi32, #tpu.memory_space<vmem>> -> memref<160xi32, #tpu.memory_space<vmem>>
        %dma_start3A_216 = arith.constant 0 : i32
        %dma_start3A_217 = arith.constant 0 : i32
        %dma_start3A_218 = tpu.memref_slice %arg11[%dma_start3A_216, %dma_start3A_217] : memref<10000x128xf32, #tpu.memory_space<vmem_shared>> -> memref<10000x128xf32, #tpu.memory_space<vmem_shared>>
        tpu.enqueue_indirect_dma source(%arg10 : memref<160x128xf32, #tpu.memory_space<vmem>>) target(%dma_start3A_218 : memref<10000x128xf32, #tpu.memory_space<vmem_shared>>) offsets(%dma_start3A : memref<160xi32, #tpu.memory_space<vmem>>) semaphore(%run_scoped3A : memref<!tpu.dma_semaphore, #tpu.memory_space<semaphore_mem>>) {add = true}
        %dma_wait3A_219 = tpu.memref_slice %arg8[%mul3A_214] : memref<4000xi32, #tpu.memory_space<vmem>> -> memref<160xi32, #tpu.memory_space<vmem>>
        %dma_wait3A_220 = arith.constant 0 : i32
        %dma_wait3A_221 = arith.constant 0 : i32
        %dma_wait3A_222 = tpu.memref_slice %arg11[%dma_wait3A_220, %dma_wait3A_221] : memref<10000x128xf32, #tpu.memory_space<vmem_shared>> -> memref<10000x128xf32, #tpu.memory_space<vmem_shared>>
        tpu.wait_indirect_dma semaphore(%run_scoped3A : memref<!tpu.dma_semaphore, #tpu.memory_space<semaphore_mem>>) src(%arg10 : memref<160x128xf32, #tpu.memory_space<vmem>>) dst(%dma_wait3A_222 : memref<10000x128xf32, #tpu.memory_space<vmem_shared>>)
        tpu.yield
      }) : () -> ()
      %scan3A_215 = arith.constant 0 : i32
      scf.yield %scan3A_215 : i32
    }
    %scan3A_96 = arith.constant 12 : i32
    %dma_wait3A_97 = arith.constant 3840 : i32
    %dma_wait3A_98 = tpu.memref_slice %arg7[%dma_wait3A_97] : memref<4000xi32, #tpu.memory_space<vmem>> -> memref<160xi32, #tpu.memory_space<vmem>>
    %dma_wait3A_99 = arith.constant 0 : i32
    %dma_wait3A_100 = arith.constant 0 : i32
    %dma_wait3A_101 = tpu.memref_slice %arg2[%dma_wait3A_99, %dma_wait3A_100] : memref<10000x128xf32, #tpu.memory_space<hbm>> -> memref<10000x128xf32, #tpu.memory_space<hbm>>
    tpu.wait_indirect_dma semaphore(%arg12 : memref<!tpu.dma_semaphore, #tpu.memory_space<semaphore_mem>>) src(%dma_wait3A_101 : memref<10000x128xf32, #tpu.memory_space<hbm>>) dst(%arg9 : memref<160x128xf32, #tpu.memory_space<vmem>>)
    "tpu.region"() ({
      %run_scoped3A = tpu.sem_alloc : memref<!tpu.dma_semaphore, #tpu.memory_space<semaphore_mem>>
      %dma_start3A = arith.constant 3840 : i32
      %dma_start3A_171 = tpu.memref_slice %arg8[%dma_start3A] : memref<4000xi32, #tpu.memory_space<vmem>> -> memref<160xi32, #tpu.memory_space<vmem>>
      %dma_start3A_172 = arith.constant 0 : i32
      %dma_start3A_173 = arith.constant 0 : i32
      %dma_start3A_174 = tpu.memref_slice %arg11[%dma_start3A_172, %dma_start3A_173] : memref<10000x128xf32, #tpu.memory_space<vmem_shared>> -> memref<10000x128xf32, #tpu.memory_space<vmem_shared>>
      tpu.enqueue_indirect_dma source(%arg9 : memref<160x128xf32, #tpu.memory_space<vmem>>) target(%dma_start3A_174 : memref<10000x128xf32, #tpu.memory_space<vmem_shared>>) offsets(%dma_start3A_171 : memref<160xi32, #tpu.memory_space<vmem>>) semaphore(%run_scoped3A : memref<!tpu.dma_semaphore, #tpu.memory_space<semaphore_mem>>) {add = true}
      %dma_wait3A_175 = arith.constant 3840 : i32
      %dma_wait3A_176 = tpu.memref_slice %arg8[%dma_wait3A_175] : memref<4000xi32, #tpu.memory_space<vmem>> -> memref<160xi32, #tpu.memory_space<vmem>>
      %dma_wait3A_177 = arith.constant 0 : i32
      %dma_wait3A_178 = arith.constant 0 : i32
      %dma_wait3A_179 = tpu.memref_slice %arg11[%dma_wait3A_177, %dma_wait3A_178] : memref<10000x128xf32, #tpu.memory_space<vmem_shared>> -> memref<10000x128xf32, #tpu.memory_space<vmem_shared>>
      tpu.wait_indirect_dma semaphore(%run_scoped3A : memref<!tpu.dma_semaphore, #tpu.memory_space<semaphore_mem>>) src(%arg9 : memref<160x128xf32, #tpu.memory_space<vmem>>) dst(%dma_wait3A_179 : memref<10000x128xf32, #tpu.memory_space<vmem_shared>>)
      tpu.yield
    }) : () -> ()
    %mul3A_102 = arith.constant 20000 : i32
    %mul3A_103 = arith.muli %arg1, %mul3A_102 : i32
    %add3A_104 = arith.constant 12000 : i32
    %add3A_105 = arith.addi %mul3A_103, %add3A_104 : i32
    "tpu.region"() ({
      %run_scoped3A = tpu.sem_alloc : memref<!tpu.dma_semaphore, #tpu.memory_space<semaphore_mem>>
      %dma_start3A = tpu.memref_slice %arg4[%add3A_105] : memref<320000xi32, #tpu.memory_space<hbm>> -> memref<4000xi32, #tpu.memory_space<hbm>>
      %dma_start3A_171 = tpu.memref_slice %arg4[%add3A_105] : memref<320000xi32, #tpu.memory_space<hbm>> -> memref<4000xi32, #tpu.memory_space<hbm>>
      tpu.enqueue_dma source(%dma_start3A_171 : memref<4000xi32, #tpu.memory_space<hbm>>) target(%arg7 : memref<4000xi32, #tpu.memory_space<vmem>>) target_semaphore(%run_scoped3A : memref<!tpu.dma_semaphore, #tpu.memory_space<semaphore_mem>>)
      %dma_wait3A_172 = tpu.memref_slice %arg4[%add3A_105] : memref<320000xi32, #tpu.memory_space<hbm>> -> memref<4000xi32, #tpu.memory_space<hbm>>
      %dma_wait3A_173 = tpu.memref_slice %arg4[%add3A_105] : memref<320000xi32, #tpu.memory_space<hbm>> -> memref<4000xi32, #tpu.memory_space<hbm>>
      tpu.wait_dma2 semaphore(%run_scoped3A : memref<!tpu.dma_semaphore, #tpu.memory_space<semaphore_mem>>) src(%dma_wait3A_173 : memref<4000xi32, #tpu.memory_space<hbm>>) dst(%arg7 : memref<4000xi32, #tpu.memory_space<vmem>>)
      tpu.yield
    }) : () -> ()
    %mul3A_106 = arith.constant 20000 : i32
    %mul3A_107 = arith.muli %arg1, %mul3A_106 : i32
    %add3A_108 = arith.constant 12000 : i32
    %add3A_109 = arith.addi %mul3A_107, %add3A_108 : i32
    "tpu.region"() ({
      %run_scoped3A = tpu.sem_alloc : memref<!tpu.dma_semaphore, #tpu.memory_space<semaphore_mem>>
      %dma_start3A = tpu.memref_slice %arg5[%add3A_109] : memref<320000xi32, #tpu.memory_space<hbm>> -> memref<4000xi32, #tpu.memory_space<hbm>>
      %dma_start3A_171 = tpu.memref_slice %arg5[%add3A_109] : memref<320000xi32, #tpu.memory_space<hbm>> -> memref<4000xi32, #tpu.memory_space<hbm>>
      tpu.enqueue_dma source(%dma_start3A_171 : memref<4000xi32, #tpu.memory_space<hbm>>) target(%arg8 : memref<4000xi32, #tpu.memory_space<vmem>>) target_semaphore(%run_scoped3A : memref<!tpu.dma_semaphore, #tpu.memory_space<semaphore_mem>>)
      %dma_wait3A_172 = tpu.memref_slice %arg5[%add3A_109] : memref<320000xi32, #tpu.memory_space<hbm>> -> memref<4000xi32, #tpu.memory_space<hbm>>
      %dma_wait3A_173 = tpu.memref_slice %arg5[%add3A_109] : memref<320000xi32, #tpu.memory_space<hbm>> -> memref<4000xi32, #tpu.memory_space<hbm>>
      tpu.wait_dma2 semaphore(%run_scoped3A : memref<!tpu.dma_semaphore, #tpu.memory_space<semaphore_mem>>) src(%dma_wait3A_173 : memref<4000xi32, #tpu.memory_space<hbm>>) dst(%arg8 : memref<4000xi32, #tpu.memory_space<vmem>>)
      tpu.yield
    }) : () -> ()
    %eq3A_110 = arith.constant 0 : i32
    %eq3A_111 = arith.cmpi eq, %arg0, %eq3A_110 : i32
    %convert_element_type3A_112 = arith.extui %eq3A_111 : i1 to i32
    %cond3A_113 = arith.constant 0 : i32
    %cond3A_114 = arith.cmpi ne, %convert_element_type3A_112, %cond3A_113 : i32
    scf.if %cond3A_114 {
      %dma_start3A = arith.constant 0 : i32
      %dma_start3A_171 = tpu.memref_slice %arg7[%dma_start3A] : memref<4000xi32, #tpu.memory_space<vmem>> -> memref<160xi32, #tpu.memory_space<vmem>>
      %dma_start3A_172 = arith.constant 0 : i32
      %dma_start3A_173 = arith.constant 0 : i32
      %dma_start3A_174 = tpu.memref_slice %arg2[%dma_start3A_172, %dma_start3A_173] : memref<10000x128xf32, #tpu.memory_space<hbm>> -> memref<10000x128xf32, #tpu.memory_space<hbm>>
      tpu.enqueue_indirect_dma source(%dma_start3A_174 : memref<10000x128xf32, #tpu.memory_space<hbm>>) target(%arg9 : memref<160x128xf32, #tpu.memory_space<vmem>>) offsets(%dma_start3A_171 : memref<160xi32, #tpu.memory_space<vmem>>) semaphore(%arg12 : memref<!tpu.dma_semaphore, #tpu.memory_space<semaphore_mem>>)
    } else {
    }
    %eq3A_115 = arith.constant 1 : i32
    %eq3A_116 = arith.cmpi eq, %arg0, %eq3A_115 : i32
    %convert_element_type3A_117 = arith.extui %eq3A_116 : i1 to i32
    %cond3A_118 = arith.constant 0 : i32
    %cond3A_119 = arith.cmpi ne, %convert_element_type3A_117, %cond3A_118 : i32
    scf.if %cond3A_119 {
      %dma_start3A = arith.constant 0 : i32
      %dma_start3A_171 = tpu.memref_slice %arg7[%dma_start3A] : memref<4000xi32, #tpu.memory_space<vmem>> -> memref<160xi32, #tpu.memory_space<vmem>>
      %dma_start3A_172 = arith.constant 0 : i32
      %dma_start3A_173 = arith.constant 0 : i32
      %dma_start3A_174 = tpu.memref_slice %arg3[%dma_start3A_172, %dma_start3A_173] : memref<10000x128xf32, #tpu.memory_space<hbm>> -> memref<10000x128xf32, #tpu.memory_space<hbm>>
      tpu.enqueue_indirect_dma source(%dma_start3A_174 : memref<10000x128xf32, #tpu.memory_space<hbm>>) target(%arg9 : memref<160x128xf32, #tpu.memory_space<vmem>>) offsets(%dma_start3A_171 : memref<160xi32, #tpu.memory_space<vmem>>) semaphore(%arg12 : memref<!tpu.dma_semaphore, #tpu.memory_space<semaphore_mem>>)
    } else {
    }
    %scan3A_120 = arith.constant 0 : i32
    %scan3A_121 = arith.constant 0 : i32
    %scan3A_122 = arith.constant 12 : i32
    %scan3A_123 = arith.addi %scan3A_121, %scan3A_122 : i32
    %scan3A_124 = arith.constant 1 : i32
    %scan3A_125 = scf.for %scan3A_171 = %scan3A_121 to %scan3A_123 step %scan3A_124 iter_args(%scan3A_172 = %scan3A_120) -> (i32)  : i32 {
      %mul3A_173 = arith.constant 2 : i32
      %mul3A_174 = arith.muli %scan3A_171, %mul3A_173 : i32
      %add3A_175 = arith.constant 1 : i32
      %add3A_176 = arith.addi %mul3A_174, %add3A_175 : i32
      %mul3A_177 = arith.constant 160 : i32
      %mul3A_178 = arith.muli %add3A_176, %mul3A_177 : i32
      %eq3A_179 = arith.constant 0 : i32
      %eq3A_180 = arith.cmpi eq, %arg0, %eq3A_179 : i32
      %convert_element_type3A_181 = arith.extui %eq3A_180 : i1 to i32
      %cond3A_182 = arith.constant 0 : i32
      %cond3A_183 = arith.cmpi ne, %convert_element_type3A_181, %cond3A_182 : i32
      scf.if %cond3A_183 {
        %dma_start3A = tpu.memref_slice %arg7[%mul3A_178] : memref<4000xi32, #tpu.memory_space<vmem>> -> memref<160xi32, #tpu.memory_space<vmem>>
        %dma_start3A_216 = arith.constant 0 : i32
        %dma_start3A_217 = arith.constant 0 : i32
        %dma_start3A_218 = tpu.memref_slice %arg2[%dma_start3A_216, %dma_start3A_217] : memref<10000x128xf32, #tpu.memory_space<hbm>> -> memref<10000x128xf32, #tpu.memory_space<hbm>>
        tpu.enqueue_indirect_dma source(%dma_start3A_218 : memref<10000x128xf32, #tpu.memory_space<hbm>>) target(%arg10 : memref<160x128xf32, #tpu.memory_space<vmem>>) offsets(%dma_start3A : memref<160xi32, #tpu.memory_space<vmem>>) semaphore(%arg13 : memref<!tpu.dma_semaphore, #tpu.memory_space<semaphore_mem>>)
      } else {
      }
      %eq3A_184 = arith.constant 1 : i32
      %eq3A_185 = arith.cmpi eq, %arg0, %eq3A_184 : i32
      %convert_element_type3A_186 = arith.extui %eq3A_185 : i1 to i32
      %cond3A_187 = arith.constant 0 : i32
      %cond3A_188 = arith.cmpi ne, %convert_element_type3A_186, %cond3A_187 : i32
      scf.if %cond3A_188 {
        %dma_start3A = tpu.memref_slice %arg7[%mul3A_178] : memref<4000xi32, #tpu.memory_space<vmem>> -> memref<160xi32, #tpu.memory_space<vmem>>
        %dma_start3A_216 = arith.constant 0 : i32
        %dma_start3A_217 = arith.constant 0 : i32
        %dma_start3A_218 = tpu.memref_slice %arg3[%dma_start3A_216, %dma_start3A_217] : memref<10000x128xf32, #tpu.memory_space<hbm>> -> memref<10000x128xf32, #tpu.memory_space<hbm>>
        tpu.enqueue_indirect_dma source(%dma_start3A_218 : memref<10000x128xf32, #tpu.memory_space<hbm>>) target(%arg10 : memref<160x128xf32, #tpu.memory_space<vmem>>) offsets(%dma_start3A : memref<160xi32, #tpu.memory_space<vmem>>) semaphore(%arg13 : memref<!tpu.dma_semaphore, #tpu.memory_space<semaphore_mem>>)
      } else {
      }
      %mul3A_189 = arith.constant 160 : i32
      %mul3A_190 = arith.muli %mul3A_174, %mul3A_189 : i32
      %dma_wait3A_191 = tpu.memref_slice %arg7[%mul3A_190] : memref<4000xi32, #tpu.memory_space<vmem>> -> memref<160xi32, #tpu.memory_space<vmem>>
      %dma_wait3A_192 = arith.constant 0 : i32
      %dma_wait3A_193 = arith.constant 0 : i32
      %dma_wait3A_194 = tpu.memref_slice %arg2[%dma_wait3A_192, %dma_wait3A_193] : memref<10000x128xf32, #tpu.memory_space<hbm>> -> memref<10000x128xf32, #tpu.memory_space<hbm>>
      tpu.wait_indirect_dma semaphore(%arg12 : memref<!tpu.dma_semaphore, #tpu.memory_space<semaphore_mem>>) src(%dma_wait3A_194 : memref<10000x128xf32, #tpu.memory_space<hbm>>) dst(%arg9 : memref<160x128xf32, #tpu.memory_space<vmem>>)
      %mul3A_195 = arith.constant 160 : i32
      %mul3A_196 = arith.muli %mul3A_174, %mul3A_195 : i32
      "tpu.region"() ({
        %run_scoped3A = tpu.sem_alloc : memref<!tpu.dma_semaphore, #tpu.memory_space<semaphore_mem>>
        %dma_start3A = tpu.memref_slice %arg8[%mul3A_196] : memref<4000xi32, #tpu.memory_space<vmem>> -> memref<160xi32, #tpu.memory_space<vmem>>
        %dma_start3A_216 = arith.constant 0 : i32
        %dma_start3A_217 = arith.constant 0 : i32
        %dma_start3A_218 = tpu.memref_slice %arg11[%dma_start3A_216, %dma_start3A_217] : memref<10000x128xf32, #tpu.memory_space<vmem_shared>> -> memref<10000x128xf32, #tpu.memory_space<vmem_shared>>
        tpu.enqueue_indirect_dma source(%arg9 : memref<160x128xf32, #tpu.memory_space<vmem>>) target(%dma_start3A_218 : memref<10000x128xf32, #tpu.memory_space<vmem_shared>>) offsets(%dma_start3A : memref<160xi32, #tpu.memory_space<vmem>>) semaphore(%run_scoped3A : memref<!tpu.dma_semaphore, #tpu.memory_space<semaphore_mem>>) {add = true}
        %dma_wait3A_219 = tpu.memref_slice %arg8[%mul3A_196] : memref<4000xi32, #tpu.memory_space<vmem>> -> memref<160xi32, #tpu.memory_space<vmem>>
        %dma_wait3A_220 = arith.constant 0 : i32
        %dma_wait3A_221 = arith.constant 0 : i32
        %dma_wait3A_222 = tpu.memref_slice %arg11[%dma_wait3A_220, %dma_wait3A_221] : memref<10000x128xf32, #tpu.memory_space<vmem_shared>> -> memref<10000x128xf32, #tpu.memory_space<vmem_shared>>
        tpu.wait_indirect_dma semaphore(%run_scoped3A : memref<!tpu.dma_semaphore, #tpu.memory_space<semaphore_mem>>) src(%arg9 : memref<160x128xf32, #tpu.memory_space<vmem>>) dst(%dma_wait3A_222 : memref<10000x128xf32, #tpu.memory_space<vmem_shared>>)
        tpu.yield
      }) : () -> ()
      %add3A_197 = arith.constant 2 : i32
      %add3A_198 = arith.addi %mul3A_174, %add3A_197 : i32
      %lt3A = arith.constant 25 : i32
      %lt3A_199 = arith.cmpi slt, %add3A_198, %lt3A : i32
      %convert_element_type3A_200 = arith.extui %lt3A_199 : i1 to i32
      %cond3A_201 = arith.constant 0 : i32
      %cond3A_202 = arith.cmpi ne, %convert_element_type3A_200, %cond3A_201 : i32
      scf.if %cond3A_202 {
        %add3A_216 = arith.constant 2 : i32
        %add3A_217 = arith.addi %mul3A_174, %add3A_216 : i32
        %mul3A_218 = arith.constant 160 : i32
        %mul3A_219 = arith.muli %add3A_217, %mul3A_218 : i32
        %eq3A_220 = arith.constant 0 : i32
        %eq3A_221 = arith.cmpi eq, %arg0, %eq3A_220 : i32
        %convert_element_type3A_222 = arith.extui %eq3A_221 : i1 to i32
        %cond3A_223 = arith.constant 0 : i32
        %cond3A_224 = arith.cmpi ne, %convert_element_type3A_222, %cond3A_223 : i32
        scf.if %cond3A_224 {
          %dma_start3A = tpu.memref_slice %arg7[%mul3A_219] : memref<4000xi32, #tpu.memory_space<vmem>> -> memref<160xi32, #tpu.memory_space<vmem>>
          %dma_start3A_230 = arith.constant 0 : i32
          %dma_start3A_231 = arith.constant 0 : i32
          %dma_start3A_232 = tpu.memref_slice %arg2[%dma_start3A_230, %dma_start3A_231] : memref<10000x128xf32, #tpu.memory_space<hbm>> -> memref<10000x128xf32, #tpu.memory_space<hbm>>
          tpu.enqueue_indirect_dma source(%dma_start3A_232 : memref<10000x128xf32, #tpu.memory_space<hbm>>) target(%arg9 : memref<160x128xf32, #tpu.memory_space<vmem>>) offsets(%dma_start3A : memref<160xi32, #tpu.memory_space<vmem>>) semaphore(%arg12 : memref<!tpu.dma_semaphore, #tpu.memory_space<semaphore_mem>>)
        } else {
        }
        %eq3A_225 = arith.constant 1 : i32
        %eq3A_226 = arith.cmpi eq, %arg0, %eq3A_225 : i32
        %convert_element_type3A_227 = arith.extui %eq3A_226 : i1 to i32
        %cond3A_228 = arith.constant 0 : i32
        %cond3A_229 = arith.cmpi ne, %convert_element_type3A_227, %cond3A_228 : i32
        scf.if %cond3A_229 {
          %dma_start3A = tpu.memref_slice %arg7[%mul3A_219] : memref<4000xi32, #tpu.memory_space<vmem>> -> memref<160xi32, #tpu.memory_space<vmem>>
          %dma_start3A_230 = arith.constant 0 : i32
          %dma_start3A_231 = arith.constant 0 : i32
          %dma_start3A_232 = tpu.memref_slice %arg3[%dma_start3A_230, %dma_start3A_231] : memref<10000x128xf32, #tpu.memory_space<hbm>> -> memref<10000x128xf32, #tpu.memory_space<hbm>>
          tpu.enqueue_indirect_dma source(%dma_start3A_232 : memref<10000x128xf32, #tpu.memory_space<hbm>>) target(%arg9 : memref<160x128xf32, #tpu.memory_space<vmem>>) offsets(%dma_start3A : memref<160xi32, #tpu.memory_space<vmem>>) semaphore(%arg12 : memref<!tpu.dma_semaphore, #tpu.memory_space<semaphore_mem>>)
        } else {
        }
      } else {
      }
      %add3A_203 = arith.constant 1 : i32
      %add3A_204 = arith.addi %mul3A_174, %add3A_203 : i32
      %mul3A_205 = arith.constant 160 : i32
      %mul3A_206 = arith.muli %add3A_204, %mul3A_205 : i32
      %dma_wait3A_207 = tpu.memref_slice %arg7[%mul3A_206] : memref<4000xi32, #tpu.memory_space<vmem>> -> memref<160xi32, #tpu.memory_space<vmem>>
      %dma_wait3A_208 = arith.constant 0 : i32
      %dma_wait3A_209 = arith.constant 0 : i32
      %dma_wait3A_210 = tpu.memref_slice %arg2[%dma_wait3A_208, %dma_wait3A_209] : memref<10000x128xf32, #tpu.memory_space<hbm>> -> memref<10000x128xf32, #tpu.memory_space<hbm>>
      tpu.wait_indirect_dma semaphore(%arg13 : memref<!tpu.dma_semaphore, #tpu.memory_space<semaphore_mem>>) src(%dma_wait3A_210 : memref<10000x128xf32, #tpu.memory_space<hbm>>) dst(%arg10 : memref<160x128xf32, #tpu.memory_space<vmem>>)
      %add3A_211 = arith.constant 1 : i32
      %add3A_212 = arith.addi %mul3A_174, %add3A_211 : i32
      %mul3A_213 = arith.constant 160 : i32
      %mul3A_214 = arith.muli %add3A_212, %mul3A_213 : i32
      "tpu.region"() ({
        %run_scoped3A = tpu.sem_alloc : memref<!tpu.dma_semaphore, #tpu.memory_space<semaphore_mem>>
        %dma_start3A = tpu.memref_slice %arg8[%mul3A_214] : memref<4000xi32, #tpu.memory_space<vmem>> -> memref<160xi32, #tpu.memory_space<vmem>>
        %dma_start3A_216 = arith.constant 0 : i32
        %dma_start3A_217 = arith.constant 0 : i32
        %dma_start3A_218 = tpu.memref_slice %arg11[%dma_start3A_216, %dma_start3A_217] : memref<10000x128xf32, #tpu.memory_space<vmem_shared>> -> memref<10000x128xf32, #tpu.memory_space<vmem_shared>>
        tpu.enqueue_indirect_dma source(%arg10 : memref<160x128xf32, #tpu.memory_space<vmem>>) target(%dma_start3A_218 : memref<10000x128xf32, #tpu.memory_space<vmem_shared>>) offsets(%dma_start3A : memref<160xi32, #tpu.memory_space<vmem>>) semaphore(%run_scoped3A : memref<!tpu.dma_semaphore, #tpu.memory_space<semaphore_mem>>) {add = true}
        %dma_wait3A_219 = tpu.memref_slice %arg8[%mul3A_214] : memref<4000xi32, #tpu.memory_space<vmem>> -> memref<160xi32, #tpu.memory_space<vmem>>
        %dma_wait3A_220 = arith.constant 0 : i32
        %dma_wait3A_221 = arith.constant 0 : i32
        %dma_wait3A_222 = tpu.memref_slice %arg11[%dma_wait3A_220, %dma_wait3A_221] : memref<10000x128xf32, #tpu.memory_space<vmem_shared>> -> memref<10000x128xf32, #tpu.memory_space<vmem_shared>>
        tpu.wait_indirect_dma semaphore(%run_scoped3A : memref<!tpu.dma_semaphore, #tpu.memory_space<semaphore_mem>>) src(%arg10 : memref<160x128xf32, #tpu.memory_space<vmem>>) dst(%dma_wait3A_222 : memref<10000x128xf32, #tpu.memory_space<vmem_shared>>)
        tpu.yield
      }) : () -> ()
      %scan3A_215 = arith.constant 0 : i32
      scf.yield %scan3A_215 : i32
    }
    %scan3A_126 = arith.constant 12 : i32
    %dma_wait3A_127 = arith.constant 3840 : i32
    %dma_wait3A_128 = tpu.memref_slice %arg7[%dma_wait3A_127] : memref<4000xi32, #tpu.memory_space<vmem>> -> memref<160xi32, #tpu.memory_space<vmem>>
    %dma_wait3A_129 = arith.constant 0 : i32
    %dma_wait3A_130 = arith.constant 0 : i32
    %dma_wait3A_131 = tpu.memref_slice %arg2[%dma_wait3A_129, %dma_wait3A_130] : memref<10000x128xf32, #tpu.memory_space<hbm>> -> memref<10000x128xf32, #tpu.memory_space<hbm>>
    tpu.wait_indirect_dma semaphore(%arg12 : memref<!tpu.dma_semaphore, #tpu.memory_space<semaphore_mem>>) src(%dma_wait3A_131 : memref<10000x128xf32, #tpu.memory_space<hbm>>) dst(%arg9 : memref<160x128xf32, #tpu.memory_space<vmem>>)
    "tpu.region"() ({
      %run_scoped3A = tpu.sem_alloc : memref<!tpu.dma_semaphore, #tpu.memory_space<semaphore_mem>>
      %dma_start3A = arith.constant 3840 : i32
      %dma_start3A_171 = tpu.memref_slice %arg8[%dma_start3A] : memref<4000xi32, #tpu.memory_space<vmem>> -> memref<160xi32, #tpu.memory_space<vmem>>
      %dma_start3A_172 = arith.constant 0 : i32
      %dma_start3A_173 = arith.constant 0 : i32
      %dma_start3A_174 = tpu.memref_slice %arg11[%dma_start3A_172, %dma_start3A_173] : memref<10000x128xf32, #tpu.memory_space<vmem_shared>> -> memref<10000x128xf32, #tpu.memory_space<vmem_shared>>
      tpu.enqueue_indirect_dma source(%arg9 : memref<160x128xf32, #tpu.memory_space<vmem>>) target(%dma_start3A_174 : memref<10000x128xf32, #tpu.memory_space<vmem_shared>>) offsets(%dma_start3A_171 : memref<160xi32, #tpu.memory_space<vmem>>) semaphore(%run_scoped3A : memref<!tpu.dma_semaphore, #tpu.memory_space<semaphore_mem>>) {add = true}
      %dma_wait3A_175 = arith.constant 3840 : i32
      %dma_wait3A_176 = tpu.memref_slice %arg8[%dma_wait3A_175] : memref<4000xi32, #tpu.memory_space<vmem>> -> memref<160xi32, #tpu.memory_space<vmem>>
      %dma_wait3A_177 = arith.constant 0 : i32
      %dma_wait3A_178 = arith.constant 0 : i32
      %dma_wait3A_179 = tpu.memref_slice %arg11[%dma_wait3A_177, %dma_wait3A_178] : memref<10000x128xf32, #tpu.memory_space<vmem_shared>> -> memref<10000x128xf32, #tpu.memory_space<vmem_shared>>
      tpu.wait_indirect_dma semaphore(%run_scoped3A : memref<!tpu.dma_semaphore, #tpu.memory_space<semaphore_mem>>) src(%arg9 : memref<160x128xf32, #tpu.memory_space<vmem>>) dst(%dma_wait3A_179 : memref<10000x128xf32, #tpu.memory_space<vmem_shared>>)
      tpu.yield
    }) : () -> ()
    %mul3A_132 = arith.constant 20000 : i32
    %mul3A_133 = arith.muli %arg1, %mul3A_132 : i32
    %add3A_134 = arith.constant 16000 : i32
    %add3A_135 = arith.addi %mul3A_133, %add3A_134 : i32
    "tpu.region"() ({
      %run_scoped3A = tpu.sem_alloc : memref<!tpu.dma_semaphore, #tpu.memory_space<semaphore_mem>>
      %dma_start3A = tpu.memref_slice %arg4[%add3A_135] : memref<320000xi32, #tpu.memory_space<hbm>> -> memref<4000xi32, #tpu.memory_space<hbm>>
      %dma_start3A_171 = tpu.memref_slice %arg4[%add3A_135] : memref<320000xi32, #tpu.memory_space<hbm>> -> memref<4000xi32, #tpu.memory_space<hbm>>
      tpu.enqueue_dma source(%dma_start3A_171 : memref<4000xi32, #tpu.memory_space<hbm>>) target(%arg7 : memref<4000xi32, #tpu.memory_space<vmem>>) target_semaphore(%run_scoped3A : memref<!tpu.dma_semaphore, #tpu.memory_space<semaphore_mem>>)
      %dma_wait3A_172 = tpu.memref_slice %arg4[%add3A_135] : memref<320000xi32, #tpu.memory_space<hbm>> -> memref<4000xi32, #tpu.memory_space<hbm>>
      %dma_wait3A_173 = tpu.memref_slice %arg4[%add3A_135] : memref<320000xi32, #tpu.memory_space<hbm>> -> memref<4000xi32, #tpu.memory_space<hbm>>
      tpu.wait_dma2 semaphore(%run_scoped3A : memref<!tpu.dma_semaphore, #tpu.memory_space<semaphore_mem>>) src(%dma_wait3A_173 : memref<4000xi32, #tpu.memory_space<hbm>>) dst(%arg7 : memref<4000xi32, #tpu.memory_space<vmem>>)
      tpu.yield
    }) : () -> ()
    %mul3A_136 = arith.constant 20000 : i32
    %mul3A_137 = arith.muli %arg1, %mul3A_136 : i32
    %add3A_138 = arith.constant 16000 : i32
    %add3A_139 = arith.addi %mul3A_137, %add3A_138 : i32
    "tpu.region"() ({
      %run_scoped3A = tpu.sem_alloc : memref<!tpu.dma_semaphore, #tpu.memory_space<semaphore_mem>>
      %dma_start3A = tpu.memref_slice %arg5[%add3A_139] : memref<320000xi32, #tpu.memory_space<hbm>> -> memref<4000xi32, #tpu.memory_space<hbm>>
      %dma_start3A_171 = tpu.memref_slice %arg5[%add3A_139] : memref<320000xi32, #tpu.memory_space<hbm>> -> memref<4000xi32, #tpu.memory_space<hbm>>
      tpu.enqueue_dma source(%dma_start3A_171 : memref<4000xi32, #tpu.memory_space<hbm>>) target(%arg8 : memref<4000xi32, #tpu.memory_space<vmem>>) target_semaphore(%run_scoped3A : memref<!tpu.dma_semaphore, #tpu.memory_space<semaphore_mem>>)
      %dma_wait3A_172 = tpu.memref_slice %arg5[%add3A_139] : memref<320000xi32, #tpu.memory_space<hbm>> -> memref<4000xi32, #tpu.memory_space<hbm>>
      %dma_wait3A_173 = tpu.memref_slice %arg5[%add3A_139] : memref<320000xi32, #tpu.memory_space<hbm>> -> memref<4000xi32, #tpu.memory_space<hbm>>
      tpu.wait_dma2 semaphore(%run_scoped3A : memref<!tpu.dma_semaphore, #tpu.memory_space<semaphore_mem>>) src(%dma_wait3A_173 : memref<4000xi32, #tpu.memory_space<hbm>>) dst(%arg8 : memref<4000xi32, #tpu.memory_space<vmem>>)
      tpu.yield
    }) : () -> ()
    %eq3A_140 = arith.constant 0 : i32
    %eq3A_141 = arith.cmpi eq, %arg0, %eq3A_140 : i32
    %convert_element_type3A_142 = arith.extui %eq3A_141 : i1 to i32
    %cond3A_143 = arith.constant 0 : i32
    %cond3A_144 = arith.cmpi ne, %convert_element_type3A_142, %cond3A_143 : i32
    scf.if %cond3A_144 {
      %dma_start3A = arith.constant 0 : i32
      %dma_start3A_171 = tpu.memref_slice %arg7[%dma_start3A] : memref<4000xi32, #tpu.memory_space<vmem>> -> memref<160xi32, #tpu.memory_space<vmem>>
      %dma_start3A_172 = arith.constant 0 : i32
      %dma_start3A_173 = arith.constant 0 : i32
      %dma_start3A_174 = tpu.memref_slice %arg2[%dma_start3A_172, %dma_start3A_173] : memref<10000x128xf32, #tpu.memory_space<hbm>> -> memref<10000x128xf32, #tpu.memory_space<hbm>>
      tpu.enqueue_indirect_dma source(%dma_start3A_174 : memref<10000x128xf32, #tpu.memory_space<hbm>>) target(%arg9 : memref<160x128xf32, #tpu.memory_space<vmem>>) offsets(%dma_start3A_171 : memref<160xi32, #tpu.memory_space<vmem>>) semaphore(%arg12 : memref<!tpu.dma_semaphore, #tpu.memory_space<semaphore_mem>>)
    } else {
    }
    %eq3A_145 = arith.constant 1 : i32
    %eq3A_146 = arith.cmpi eq, %arg0, %eq3A_145 : i32
    %convert_element_type3A_147 = arith.extui %eq3A_146 : i1 to i32
    %cond3A_148 = arith.constant 0 : i32
    %cond3A_149 = arith.cmpi ne, %convert_element_type3A_147, %cond3A_148 : i32
    scf.if %cond3A_149 {
      %dma_start3A = arith.constant 0 : i32
      %dma_start3A_171 = tpu.memref_slice %arg7[%dma_start3A] : memref<4000xi32, #tpu.memory_space<vmem>> -> memref<160xi32, #tpu.memory_space<vmem>>
      %dma_start3A_172 = arith.constant 0 : i32
      %dma_start3A_173 = arith.constant 0 : i32
      %dma_start3A_174 = tpu.memref_slice %arg3[%dma_start3A_172, %dma_start3A_173] : memref<10000x128xf32, #tpu.memory_space<hbm>> -> memref<10000x128xf32, #tpu.memory_space<hbm>>
      tpu.enqueue_indirect_dma source(%dma_start3A_174 : memref<10000x128xf32, #tpu.memory_space<hbm>>) target(%arg9 : memref<160x128xf32, #tpu.memory_space<vmem>>) offsets(%dma_start3A_171 : memref<160xi32, #tpu.memory_space<vmem>>) semaphore(%arg12 : memref<!tpu.dma_semaphore, #tpu.memory_space<semaphore_mem>>)
    } else {
    }
    %scan3A_150 = arith.constant 0 : i32
    %scan3A_151 = arith.constant 0 : i32
    %scan3A_152 = arith.constant 12 : i32
    %scan3A_153 = arith.addi %scan3A_151, %scan3A_152 : i32
    %scan3A_154 = arith.constant 1 : i32
    %scan3A_155 = scf.for %scan3A_171 = %scan3A_151 to %scan3A_153 step %scan3A_154 iter_args(%scan3A_172 = %scan3A_150) -> (i32)  : i32 {
      %mul3A_173 = arith.constant 2 : i32
      %mul3A_174 = arith.muli %scan3A_171, %mul3A_173 : i32
      %add3A_175 = arith.constant 1 : i32
      %add3A_176 = arith.addi %mul3A_174, %add3A_175 : i32
      %mul3A_177 = arith.constant 160 : i32
      %mul3A_178 = arith.muli %add3A_176, %mul3A_177 : i32
      %eq3A_179 = arith.constant 0 : i32
      %eq3A_180 = arith.cmpi eq, %arg0, %eq3A_179 : i32
      %convert_element_type3A_181 = arith.extui %eq3A_180 : i1 to i32
      %cond3A_182 = arith.constant 0 : i32
      %cond3A_183 = arith.cmpi ne, %convert_element_type3A_181, %cond3A_182 : i32
      scf.if %cond3A_183 {
        %dma_start3A = tpu.memref_slice %arg7[%mul3A_178] : memref<4000xi32, #tpu.memory_space<vmem>> -> memref<160xi32, #tpu.memory_space<vmem>>
        %dma_start3A_216 = arith.constant 0 : i32
        %dma_start3A_217 = arith.constant 0 : i32
        %dma_start3A_218 = tpu.memref_slice %arg2[%dma_start3A_216, %dma_start3A_217] : memref<10000x128xf32, #tpu.memory_space<hbm>> -> memref<10000x128xf32, #tpu.memory_space<hbm>>
        tpu.enqueue_indirect_dma source(%dma_start3A_218 : memref<10000x128xf32, #tpu.memory_space<hbm>>) target(%arg10 : memref<160x128xf32, #tpu.memory_space<vmem>>) offsets(%dma_start3A : memref<160xi32, #tpu.memory_space<vmem>>) semaphore(%arg13 : memref<!tpu.dma_semaphore, #tpu.memory_space<semaphore_mem>>)
      } else {
      }
      %eq3A_184 = arith.constant 1 : i32
      %eq3A_185 = arith.cmpi eq, %arg0, %eq3A_184 : i32
      %convert_element_type3A_186 = arith.extui %eq3A_185 : i1 to i32
      %cond3A_187 = arith.constant 0 : i32
      %cond3A_188 = arith.cmpi ne, %convert_element_type3A_186, %cond3A_187 : i32
      scf.if %cond3A_188 {
        %dma_start3A = tpu.memref_slice %arg7[%mul3A_178] : memref<4000xi32, #tpu.memory_space<vmem>> -> memref<160xi32, #tpu.memory_space<vmem>>
        %dma_start3A_216 = arith.constant 0 : i32
        %dma_start3A_217 = arith.constant 0 : i32
        %dma_start3A_218 = tpu.memref_slice %arg3[%dma_start3A_216, %dma_start3A_217] : memref<10000x128xf32, #tpu.memory_space<hbm>> -> memref<10000x128xf32, #tpu.memory_space<hbm>>
        tpu.enqueue_indirect_dma source(%dma_start3A_218 : memref<10000x128xf32, #tpu.memory_space<hbm>>) target(%arg10 : memref<160x128xf32, #tpu.memory_space<vmem>>) offsets(%dma_start3A : memref<160xi32, #tpu.memory_space<vmem>>) semaphore(%arg13 : memref<!tpu.dma_semaphore, #tpu.memory_space<semaphore_mem>>)
      } else {
      }
      %mul3A_189 = arith.constant 160 : i32
      %mul3A_190 = arith.muli %mul3A_174, %mul3A_189 : i32
      %dma_wait3A_191 = tpu.memref_slice %arg7[%mul3A_190] : memref<4000xi32, #tpu.memory_space<vmem>> -> memref<160xi32, #tpu.memory_space<vmem>>
      %dma_wait3A_192 = arith.constant 0 : i32
      %dma_wait3A_193 = arith.constant 0 : i32
      %dma_wait3A_194 = tpu.memref_slice %arg2[%dma_wait3A_192, %dma_wait3A_193] : memref<10000x128xf32, #tpu.memory_space<hbm>> -> memref<10000x128xf32, #tpu.memory_space<hbm>>
      tpu.wait_indirect_dma semaphore(%arg12 : memref<!tpu.dma_semaphore, #tpu.memory_space<semaphore_mem>>) src(%dma_wait3A_194 : memref<10000x128xf32, #tpu.memory_space<hbm>>) dst(%arg9 : memref<160x128xf32, #tpu.memory_space<vmem>>)
      %mul3A_195 = arith.constant 160 : i32
      %mul3A_196 = arith.muli %mul3A_174, %mul3A_195 : i32
      "tpu.region"() ({
        %run_scoped3A = tpu.sem_alloc : memref<!tpu.dma_semaphore, #tpu.memory_space<semaphore_mem>>
        %dma_start3A = tpu.memref_slice %arg8[%mul3A_196] : memref<4000xi32, #tpu.memory_space<vmem>> -> memref<160xi32, #tpu.memory_space<vmem>>
        %dma_start3A_216 = arith.constant 0 : i32
        %dma_start3A_217 = arith.constant 0 : i32
        %dma_start3A_218 = tpu.memref_slice %arg11[%dma_start3A_216, %dma_start3A_217] : memref<10000x128xf32, #tpu.memory_space<vmem_shared>> -> memref<10000x128xf32, #tpu.memory_space<vmem_shared>>
        tpu.enqueue_indirect_dma source(%arg9 : memref<160x128xf32, #tpu.memory_space<vmem>>) target(%dma_start3A_218 : memref<10000x128xf32, #tpu.memory_space<vmem_shared>>) offsets(%dma_start3A : memref<160xi32, #tpu.memory_space<vmem>>) semaphore(%run_scoped3A : memref<!tpu.dma_semaphore, #tpu.memory_space<semaphore_mem>>) {add = true}
        %dma_wait3A_219 = tpu.memref_slice %arg8[%mul3A_196] : memref<4000xi32, #tpu.memory_space<vmem>> -> memref<160xi32, #tpu.memory_space<vmem>>
        %dma_wait3A_220 = arith.constant 0 : i32
        %dma_wait3A_221 = arith.constant 0 : i32
        %dma_wait3A_222 = tpu.memref_slice %arg11[%dma_wait3A_220, %dma_wait3A_221] : memref<10000x128xf32, #tpu.memory_space<vmem_shared>> -> memref<10000x128xf32, #tpu.memory_space<vmem_shared>>
        tpu.wait_indirect_dma semaphore(%run_scoped3A : memref<!tpu.dma_semaphore, #tpu.memory_space<semaphore_mem>>) src(%arg9 : memref<160x128xf32, #tpu.memory_space<vmem>>) dst(%dma_wait3A_222 : memref<10000x128xf32, #tpu.memory_space<vmem_shared>>)
        tpu.yield
      }) : () -> ()
      %add3A_197 = arith.constant 2 : i32
      %add3A_198 = arith.addi %mul3A_174, %add3A_197 : i32
      %lt3A = arith.constant 25 : i32
      %lt3A_199 = arith.cmpi slt, %add3A_198, %lt3A : i32
      %convert_element_type3A_200 = arith.extui %lt3A_199 : i1 to i32
      %cond3A_201 = arith.constant 0 : i32
      %cond3A_202 = arith.cmpi ne, %convert_element_type3A_200, %cond3A_201 : i32
      scf.if %cond3A_202 {
        %add3A_216 = arith.constant 2 : i32
        %add3A_217 = arith.addi %mul3A_174, %add3A_216 : i32
        %mul3A_218 = arith.constant 160 : i32
        %mul3A_219 = arith.muli %add3A_217, %mul3A_218 : i32
        %eq3A_220 = arith.constant 0 : i32
        %eq3A_221 = arith.cmpi eq, %arg0, %eq3A_220 : i32
        %convert_element_type3A_222 = arith.extui %eq3A_221 : i1 to i32
        %cond3A_223 = arith.constant 0 : i32
        %cond3A_224 = arith.cmpi ne, %convert_element_type3A_222, %cond3A_223 : i32
        scf.if %cond3A_224 {
          %dma_start3A = tpu.memref_slice %arg7[%mul3A_219] : memref<4000xi32, #tpu.memory_space<vmem>> -> memref<160xi32, #tpu.memory_space<vmem>>
          %dma_start3A_230 = arith.constant 0 : i32
          %dma_start3A_231 = arith.constant 0 : i32
          %dma_start3A_232 = tpu.memref_slice %arg2[%dma_start3A_230, %dma_start3A_231] : memref<10000x128xf32, #tpu.memory_space<hbm>> -> memref<10000x128xf32, #tpu.memory_space<hbm>>
          tpu.enqueue_indirect_dma source(%dma_start3A_232 : memref<10000x128xf32, #tpu.memory_space<hbm>>) target(%arg9 : memref<160x128xf32, #tpu.memory_space<vmem>>) offsets(%dma_start3A : memref<160xi32, #tpu.memory_space<vmem>>) semaphore(%arg12 : memref<!tpu.dma_semaphore, #tpu.memory_space<semaphore_mem>>)
        } else {
        }
        %eq3A_225 = arith.constant 1 : i32
        %eq3A_226 = arith.cmpi eq, %arg0, %eq3A_225 : i32
        %convert_element_type3A_227 = arith.extui %eq3A_226 : i1 to i32
        %cond3A_228 = arith.constant 0 : i32
        %cond3A_229 = arith.cmpi ne, %convert_element_type3A_227, %cond3A_228 : i32
        scf.if %cond3A_229 {
          %dma_start3A = tpu.memref_slice %arg7[%mul3A_219] : memref<4000xi32, #tpu.memory_space<vmem>> -> memref<160xi32, #tpu.memory_space<vmem>>
          %dma_start3A_230 = arith.constant 0 : i32
          %dma_start3A_231 = arith.constant 0 : i32
          %dma_start3A_232 = tpu.memref_slice %arg3[%dma_start3A_230, %dma_start3A_231] : memref<10000x128xf32, #tpu.memory_space<hbm>> -> memref<10000x128xf32, #tpu.memory_space<hbm>>
          tpu.enqueue_indirect_dma source(%dma_start3A_232 : memref<10000x128xf32, #tpu.memory_space<hbm>>) target(%arg9 : memref<160x128xf32, #tpu.memory_space<vmem>>) offsets(%dma_start3A : memref<160xi32, #tpu.memory_space<vmem>>) semaphore(%arg12 : memref<!tpu.dma_semaphore, #tpu.memory_space<semaphore_mem>>)
        } else {
        }
      } else {
      }
      %add3A_203 = arith.constant 1 : i32
      %add3A_204 = arith.addi %mul3A_174, %add3A_203 : i32
      %mul3A_205 = arith.constant 160 : i32
      %mul3A_206 = arith.muli %add3A_204, %mul3A_205 : i32
      %dma_wait3A_207 = tpu.memref_slice %arg7[%mul3A_206] : memref<4000xi32, #tpu.memory_space<vmem>> -> memref<160xi32, #tpu.memory_space<vmem>>
      %dma_wait3A_208 = arith.constant 0 : i32
      %dma_wait3A_209 = arith.constant 0 : i32
      %dma_wait3A_210 = tpu.memref_slice %arg2[%dma_wait3A_208, %dma_wait3A_209] : memref<10000x128xf32, #tpu.memory_space<hbm>> -> memref<10000x128xf32, #tpu.memory_space<hbm>>
      tpu.wait_indirect_dma semaphore(%arg13 : memref<!tpu.dma_semaphore, #tpu.memory_space<semaphore_mem>>) src(%dma_wait3A_210 : memref<10000x128xf32, #tpu.memory_space<hbm>>) dst(%arg10 : memref<160x128xf32, #tpu.memory_space<vmem>>)
      %add3A_211 = arith.constant 1 : i32
      %add3A_212 = arith.addi %mul3A_174, %add3A_211 : i32
      %mul3A_213 = arith.constant 160 : i32
      %mul3A_214 = arith.muli %add3A_212, %mul3A_213 : i32
      "tpu.region"() ({
        %run_scoped3A = tpu.sem_alloc : memref<!tpu.dma_semaphore, #tpu.memory_space<semaphore_mem>>
        %dma_start3A = tpu.memref_slice %arg8[%mul3A_214] : memref<4000xi32, #tpu.memory_space<vmem>> -> memref<160xi32, #tpu.memory_space<vmem>>
        %dma_start3A_216 = arith.constant 0 : i32
        %dma_start3A_217 = arith.constant 0 : i32
        %dma_start3A_218 = tpu.memref_slice %arg11[%dma_start3A_216, %dma_start3A_217] : memref<10000x128xf32, #tpu.memory_space<vmem_shared>> -> memref<10000x128xf32, #tpu.memory_space<vmem_shared>>
        tpu.enqueue_indirect_dma source(%arg10 : memref<160x128xf32, #tpu.memory_space<vmem>>) target(%dma_start3A_218 : memref<10000x128xf32, #tpu.memory_space<vmem_shared>>) offsets(%dma_start3A : memref<160xi32, #tpu.memory_space<vmem>>) semaphore(%run_scoped3A : memref<!tpu.dma_semaphore, #tpu.memory_space<semaphore_mem>>) {add = true}
        %dma_wait3A_219 = tpu.memref_slice %arg8[%mul3A_214] : memref<4000xi32, #tpu.memory_space<vmem>> -> memref<160xi32, #tpu.memory_space<vmem>>
        %dma_wait3A_220 = arith.constant 0 : i32
        %dma_wait3A_221 = arith.constant 0 : i32
        %dma_wait3A_222 = tpu.memref_slice %arg11[%dma_wait3A_220, %dma_wait3A_221] : memref<10000x128xf32, #tpu.memory_space<vmem_shared>> -> memref<10000x128xf32, #tpu.memory_space<vmem_shared>>
        tpu.wait_indirect_dma semaphore(%run_scoped3A : memref<!tpu.dma_semaphore, #tpu.memory_space<semaphore_mem>>) src(%arg10 : memref<160x128xf32, #tpu.memory_space<vmem>>) dst(%dma_wait3A_222 : memref<10000x128xf32, #tpu.memory_space<vmem_shared>>)
        tpu.yield
      }) : () -> ()
      %scan3A_215 = arith.constant 0 : i32
      scf.yield %scan3A_215 : i32
    }
    %scan3A_156 = arith.constant 12 : i32
    %dma_wait3A_157 = arith.constant 3840 : i32
    %dma_wait3A_158 = tpu.memref_slice %arg7[%dma_wait3A_157] : memref<4000xi32, #tpu.memory_space<vmem>> -> memref<160xi32, #tpu.memory_space<vmem>>
    %dma_wait3A_159 = arith.constant 0 : i32
    %dma_wait3A_160 = arith.constant 0 : i32
    %dma_wait3A_161 = tpu.memref_slice %arg2[%dma_wait3A_159, %dma_wait3A_160] : memref<10000x128xf32, #tpu.memory_space<hbm>> -> memref<10000x128xf32, #tpu.memory_space<hbm>>
    tpu.wait_indirect_dma semaphore(%arg12 : memref<!tpu.dma_semaphore, #tpu.memory_space<semaphore_mem>>) src(%dma_wait3A_161 : memref<10000x128xf32, #tpu.memory_space<hbm>>) dst(%arg9 : memref<160x128xf32, #tpu.memory_space<vmem>>)
    "tpu.region"() ({
      %run_scoped3A = tpu.sem_alloc : memref<!tpu.dma_semaphore, #tpu.memory_space<semaphore_mem>>
      %dma_start3A = arith.constant 3840 : i32
      %dma_start3A_171 = tpu.memref_slice %arg8[%dma_start3A] : memref<4000xi32, #tpu.memory_space<vmem>> -> memref<160xi32, #tpu.memory_space<vmem>>
      %dma_start3A_172 = arith.constant 0 : i32
      %dma_start3A_173 = arith.constant 0 : i32
      %dma_start3A_174 = tpu.memref_slice %arg11[%dma_start3A_172, %dma_start3A_173] : memref<10000x128xf32, #tpu.memory_space<vmem_shared>> -> memref<10000x128xf32, #tpu.memory_space<vmem_shared>>
      tpu.enqueue_indirect_dma source(%arg9 : memref<160x128xf32, #tpu.memory_space<vmem>>) target(%dma_start3A_174 : memref<10000x128xf32, #tpu.memory_space<vmem_shared>>) offsets(%dma_start3A_171 : memref<160xi32, #tpu.memory_space<vmem>>) semaphore(%run_scoped3A : memref<!tpu.dma_semaphore, #tpu.memory_space<semaphore_mem>>) {add = true}
      %dma_wait3A_175 = arith.constant 3840 : i32
      %dma_wait3A_176 = tpu.memref_slice %arg8[%dma_wait3A_175] : memref<4000xi32, #tpu.memory_space<vmem>> -> memref<160xi32, #tpu.memory_space<vmem>>
      %dma_wait3A_177 = arith.constant 0 : i32
      %dma_wait3A_178 = arith.constant 0 : i32
      %dma_wait3A_179 = tpu.memref_slice %arg11[%dma_wait3A_177, %dma_wait3A_178] : memref<10000x128xf32, #tpu.memory_space<vmem_shared>> -> memref<10000x128xf32, #tpu.memory_space<vmem_shared>>
      tpu.wait_indirect_dma semaphore(%run_scoped3A : memref<!tpu.dma_semaphore, #tpu.memory_space<semaphore_mem>>) src(%arg9 : memref<160x128xf32, #tpu.memory_space<vmem>>) dst(%dma_wait3A_179 : memref<10000x128xf32, #tpu.memory_space<vmem_shared>>)
      tpu.yield
    }) : () -> ()
    %barrier3A_162 = arith.constant 0 : index
    tpu.barrier barrier_id(%barrier3A_162)
    %mul3A_163 = arith.constant 624 : i32
    %mul3A_164 = arith.muli %arg1, %mul3A_163 : i32
    %add3A_165 = arith.addi %mul3A_0, %mul3A_164 : i32
    "tpu.region"() ({
      %run_scoped3A = tpu.sem_alloc : memref<!tpu.dma_semaphore, #tpu.memory_space<semaphore_mem>>
      %dma_start3A = arith.constant 0 : i32
      %dma_start3A_171 = tpu.memref_slice %arg6[%add3A_165, %dma_start3A] : memref<20000x128xf32, #tpu.memory_space<hbm>> -> memref<624x128xf32, #tpu.memory_space<hbm>>
      %dma_start3A_172 = arith.constant 0 : i32
      %dma_start3A_173 = tpu.memref_slice %arg11[%mul3A_164, %dma_start3A_172] : memref<10000x128xf32, #tpu.memory_space<vmem_shared>> -> memref<624x128xf32, #tpu.memory_space<vmem_shared>>
      tpu.enqueue_dma source(%dma_start3A_173 : memref<624x128xf32, #tpu.memory_space<vmem_shared>>) target(%dma_start3A_171 : memref<624x128xf32, #tpu.memory_space<hbm>>) target_semaphore(%run_scoped3A : memref<!tpu.dma_semaphore, #tpu.memory_space<semaphore_mem>>)
      %dma_wait3A_174 = arith.constant 0 : i32
      %dma_wait3A_175 = tpu.memref_slice %arg6[%add3A_165, %dma_wait3A_174] : memref<20000x128xf32, #tpu.memory_space<hbm>> -> memref<624x128xf32, #tpu.memory_space<hbm>>
      %dma_wait3A_176 = arith.constant 0 : i32
      %dma_wait3A_177 = tpu.memref_slice %arg11[%mul3A_164, %dma_wait3A_176] : memref<10000x128xf32, #tpu.memory_space<vmem_shared>> -> memref<624x128xf32, #tpu.memory_space<vmem_shared>>
      tpu.wait_dma2 semaphore(%run_scoped3A : memref<!tpu.dma_semaphore, #tpu.memory_space<semaphore_mem>>) src(%dma_wait3A_177 : memref<624x128xf32, #tpu.memory_space<vmem_shared>>) dst(%dma_wait3A_175 : memref<624x128xf32, #tpu.memory_space<hbm>>)
      tpu.yield
    }) : () -> ()
    %eq3A_166 = arith.constant 15 : i32
    %eq3A_167 = arith.cmpi eq, %arg1, %eq3A_166 : i32
    %convert_element_type3A_168 = arith.extui %eq3A_167 : i1 to i32
    %cond3A_169 = arith.constant 0 : i32
    %cond3A_170 = arith.cmpi ne, %convert_element_type3A_168, %cond3A_169 : i32
    scf.if %cond3A_170 {
      %add3A_171 = arith.constant 9984 : i32
      %add3A_172 = arith.addi %mul3A_0, %add3A_171 : i32
      "tpu.region"() ({
        %run_scoped3A = tpu.sem_alloc : memref<!tpu.dma_semaphore, #tpu.memory_space<semaphore_mem>>
        %dma_start3A = arith.constant 0 : i32
        %dma_start3A_173 = tpu.memref_slice %arg6[%add3A_172, %dma_start3A] : memref<20000x128xf32, #tpu.memory_space<hbm>> -> memref<16x128xf32, #tpu.memory_space<hbm>>
        %dma_start3A_174 = arith.constant 9984 : i32
        %dma_start3A_175 = arith.constant 0 : i32
        %dma_start3A_176 = tpu.memref_slice %arg11[%dma_start3A_174, %dma_start3A_175] : memref<10000x128xf32, #tpu.memory_space<vmem_shared>> -> memref<16x128xf32, #tpu.memory_space<vmem_shared>>
        tpu.enqueue_dma source(%dma_start3A_176 : memref<16x128xf32, #tpu.memory_space<vmem_shared>>) target(%dma_start3A_173 : memref<16x128xf32, #tpu.memory_space<hbm>>) target_semaphore(%run_scoped3A : memref<!tpu.dma_semaphore, #tpu.memory_space<semaphore_mem>>)
        %dma_wait3A_177 = arith.constant 0 : i32
        %dma_wait3A_178 = tpu.memref_slice %arg6[%add3A_172, %dma_wait3A_177] : memref<20000x128xf32, #tpu.memory_space<hbm>> -> memref<16x128xf32, #tpu.memory_space<hbm>>
        %dma_wait3A_179 = arith.constant 9984 : i32
        %dma_wait3A_180 = arith.constant 0 : i32
        %dma_wait3A_181 = tpu.memref_slice %arg11[%dma_wait3A_179, %dma_wait3A_180] : memref<10000x128xf32, #tpu.memory_space<vmem_shared>> -> memref<16x128xf32, #tpu.memory_space<vmem_shared>>
        tpu.wait_dma2 semaphore(%run_scoped3A : memref<!tpu.dma_semaphore, #tpu.memory_space<semaphore_mem>>) src(%dma_wait3A_181 : memref<16x128xf32, #tpu.memory_space<vmem_shared>>) dst(%dma_wait3A_178 : memref<16x128xf32, #tpu.memory_space<hbm>>)
        tpu.yield
      }) : () -> ()
    } else {
    }
    return
  }
}

#map = affine_map<(d0, d1) -> (0, 0)>
#map1 = affine_map<(d0, d1) -> (0)>
module attributes {stable_mosaic.version = 14 : i64} {
  func.func @agg(%arg0: i32, %arg1: i32, %arg2: memref<10000x128xf32, #tpu.memory_space<hbm>>, %arg3: memref<10000x128xf32, #tpu.memory_space<hbm>>, %arg4: memref<320000xi32, #tpu.memory_space<hbm>>, %arg5: memref<320000xi32, #tpu.memory_space<hbm>>, %arg6: memref<20000x128xf32, #tpu.memory_space<hbm>>, %arg7: memref<2000xi32, #tpu.memory_space<vmem>>, %arg8: memref<2000xi32, #tpu.memory_space<vmem>>, %arg9: memref<80x128xf32, #tpu.memory_space<vmem>>, %arg10: memref<80x128xf32, #tpu.memory_space<vmem>>, %arg11: memref<10000x128xf32, #tpu.memory_space<vmem_shared>>, %arg12: memref<!tpu.dma_semaphore, #tpu.memory_space<semaphore_mem>>, %arg13: memref<!tpu.dma_semaphore, #tpu.memory_space<semaphore_mem>>) attributes {dimension_semantics = [#tpu.dimension_semantics<core_parallel>, #tpu.dimension_semantics<subcore_parallel>], iteration_bounds = array<i64: 2, 16>, scalar_prefetch = 0 : i64, scratch_operands = 7 : i64, tpu.core_type = #tpu.core_type<sc_vector_subcore>, window_params = [{transform_indices = #map}, {transform_indices = #map}, {transform_indices = #map1}, {transform_indices = #map1}, {transform_indices = #map}]} {
    %mul3A = arith.constant 10000 : i32
    %mul3A_0 = arith.muli %arg0, %mul3A : i32
    %mul3A_1 = arith.constant 160000 : i32
    %mul3A_2 = arith.muli %arg0, %mul3A_1 : i32
    %mul3A_3 = arith.constant 10000 : i32
    %mul3A_4 = arith.muli %arg1, %mul3A_3 : i32
    %add3A = arith.addi %mul3A_2, %mul3A_4 : i32
    %add3A_5 = arith.constant 0 : i32
    %add3A_6 = arith.addi %add3A, %add3A_5 : i32
    "tpu.region"() ({
      %run_scoped3A = tpu.sem_alloc : memref<!tpu.dma_semaphore, #tpu.memory_space<semaphore_mem>>
      %dma_start3A = tpu.memref_slice %arg4[%add3A_6] : memref<320000xi32, #tpu.memory_space<hbm>> -> memref<2000xi32, #tpu.memory_space<hbm>>
      %dma_start3A_209 = tpu.memref_slice %arg4[%add3A_6] : memref<320000xi32, #tpu.memory_space<hbm>> -> memref<2000xi32, #tpu.memory_space<hbm>>
      tpu.enqueue_dma source(%dma_start3A_209 : memref<2000xi32, #tpu.memory_space<hbm>>) target(%arg7 : memref<2000xi32, #tpu.memory_space<vmem>>) target_semaphore(%run_scoped3A : memref<!tpu.dma_semaphore, #tpu.memory_space<semaphore_mem>>)
      %dma_wait3A_210 = tpu.memref_slice %arg4[%add3A_6] : memref<320000xi32, #tpu.memory_space<hbm>> -> memref<2000xi32, #tpu.memory_space<hbm>>
      %dma_wait3A_211 = tpu.memref_slice %arg4[%add3A_6] : memref<320000xi32, #tpu.memory_space<hbm>> -> memref<2000xi32, #tpu.memory_space<hbm>>
      tpu.wait_dma2 semaphore(%run_scoped3A : memref<!tpu.dma_semaphore, #tpu.memory_space<semaphore_mem>>) src(%dma_wait3A_211 : memref<2000xi32, #tpu.memory_space<hbm>>) dst(%arg7 : memref<2000xi32, #tpu.memory_space<vmem>>)
      tpu.yield
    }) : () -> ()
    %mul3A_7 = arith.constant 160000 : i32
    %mul3A_8 = arith.muli %arg0, %mul3A_7 : i32
    %mul3A_9 = arith.constant 10000 : i32
    %mul3A_10 = arith.muli %arg1, %mul3A_9 : i32
    %add3A_11 = arith.addi %mul3A_8, %mul3A_10 : i32
    %add3A_12 = arith.constant 0 : i32
    %add3A_13 = arith.addi %add3A_11, %add3A_12 : i32
    "tpu.region"() ({
      %run_scoped3A = tpu.sem_alloc : memref<!tpu.dma_semaphore, #tpu.memory_space<semaphore_mem>>
      %dma_start3A = tpu.memref_slice %arg5[%add3A_13] : memref<320000xi32, #tpu.memory_space<hbm>> -> memref<2000xi32, #tpu.memory_space<hbm>>
      %dma_start3A_209 = tpu.memref_slice %arg5[%add3A_13] : memref<320000xi32, #tpu.memory_space<hbm>> -> memref<2000xi32, #tpu.memory_space<hbm>>
      tpu.enqueue_dma source(%dma_start3A_209 : memref<2000xi32, #tpu.memory_space<hbm>>) target(%arg8 : memref<2000xi32, #tpu.memory_space<vmem>>) target_semaphore(%run_scoped3A : memref<!tpu.dma_semaphore, #tpu.memory_space<semaphore_mem>>)
      %dma_wait3A_210 = tpu.memref_slice %arg5[%add3A_13] : memref<320000xi32, #tpu.memory_space<hbm>> -> memref<2000xi32, #tpu.memory_space<hbm>>
      %dma_wait3A_211 = tpu.memref_slice %arg5[%add3A_13] : memref<320000xi32, #tpu.memory_space<hbm>> -> memref<2000xi32, #tpu.memory_space<hbm>>
      tpu.wait_dma2 semaphore(%run_scoped3A : memref<!tpu.dma_semaphore, #tpu.memory_space<semaphore_mem>>) src(%dma_wait3A_211 : memref<2000xi32, #tpu.memory_space<hbm>>) dst(%arg8 : memref<2000xi32, #tpu.memory_space<vmem>>)
      tpu.yield
    }) : () -> ()
    %eq3A = arith.constant 0 : i32
    %eq3A_14 = arith.cmpi eq, %arg0, %eq3A : i32
    %convert_element_type3A = arith.extui %eq3A_14 : i1 to i32
    %cond3A = arith.constant 0 : i32
    %cond3A_15 = arith.cmpi ne, %convert_element_type3A, %cond3A : i32
    scf.if %cond3A_15 {
      %dma_start3A = arith.constant 0 : i32
      %dma_start3A_209 = tpu.memref_slice %arg7[%dma_start3A] : memref<2000xi32, #tpu.memory_space<vmem>> -> memref<80xi32, #tpu.memory_space<vmem>>
      %dma_start3A_210 = arith.constant 0 : i32
      %dma_start3A_211 = arith.constant 0 : i32
      %dma_start3A_212 = tpu.memref_slice %arg2[%dma_start3A_210, %dma_start3A_211] : memref<10000x128xf32, #tpu.memory_space<hbm>> -> memref<10000x128xf32, #tpu.memory_space<hbm>>
      tpu.enqueue_indirect_dma source(%dma_start3A_212 : memref<10000x128xf32, #tpu.memory_space<hbm>>) target(%arg10 : memref<80x128xf32, #tpu.memory_space<vmem>>) offsets(%dma_start3A_209 : memref<80xi32, #tpu.memory_space<vmem>>) semaphore(%arg13 : memref<!tpu.dma_semaphore, #tpu.memory_space<semaphore_mem>>)
    } else {
    }
    %eq3A_16 = arith.constant 1 : i32
    %eq3A_17 = arith.cmpi eq, %arg0, %eq3A_16 : i32
    %convert_element_type3A_18 = arith.extui %eq3A_17 : i1 to i32
    %cond3A_19 = arith.constant 0 : i32
    %cond3A_20 = arith.cmpi ne, %convert_element_type3A_18, %cond3A_19 : i32
    scf.if %cond3A_20 {
      %dma_start3A = arith.constant 0 : i32
      %dma_start3A_209 = tpu.memref_slice %arg7[%dma_start3A] : memref<2000xi32, #tpu.memory_space<vmem>> -> memref<80xi32, #tpu.memory_space<vmem>>
      %dma_start3A_210 = arith.constant 0 : i32
      %dma_start3A_211 = arith.constant 0 : i32
      %dma_start3A_212 = tpu.memref_slice %arg3[%dma_start3A_210, %dma_start3A_211] : memref<10000x128xf32, #tpu.memory_space<hbm>> -> memref<10000x128xf32, #tpu.memory_space<hbm>>
      tpu.enqueue_indirect_dma source(%dma_start3A_212 : memref<10000x128xf32, #tpu.memory_space<hbm>>) target(%arg10 : memref<80x128xf32, #tpu.memory_space<vmem>>) offsets(%dma_start3A_209 : memref<80xi32, #tpu.memory_space<vmem>>) semaphore(%arg13 : memref<!tpu.dma_semaphore, #tpu.memory_space<semaphore_mem>>)
    } else {
    }
    %scan3A = arith.constant 0 : i32
    %scan3A_21 = arith.constant 0 : i32
    %scan3A_22 = arith.constant 80 : i32
    %scan3A_23 = arith.addi %scan3A_21, %scan3A_22 : i32
    %scan3A_24 = arith.constant 1 : i32
    %scan3A_25 = scf.for %scan3A_209 = %scan3A_21 to %scan3A_23 step %scan3A_24 iter_args(%scan3A_210 = %scan3A) -> (i32)  : i32 {
      %scan3A_211 = arith.constant 0 : i32
      %scan3A_212 = arith.constant 0 : i32
      %scan3A_213 = arith.constant 8 : i32
      %scan3A_214 = arith.addi %scan3A_212, %scan3A_213 : i32
      %scan3A_215 = arith.constant 1 : i32
      %scan3A_216 = scf.for %scan3A_218 = %scan3A_212 to %scan3A_214 step %scan3A_215 iter_args(%scan3A_219 = %scan3A_211) -> (i32)  : i32 {
        %broadcast_in_dim3A = arith.constant 0.000000e+00 : f32
        %broadcast_in_dim3A_220 = vector.broadcast %broadcast_in_dim3A : f32 to vector<16xf32>
        %mul3A_221 = arith.constant 16 : i32
        %mul3A_222 = arith.muli %scan3A_218, %mul3A_221 : i32
        %swap3A = arith.index_cast %scan3A_209 : i32 to index
        %swap3A_223 = arith.index_cast %mul3A_222 : i32 to index
        %swap3A_224 = tpu.vector_load %arg9[%swap3A, %swap3A_223] {strides = array<i32>} : memref<80x128xf32, #tpu.memory_space<vmem>>, vector<1x16xf32>,
        %swap3A_225 = vector.shape_cast %swap3A_224 : vector<1x16xf32> to vector<16xf32>
        %swap3A_226 = vector.shape_cast %broadcast_in_dim3A_220 : vector<16xf32> to vector<1x16xf32>
        tpu.vector_store %arg9[%swap3A, %swap3A_223], %swap3A_226 {strides = array<i32>} : memref<80x128xf32, #tpu.memory_space<vmem>>, vector<1x16xf32>,
        %scan3A_227 = arith.constant 0 : i32
        scf.yield %scan3A_227 : i32
      }
      %scan3A_217 = arith.constant 8 : i32
      scf.yield %scan3A_216 : i32
    }
    %scan3A_26 = arith.constant 80 : i32
    %mul3A_27 = arith.constant 625 : i32
    %mul3A_28 = arith.muli %arg1, %mul3A_27 : i32
    %add3A_29 = arith.constant 0 : i32
    %add3A_30 = arith.addi %mul3A_28, %add3A_29 : i32
    "tpu.region"() ({
      %run_scoped3A = tpu.sem_alloc : memref<!tpu.dma_semaphore, #tpu.memory_space<semaphore_mem>>
      %dma_start3A = arith.constant 0 : i32
      %dma_start3A_209 = tpu.memref_slice %arg11[%add3A_30, %dma_start3A] : memref<10000x128xf32, #tpu.memory_space<vmem_shared>> -> memref<80x128xf32, #tpu.memory_space<vmem_shared>>
      %dma_start3A_210 = arith.constant 0 : i32
      %dma_start3A_211 = tpu.memref_slice %arg11[%add3A_30, %dma_start3A_210] : memref<10000x128xf32, #tpu.memory_space<vmem_shared>> -> memref<80x128xf32, #tpu.memory_space<vmem_shared>>
      tpu.enqueue_dma source(%arg9 : memref<80x128xf32, #tpu.memory_space<vmem>>) target(%dma_start3A_211 : memref<80x128xf32, #tpu.memory_space<vmem_shared>>) target_semaphore(%run_scoped3A : memref<!tpu.dma_semaphore, #tpu.memory_space<semaphore_mem>>)
      %dma_wait3A_212 = arith.constant 0 : i32
      %dma_wait3A_213 = tpu.memref_slice %arg11[%add3A_30, %dma_wait3A_212] : memref<10000x128xf32, #tpu.memory_space<vmem_shared>> -> memref<80x128xf32, #tpu.memory_space<vmem_shared>>
      %dma_wait3A_214 = arith.constant 0 : i32
      %dma_wait3A_215 = tpu.memref_slice %arg11[%add3A_30, %dma_wait3A_214] : memref<10000x128xf32, #tpu.memory_space<vmem_shared>> -> memref<80x128xf32, #tpu.memory_space<vmem_shared>>
      tpu.wait_dma2 semaphore(%run_scoped3A : memref<!tpu.dma_semaphore, #tpu.memory_space<semaphore_mem>>) src(%arg9 : memref<80x128xf32, #tpu.memory_space<vmem>>) dst(%dma_wait3A_215 : memref<80x128xf32, #tpu.memory_space<vmem_shared>>)
      tpu.yield
    }) : () -> ()
    %add3A_31 = arith.constant 80 : i32
    %add3A_32 = arith.addi %mul3A_28, %add3A_31 : i32
    "tpu.region"() ({
      %run_scoped3A = tpu.sem_alloc : memref<!tpu.dma_semaphore, #tpu.memory_space<semaphore_mem>>
      %dma_start3A = arith.constant 0 : i32
      %dma_start3A_209 = tpu.memref_slice %arg11[%add3A_32, %dma_start3A] : memref<10000x128xf32, #tpu.memory_space<vmem_shared>> -> memref<80x128xf32, #tpu.memory_space<vmem_shared>>
      %dma_start3A_210 = arith.constant 0 : i32
      %dma_start3A_211 = tpu.memref_slice %arg11[%add3A_32, %dma_start3A_210] : memref<10000x128xf32, #tpu.memory_space<vmem_shared>> -> memref<80x128xf32, #tpu.memory_space<vmem_shared>>
      tpu.enqueue_dma source(%arg9 : memref<80x128xf32, #tpu.memory_space<vmem>>) target(%dma_start3A_211 : memref<80x128xf32, #tpu.memory_space<vmem_shared>>) target_semaphore(%run_scoped3A : memref<!tpu.dma_semaphore, #tpu.memory_space<semaphore_mem>>)
      %dma_wait3A_212 = arith.constant 0 : i32
      %dma_wait3A_213 = tpu.memref_slice %arg11[%add3A_32, %dma_wait3A_212] : memref<10000x128xf32, #tpu.memory_space<vmem_shared>> -> memref<80x128xf32, #tpu.memory_space<vmem_shared>>
      %dma_wait3A_214 = arith.constant 0 : i32
      %dma_wait3A_215 = tpu.memref_slice %arg11[%add3A_32, %dma_wait3A_214] : memref<10000x128xf32, #tpu.memory_space<vmem_shared>> -> memref<80x128xf32, #tpu.memory_space<vmem_shared>>
      tpu.wait_dma2 semaphore(%run_scoped3A : memref<!tpu.dma_semaphore, #tpu.memory_space<semaphore_mem>>) src(%arg9 : memref<80x128xf32, #tpu.memory_space<vmem>>) dst(%dma_wait3A_215 : memref<80x128xf32, #tpu.memory_space<vmem_shared>>)
      tpu.yield
    }) : () -> ()
    %add3A_33 = arith.constant 160 : i32
    %add3A_34 = arith.addi %mul3A_28, %add3A_33 : i32
    "tpu.region"() ({
      %run_scoped3A = tpu.sem_alloc : memref<!tpu.dma_semaphore, #tpu.memory_space<semaphore_mem>>
      %dma_start3A = arith.constant 0 : i32
      %dma_start3A_209 = tpu.memref_slice %arg11[%add3A_34, %dma_start3A] : memref<10000x128xf32, #tpu.memory_space<vmem_shared>> -> memref<80x128xf32, #tpu.memory_space<vmem_shared>>
      %dma_start3A_210 = arith.constant 0 : i32
      %dma_start3A_211 = tpu.memref_slice %arg11[%add3A_34, %dma_start3A_210] : memref<10000x128xf32, #tpu.memory_space<vmem_shared>> -> memref<80x128xf32, #tpu.memory_space<vmem_shared>>
      tpu.enqueue_dma source(%arg9 : memref<80x128xf32, #tpu.memory_space<vmem>>) target(%dma_start3A_211 : memref<80x128xf32, #tpu.memory_space<vmem_shared>>) target_semaphore(%run_scoped3A : memref<!tpu.dma_semaphore, #tpu.memory_space<semaphore_mem>>)
      %dma_wait3A_212 = arith.constant 0 : i32
      %dma_wait3A_213 = tpu.memref_slice %arg11[%add3A_34, %dma_wait3A_212] : memref<10000x128xf32, #tpu.memory_space<vmem_shared>> -> memref<80x128xf32, #tpu.memory_space<vmem_shared>>
      %dma_wait3A_214 = arith.constant 0 : i32
      %dma_wait3A_215 = tpu.memref_slice %arg11[%add3A_34, %dma_wait3A_214] : memref<10000x128xf32, #tpu.memory_space<vmem_shared>> -> memref<80x128xf32, #tpu.memory_space<vmem_shared>>
      tpu.wait_dma2 semaphore(%run_scoped3A : memref<!tpu.dma_semaphore, #tpu.memory_space<semaphore_mem>>) src(%arg9 : memref<80x128xf32, #tpu.memory_space<vmem>>) dst(%dma_wait3A_215 : memref<80x128xf32, #tpu.memory_space<vmem_shared>>)
      tpu.yield
    }) : () -> ()
    %add3A_35 = arith.constant 240 : i32
    %add3A_36 = arith.addi %mul3A_28, %add3A_35 : i32
    "tpu.region"() ({
      %run_scoped3A = tpu.sem_alloc : memref<!tpu.dma_semaphore, #tpu.memory_space<semaphore_mem>>
      %dma_start3A = arith.constant 0 : i32
      %dma_start3A_209 = tpu.memref_slice %arg11[%add3A_36, %dma_start3A] : memref<10000x128xf32, #tpu.memory_space<vmem_shared>> -> memref<80x128xf32, #tpu.memory_space<vmem_shared>>
      %dma_start3A_210 = arith.constant 0 : i32
      %dma_start3A_211 = tpu.memref_slice %arg11[%add3A_36, %dma_start3A_210] : memref<10000x128xf32, #tpu.memory_space<vmem_shared>> -> memref<80x128xf32, #tpu.memory_space<vmem_shared>>
      tpu.enqueue_dma source(%arg9 : memref<80x128xf32, #tpu.memory_space<vmem>>) target(%dma_start3A_211 : memref<80x128xf32, #tpu.memory_space<vmem_shared>>) target_semaphore(%run_scoped3A : memref<!tpu.dma_semaphore, #tpu.memory_space<semaphore_mem>>)
      %dma_wait3A_212 = arith.constant 0 : i32
      %dma_wait3A_213 = tpu.memref_slice %arg11[%add3A_36, %dma_wait3A_212] : memref<10000x128xf32, #tpu.memory_space<vmem_shared>> -> memref<80x128xf32, #tpu.memory_space<vmem_shared>>
      %dma_wait3A_214 = arith.constant 0 : i32
      %dma_wait3A_215 = tpu.memref_slice %arg11[%add3A_36, %dma_wait3A_214] : memref<10000x128xf32, #tpu.memory_space<vmem_shared>> -> memref<80x128xf32, #tpu.memory_space<vmem_shared>>
      tpu.wait_dma2 semaphore(%run_scoped3A : memref<!tpu.dma_semaphore, #tpu.memory_space<semaphore_mem>>) src(%arg9 : memref<80x128xf32, #tpu.memory_space<vmem>>) dst(%dma_wait3A_215 : memref<80x128xf32, #tpu.memory_space<vmem_shared>>)
      tpu.yield
    }) : () -> ()
    %add3A_37 = arith.constant 320 : i32
    %add3A_38 = arith.addi %mul3A_28, %add3A_37 : i32
    "tpu.region"() ({
      %run_scoped3A = tpu.sem_alloc : memref<!tpu.dma_semaphore, #tpu.memory_space<semaphore_mem>>
      %dma_start3A = arith.constant 0 : i32
      %dma_start3A_209 = tpu.memref_slice %arg11[%add3A_38, %dma_start3A] : memref<10000x128xf32, #tpu.memory_space<vmem_shared>> -> memref<80x128xf32, #tpu.memory_space<vmem_shared>>
      %dma_start3A_210 = arith.constant 0 : i32
      %dma_start3A_211 = tpu.memref_slice %arg11[%add3A_38, %dma_start3A_210] : memref<10000x128xf32, #tpu.memory_space<vmem_shared>> -> memref<80x128xf32, #tpu.memory_space<vmem_shared>>
      tpu.enqueue_dma source(%arg9 : memref<80x128xf32, #tpu.memory_space<vmem>>) target(%dma_start3A_211 : memref<80x128xf32, #tpu.memory_space<vmem_shared>>) target_semaphore(%run_scoped3A : memref<!tpu.dma_semaphore, #tpu.memory_space<semaphore_mem>>)
      %dma_wait3A_212 = arith.constant 0 : i32
      %dma_wait3A_213 = tpu.memref_slice %arg11[%add3A_38, %dma_wait3A_212] : memref<10000x128xf32, #tpu.memory_space<vmem_shared>> -> memref<80x128xf32, #tpu.memory_space<vmem_shared>>
      %dma_wait3A_214 = arith.constant 0 : i32
      %dma_wait3A_215 = tpu.memref_slice %arg11[%add3A_38, %dma_wait3A_214] : memref<10000x128xf32, #tpu.memory_space<vmem_shared>> -> memref<80x128xf32, #tpu.memory_space<vmem_shared>>
      tpu.wait_dma2 semaphore(%run_scoped3A : memref<!tpu.dma_semaphore, #tpu.memory_space<semaphore_mem>>) src(%arg9 : memref<80x128xf32, #tpu.memory_space<vmem>>) dst(%dma_wait3A_215 : memref<80x128xf32, #tpu.memory_space<vmem_shared>>)
      tpu.yield
    }) : () -> ()
    %add3A_39 = arith.constant 400 : i32
    %add3A_40 = arith.addi %mul3A_28, %add3A_39 : i32
    "tpu.region"() ({
      %run_scoped3A = tpu.sem_alloc : memref<!tpu.dma_semaphore, #tpu.memory_space<semaphore_mem>>
      %dma_start3A = arith.constant 0 : i32
      %dma_start3A_209 = tpu.memref_slice %arg11[%add3A_40, %dma_start3A] : memref<10000x128xf32, #tpu.memory_space<vmem_shared>> -> memref<80x128xf32, #tpu.memory_space<vmem_shared>>
      %dma_start3A_210 = arith.constant 0 : i32
      %dma_start3A_211 = tpu.memref_slice %arg11[%add3A_40, %dma_start3A_210] : memref<10000x128xf32, #tpu.memory_space<vmem_shared>> -> memref<80x128xf32, #tpu.memory_space<vmem_shared>>
      tpu.enqueue_dma source(%arg9 : memref<80x128xf32, #tpu.memory_space<vmem>>) target(%dma_start3A_211 : memref<80x128xf32, #tpu.memory_space<vmem_shared>>) target_semaphore(%run_scoped3A : memref<!tpu.dma_semaphore, #tpu.memory_space<semaphore_mem>>)
      %dma_wait3A_212 = arith.constant 0 : i32
      %dma_wait3A_213 = tpu.memref_slice %arg11[%add3A_40, %dma_wait3A_212] : memref<10000x128xf32, #tpu.memory_space<vmem_shared>> -> memref<80x128xf32, #tpu.memory_space<vmem_shared>>
      %dma_wait3A_214 = arith.constant 0 : i32
      %dma_wait3A_215 = tpu.memref_slice %arg11[%add3A_40, %dma_wait3A_214] : memref<10000x128xf32, #tpu.memory_space<vmem_shared>> -> memref<80x128xf32, #tpu.memory_space<vmem_shared>>
      tpu.wait_dma2 semaphore(%run_scoped3A : memref<!tpu.dma_semaphore, #tpu.memory_space<semaphore_mem>>) src(%arg9 : memref<80x128xf32, #tpu.memory_space<vmem>>) dst(%dma_wait3A_215 : memref<80x128xf32, #tpu.memory_space<vmem_shared>>)
      tpu.yield
    }) : () -> ()
    %add3A_41 = arith.constant 480 : i32
    %add3A_42 = arith.addi %mul3A_28, %add3A_41 : i32
    "tpu.region"() ({
      %run_scoped3A = tpu.sem_alloc : memref<!tpu.dma_semaphore, #tpu.memory_space<semaphore_mem>>
      %dma_start3A = arith.constant 0 : i32
      %dma_start3A_209 = tpu.memref_slice %arg11[%add3A_42, %dma_start3A] : memref<10000x128xf32, #tpu.memory_space<vmem_shared>> -> memref<80x128xf32, #tpu.memory_space<vmem_shared>>
      %dma_start3A_210 = arith.constant 0 : i32
      %dma_start3A_211 = tpu.memref_slice %arg11[%add3A_42, %dma_start3A_210] : memref<10000x128xf32, #tpu.memory_space<vmem_shared>> -> memref<80x128xf32, #tpu.memory_space<vmem_shared>>
      tpu.enqueue_dma source(%arg9 : memref<80x128xf32, #tpu.memory_space<vmem>>) target(%dma_start3A_211 : memref<80x128xf32, #tpu.memory_space<vmem_shared>>) target_semaphore(%run_scoped3A : memref<!tpu.dma_semaphore, #tpu.memory_space<semaphore_mem>>)
      %dma_wait3A_212 = arith.constant 0 : i32
      %dma_wait3A_213 = tpu.memref_slice %arg11[%add3A_42, %dma_wait3A_212] : memref<10000x128xf32, #tpu.memory_space<vmem_shared>> -> memref<80x128xf32, #tpu.memory_space<vmem_shared>>
      %dma_wait3A_214 = arith.constant 0 : i32
      %dma_wait3A_215 = tpu.memref_slice %arg11[%add3A_42, %dma_wait3A_214] : memref<10000x128xf32, #tpu.memory_space<vmem_shared>> -> memref<80x128xf32, #tpu.memory_space<vmem_shared>>
      tpu.wait_dma2 semaphore(%run_scoped3A : memref<!tpu.dma_semaphore, #tpu.memory_space<semaphore_mem>>) src(%arg9 : memref<80x128xf32, #tpu.memory_space<vmem>>) dst(%dma_wait3A_215 : memref<80x128xf32, #tpu.memory_space<vmem_shared>>)
      tpu.yield
    }) : () -> ()
    %add3A_43 = arith.constant 560 : i32
    %add3A_44 = arith.addi %mul3A_28, %add3A_43 : i32
    "tpu.region"() ({
      %run_scoped3A = tpu.sem_alloc : memref<!tpu.dma_semaphore, #tpu.memory_space<semaphore_mem>>
      %dma_start3A = arith.constant 0 : i32
      %dma_start3A_209 = arith.constant 0 : i32
      %dma_start3A_210 = tpu.memref_slice %arg9[%dma_start3A, %dma_start3A_209] : memref<80x128xf32, #tpu.memory_space<vmem>> -> memref<65x128xf32, #tpu.memory_space<vmem>>
      %dma_start3A_211 = arith.constant 0 : i32
      %dma_start3A_212 = tpu.memref_slice %arg11[%add3A_44, %dma_start3A_211] : memref<10000x128xf32, #tpu.memory_space<vmem_shared>> -> memref<65x128xf32, #tpu.memory_space<vmem_shared>>
      %dma_start3A_213 = arith.constant 0 : i32
      %dma_start3A_214 = tpu.memref_slice %arg11[%add3A_44, %dma_start3A_213] : memref<10000x128xf32, #tpu.memory_space<vmem_shared>> -> memref<65x128xf32, #tpu.memory_space<vmem_shared>>
      %dma_start3A_215 = arith.constant 0 : i32
      %dma_start3A_216 = arith.constant 0 : i32
      %dma_start3A_217 = tpu.memref_slice %arg9[%dma_start3A_215, %dma_start3A_216] : memref<80x128xf32, #tpu.memory_space<vmem>> -> memref<65x128xf32, #tpu.memory_space<vmem>>
      tpu.enqueue_dma source(%dma_start3A_217 : memref<65x128xf32, #tpu.memory_space<vmem>>) target(%dma_start3A_214 : memref<65x128xf32, #tpu.memory_space<vmem_shared>>) target_semaphore(%run_scoped3A : memref<!tpu.dma_semaphore, #tpu.memory_space<semaphore_mem>>)
      %dma_wait3A_218 = arith.constant 0 : i32
      %dma_wait3A_219 = arith.constant 0 : i32
      %dma_wait3A_220 = tpu.memref_slice %arg9[%dma_wait3A_218, %dma_wait3A_219] : memref<80x128xf32, #tpu.memory_space<vmem>> -> memref<65x128xf32, #tpu.memory_space<vmem>>
      %dma_wait3A_221 = arith.constant 0 : i32
      %dma_wait3A_222 = tpu.memref_slice %arg11[%add3A_44, %dma_wait3A_221] : memref<10000x128xf32, #tpu.memory_space<vmem_shared>> -> memref<65x128xf32, #tpu.memory_space<vmem_shared>>
      %dma_wait3A_223 = arith.constant 0 : i32
      %dma_wait3A_224 = tpu.memref_slice %arg11[%add3A_44, %dma_wait3A_223] : memref<10000x128xf32, #tpu.memory_space<vmem_shared>> -> memref<65x128xf32, #tpu.memory_space<vmem_shared>>
      %dma_wait3A_225 = arith.constant 0 : i32
      %dma_wait3A_226 = arith.constant 0 : i32
      %dma_wait3A_227 = tpu.memref_slice %arg9[%dma_wait3A_225, %dma_wait3A_226] : memref<80x128xf32, #tpu.memory_space<vmem>> -> memref<65x128xf32, #tpu.memory_space<vmem>>
      tpu.wait_dma2 semaphore(%run_scoped3A : memref<!tpu.dma_semaphore, #tpu.memory_space<semaphore_mem>>) src(%dma_wait3A_227 : memref<65x128xf32, #tpu.memory_space<vmem>>) dst(%dma_wait3A_224 : memref<65x128xf32, #tpu.memory_space<vmem_shared>>)
      tpu.yield
    }) : () -> ()
    %barrier3A = arith.constant 0 : index
    tpu.barrier barrier_id(%barrier3A)
    %scan3A_45 = arith.constant 0 : i32
    %scan3A_46 = arith.constant 0 : i32
    %scan3A_47 = arith.constant 12 : i32
    %scan3A_48 = arith.addi %scan3A_46, %scan3A_47 : i32
    %scan3A_49 = arith.constant 1 : i32
    %scan3A_50 = scf.for %scan3A_209 = %scan3A_46 to %scan3A_48 step %scan3A_49 iter_args(%scan3A_210 = %scan3A_45) -> (i32)  : i32 {
      %mul3A_211 = arith.constant 2 : i32
      %mul3A_212 = arith.muli %scan3A_209, %mul3A_211 : i32
      %add3A_213 = arith.constant 1 : i32
      %add3A_214 = arith.addi %mul3A_212, %add3A_213 : i32
      %mul3A_215 = arith.constant 80 : i32
      %mul3A_216 = arith.muli %add3A_214, %mul3A_215 : i32
      %eq3A_217 = arith.constant 0 : i32
      %eq3A_218 = arith.cmpi eq, %arg0, %eq3A_217 : i32
      %convert_element_type3A_219 = arith.extui %eq3A_218 : i1 to i32
      %cond3A_220 = arith.constant 0 : i32
      %cond3A_221 = arith.cmpi ne, %convert_element_type3A_219, %cond3A_220 : i32
      scf.if %cond3A_221 {
        %dma_start3A = tpu.memref_slice %arg7[%mul3A_216] : memref<2000xi32, #tpu.memory_space<vmem>> -> memref<80xi32, #tpu.memory_space<vmem>>
        %dma_start3A_254 = arith.constant 0 : i32
        %dma_start3A_255 = arith.constant 0 : i32
        %dma_start3A_256 = tpu.memref_slice %arg2[%dma_start3A_254, %dma_start3A_255] : memref<10000x128xf32, #tpu.memory_space<hbm>> -> memref<10000x128xf32, #tpu.memory_space<hbm>>
        tpu.enqueue_indirect_dma source(%dma_start3A_256 : memref<10000x128xf32, #tpu.memory_space<hbm>>) target(%arg9 : memref<80x128xf32, #tpu.memory_space<vmem>>) offsets(%dma_start3A : memref<80xi32, #tpu.memory_space<vmem>>) semaphore(%arg12 : memref<!tpu.dma_semaphore, #tpu.memory_space<semaphore_mem>>)
      } else {
      }
      %eq3A_222 = arith.constant 1 : i32
      %eq3A_223 = arith.cmpi eq, %arg0, %eq3A_222 : i32
      %convert_element_type3A_224 = arith.extui %eq3A_223 : i1 to i32
      %cond3A_225 = arith.constant 0 : i32
      %cond3A_226 = arith.cmpi ne, %convert_element_type3A_224, %cond3A_225 : i32
      scf.if %cond3A_226 {
        %dma_start3A = tpu.memref_slice %arg7[%mul3A_216] : memref<2000xi32, #tpu.memory_space<vmem>> -> memref<80xi32, #tpu.memory_space<vmem>>
        %dma_start3A_254 = arith.constant 0 : i32
        %dma_start3A_255 = arith.constant 0 : i32
        %dma_start3A_256 = tpu.memref_slice %arg3[%dma_start3A_254, %dma_start3A_255] : memref<10000x128xf32, #tpu.memory_space<hbm>> -> memref<10000x128xf32, #tpu.memory_space<hbm>>
        tpu.enqueue_indirect_dma source(%dma_start3A_256 : memref<10000x128xf32, #tpu.memory_space<hbm>>) target(%arg9 : memref<80x128xf32, #tpu.memory_space<vmem>>) offsets(%dma_start3A : memref<80xi32, #tpu.memory_space<vmem>>) semaphore(%arg12 : memref<!tpu.dma_semaphore, #tpu.memory_space<semaphore_mem>>)
      } else {
      }
      %mul3A_227 = arith.constant 80 : i32
      %mul3A_228 = arith.muli %mul3A_212, %mul3A_227 : i32
      %dma_wait3A_229 = tpu.memref_slice %arg7[%mul3A_228] : memref<2000xi32, #tpu.memory_space<vmem>> -> memref<80xi32, #tpu.memory_space<vmem>>
      %dma_wait3A_230 = arith.constant 0 : i32
      %dma_wait3A_231 = arith.constant 0 : i32
      %dma_wait3A_232 = tpu.memref_slice %arg2[%dma_wait3A_230, %dma_wait3A_231] : memref<10000x128xf32, #tpu.memory_space<hbm>> -> memref<10000x128xf32, #tpu.memory_space<hbm>>
      tpu.wait_indirect_dma semaphore(%arg13 : memref<!tpu.dma_semaphore, #tpu.memory_space<semaphore_mem>>) src(%dma_wait3A_232 : memref<10000x128xf32, #tpu.memory_space<hbm>>) dst(%arg10 : memref<80x128xf32, #tpu.memory_space<vmem>>)
      %mul3A_233 = arith.constant 80 : i32
      %mul3A_234 = arith.muli %mul3A_212, %mul3A_233 : i32
      "tpu.region"() ({
        %run_scoped3A = tpu.sem_alloc : memref<!tpu.dma_semaphore, #tpu.memory_space<semaphore_mem>>
        %dma_start3A = tpu.memref_slice %arg8[%mul3A_234] : memref<2000xi32, #tpu.memory_space<vmem>> -> memref<80xi32, #tpu.memory_space<vmem>>
        %dma_start3A_254 = arith.constant 0 : i32
        %dma_start3A_255 = arith.constant 0 : i32
        %dma_start3A_256 = tpu.memref_slice %arg11[%dma_start3A_254, %dma_start3A_255] : memref<10000x128xf32, #tpu.memory_space<vmem_shared>> -> memref<10000x128xf32, #tpu.memory_space<vmem_shared>>
        tpu.enqueue_indirect_dma source(%arg10 : memref<80x128xf32, #tpu.memory_space<vmem>>) target(%dma_start3A_256 : memref<10000x128xf32, #tpu.memory_space<vmem_shared>>) offsets(%dma_start3A : memref<80xi32, #tpu.memory_space<vmem>>) semaphore(%run_scoped3A : memref<!tpu.dma_semaphore, #tpu.memory_space<semaphore_mem>>) {add = true}
        %dma_wait3A_257 = tpu.memref_slice %arg8[%mul3A_234] : memref<2000xi32, #tpu.memory_space<vmem>> -> memref<80xi32, #tpu.memory_space<vmem>>
        %dma_wait3A_258 = arith.constant 0 : i32
        %dma_wait3A_259 = arith.constant 0 : i32
        %dma_wait3A_260 = tpu.memref_slice %arg11[%dma_wait3A_258, %dma_wait3A_259] : memref<10000x128xf32, #tpu.memory_space<vmem_shared>> -> memref<10000x128xf32, #tpu.memory_space<vmem_shared>>
        tpu.wait_indirect_dma semaphore(%run_scoped3A : memref<!tpu.dma_semaphore, #tpu.memory_space<semaphore_mem>>) src(%arg10 : memref<80x128xf32, #tpu.memory_space<vmem>>) dst(%dma_wait3A_260 : memref<10000x128xf32, #tpu.memory_space<vmem_shared>>)
        tpu.yield
      }) : () -> ()
      %add3A_235 = arith.constant 2 : i32
      %add3A_236 = arith.addi %mul3A_212, %add3A_235 : i32
      %lt3A = arith.constant 25 : i32
      %lt3A_237 = arith.cmpi slt, %add3A_236, %lt3A : i32
      %convert_element_type3A_238 = arith.extui %lt3A_237 : i1 to i32
      %cond3A_239 = arith.constant 0 : i32
      %cond3A_240 = arith.cmpi ne, %convert_element_type3A_238, %cond3A_239 : i32
      scf.if %cond3A_240 {
        %add3A_254 = arith.constant 2 : i32
        %add3A_255 = arith.addi %mul3A_212, %add3A_254 : i32
        %mul3A_256 = arith.constant 80 : i32
        %mul3A_257 = arith.muli %add3A_255, %mul3A_256 : i32
        %eq3A_258 = arith.constant 0 : i32
        %eq3A_259 = arith.cmpi eq, %arg0, %eq3A_258 : i32
        %convert_element_type3A_260 = arith.extui %eq3A_259 : i1 to i32
        %cond3A_261 = arith.constant 0 : i32
        %cond3A_262 = arith.cmpi ne, %convert_element_type3A_260, %cond3A_261 : i32
        scf.if %cond3A_262 {
          %dma_start3A = tpu.memref_slice %arg7[%mul3A_257] : memref<2000xi32, #tpu.memory_space<vmem>> -> memref<80xi32, #tpu.memory_space<vmem>>
          %dma_start3A_268 = arith.constant 0 : i32
          %dma_start3A_269 = arith.constant 0 : i32
          %dma_start3A_270 = tpu.memref_slice %arg2[%dma_start3A_268, %dma_start3A_269] : memref<10000x128xf32, #tpu.memory_space<hbm>> -> memref<10000x128xf32, #tpu.memory_space<hbm>>
          tpu.enqueue_indirect_dma source(%dma_start3A_270 : memref<10000x128xf32, #tpu.memory_space<hbm>>) target(%arg10 : memref<80x128xf32, #tpu.memory_space<vmem>>) offsets(%dma_start3A : memref<80xi32, #tpu.memory_space<vmem>>) semaphore(%arg13 : memref<!tpu.dma_semaphore, #tpu.memory_space<semaphore_mem>>)
        } else {
        }
        %eq3A_263 = arith.constant 1 : i32
        %eq3A_264 = arith.cmpi eq, %arg0, %eq3A_263 : i32
        %convert_element_type3A_265 = arith.extui %eq3A_264 : i1 to i32
        %cond3A_266 = arith.constant 0 : i32
        %cond3A_267 = arith.cmpi ne, %convert_element_type3A_265, %cond3A_266 : i32
        scf.if %cond3A_267 {
          %dma_start3A = tpu.memref_slice %arg7[%mul3A_257] : memref<2000xi32, #tpu.memory_space<vmem>> -> memref<80xi32, #tpu.memory_space<vmem>>
          %dma_start3A_268 = arith.constant 0 : i32
          %dma_start3A_269 = arith.constant 0 : i32
          %dma_start3A_270 = tpu.memref_slice %arg3[%dma_start3A_268, %dma_start3A_269] : memref<10000x128xf32, #tpu.memory_space<hbm>> -> memref<10000x128xf32, #tpu.memory_space<hbm>>
          tpu.enqueue_indirect_dma source(%dma_start3A_270 : memref<10000x128xf32, #tpu.memory_space<hbm>>) target(%arg10 : memref<80x128xf32, #tpu.memory_space<vmem>>) offsets(%dma_start3A : memref<80xi32, #tpu.memory_space<vmem>>) semaphore(%arg13 : memref<!tpu.dma_semaphore, #tpu.memory_space<semaphore_mem>>)
        } else {
        }
      } else {
      }
      %add3A_241 = arith.constant 1 : i32
      %add3A_242 = arith.addi %mul3A_212, %add3A_241 : i32
      %mul3A_243 = arith.constant 80 : i32
      %mul3A_244 = arith.muli %add3A_242, %mul3A_243 : i32
      %dma_wait3A_245 = tpu.memref_slice %arg7[%mul3A_244] : memref<2000xi32, #tpu.memory_space<vmem>> -> memref<80xi32, #tpu.memory_space<vmem>>
      %dma_wait3A_246 = arith.constant 0 : i32
      %dma_wait3A_247 = arith.constant 0 : i32
      %dma_wait3A_248 = tpu.memref_slice %arg2[%dma_wait3A_246, %dma_wait3A_247] : memref<10000x128xf32, #tpu.memory_space<hbm>> -> memref<10000x128xf32, #tpu.memory_space<hbm>>
      tpu.wait_indirect_dma semaphore(%arg12 : memref<!tpu.dma_semaphore, #tpu.memory_space<semaphore_mem>>) src(%dma_wait3A_248 : memref<10000x128xf32, #tpu.memory_space<hbm>>) dst(%arg9 : memref<80x128xf32, #tpu.memory_space<vmem>>)
      %add3A_249 = arith.constant 1 : i32
      %add3A_250 = arith.addi %mul3A_212, %add3A_249 : i32
      %mul3A_251 = arith.constant 80 : i32
      %mul3A_252 = arith.muli %add3A_250, %mul3A_251 : i32
      "tpu.region"() ({
        %run_scoped3A = tpu.sem_alloc : memref<!tpu.dma_semaphore, #tpu.memory_space<semaphore_mem>>
        %dma_start3A = tpu.memref_slice %arg8[%mul3A_252] : memref<2000xi32, #tpu.memory_space<vmem>> -> memref<80xi32, #tpu.memory_space<vmem>>
        %dma_start3A_254 = arith.constant 0 : i32
        %dma_start3A_255 = arith.constant 0 : i32
        %dma_start3A_256 = tpu.memref_slice %arg11[%dma_start3A_254, %dma_start3A_255] : memref<10000x128xf32, #tpu.memory_space<vmem_shared>> -> memref<10000x128xf32, #tpu.memory_space<vmem_shared>>
        tpu.enqueue_indirect_dma source(%arg9 : memref<80x128xf32, #tpu.memory_space<vmem>>) target(%dma_start3A_256 : memref<10000x128xf32, #tpu.memory_space<vmem_shared>>) offsets(%dma_start3A : memref<80xi32, #tpu.memory_space<vmem>>) semaphore(%run_scoped3A : memref<!tpu.dma_semaphore, #tpu.memory_space<semaphore_mem>>) {add = true}
        %dma_wait3A_257 = tpu.memref_slice %arg8[%mul3A_252] : memref<2000xi32, #tpu.memory_space<vmem>> -> memref<80xi32, #tpu.memory_space<vmem>>
        %dma_wait3A_258 = arith.constant 0 : i32
        %dma_wait3A_259 = arith.constant 0 : i32
        %dma_wait3A_260 = tpu.memref_slice %arg11[%dma_wait3A_258, %dma_wait3A_259] : memref<10000x128xf32, #tpu.memory_space<vmem_shared>> -> memref<10000x128xf32, #tpu.memory_space<vmem_shared>>
        tpu.wait_indirect_dma semaphore(%run_scoped3A : memref<!tpu.dma_semaphore, #tpu.memory_space<semaphore_mem>>) src(%arg9 : memref<80x128xf32, #tpu.memory_space<vmem>>) dst(%dma_wait3A_260 : memref<10000x128xf32, #tpu.memory_space<vmem_shared>>)
        tpu.yield
      }) : () -> ()
      %scan3A_253 = arith.constant 0 : i32
      scf.yield %scan3A_253 : i32
    }
    %scan3A_51 = arith.constant 12 : i32
    %dma_wait3A = arith.constant 1920 : i32
    %dma_wait3A_52 = tpu.memref_slice %arg7[%dma_wait3A] : memref<2000xi32, #tpu.memory_space<vmem>> -> memref<80xi32, #tpu.memory_space<vmem>>
    %dma_wait3A_53 = arith.constant 0 : i32
    %dma_wait3A_54 = arith.constant 0 : i32
    %dma_wait3A_55 = tpu.memref_slice %arg2[%dma_wait3A_53, %dma_wait3A_54] : memref<10000x128xf32, #tpu.memory_space<hbm>> -> memref<10000x128xf32, #tpu.memory_space<hbm>>
    tpu.wait_indirect_dma semaphore(%arg13 : memref<!tpu.dma_semaphore, #tpu.memory_space<semaphore_mem>>) src(%dma_wait3A_55 : memref<10000x128xf32, #tpu.memory_space<hbm>>) dst(%arg10 : memref<80x128xf32, #tpu.memory_space<vmem>>)
    "tpu.region"() ({
      %run_scoped3A = tpu.sem_alloc : memref<!tpu.dma_semaphore, #tpu.memory_space<semaphore_mem>>
      %dma_start3A = arith.constant 1920 : i32
      %dma_start3A_209 = tpu.memref_slice %arg8[%dma_start3A] : memref<2000xi32, #tpu.memory_space<vmem>> -> memref<80xi32, #tpu.memory_space<vmem>>
      %dma_start3A_210 = arith.constant 0 : i32
      %dma_start3A_211 = arith.constant 0 : i32
      %dma_start3A_212 = tpu.memref_slice %arg11[%dma_start3A_210, %dma_start3A_211] : memref<10000x128xf32, #tpu.memory_space<vmem_shared>> -> memref<10000x128xf32, #tpu.memory_space<vmem_shared>>
      tpu.enqueue_indirect_dma source(%arg10 : memref<80x128xf32, #tpu.memory_space<vmem>>) target(%dma_start3A_212 : memref<10000x128xf32, #tpu.memory_space<vmem_shared>>) offsets(%dma_start3A_209 : memref<80xi32, #tpu.memory_space<vmem>>) semaphore(%run_scoped3A : memref<!tpu.dma_semaphore, #tpu.memory_space<semaphore_mem>>) {add = true}
      %dma_wait3A_213 = arith.constant 1920 : i32
      %dma_wait3A_214 = tpu.memref_slice %arg8[%dma_wait3A_213] : memref<2000xi32, #tpu.memory_space<vmem>> -> memref<80xi32, #tpu.memory_space<vmem>>
      %dma_wait3A_215 = arith.constant 0 : i32
      %dma_wait3A_216 = arith.constant 0 : i32
      %dma_wait3A_217 = tpu.memref_slice %arg11[%dma_wait3A_215, %dma_wait3A_216] : memref<10000x128xf32, #tpu.memory_space<vmem_shared>> -> memref<10000x128xf32, #tpu.memory_space<vmem_shared>>
      tpu.wait_indirect_dma semaphore(%run_scoped3A : memref<!tpu.dma_semaphore, #tpu.memory_space<semaphore_mem>>) src(%arg10 : memref<80x128xf32, #tpu.memory_space<vmem>>) dst(%dma_wait3A_217 : memref<10000x128xf32, #tpu.memory_space<vmem_shared>>)
      tpu.yield
    }) : () -> ()
    %mul3A_56 = arith.constant 160000 : i32
    %mul3A_57 = arith.muli %arg0, %mul3A_56 : i32
    %mul3A_58 = arith.constant 10000 : i32
    %mul3A_59 = arith.muli %arg1, %mul3A_58 : i32
    %add3A_60 = arith.addi %mul3A_57, %mul3A_59 : i32
    %add3A_61 = arith.constant 2000 : i32
    %add3A_62 = arith.addi %add3A_60, %add3A_61 : i32
    "tpu.region"() ({
      %run_scoped3A = tpu.sem_alloc : memref<!tpu.dma_semaphore, #tpu.memory_space<semaphore_mem>>
      %dma_start3A = tpu.memref_slice %arg4[%add3A_62] : memref<320000xi32, #tpu.memory_space<hbm>> -> memref<2000xi32, #tpu.memory_space<hbm>>
      %dma_start3A_209 = tpu.memref_slice %arg4[%add3A_62] : memref<320000xi32, #tpu.memory_space<hbm>> -> memref<2000xi32, #tpu.memory_space<hbm>>
      tpu.enqueue_dma source(%dma_start3A_209 : memref<2000xi32, #tpu.memory_space<hbm>>) target(%arg7 : memref<2000xi32, #tpu.memory_space<vmem>>) target_semaphore(%run_scoped3A : memref<!tpu.dma_semaphore, #tpu.memory_space<semaphore_mem>>)
      %dma_wait3A_210 = tpu.memref_slice %arg4[%add3A_62] : memref<320000xi32, #tpu.memory_space<hbm>> -> memref<2000xi32, #tpu.memory_space<hbm>>
      %dma_wait3A_211 = tpu.memref_slice %arg4[%add3A_62] : memref<320000xi32, #tpu.memory_space<hbm>> -> memref<2000xi32, #tpu.memory_space<hbm>>
      tpu.wait_dma2 semaphore(%run_scoped3A : memref<!tpu.dma_semaphore, #tpu.memory_space<semaphore_mem>>) src(%dma_wait3A_211 : memref<2000xi32, #tpu.memory_space<hbm>>) dst(%arg7 : memref<2000xi32, #tpu.memory_space<vmem>>)
      tpu.yield
    }) : () -> ()
    %mul3A_63 = arith.constant 160000 : i32
    %mul3A_64 = arith.muli %arg0, %mul3A_63 : i32
    %mul3A_65 = arith.constant 10000 : i32
    %mul3A_66 = arith.muli %arg1, %mul3A_65 : i32
    %add3A_67 = arith.addi %mul3A_64, %mul3A_66 : i32
    %add3A_68 = arith.constant 2000 : i32
    %add3A_69 = arith.addi %add3A_67, %add3A_68 : i32
    "tpu.region"() ({
      %run_scoped3A = tpu.sem_alloc : memref<!tpu.dma_semaphore, #tpu.memory_space<semaphore_mem>>
      %dma_start3A = tpu.memref_slice %arg5[%add3A_69] : memref<320000xi32, #tpu.memory_space<hbm>> -> memref<2000xi32, #tpu.memory_space<hbm>>
      %dma_start3A_209 = tpu.memref_slice %arg5[%add3A_69] : memref<320000xi32, #tpu.memory_space<hbm>> -> memref<2000xi32, #tpu.memory_space<hbm>>
      tpu.enqueue_dma source(%dma_start3A_209 : memref<2000xi32, #tpu.memory_space<hbm>>) target(%arg8 : memref<2000xi32, #tpu.memory_space<vmem>>) target_semaphore(%run_scoped3A : memref<!tpu.dma_semaphore, #tpu.memory_space<semaphore_mem>>)
      %dma_wait3A_210 = tpu.memref_slice %arg5[%add3A_69] : memref<320000xi32, #tpu.memory_space<hbm>> -> memref<2000xi32, #tpu.memory_space<hbm>>
      %dma_wait3A_211 = tpu.memref_slice %arg5[%add3A_69] : memref<320000xi32, #tpu.memory_space<hbm>> -> memref<2000xi32, #tpu.memory_space<hbm>>
      tpu.wait_dma2 semaphore(%run_scoped3A : memref<!tpu.dma_semaphore, #tpu.memory_space<semaphore_mem>>) src(%dma_wait3A_211 : memref<2000xi32, #tpu.memory_space<hbm>>) dst(%arg8 : memref<2000xi32, #tpu.memory_space<vmem>>)
      tpu.yield
    }) : () -> ()
    %eq3A_70 = arith.constant 0 : i32
    %eq3A_71 = arith.cmpi eq, %arg0, %eq3A_70 : i32
    %convert_element_type3A_72 = arith.extui %eq3A_71 : i1 to i32
    %cond3A_73 = arith.constant 0 : i32
    %cond3A_74 = arith.cmpi ne, %convert_element_type3A_72, %cond3A_73 : i32
    scf.if %cond3A_74 {
      %dma_start3A = arith.constant 0 : i32
      %dma_start3A_209 = tpu.memref_slice %arg7[%dma_start3A] : memref<2000xi32, #tpu.memory_space<vmem>> -> memref<80xi32, #tpu.memory_space<vmem>>
      %dma_start3A_210 = arith.constant 0 : i32
      %dma_start3A_211 = arith.constant 0 : i32
      %dma_start3A_212 = tpu.memref_slice %arg2[%dma_start3A_210, %dma_start3A_211] : memref<10000x128xf32, #tpu.memory_space<hbm>> -> memref<10000x128xf32, #tpu.memory_space<hbm>>
      tpu.enqueue_indirect_dma source(%dma_start3A_212 : memref<10000x128xf32, #tpu.memory_space<hbm>>) target(%arg9 : memref<80x128xf32, #tpu.memory_space<vmem>>) offsets(%dma_start3A_209 : memref<80xi32, #tpu.memory_space<vmem>>) semaphore(%arg12 : memref<!tpu.dma_semaphore, #tpu.memory_space<semaphore_mem>>)
    } else {
    }
    %eq3A_75 = arith.constant 1 : i32
    %eq3A_76 = arith.cmpi eq, %arg0, %eq3A_75 : i32
    %convert_element_type3A_77 = arith.extui %eq3A_76 : i1 to i32
    %cond3A_78 = arith.constant 0 : i32
    %cond3A_79 = arith.cmpi ne, %convert_element_type3A_77, %cond3A_78 : i32
    scf.if %cond3A_79 {
      %dma_start3A = arith.constant 0 : i32
      %dma_start3A_209 = tpu.memref_slice %arg7[%dma_start3A] : memref<2000xi32, #tpu.memory_space<vmem>> -> memref<80xi32, #tpu.memory_space<vmem>>
      %dma_start3A_210 = arith.constant 0 : i32
      %dma_start3A_211 = arith.constant 0 : i32
      %dma_start3A_212 = tpu.memref_slice %arg3[%dma_start3A_210, %dma_start3A_211] : memref<10000x128xf32, #tpu.memory_space<hbm>> -> memref<10000x128xf32, #tpu.memory_space<hbm>>
      tpu.enqueue_indirect_dma source(%dma_start3A_212 : memref<10000x128xf32, #tpu.memory_space<hbm>>) target(%arg9 : memref<80x128xf32, #tpu.memory_space<vmem>>) offsets(%dma_start3A_209 : memref<80xi32, #tpu.memory_space<vmem>>) semaphore(%arg12 : memref<!tpu.dma_semaphore, #tpu.memory_space<semaphore_mem>>)
    } else {
    }
    %scan3A_80 = arith.constant 0 : i32
    %scan3A_81 = arith.constant 0 : i32
    %scan3A_82 = arith.constant 12 : i32
    %scan3A_83 = arith.addi %scan3A_81, %scan3A_82 : i32
    %scan3A_84 = arith.constant 1 : i32
    %scan3A_85 = scf.for %scan3A_209 = %scan3A_81 to %scan3A_83 step %scan3A_84 iter_args(%scan3A_210 = %scan3A_80) -> (i32)  : i32 {
      %mul3A_211 = arith.constant 2 : i32
      %mul3A_212 = arith.muli %scan3A_209, %mul3A_211 : i32
      %add3A_213 = arith.constant 1 : i32
      %add3A_214 = arith.addi %mul3A_212, %add3A_213 : i32
      %mul3A_215 = arith.constant 80 : i32
      %mul3A_216 = arith.muli %add3A_214, %mul3A_215 : i32
      %eq3A_217 = arith.constant 0 : i32
      %eq3A_218 = arith.cmpi eq, %arg0, %eq3A_217 : i32
      %convert_element_type3A_219 = arith.extui %eq3A_218 : i1 to i32
      %cond3A_220 = arith.constant 0 : i32
      %cond3A_221 = arith.cmpi ne, %convert_element_type3A_219, %cond3A_220 : i32
      scf.if %cond3A_221 {
        %dma_start3A = tpu.memref_slice %arg7[%mul3A_216] : memref<2000xi32, #tpu.memory_space<vmem>> -> memref<80xi32, #tpu.memory_space<vmem>>
        %dma_start3A_254 = arith.constant 0 : i32
        %dma_start3A_255 = arith.constant 0 : i32
        %dma_start3A_256 = tpu.memref_slice %arg2[%dma_start3A_254, %dma_start3A_255] : memref<10000x128xf32, #tpu.memory_space<hbm>> -> memref<10000x128xf32, #tpu.memory_space<hbm>>
        tpu.enqueue_indirect_dma source(%dma_start3A_256 : memref<10000x128xf32, #tpu.memory_space<hbm>>) target(%arg10 : memref<80x128xf32, #tpu.memory_space<vmem>>) offsets(%dma_start3A : memref<80xi32, #tpu.memory_space<vmem>>) semaphore(%arg13 : memref<!tpu.dma_semaphore, #tpu.memory_space<semaphore_mem>>)
      } else {
      }
      %eq3A_222 = arith.constant 1 : i32
      %eq3A_223 = arith.cmpi eq, %arg0, %eq3A_222 : i32
      %convert_element_type3A_224 = arith.extui %eq3A_223 : i1 to i32
      %cond3A_225 = arith.constant 0 : i32
      %cond3A_226 = arith.cmpi ne, %convert_element_type3A_224, %cond3A_225 : i32
      scf.if %cond3A_226 {
        %dma_start3A = tpu.memref_slice %arg7[%mul3A_216] : memref<2000xi32, #tpu.memory_space<vmem>> -> memref<80xi32, #tpu.memory_space<vmem>>
        %dma_start3A_254 = arith.constant 0 : i32
        %dma_start3A_255 = arith.constant 0 : i32
        %dma_start3A_256 = tpu.memref_slice %arg3[%dma_start3A_254, %dma_start3A_255] : memref<10000x128xf32, #tpu.memory_space<hbm>> -> memref<10000x128xf32, #tpu.memory_space<hbm>>
        tpu.enqueue_indirect_dma source(%dma_start3A_256 : memref<10000x128xf32, #tpu.memory_space<hbm>>) target(%arg10 : memref<80x128xf32, #tpu.memory_space<vmem>>) offsets(%dma_start3A : memref<80xi32, #tpu.memory_space<vmem>>) semaphore(%arg13 : memref<!tpu.dma_semaphore, #tpu.memory_space<semaphore_mem>>)
      } else {
      }
      %mul3A_227 = arith.constant 80 : i32
      %mul3A_228 = arith.muli %mul3A_212, %mul3A_227 : i32
      %dma_wait3A_229 = tpu.memref_slice %arg7[%mul3A_228] : memref<2000xi32, #tpu.memory_space<vmem>> -> memref<80xi32, #tpu.memory_space<vmem>>
      %dma_wait3A_230 = arith.constant 0 : i32
      %dma_wait3A_231 = arith.constant 0 : i32
      %dma_wait3A_232 = tpu.memref_slice %arg2[%dma_wait3A_230, %dma_wait3A_231] : memref<10000x128xf32, #tpu.memory_space<hbm>> -> memref<10000x128xf32, #tpu.memory_space<hbm>>
      tpu.wait_indirect_dma semaphore(%arg12 : memref<!tpu.dma_semaphore, #tpu.memory_space<semaphore_mem>>) src(%dma_wait3A_232 : memref<10000x128xf32, #tpu.memory_space<hbm>>) dst(%arg9 : memref<80x128xf32, #tpu.memory_space<vmem>>)
      %mul3A_233 = arith.constant 80 : i32
      %mul3A_234 = arith.muli %mul3A_212, %mul3A_233 : i32
      "tpu.region"() ({
        %run_scoped3A = tpu.sem_alloc : memref<!tpu.dma_semaphore, #tpu.memory_space<semaphore_mem>>
        %dma_start3A = tpu.memref_slice %arg8[%mul3A_234] : memref<2000xi32, #tpu.memory_space<vmem>> -> memref<80xi32, #tpu.memory_space<vmem>>
        %dma_start3A_254 = arith.constant 0 : i32
        %dma_start3A_255 = arith.constant 0 : i32
        %dma_start3A_256 = tpu.memref_slice %arg11[%dma_start3A_254, %dma_start3A_255] : memref<10000x128xf32, #tpu.memory_space<vmem_shared>> -> memref<10000x128xf32, #tpu.memory_space<vmem_shared>>
        tpu.enqueue_indirect_dma source(%arg9 : memref<80x128xf32, #tpu.memory_space<vmem>>) target(%dma_start3A_256 : memref<10000x128xf32, #tpu.memory_space<vmem_shared>>) offsets(%dma_start3A : memref<80xi32, #tpu.memory_space<vmem>>) semaphore(%run_scoped3A : memref<!tpu.dma_semaphore, #tpu.memory_space<semaphore_mem>>) {add = true}
        %dma_wait3A_257 = tpu.memref_slice %arg8[%mul3A_234] : memref<2000xi32, #tpu.memory_space<vmem>> -> memref<80xi32, #tpu.memory_space<vmem>>
        %dma_wait3A_258 = arith.constant 0 : i32
        %dma_wait3A_259 = arith.constant 0 : i32
        %dma_wait3A_260 = tpu.memref_slice %arg11[%dma_wait3A_258, %dma_wait3A_259] : memref<10000x128xf32, #tpu.memory_space<vmem_shared>> -> memref<10000x128xf32, #tpu.memory_space<vmem_shared>>
        tpu.wait_indirect_dma semaphore(%run_scoped3A : memref<!tpu.dma_semaphore, #tpu.memory_space<semaphore_mem>>) src(%arg9 : memref<80x128xf32, #tpu.memory_space<vmem>>) dst(%dma_wait3A_260 : memref<10000x128xf32, #tpu.memory_space<vmem_shared>>)
        tpu.yield
      }) : () -> ()
      %add3A_235 = arith.constant 2 : i32
      %add3A_236 = arith.addi %mul3A_212, %add3A_235 : i32
      %lt3A = arith.constant 25 : i32
      %lt3A_237 = arith.cmpi slt, %add3A_236, %lt3A : i32
      %convert_element_type3A_238 = arith.extui %lt3A_237 : i1 to i32
      %cond3A_239 = arith.constant 0 : i32
      %cond3A_240 = arith.cmpi ne, %convert_element_type3A_238, %cond3A_239 : i32
      scf.if %cond3A_240 {
        %add3A_254 = arith.constant 2 : i32
        %add3A_255 = arith.addi %mul3A_212, %add3A_254 : i32
        %mul3A_256 = arith.constant 80 : i32
        %mul3A_257 = arith.muli %add3A_255, %mul3A_256 : i32
        %eq3A_258 = arith.constant 0 : i32
        %eq3A_259 = arith.cmpi eq, %arg0, %eq3A_258 : i32
        %convert_element_type3A_260 = arith.extui %eq3A_259 : i1 to i32
        %cond3A_261 = arith.constant 0 : i32
        %cond3A_262 = arith.cmpi ne, %convert_element_type3A_260, %cond3A_261 : i32
        scf.if %cond3A_262 {
          %dma_start3A = tpu.memref_slice %arg7[%mul3A_257] : memref<2000xi32, #tpu.memory_space<vmem>> -> memref<80xi32, #tpu.memory_space<vmem>>
          %dma_start3A_268 = arith.constant 0 : i32
          %dma_start3A_269 = arith.constant 0 : i32
          %dma_start3A_270 = tpu.memref_slice %arg2[%dma_start3A_268, %dma_start3A_269] : memref<10000x128xf32, #tpu.memory_space<hbm>> -> memref<10000x128xf32, #tpu.memory_space<hbm>>
          tpu.enqueue_indirect_dma source(%dma_start3A_270 : memref<10000x128xf32, #tpu.memory_space<hbm>>) target(%arg9 : memref<80x128xf32, #tpu.memory_space<vmem>>) offsets(%dma_start3A : memref<80xi32, #tpu.memory_space<vmem>>) semaphore(%arg12 : memref<!tpu.dma_semaphore, #tpu.memory_space<semaphore_mem>>)
        } else {
        }
        %eq3A_263 = arith.constant 1 : i32
        %eq3A_264 = arith.cmpi eq, %arg0, %eq3A_263 : i32
        %convert_element_type3A_265 = arith.extui %eq3A_264 : i1 to i32
        %cond3A_266 = arith.constant 0 : i32
        %cond3A_267 = arith.cmpi ne, %convert_element_type3A_265, %cond3A_266 : i32
        scf.if %cond3A_267 {
          %dma_start3A = tpu.memref_slice %arg7[%mul3A_257] : memref<2000xi32, #tpu.memory_space<vmem>> -> memref<80xi32, #tpu.memory_space<vmem>>
          %dma_start3A_268 = arith.constant 0 : i32
          %dma_start3A_269 = arith.constant 0 : i32
          %dma_start3A_270 = tpu.memref_slice %arg3[%dma_start3A_268, %dma_start3A_269] : memref<10000x128xf32, #tpu.memory_space<hbm>> -> memref<10000x128xf32, #tpu.memory_space<hbm>>
          tpu.enqueue_indirect_dma source(%dma_start3A_270 : memref<10000x128xf32, #tpu.memory_space<hbm>>) target(%arg9 : memref<80x128xf32, #tpu.memory_space<vmem>>) offsets(%dma_start3A : memref<80xi32, #tpu.memory_space<vmem>>) semaphore(%arg12 : memref<!tpu.dma_semaphore, #tpu.memory_space<semaphore_mem>>)
        } else {
        }
      } else {
      }
      %add3A_241 = arith.constant 1 : i32
      %add3A_242 = arith.addi %mul3A_212, %add3A_241 : i32
      %mul3A_243 = arith.constant 80 : i32
      %mul3A_244 = arith.muli %add3A_242, %mul3A_243 : i32
      %dma_wait3A_245 = tpu.memref_slice %arg7[%mul3A_244] : memref<2000xi32, #tpu.memory_space<vmem>> -> memref<80xi32, #tpu.memory_space<vmem>>
      %dma_wait3A_246 = arith.constant 0 : i32
      %dma_wait3A_247 = arith.constant 0 : i32
      %dma_wait3A_248 = tpu.memref_slice %arg2[%dma_wait3A_246, %dma_wait3A_247] : memref<10000x128xf32, #tpu.memory_space<hbm>> -> memref<10000x128xf32, #tpu.memory_space<hbm>>
      tpu.wait_indirect_dma semaphore(%arg13 : memref<!tpu.dma_semaphore, #tpu.memory_space<semaphore_mem>>) src(%dma_wait3A_248 : memref<10000x128xf32, #tpu.memory_space<hbm>>) dst(%arg10 : memref<80x128xf32, #tpu.memory_space<vmem>>)
      %add3A_249 = arith.constant 1 : i32
      %add3A_250 = arith.addi %mul3A_212, %add3A_249 : i32
      %mul3A_251 = arith.constant 80 : i32
      %mul3A_252 = arith.muli %add3A_250, %mul3A_251 : i32
      "tpu.region"() ({
        %run_scoped3A = tpu.sem_alloc : memref<!tpu.dma_semaphore, #tpu.memory_space<semaphore_mem>>
        %dma_start3A = tpu.memref_slice %arg8[%mul3A_252] : memref<2000xi32, #tpu.memory_space<vmem>> -> memref<80xi32, #tpu.memory_space<vmem>>
        %dma_start3A_254 = arith.constant 0 : i32
        %dma_start3A_255 = arith.constant 0 : i32
        %dma_start3A_256 = tpu.memref_slice %arg11[%dma_start3A_254, %dma_start3A_255] : memref<10000x128xf32, #tpu.memory_space<vmem_shared>> -> memref<10000x128xf32, #tpu.memory_space<vmem_shared>>
        tpu.enqueue_indirect_dma source(%arg10 : memref<80x128xf32, #tpu.memory_space<vmem>>) target(%dma_start3A_256 : memref<10000x128xf32, #tpu.memory_space<vmem_shared>>) offsets(%dma_start3A : memref<80xi32, #tpu.memory_space<vmem>>) semaphore(%run_scoped3A : memref<!tpu.dma_semaphore, #tpu.memory_space<semaphore_mem>>) {add = true}
        %dma_wait3A_257 = tpu.memref_slice %arg8[%mul3A_252] : memref<2000xi32, #tpu.memory_space<vmem>> -> memref<80xi32, #tpu.memory_space<vmem>>
        %dma_wait3A_258 = arith.constant 0 : i32
        %dma_wait3A_259 = arith.constant 0 : i32
        %dma_wait3A_260 = tpu.memref_slice %arg11[%dma_wait3A_258, %dma_wait3A_259] : memref<10000x128xf32, #tpu.memory_space<vmem_shared>> -> memref<10000x128xf32, #tpu.memory_space<vmem_shared>>
        tpu.wait_indirect_dma semaphore(%run_scoped3A : memref<!tpu.dma_semaphore, #tpu.memory_space<semaphore_mem>>) src(%arg10 : memref<80x128xf32, #tpu.memory_space<vmem>>) dst(%dma_wait3A_260 : memref<10000x128xf32, #tpu.memory_space<vmem_shared>>)
        tpu.yield
      }) : () -> ()
      %scan3A_253 = arith.constant 0 : i32
      scf.yield %scan3A_253 : i32
    }
    %scan3A_86 = arith.constant 12 : i32
    %dma_wait3A_87 = arith.constant 1920 : i32
    %dma_wait3A_88 = tpu.memref_slice %arg7[%dma_wait3A_87] : memref<2000xi32, #tpu.memory_space<vmem>> -> memref<80xi32, #tpu.memory_space<vmem>>
    %dma_wait3A_89 = arith.constant 0 : i32
    %dma_wait3A_90 = arith.constant 0 : i32
    %dma_wait3A_91 = tpu.memref_slice %arg2[%dma_wait3A_89, %dma_wait3A_90] : memref<10000x128xf32, #tpu.memory_space<hbm>> -> memref<10000x128xf32, #tpu.memory_space<hbm>>
    tpu.wait_indirect_dma semaphore(%arg12 : memref<!tpu.dma_semaphore, #tpu.memory_space<semaphore_mem>>) src(%dma_wait3A_91 : memref<10000x128xf32, #tpu.memory_space<hbm>>) dst(%arg9 : memref<80x128xf32, #tpu.memory_space<vmem>>)
    "tpu.region"() ({
      %run_scoped3A = tpu.sem_alloc : memref<!tpu.dma_semaphore, #tpu.memory_space<semaphore_mem>>
      %dma_start3A = arith.constant 1920 : i32
      %dma_start3A_209 = tpu.memref_slice %arg8[%dma_start3A] : memref<2000xi32, #tpu.memory_space<vmem>> -> memref<80xi32, #tpu.memory_space<vmem>>
      %dma_start3A_210 = arith.constant 0 : i32
      %dma_start3A_211 = arith.constant 0 : i32
      %dma_start3A_212 = tpu.memref_slice %arg11[%dma_start3A_210, %dma_start3A_211] : memref<10000x128xf32, #tpu.memory_space<vmem_shared>> -> memref<10000x128xf32, #tpu.memory_space<vmem_shared>>
      tpu.enqueue_indirect_dma source(%arg9 : memref<80x128xf32, #tpu.memory_space<vmem>>) target(%dma_start3A_212 : memref<10000x128xf32, #tpu.memory_space<vmem_shared>>) offsets(%dma_start3A_209 : memref<80xi32, #tpu.memory_space<vmem>>) semaphore(%run_scoped3A : memref<!tpu.dma_semaphore, #tpu.memory_space<semaphore_mem>>) {add = true}
      %dma_wait3A_213 = arith.constant 1920 : i32
      %dma_wait3A_214 = tpu.memref_slice %arg8[%dma_wait3A_213] : memref<2000xi32, #tpu.memory_space<vmem>> -> memref<80xi32, #tpu.memory_space<vmem>>
      %dma_wait3A_215 = arith.constant 0 : i32
      %dma_wait3A_216 = arith.constant 0 : i32
      %dma_wait3A_217 = tpu.memref_slice %arg11[%dma_wait3A_215, %dma_wait3A_216] : memref<10000x128xf32, #tpu.memory_space<vmem_shared>> -> memref<10000x128xf32, #tpu.memory_space<vmem_shared>>
      tpu.wait_indirect_dma semaphore(%run_scoped3A : memref<!tpu.dma_semaphore, #tpu.memory_space<semaphore_mem>>) src(%arg9 : memref<80x128xf32, #tpu.memory_space<vmem>>) dst(%dma_wait3A_217 : memref<10000x128xf32, #tpu.memory_space<vmem_shared>>)
      tpu.yield
    }) : () -> ()
    %mul3A_92 = arith.constant 160000 : i32
    %mul3A_93 = arith.muli %arg0, %mul3A_92 : i32
    %mul3A_94 = arith.constant 10000 : i32
    %mul3A_95 = arith.muli %arg1, %mul3A_94 : i32
    %add3A_96 = arith.addi %mul3A_93, %mul3A_95 : i32
    %add3A_97 = arith.constant 4000 : i32
    %add3A_98 = arith.addi %add3A_96, %add3A_97 : i32
    "tpu.region"() ({
      %run_scoped3A = tpu.sem_alloc : memref<!tpu.dma_semaphore, #tpu.memory_space<semaphore_mem>>
      %dma_start3A = tpu.memref_slice %arg4[%add3A_98] : memref<320000xi32, #tpu.memory_space<hbm>> -> memref<2000xi32, #tpu.memory_space<hbm>>
      %dma_start3A_209 = tpu.memref_slice %arg4[%add3A_98] : memref<320000xi32, #tpu.memory_space<hbm>> -> memref<2000xi32, #tpu.memory_space<hbm>>
      tpu.enqueue_dma source(%dma_start3A_209 : memref<2000xi32, #tpu.memory_space<hbm>>) target(%arg7 : memref<2000xi32, #tpu.memory_space<vmem>>) target_semaphore(%run_scoped3A : memref<!tpu.dma_semaphore, #tpu.memory_space<semaphore_mem>>)
      %dma_wait3A_210 = tpu.memref_slice %arg4[%add3A_98] : memref<320000xi32, #tpu.memory_space<hbm>> -> memref<2000xi32, #tpu.memory_space<hbm>>
      %dma_wait3A_211 = tpu.memref_slice %arg4[%add3A_98] : memref<320000xi32, #tpu.memory_space<hbm>> -> memref<2000xi32, #tpu.memory_space<hbm>>
      tpu.wait_dma2 semaphore(%run_scoped3A : memref<!tpu.dma_semaphore, #tpu.memory_space<semaphore_mem>>) src(%dma_wait3A_211 : memref<2000xi32, #tpu.memory_space<hbm>>) dst(%arg7 : memref<2000xi32, #tpu.memory_space<vmem>>)
      tpu.yield
    }) : () -> ()
    %mul3A_99 = arith.constant 160000 : i32
    %mul3A_100 = arith.muli %arg0, %mul3A_99 : i32
    %mul3A_101 = arith.constant 10000 : i32
    %mul3A_102 = arith.muli %arg1, %mul3A_101 : i32
    %add3A_103 = arith.addi %mul3A_100, %mul3A_102 : i32
    %add3A_104 = arith.constant 4000 : i32
    %add3A_105 = arith.addi %add3A_103, %add3A_104 : i32
    "tpu.region"() ({
      %run_scoped3A = tpu.sem_alloc : memref<!tpu.dma_semaphore, #tpu.memory_space<semaphore_mem>>
      %dma_start3A = tpu.memref_slice %arg5[%add3A_105] : memref<320000xi32, #tpu.memory_space<hbm>> -> memref<2000xi32, #tpu.memory_space<hbm>>
      %dma_start3A_209 = tpu.memref_slice %arg5[%add3A_105] : memref<320000xi32, #tpu.memory_space<hbm>> -> memref<2000xi32, #tpu.memory_space<hbm>>
      tpu.enqueue_dma source(%dma_start3A_209 : memref<2000xi32, #tpu.memory_space<hbm>>) target(%arg8 : memref<2000xi32, #tpu.memory_space<vmem>>) target_semaphore(%run_scoped3A : memref<!tpu.dma_semaphore, #tpu.memory_space<semaphore_mem>>)
      %dma_wait3A_210 = tpu.memref_slice %arg5[%add3A_105] : memref<320000xi32, #tpu.memory_space<hbm>> -> memref<2000xi32, #tpu.memory_space<hbm>>
      %dma_wait3A_211 = tpu.memref_slice %arg5[%add3A_105] : memref<320000xi32, #tpu.memory_space<hbm>> -> memref<2000xi32, #tpu.memory_space<hbm>>
      tpu.wait_dma2 semaphore(%run_scoped3A : memref<!tpu.dma_semaphore, #tpu.memory_space<semaphore_mem>>) src(%dma_wait3A_211 : memref<2000xi32, #tpu.memory_space<hbm>>) dst(%arg8 : memref<2000xi32, #tpu.memory_space<vmem>>)
      tpu.yield
    }) : () -> ()
    %eq3A_106 = arith.constant 0 : i32
    %eq3A_107 = arith.cmpi eq, %arg0, %eq3A_106 : i32
    %convert_element_type3A_108 = arith.extui %eq3A_107 : i1 to i32
    %cond3A_109 = arith.constant 0 : i32
    %cond3A_110 = arith.cmpi ne, %convert_element_type3A_108, %cond3A_109 : i32
    scf.if %cond3A_110 {
      %dma_start3A = arith.constant 0 : i32
      %dma_start3A_209 = tpu.memref_slice %arg7[%dma_start3A] : memref<2000xi32, #tpu.memory_space<vmem>> -> memref<80xi32, #tpu.memory_space<vmem>>
      %dma_start3A_210 = arith.constant 0 : i32
      %dma_start3A_211 = arith.constant 0 : i32
      %dma_start3A_212 = tpu.memref_slice %arg2[%dma_start3A_210, %dma_start3A_211] : memref<10000x128xf32, #tpu.memory_space<hbm>> -> memref<10000x128xf32, #tpu.memory_space<hbm>>
      tpu.enqueue_indirect_dma source(%dma_start3A_212 : memref<10000x128xf32, #tpu.memory_space<hbm>>) target(%arg9 : memref<80x128xf32, #tpu.memory_space<vmem>>) offsets(%dma_start3A_209 : memref<80xi32, #tpu.memory_space<vmem>>) semaphore(%arg12 : memref<!tpu.dma_semaphore, #tpu.memory_space<semaphore_mem>>)
    } else {
    }
    %eq3A_111 = arith.constant 1 : i32
    %eq3A_112 = arith.cmpi eq, %arg0, %eq3A_111 : i32
    %convert_element_type3A_113 = arith.extui %eq3A_112 : i1 to i32
    %cond3A_114 = arith.constant 0 : i32
    %cond3A_115 = arith.cmpi ne, %convert_element_type3A_113, %cond3A_114 : i32
    scf.if %cond3A_115 {
      %dma_start3A = arith.constant 0 : i32
      %dma_start3A_209 = tpu.memref_slice %arg7[%dma_start3A] : memref<2000xi32, #tpu.memory_space<vmem>> -> memref<80xi32, #tpu.memory_space<vmem>>
      %dma_start3A_210 = arith.constant 0 : i32
      %dma_start3A_211 = arith.constant 0 : i32
      %dma_start3A_212 = tpu.memref_slice %arg3[%dma_start3A_210, %dma_start3A_211] : memref<10000x128xf32, #tpu.memory_space<hbm>> -> memref<10000x128xf32, #tpu.memory_space<hbm>>
      tpu.enqueue_indirect_dma source(%dma_start3A_212 : memref<10000x128xf32, #tpu.memory_space<hbm>>) target(%arg9 : memref<80x128xf32, #tpu.memory_space<vmem>>) offsets(%dma_start3A_209 : memref<80xi32, #tpu.memory_space<vmem>>) semaphore(%arg12 : memref<!tpu.dma_semaphore, #tpu.memory_space<semaphore_mem>>)
    } else {
    }
    %scan3A_116 = arith.constant 0 : i32
    %scan3A_117 = arith.constant 0 : i32
    %scan3A_118 = arith.constant 12 : i32
    %scan3A_119 = arith.addi %scan3A_117, %scan3A_118 : i32
    %scan3A_120 = arith.constant 1 : i32
    %scan3A_121 = scf.for %scan3A_209 = %scan3A_117 to %scan3A_119 step %scan3A_120 iter_args(%scan3A_210 = %scan3A_116) -> (i32)  : i32 {
      %mul3A_211 = arith.constant 2 : i32
      %mul3A_212 = arith.muli %scan3A_209, %mul3A_211 : i32
      %add3A_213 = arith.constant 1 : i32
      %add3A_214 = arith.addi %mul3A_212, %add3A_213 : i32
      %mul3A_215 = arith.constant 80 : i32
      %mul3A_216 = arith.muli %add3A_214, %mul3A_215 : i32
      %eq3A_217 = arith.constant 0 : i32
      %eq3A_218 = arith.cmpi eq, %arg0, %eq3A_217 : i32
      %convert_element_type3A_219 = arith.extui %eq3A_218 : i1 to i32
      %cond3A_220 = arith.constant 0 : i32
      %cond3A_221 = arith.cmpi ne, %convert_element_type3A_219, %cond3A_220 : i32
      scf.if %cond3A_221 {
        %dma_start3A = tpu.memref_slice %arg7[%mul3A_216] : memref<2000xi32, #tpu.memory_space<vmem>> -> memref<80xi32, #tpu.memory_space<vmem>>
        %dma_start3A_254 = arith.constant 0 : i32
        %dma_start3A_255 = arith.constant 0 : i32
        %dma_start3A_256 = tpu.memref_slice %arg2[%dma_start3A_254, %dma_start3A_255] : memref<10000x128xf32, #tpu.memory_space<hbm>> -> memref<10000x128xf32, #tpu.memory_space<hbm>>
        tpu.enqueue_indirect_dma source(%dma_start3A_256 : memref<10000x128xf32, #tpu.memory_space<hbm>>) target(%arg10 : memref<80x128xf32, #tpu.memory_space<vmem>>) offsets(%dma_start3A : memref<80xi32, #tpu.memory_space<vmem>>) semaphore(%arg13 : memref<!tpu.dma_semaphore, #tpu.memory_space<semaphore_mem>>)
      } else {
      }
      %eq3A_222 = arith.constant 1 : i32
      %eq3A_223 = arith.cmpi eq, %arg0, %eq3A_222 : i32
      %convert_element_type3A_224 = arith.extui %eq3A_223 : i1 to i32
      %cond3A_225 = arith.constant 0 : i32
      %cond3A_226 = arith.cmpi ne, %convert_element_type3A_224, %cond3A_225 : i32
      scf.if %cond3A_226 {
        %dma_start3A = tpu.memref_slice %arg7[%mul3A_216] : memref<2000xi32, #tpu.memory_space<vmem>> -> memref<80xi32, #tpu.memory_space<vmem>>
        %dma_start3A_254 = arith.constant 0 : i32
        %dma_start3A_255 = arith.constant 0 : i32
        %dma_start3A_256 = tpu.memref_slice %arg3[%dma_start3A_254, %dma_start3A_255] : memref<10000x128xf32, #tpu.memory_space<hbm>> -> memref<10000x128xf32, #tpu.memory_space<hbm>>
        tpu.enqueue_indirect_dma source(%dma_start3A_256 : memref<10000x128xf32, #tpu.memory_space<hbm>>) target(%arg10 : memref<80x128xf32, #tpu.memory_space<vmem>>) offsets(%dma_start3A : memref<80xi32, #tpu.memory_space<vmem>>) semaphore(%arg13 : memref<!tpu.dma_semaphore, #tpu.memory_space<semaphore_mem>>)
      } else {
      }
      %mul3A_227 = arith.constant 80 : i32
      %mul3A_228 = arith.muli %mul3A_212, %mul3A_227 : i32
      %dma_wait3A_229 = tpu.memref_slice %arg7[%mul3A_228] : memref<2000xi32, #tpu.memory_space<vmem>> -> memref<80xi32, #tpu.memory_space<vmem>>
      %dma_wait3A_230 = arith.constant 0 : i32
      %dma_wait3A_231 = arith.constant 0 : i32
      %dma_wait3A_232 = tpu.memref_slice %arg2[%dma_wait3A_230, %dma_wait3A_231] : memref<10000x128xf32, #tpu.memory_space<hbm>> -> memref<10000x128xf32, #tpu.memory_space<hbm>>
      tpu.wait_indirect_dma semaphore(%arg12 : memref<!tpu.dma_semaphore, #tpu.memory_space<semaphore_mem>>) src(%dma_wait3A_232 : memref<10000x128xf32, #tpu.memory_space<hbm>>) dst(%arg9 : memref<80x128xf32, #tpu.memory_space<vmem>>)
      %mul3A_233 = arith.constant 80 : i32
      %mul3A_234 = arith.muli %mul3A_212, %mul3A_233 : i32
      "tpu.region"() ({
        %run_scoped3A = tpu.sem_alloc : memref<!tpu.dma_semaphore, #tpu.memory_space<semaphore_mem>>
        %dma_start3A = tpu.memref_slice %arg8[%mul3A_234] : memref<2000xi32, #tpu.memory_space<vmem>> -> memref<80xi32, #tpu.memory_space<vmem>>
        %dma_start3A_254 = arith.constant 0 : i32
        %dma_start3A_255 = arith.constant 0 : i32
        %dma_start3A_256 = tpu.memref_slice %arg11[%dma_start3A_254, %dma_start3A_255] : memref<10000x128xf32, #tpu.memory_space<vmem_shared>> -> memref<10000x128xf32, #tpu.memory_space<vmem_shared>>
        tpu.enqueue_indirect_dma source(%arg9 : memref<80x128xf32, #tpu.memory_space<vmem>>) target(%dma_start3A_256 : memref<10000x128xf32, #tpu.memory_space<vmem_shared>>) offsets(%dma_start3A : memref<80xi32, #tpu.memory_space<vmem>>) semaphore(%run_scoped3A : memref<!tpu.dma_semaphore, #tpu.memory_space<semaphore_mem>>) {add = true}
        %dma_wait3A_257 = tpu.memref_slice %arg8[%mul3A_234] : memref<2000xi32, #tpu.memory_space<vmem>> -> memref<80xi32, #tpu.memory_space<vmem>>
        %dma_wait3A_258 = arith.constant 0 : i32
        %dma_wait3A_259 = arith.constant 0 : i32
        %dma_wait3A_260 = tpu.memref_slice %arg11[%dma_wait3A_258, %dma_wait3A_259] : memref<10000x128xf32, #tpu.memory_space<vmem_shared>> -> memref<10000x128xf32, #tpu.memory_space<vmem_shared>>
        tpu.wait_indirect_dma semaphore(%run_scoped3A : memref<!tpu.dma_semaphore, #tpu.memory_space<semaphore_mem>>) src(%arg9 : memref<80x128xf32, #tpu.memory_space<vmem>>) dst(%dma_wait3A_260 : memref<10000x128xf32, #tpu.memory_space<vmem_shared>>)
        tpu.yield
      }) : () -> ()
      %add3A_235 = arith.constant 2 : i32
      %add3A_236 = arith.addi %mul3A_212, %add3A_235 : i32
      %lt3A = arith.constant 25 : i32
      %lt3A_237 = arith.cmpi slt, %add3A_236, %lt3A : i32
      %convert_element_type3A_238 = arith.extui %lt3A_237 : i1 to i32
      %cond3A_239 = arith.constant 0 : i32
      %cond3A_240 = arith.cmpi ne, %convert_element_type3A_238, %cond3A_239 : i32
      scf.if %cond3A_240 {
        %add3A_254 = arith.constant 2 : i32
        %add3A_255 = arith.addi %mul3A_212, %add3A_254 : i32
        %mul3A_256 = arith.constant 80 : i32
        %mul3A_257 = arith.muli %add3A_255, %mul3A_256 : i32
        %eq3A_258 = arith.constant 0 : i32
        %eq3A_259 = arith.cmpi eq, %arg0, %eq3A_258 : i32
        %convert_element_type3A_260 = arith.extui %eq3A_259 : i1 to i32
        %cond3A_261 = arith.constant 0 : i32
        %cond3A_262 = arith.cmpi ne, %convert_element_type3A_260, %cond3A_261 : i32
        scf.if %cond3A_262 {
          %dma_start3A = tpu.memref_slice %arg7[%mul3A_257] : memref<2000xi32, #tpu.memory_space<vmem>> -> memref<80xi32, #tpu.memory_space<vmem>>
          %dma_start3A_268 = arith.constant 0 : i32
          %dma_start3A_269 = arith.constant 0 : i32
          %dma_start3A_270 = tpu.memref_slice %arg2[%dma_start3A_268, %dma_start3A_269] : memref<10000x128xf32, #tpu.memory_space<hbm>> -> memref<10000x128xf32, #tpu.memory_space<hbm>>
          tpu.enqueue_indirect_dma source(%dma_start3A_270 : memref<10000x128xf32, #tpu.memory_space<hbm>>) target(%arg9 : memref<80x128xf32, #tpu.memory_space<vmem>>) offsets(%dma_start3A : memref<80xi32, #tpu.memory_space<vmem>>) semaphore(%arg12 : memref<!tpu.dma_semaphore, #tpu.memory_space<semaphore_mem>>)
        } else {
        }
        %eq3A_263 = arith.constant 1 : i32
        %eq3A_264 = arith.cmpi eq, %arg0, %eq3A_263 : i32
        %convert_element_type3A_265 = arith.extui %eq3A_264 : i1 to i32
        %cond3A_266 = arith.constant 0 : i32
        %cond3A_267 = arith.cmpi ne, %convert_element_type3A_265, %cond3A_266 : i32
        scf.if %cond3A_267 {
          %dma_start3A = tpu.memref_slice %arg7[%mul3A_257] : memref<2000xi32, #tpu.memory_space<vmem>> -> memref<80xi32, #tpu.memory_space<vmem>>
          %dma_start3A_268 = arith.constant 0 : i32
          %dma_start3A_269 = arith.constant 0 : i32
          %dma_start3A_270 = tpu.memref_slice %arg3[%dma_start3A_268, %dma_start3A_269] : memref<10000x128xf32, #tpu.memory_space<hbm>> -> memref<10000x128xf32, #tpu.memory_space<hbm>>
          tpu.enqueue_indirect_dma source(%dma_start3A_270 : memref<10000x128xf32, #tpu.memory_space<hbm>>) target(%arg9 : memref<80x128xf32, #tpu.memory_space<vmem>>) offsets(%dma_start3A : memref<80xi32, #tpu.memory_space<vmem>>) semaphore(%arg12 : memref<!tpu.dma_semaphore, #tpu.memory_space<semaphore_mem>>)
        } else {
        }
      } else {
      }
      %add3A_241 = arith.constant 1 : i32
      %add3A_242 = arith.addi %mul3A_212, %add3A_241 : i32
      %mul3A_243 = arith.constant 80 : i32
      %mul3A_244 = arith.muli %add3A_242, %mul3A_243 : i32
      %dma_wait3A_245 = tpu.memref_slice %arg7[%mul3A_244] : memref<2000xi32, #tpu.memory_space<vmem>> -> memref<80xi32, #tpu.memory_space<vmem>>
      %dma_wait3A_246 = arith.constant 0 : i32
      %dma_wait3A_247 = arith.constant 0 : i32
      %dma_wait3A_248 = tpu.memref_slice %arg2[%dma_wait3A_246, %dma_wait3A_247] : memref<10000x128xf32, #tpu.memory_space<hbm>> -> memref<10000x128xf32, #tpu.memory_space<hbm>>
      tpu.wait_indirect_dma semaphore(%arg13 : memref<!tpu.dma_semaphore, #tpu.memory_space<semaphore_mem>>) src(%dma_wait3A_248 : memref<10000x128xf32, #tpu.memory_space<hbm>>) dst(%arg10 : memref<80x128xf32, #tpu.memory_space<vmem>>)
      %add3A_249 = arith.constant 1 : i32
      %add3A_250 = arith.addi %mul3A_212, %add3A_249 : i32
      %mul3A_251 = arith.constant 80 : i32
      %mul3A_252 = arith.muli %add3A_250, %mul3A_251 : i32
      "tpu.region"() ({
        %run_scoped3A = tpu.sem_alloc : memref<!tpu.dma_semaphore, #tpu.memory_space<semaphore_mem>>
        %dma_start3A = tpu.memref_slice %arg8[%mul3A_252] : memref<2000xi32, #tpu.memory_space<vmem>> -> memref<80xi32, #tpu.memory_space<vmem>>
        %dma_start3A_254 = arith.constant 0 : i32
        %dma_start3A_255 = arith.constant 0 : i32
        %dma_start3A_256 = tpu.memref_slice %arg11[%dma_start3A_254, %dma_start3A_255] : memref<10000x128xf32, #tpu.memory_space<vmem_shared>> -> memref<10000x128xf32, #tpu.memory_space<vmem_shared>>
        tpu.enqueue_indirect_dma source(%arg10 : memref<80x128xf32, #tpu.memory_space<vmem>>) target(%dma_start3A_256 : memref<10000x128xf32, #tpu.memory_space<vmem_shared>>) offsets(%dma_start3A : memref<80xi32, #tpu.memory_space<vmem>>) semaphore(%run_scoped3A : memref<!tpu.dma_semaphore, #tpu.memory_space<semaphore_mem>>) {add = true}
        %dma_wait3A_257 = tpu.memref_slice %arg8[%mul3A_252] : memref<2000xi32, #tpu.memory_space<vmem>> -> memref<80xi32, #tpu.memory_space<vmem>>
        %dma_wait3A_258 = arith.constant 0 : i32
        %dma_wait3A_259 = arith.constant 0 : i32
        %dma_wait3A_260 = tpu.memref_slice %arg11[%dma_wait3A_258, %dma_wait3A_259] : memref<10000x128xf32, #tpu.memory_space<vmem_shared>> -> memref<10000x128xf32, #tpu.memory_space<vmem_shared>>
        tpu.wait_indirect_dma semaphore(%run_scoped3A : memref<!tpu.dma_semaphore, #tpu.memory_space<semaphore_mem>>) src(%arg10 : memref<80x128xf32, #tpu.memory_space<vmem>>) dst(%dma_wait3A_260 : memref<10000x128xf32, #tpu.memory_space<vmem_shared>>)
        tpu.yield
      }) : () -> ()
      %scan3A_253 = arith.constant 0 : i32
      scf.yield %scan3A_253 : i32
    }
    %scan3A_122 = arith.constant 12 : i32
    %dma_wait3A_123 = arith.constant 1920 : i32
    %dma_wait3A_124 = tpu.memref_slice %arg7[%dma_wait3A_123] : memref<2000xi32, #tpu.memory_space<vmem>> -> memref<80xi32, #tpu.memory_space<vmem>>
    %dma_wait3A_125 = arith.constant 0 : i32
    %dma_wait3A_126 = arith.constant 0 : i32
    %dma_wait3A_127 = tpu.memref_slice %arg2[%dma_wait3A_125, %dma_wait3A_126] : memref<10000x128xf32, #tpu.memory_space<hbm>> -> memref<10000x128xf32, #tpu.memory_space<hbm>>
    tpu.wait_indirect_dma semaphore(%arg12 : memref<!tpu.dma_semaphore, #tpu.memory_space<semaphore_mem>>) src(%dma_wait3A_127 : memref<10000x128xf32, #tpu.memory_space<hbm>>) dst(%arg9 : memref<80x128xf32, #tpu.memory_space<vmem>>)
    "tpu.region"() ({
      %run_scoped3A = tpu.sem_alloc : memref<!tpu.dma_semaphore, #tpu.memory_space<semaphore_mem>>
      %dma_start3A = arith.constant 1920 : i32
      %dma_start3A_209 = tpu.memref_slice %arg8[%dma_start3A] : memref<2000xi32, #tpu.memory_space<vmem>> -> memref<80xi32, #tpu.memory_space<vmem>>
      %dma_start3A_210 = arith.constant 0 : i32
      %dma_start3A_211 = arith.constant 0 : i32
      %dma_start3A_212 = tpu.memref_slice %arg11[%dma_start3A_210, %dma_start3A_211] : memref<10000x128xf32, #tpu.memory_space<vmem_shared>> -> memref<10000x128xf32, #tpu.memory_space<vmem_shared>>
      tpu.enqueue_indirect_dma source(%arg9 : memref<80x128xf32, #tpu.memory_space<vmem>>) target(%dma_start3A_212 : memref<10000x128xf32, #tpu.memory_space<vmem_shared>>) offsets(%dma_start3A_209 : memref<80xi32, #tpu.memory_space<vmem>>) semaphore(%run_scoped3A : memref<!tpu.dma_semaphore, #tpu.memory_space<semaphore_mem>>) {add = true}
      %dma_wait3A_213 = arith.constant 1920 : i32
      %dma_wait3A_214 = tpu.memref_slice %arg8[%dma_wait3A_213] : memref<2000xi32, #tpu.memory_space<vmem>> -> memref<80xi32, #tpu.memory_space<vmem>>
      %dma_wait3A_215 = arith.constant 0 : i32
      %dma_wait3A_216 = arith.constant 0 : i32
      %dma_wait3A_217 = tpu.memref_slice %arg11[%dma_wait3A_215, %dma_wait3A_216] : memref<10000x128xf32, #tpu.memory_space<vmem_shared>> -> memref<10000x128xf32, #tpu.memory_space<vmem_shared>>
      tpu.wait_indirect_dma semaphore(%run_scoped3A : memref<!tpu.dma_semaphore, #tpu.memory_space<semaphore_mem>>) src(%arg9 : memref<80x128xf32, #tpu.memory_space<vmem>>) dst(%dma_wait3A_217 : memref<10000x128xf32, #tpu.memory_space<vmem_shared>>)
      tpu.yield
    }) : () -> ()
    %mul3A_128 = arith.constant 160000 : i32
    %mul3A_129 = arith.muli %arg0, %mul3A_128 : i32
    %mul3A_130 = arith.constant 10000 : i32
    %mul3A_131 = arith.muli %arg1, %mul3A_130 : i32
    %add3A_132 = arith.addi %mul3A_129, %mul3A_131 : i32
    %add3A_133 = arith.constant 6000 : i32
    %add3A_134 = arith.addi %add3A_132, %add3A_133 : i32
    "tpu.region"() ({
      %run_scoped3A = tpu.sem_alloc : memref<!tpu.dma_semaphore, #tpu.memory_space<semaphore_mem>>
      %dma_start3A = tpu.memref_slice %arg4[%add3A_134] : memref<320000xi32, #tpu.memory_space<hbm>> -> memref<2000xi32, #tpu.memory_space<hbm>>
      %dma_start3A_209 = tpu.memref_slice %arg4[%add3A_134] : memref<320000xi32, #tpu.memory_space<hbm>> -> memref<2000xi32, #tpu.memory_space<hbm>>
      tpu.enqueue_dma source(%dma_start3A_209 : memref<2000xi32, #tpu.memory_space<hbm>>) target(%arg7 : memref<2000xi32, #tpu.memory_space<vmem>>) target_semaphore(%run_scoped3A : memref<!tpu.dma_semaphore, #tpu.memory_space<semaphore_mem>>)
      %dma_wait3A_210 = tpu.memref_slice %arg4[%add3A_134] : memref<320000xi32, #tpu.memory_space<hbm>> -> memref<2000xi32, #tpu.memory_space<hbm>>
      %dma_wait3A_211 = tpu.memref_slice %arg4[%add3A_134] : memref<320000xi32, #tpu.memory_space<hbm>> -> memref<2000xi32, #tpu.memory_space<hbm>>
      tpu.wait_dma2 semaphore(%run_scoped3A : memref<!tpu.dma_semaphore, #tpu.memory_space<semaphore_mem>>) src(%dma_wait3A_211 : memref<2000xi32, #tpu.memory_space<hbm>>) dst(%arg7 : memref<2000xi32, #tpu.memory_space<vmem>>)
      tpu.yield
    }) : () -> ()
    %mul3A_135 = arith.constant 160000 : i32
    %mul3A_136 = arith.muli %arg0, %mul3A_135 : i32
    %mul3A_137 = arith.constant 10000 : i32
    %mul3A_138 = arith.muli %arg1, %mul3A_137 : i32
    %add3A_139 = arith.addi %mul3A_136, %mul3A_138 : i32
    %add3A_140 = arith.constant 6000 : i32
    %add3A_141 = arith.addi %add3A_139, %add3A_140 : i32
    "tpu.region"() ({
      %run_scoped3A = tpu.sem_alloc : memref<!tpu.dma_semaphore, #tpu.memory_space<semaphore_mem>>
      %dma_start3A = tpu.memref_slice %arg5[%add3A_141] : memref<320000xi32, #tpu.memory_space<hbm>> -> memref<2000xi32, #tpu.memory_space<hbm>>
      %dma_start3A_209 = tpu.memref_slice %arg5[%add3A_141] : memref<320000xi32, #tpu.memory_space<hbm>> -> memref<2000xi32, #tpu.memory_space<hbm>>
      tpu.enqueue_dma source(%dma_start3A_209 : memref<2000xi32, #tpu.memory_space<hbm>>) target(%arg8 : memref<2000xi32, #tpu.memory_space<vmem>>) target_semaphore(%run_scoped3A : memref<!tpu.dma_semaphore, #tpu.memory_space<semaphore_mem>>)
      %dma_wait3A_210 = tpu.memref_slice %arg5[%add3A_141] : memref<320000xi32, #tpu.memory_space<hbm>> -> memref<2000xi32, #tpu.memory_space<hbm>>
      %dma_wait3A_211 = tpu.memref_slice %arg5[%add3A_141] : memref<320000xi32, #tpu.memory_space<hbm>> -> memref<2000xi32, #tpu.memory_space<hbm>>
      tpu.wait_dma2 semaphore(%run_scoped3A : memref<!tpu.dma_semaphore, #tpu.memory_space<semaphore_mem>>) src(%dma_wait3A_211 : memref<2000xi32, #tpu.memory_space<hbm>>) dst(%arg8 : memref<2000xi32, #tpu.memory_space<vmem>>)
      tpu.yield
    }) : () -> ()
    %eq3A_142 = arith.constant 0 : i32
    %eq3A_143 = arith.cmpi eq, %arg0, %eq3A_142 : i32
    %convert_element_type3A_144 = arith.extui %eq3A_143 : i1 to i32
    %cond3A_145 = arith.constant 0 : i32
    %cond3A_146 = arith.cmpi ne, %convert_element_type3A_144, %cond3A_145 : i32
    scf.if %cond3A_146 {
      %dma_start3A = arith.constant 0 : i32
      %dma_start3A_209 = tpu.memref_slice %arg7[%dma_start3A] : memref<2000xi32, #tpu.memory_space<vmem>> -> memref<80xi32, #tpu.memory_space<vmem>>
      %dma_start3A_210 = arith.constant 0 : i32
      %dma_start3A_211 = arith.constant 0 : i32
      %dma_start3A_212 = tpu.memref_slice %arg2[%dma_start3A_210, %dma_start3A_211] : memref<10000x128xf32, #tpu.memory_space<hbm>> -> memref<10000x128xf32, #tpu.memory_space<hbm>>
      tpu.enqueue_indirect_dma source(%dma_start3A_212 : memref<10000x128xf32, #tpu.memory_space<hbm>>) target(%arg9 : memref<80x128xf32, #tpu.memory_space<vmem>>) offsets(%dma_start3A_209 : memref<80xi32, #tpu.memory_space<vmem>>) semaphore(%arg12 : memref<!tpu.dma_semaphore, #tpu.memory_space<semaphore_mem>>)
    } else {
    }
    %eq3A_147 = arith.constant 1 : i32
    %eq3A_148 = arith.cmpi eq, %arg0, %eq3A_147 : i32
    %convert_element_type3A_149 = arith.extui %eq3A_148 : i1 to i32
    %cond3A_150 = arith.constant 0 : i32
    %cond3A_151 = arith.cmpi ne, %convert_element_type3A_149, %cond3A_150 : i32
    scf.if %cond3A_151 {
      %dma_start3A = arith.constant 0 : i32
      %dma_start3A_209 = tpu.memref_slice %arg7[%dma_start3A] : memref<2000xi32, #tpu.memory_space<vmem>> -> memref<80xi32, #tpu.memory_space<vmem>>
      %dma_start3A_210 = arith.constant 0 : i32
      %dma_start3A_211 = arith.constant 0 : i32
      %dma_start3A_212 = tpu.memref_slice %arg3[%dma_start3A_210, %dma_start3A_211] : memref<10000x128xf32, #tpu.memory_space<hbm>> -> memref<10000x128xf32, #tpu.memory_space<hbm>>
      tpu.enqueue_indirect_dma source(%dma_start3A_212 : memref<10000x128xf32, #tpu.memory_space<hbm>>) target(%arg9 : memref<80x128xf32, #tpu.memory_space<vmem>>) offsets(%dma_start3A_209 : memref<80xi32, #tpu.memory_space<vmem>>) semaphore(%arg12 : memref<!tpu.dma_semaphore, #tpu.memory_space<semaphore_mem>>)
    } else {
    }
    %scan3A_152 = arith.constant 0 : i32
    %scan3A_153 = arith.constant 0 : i32
    %scan3A_154 = arith.constant 12 : i32
    %scan3A_155 = arith.addi %scan3A_153, %scan3A_154 : i32
    %scan3A_156 = arith.constant 1 : i32
    %scan3A_157 = scf.for %scan3A_209 = %scan3A_153 to %scan3A_155 step %scan3A_156 iter_args(%scan3A_210 = %scan3A_152) -> (i32)  : i32 {
      %mul3A_211 = arith.constant 2 : i32
      %mul3A_212 = arith.muli %scan3A_209, %mul3A_211 : i32
      %add3A_213 = arith.constant 1 : i32
      %add3A_214 = arith.addi %mul3A_212, %add3A_213 : i32
      %mul3A_215 = arith.constant 80 : i32
      %mul3A_216 = arith.muli %add3A_214, %mul3A_215 : i32
      %eq3A_217 = arith.constant 0 : i32
      %eq3A_218 = arith.cmpi eq, %arg0, %eq3A_217 : i32
      %convert_element_type3A_219 = arith.extui %eq3A_218 : i1 to i32
      %cond3A_220 = arith.constant 0 : i32
      %cond3A_221 = arith.cmpi ne, %convert_element_type3A_219, %cond3A_220 : i32
      scf.if %cond3A_221 {
        %dma_start3A = tpu.memref_slice %arg7[%mul3A_216] : memref<2000xi32, #tpu.memory_space<vmem>> -> memref<80xi32, #tpu.memory_space<vmem>>
        %dma_start3A_254 = arith.constant 0 : i32
        %dma_start3A_255 = arith.constant 0 : i32
        %dma_start3A_256 = tpu.memref_slice %arg2[%dma_start3A_254, %dma_start3A_255] : memref<10000x128xf32, #tpu.memory_space<hbm>> -> memref<10000x128xf32, #tpu.memory_space<hbm>>
        tpu.enqueue_indirect_dma source(%dma_start3A_256 : memref<10000x128xf32, #tpu.memory_space<hbm>>) target(%arg10 : memref<80x128xf32, #tpu.memory_space<vmem>>) offsets(%dma_start3A : memref<80xi32, #tpu.memory_space<vmem>>) semaphore(%arg13 : memref<!tpu.dma_semaphore, #tpu.memory_space<semaphore_mem>>)
      } else {
      }
      %eq3A_222 = arith.constant 1 : i32
      %eq3A_223 = arith.cmpi eq, %arg0, %eq3A_222 : i32
      %convert_element_type3A_224 = arith.extui %eq3A_223 : i1 to i32
      %cond3A_225 = arith.constant 0 : i32
      %cond3A_226 = arith.cmpi ne, %convert_element_type3A_224, %cond3A_225 : i32
      scf.if %cond3A_226 {
        %dma_start3A = tpu.memref_slice %arg7[%mul3A_216] : memref<2000xi32, #tpu.memory_space<vmem>> -> memref<80xi32, #tpu.memory_space<vmem>>
        %dma_start3A_254 = arith.constant 0 : i32
        %dma_start3A_255 = arith.constant 0 : i32
        %dma_start3A_256 = tpu.memref_slice %arg3[%dma_start3A_254, %dma_start3A_255] : memref<10000x128xf32, #tpu.memory_space<hbm>> -> memref<10000x128xf32, #tpu.memory_space<hbm>>
        tpu.enqueue_indirect_dma source(%dma_start3A_256 : memref<10000x128xf32, #tpu.memory_space<hbm>>) target(%arg10 : memref<80x128xf32, #tpu.memory_space<vmem>>) offsets(%dma_start3A : memref<80xi32, #tpu.memory_space<vmem>>) semaphore(%arg13 : memref<!tpu.dma_semaphore, #tpu.memory_space<semaphore_mem>>)
      } else {
      }
      %mul3A_227 = arith.constant 80 : i32
      %mul3A_228 = arith.muli %mul3A_212, %mul3A_227 : i32
      %dma_wait3A_229 = tpu.memref_slice %arg7[%mul3A_228] : memref<2000xi32, #tpu.memory_space<vmem>> -> memref<80xi32, #tpu.memory_space<vmem>>
      %dma_wait3A_230 = arith.constant 0 : i32
      %dma_wait3A_231 = arith.constant 0 : i32
      %dma_wait3A_232 = tpu.memref_slice %arg2[%dma_wait3A_230, %dma_wait3A_231] : memref<10000x128xf32, #tpu.memory_space<hbm>> -> memref<10000x128xf32, #tpu.memory_space<hbm>>
      tpu.wait_indirect_dma semaphore(%arg12 : memref<!tpu.dma_semaphore, #tpu.memory_space<semaphore_mem>>) src(%dma_wait3A_232 : memref<10000x128xf32, #tpu.memory_space<hbm>>) dst(%arg9 : memref<80x128xf32, #tpu.memory_space<vmem>>)
      %mul3A_233 = arith.constant 80 : i32
      %mul3A_234 = arith.muli %mul3A_212, %mul3A_233 : i32
      "tpu.region"() ({
        %run_scoped3A = tpu.sem_alloc : memref<!tpu.dma_semaphore, #tpu.memory_space<semaphore_mem>>
        %dma_start3A = tpu.memref_slice %arg8[%mul3A_234] : memref<2000xi32, #tpu.memory_space<vmem>> -> memref<80xi32, #tpu.memory_space<vmem>>
        %dma_start3A_254 = arith.constant 0 : i32
        %dma_start3A_255 = arith.constant 0 : i32
        %dma_start3A_256 = tpu.memref_slice %arg11[%dma_start3A_254, %dma_start3A_255] : memref<10000x128xf32, #tpu.memory_space<vmem_shared>> -> memref<10000x128xf32, #tpu.memory_space<vmem_shared>>
        tpu.enqueue_indirect_dma source(%arg9 : memref<80x128xf32, #tpu.memory_space<vmem>>) target(%dma_start3A_256 : memref<10000x128xf32, #tpu.memory_space<vmem_shared>>) offsets(%dma_start3A : memref<80xi32, #tpu.memory_space<vmem>>) semaphore(%run_scoped3A : memref<!tpu.dma_semaphore, #tpu.memory_space<semaphore_mem>>) {add = true}
        %dma_wait3A_257 = tpu.memref_slice %arg8[%mul3A_234] : memref<2000xi32, #tpu.memory_space<vmem>> -> memref<80xi32, #tpu.memory_space<vmem>>
        %dma_wait3A_258 = arith.constant 0 : i32
        %dma_wait3A_259 = arith.constant 0 : i32
        %dma_wait3A_260 = tpu.memref_slice %arg11[%dma_wait3A_258, %dma_wait3A_259] : memref<10000x128xf32, #tpu.memory_space<vmem_shared>> -> memref<10000x128xf32, #tpu.memory_space<vmem_shared>>
        tpu.wait_indirect_dma semaphore(%run_scoped3A : memref<!tpu.dma_semaphore, #tpu.memory_space<semaphore_mem>>) src(%arg9 : memref<80x128xf32, #tpu.memory_space<vmem>>) dst(%dma_wait3A_260 : memref<10000x128xf32, #tpu.memory_space<vmem_shared>>)
        tpu.yield
      }) : () -> ()
      %add3A_235 = arith.constant 2 : i32
      %add3A_236 = arith.addi %mul3A_212, %add3A_235 : i32
      %lt3A = arith.constant 25 : i32
      %lt3A_237 = arith.cmpi slt, %add3A_236, %lt3A : i32
      %convert_element_type3A_238 = arith.extui %lt3A_237 : i1 to i32
      %cond3A_239 = arith.constant 0 : i32
      %cond3A_240 = arith.cmpi ne, %convert_element_type3A_238, %cond3A_239 : i32
      scf.if %cond3A_240 {
        %add3A_254 = arith.constant 2 : i32
        %add3A_255 = arith.addi %mul3A_212, %add3A_254 : i32
        %mul3A_256 = arith.constant 80 : i32
        %mul3A_257 = arith.muli %add3A_255, %mul3A_256 : i32
        %eq3A_258 = arith.constant 0 : i32
        %eq3A_259 = arith.cmpi eq, %arg0, %eq3A_258 : i32
        %convert_element_type3A_260 = arith.extui %eq3A_259 : i1 to i32
        %cond3A_261 = arith.constant 0 : i32
        %cond3A_262 = arith.cmpi ne, %convert_element_type3A_260, %cond3A_261 : i32
        scf.if %cond3A_262 {
          %dma_start3A = tpu.memref_slice %arg7[%mul3A_257] : memref<2000xi32, #tpu.memory_space<vmem>> -> memref<80xi32, #tpu.memory_space<vmem>>
          %dma_start3A_268 = arith.constant 0 : i32
          %dma_start3A_269 = arith.constant 0 : i32
          %dma_start3A_270 = tpu.memref_slice %arg2[%dma_start3A_268, %dma_start3A_269] : memref<10000x128xf32, #tpu.memory_space<hbm>> -> memref<10000x128xf32, #tpu.memory_space<hbm>>
          tpu.enqueue_indirect_dma source(%dma_start3A_270 : memref<10000x128xf32, #tpu.memory_space<hbm>>) target(%arg9 : memref<80x128xf32, #tpu.memory_space<vmem>>) offsets(%dma_start3A : memref<80xi32, #tpu.memory_space<vmem>>) semaphore(%arg12 : memref<!tpu.dma_semaphore, #tpu.memory_space<semaphore_mem>>)
        } else {
        }
        %eq3A_263 = arith.constant 1 : i32
        %eq3A_264 = arith.cmpi eq, %arg0, %eq3A_263 : i32
        %convert_element_type3A_265 = arith.extui %eq3A_264 : i1 to i32
        %cond3A_266 = arith.constant 0 : i32
        %cond3A_267 = arith.cmpi ne, %convert_element_type3A_265, %cond3A_266 : i32
        scf.if %cond3A_267 {
          %dma_start3A = tpu.memref_slice %arg7[%mul3A_257] : memref<2000xi32, #tpu.memory_space<vmem>> -> memref<80xi32, #tpu.memory_space<vmem>>
          %dma_start3A_268 = arith.constant 0 : i32
          %dma_start3A_269 = arith.constant 0 : i32
          %dma_start3A_270 = tpu.memref_slice %arg3[%dma_start3A_268, %dma_start3A_269] : memref<10000x128xf32, #tpu.memory_space<hbm>> -> memref<10000x128xf32, #tpu.memory_space<hbm>>
          tpu.enqueue_indirect_dma source(%dma_start3A_270 : memref<10000x128xf32, #tpu.memory_space<hbm>>) target(%arg9 : memref<80x128xf32, #tpu.memory_space<vmem>>) offsets(%dma_start3A : memref<80xi32, #tpu.memory_space<vmem>>) semaphore(%arg12 : memref<!tpu.dma_semaphore, #tpu.memory_space<semaphore_mem>>)
        } else {
        }
      } else {
      }
      %add3A_241 = arith.constant 1 : i32
      %add3A_242 = arith.addi %mul3A_212, %add3A_241 : i32
      %mul3A_243 = arith.constant 80 : i32
      %mul3A_244 = arith.muli %add3A_242, %mul3A_243 : i32
      %dma_wait3A_245 = tpu.memref_slice %arg7[%mul3A_244] : memref<2000xi32, #tpu.memory_space<vmem>> -> memref<80xi32, #tpu.memory_space<vmem>>
      %dma_wait3A_246 = arith.constant 0 : i32
      %dma_wait3A_247 = arith.constant 0 : i32
      %dma_wait3A_248 = tpu.memref_slice %arg2[%dma_wait3A_246, %dma_wait3A_247] : memref<10000x128xf32, #tpu.memory_space<hbm>> -> memref<10000x128xf32, #tpu.memory_space<hbm>>
      tpu.wait_indirect_dma semaphore(%arg13 : memref<!tpu.dma_semaphore, #tpu.memory_space<semaphore_mem>>) src(%dma_wait3A_248 : memref<10000x128xf32, #tpu.memory_space<hbm>>) dst(%arg10 : memref<80x128xf32, #tpu.memory_space<vmem>>)
      %add3A_249 = arith.constant 1 : i32
      %add3A_250 = arith.addi %mul3A_212, %add3A_249 : i32
      %mul3A_251 = arith.constant 80 : i32
      %mul3A_252 = arith.muli %add3A_250, %mul3A_251 : i32
      "tpu.region"() ({
        %run_scoped3A = tpu.sem_alloc : memref<!tpu.dma_semaphore, #tpu.memory_space<semaphore_mem>>
        %dma_start3A = tpu.memref_slice %arg8[%mul3A_252] : memref<2000xi32, #tpu.memory_space<vmem>> -> memref<80xi32, #tpu.memory_space<vmem>>
        %dma_start3A_254 = arith.constant 0 : i32
        %dma_start3A_255 = arith.constant 0 : i32
        %dma_start3A_256 = tpu.memref_slice %arg11[%dma_start3A_254, %dma_start3A_255] : memref<10000x128xf32, #tpu.memory_space<vmem_shared>> -> memref<10000x128xf32, #tpu.memory_space<vmem_shared>>
        tpu.enqueue_indirect_dma source(%arg10 : memref<80x128xf32, #tpu.memory_space<vmem>>) target(%dma_start3A_256 : memref<10000x128xf32, #tpu.memory_space<vmem_shared>>) offsets(%dma_start3A : memref<80xi32, #tpu.memory_space<vmem>>) semaphore(%run_scoped3A : memref<!tpu.dma_semaphore, #tpu.memory_space<semaphore_mem>>) {add = true}
        %dma_wait3A_257 = tpu.memref_slice %arg8[%mul3A_252] : memref<2000xi32, #tpu.memory_space<vmem>> -> memref<80xi32, #tpu.memory_space<vmem>>
        %dma_wait3A_258 = arith.constant 0 : i32
        %dma_wait3A_259 = arith.constant 0 : i32
        %dma_wait3A_260 = tpu.memref_slice %arg11[%dma_wait3A_258, %dma_wait3A_259] : memref<10000x128xf32, #tpu.memory_space<vmem_shared>> -> memref<10000x128xf32, #tpu.memory_space<vmem_shared>>
        tpu.wait_indirect_dma semaphore(%run_scoped3A : memref<!tpu.dma_semaphore, #tpu.memory_space<semaphore_mem>>) src(%arg10 : memref<80x128xf32, #tpu.memory_space<vmem>>) dst(%dma_wait3A_260 : memref<10000x128xf32, #tpu.memory_space<vmem_shared>>)
        tpu.yield
      }) : () -> ()
      %scan3A_253 = arith.constant 0 : i32
      scf.yield %scan3A_253 : i32
    }
    %scan3A_158 = arith.constant 12 : i32
    %dma_wait3A_159 = arith.constant 1920 : i32
    %dma_wait3A_160 = tpu.memref_slice %arg7[%dma_wait3A_159] : memref<2000xi32, #tpu.memory_space<vmem>> -> memref<80xi32, #tpu.memory_space<vmem>>
    %dma_wait3A_161 = arith.constant 0 : i32
    %dma_wait3A_162 = arith.constant 0 : i32
    %dma_wait3A_163 = tpu.memref_slice %arg2[%dma_wait3A_161, %dma_wait3A_162] : memref<10000x128xf32, #tpu.memory_space<hbm>> -> memref<10000x128xf32, #tpu.memory_space<hbm>>
    tpu.wait_indirect_dma semaphore(%arg12 : memref<!tpu.dma_semaphore, #tpu.memory_space<semaphore_mem>>) src(%dma_wait3A_163 : memref<10000x128xf32, #tpu.memory_space<hbm>>) dst(%arg9 : memref<80x128xf32, #tpu.memory_space<vmem>>)
    "tpu.region"() ({
      %run_scoped3A = tpu.sem_alloc : memref<!tpu.dma_semaphore, #tpu.memory_space<semaphore_mem>>
      %dma_start3A = arith.constant 1920 : i32
      %dma_start3A_209 = tpu.memref_slice %arg8[%dma_start3A] : memref<2000xi32, #tpu.memory_space<vmem>> -> memref<80xi32, #tpu.memory_space<vmem>>
      %dma_start3A_210 = arith.constant 0 : i32
      %dma_start3A_211 = arith.constant 0 : i32
      %dma_start3A_212 = tpu.memref_slice %arg11[%dma_start3A_210, %dma_start3A_211] : memref<10000x128xf32, #tpu.memory_space<vmem_shared>> -> memref<10000x128xf32, #tpu.memory_space<vmem_shared>>
      tpu.enqueue_indirect_dma source(%arg9 : memref<80x128xf32, #tpu.memory_space<vmem>>) target(%dma_start3A_212 : memref<10000x128xf32, #tpu.memory_space<vmem_shared>>) offsets(%dma_start3A_209 : memref<80xi32, #tpu.memory_space<vmem>>) semaphore(%run_scoped3A : memref<!tpu.dma_semaphore, #tpu.memory_space<semaphore_mem>>) {add = true}
      %dma_wait3A_213 = arith.constant 1920 : i32
      %dma_wait3A_214 = tpu.memref_slice %arg8[%dma_wait3A_213] : memref<2000xi32, #tpu.memory_space<vmem>> -> memref<80xi32, #tpu.memory_space<vmem>>
      %dma_wait3A_215 = arith.constant 0 : i32
      %dma_wait3A_216 = arith.constant 0 : i32
      %dma_wait3A_217 = tpu.memref_slice %arg11[%dma_wait3A_215, %dma_wait3A_216] : memref<10000x128xf32, #tpu.memory_space<vmem_shared>> -> memref<10000x128xf32, #tpu.memory_space<vmem_shared>>
      tpu.wait_indirect_dma semaphore(%run_scoped3A : memref<!tpu.dma_semaphore, #tpu.memory_space<semaphore_mem>>) src(%arg9 : memref<80x128xf32, #tpu.memory_space<vmem>>) dst(%dma_wait3A_217 : memref<10000x128xf32, #tpu.memory_space<vmem_shared>>)
      tpu.yield
    }) : () -> ()
    %mul3A_164 = arith.constant 160000 : i32
    %mul3A_165 = arith.muli %arg0, %mul3A_164 : i32
    %mul3A_166 = arith.constant 10000 : i32
    %mul3A_167 = arith.muli %arg1, %mul3A_166 : i32
    %add3A_168 = arith.addi %mul3A_165, %mul3A_167 : i32
    %add3A_169 = arith.constant 8000 : i32
    %add3A_170 = arith.addi %add3A_168, %add3A_169 : i32
    "tpu.region"() ({
      %run_scoped3A = tpu.sem_alloc : memref<!tpu.dma_semaphore, #tpu.memory_space<semaphore_mem>>
      %dma_start3A = tpu.memref_slice %arg4[%add3A_170] : memref<320000xi32, #tpu.memory_space<hbm>> -> memref<2000xi32, #tpu.memory_space<hbm>>
      %dma_start3A_209 = tpu.memref_slice %arg4[%add3A_170] : memref<320000xi32, #tpu.memory_space<hbm>> -> memref<2000xi32, #tpu.memory_space<hbm>>
      tpu.enqueue_dma source(%dma_start3A_209 : memref<2000xi32, #tpu.memory_space<hbm>>) target(%arg7 : memref<2000xi32, #tpu.memory_space<vmem>>) target_semaphore(%run_scoped3A : memref<!tpu.dma_semaphore, #tpu.memory_space<semaphore_mem>>)
      %dma_wait3A_210 = tpu.memref_slice %arg4[%add3A_170] : memref<320000xi32, #tpu.memory_space<hbm>> -> memref<2000xi32, #tpu.memory_space<hbm>>
      %dma_wait3A_211 = tpu.memref_slice %arg4[%add3A_170] : memref<320000xi32, #tpu.memory_space<hbm>> -> memref<2000xi32, #tpu.memory_space<hbm>>
      tpu.wait_dma2 semaphore(%run_scoped3A : memref<!tpu.dma_semaphore, #tpu.memory_space<semaphore_mem>>) src(%dma_wait3A_211 : memref<2000xi32, #tpu.memory_space<hbm>>) dst(%arg7 : memref<2000xi32, #tpu.memory_space<vmem>>)
      tpu.yield
    }) : () -> ()
    %mul3A_171 = arith.constant 160000 : i32
    %mul3A_172 = arith.muli %arg0, %mul3A_171 : i32
    %mul3A_173 = arith.constant 10000 : i32
    %mul3A_174 = arith.muli %arg1, %mul3A_173 : i32
    %add3A_175 = arith.addi %mul3A_172, %mul3A_174 : i32
    %add3A_176 = arith.constant 8000 : i32
    %add3A_177 = arith.addi %add3A_175, %add3A_176 : i32
    "tpu.region"() ({
      %run_scoped3A = tpu.sem_alloc : memref<!tpu.dma_semaphore, #tpu.memory_space<semaphore_mem>>
      %dma_start3A = tpu.memref_slice %arg5[%add3A_177] : memref<320000xi32, #tpu.memory_space<hbm>> -> memref<2000xi32, #tpu.memory_space<hbm>>
      %dma_start3A_209 = tpu.memref_slice %arg5[%add3A_177] : memref<320000xi32, #tpu.memory_space<hbm>> -> memref<2000xi32, #tpu.memory_space<hbm>>
      tpu.enqueue_dma source(%dma_start3A_209 : memref<2000xi32, #tpu.memory_space<hbm>>) target(%arg8 : memref<2000xi32, #tpu.memory_space<vmem>>) target_semaphore(%run_scoped3A : memref<!tpu.dma_semaphore, #tpu.memory_space<semaphore_mem>>)
      %dma_wait3A_210 = tpu.memref_slice %arg5[%add3A_177] : memref<320000xi32, #tpu.memory_space<hbm>> -> memref<2000xi32, #tpu.memory_space<hbm>>
      %dma_wait3A_211 = tpu.memref_slice %arg5[%add3A_177] : memref<320000xi32, #tpu.memory_space<hbm>> -> memref<2000xi32, #tpu.memory_space<hbm>>
      tpu.wait_dma2 semaphore(%run_scoped3A : memref<!tpu.dma_semaphore, #tpu.memory_space<semaphore_mem>>) src(%dma_wait3A_211 : memref<2000xi32, #tpu.memory_space<hbm>>) dst(%arg8 : memref<2000xi32, #tpu.memory_space<vmem>>)
      tpu.yield
    }) : () -> ()
    %eq3A_178 = arith.constant 0 : i32
    %eq3A_179 = arith.cmpi eq, %arg0, %eq3A_178 : i32
    %convert_element_type3A_180 = arith.extui %eq3A_179 : i1 to i32
    %cond3A_181 = arith.constant 0 : i32
    %cond3A_182 = arith.cmpi ne, %convert_element_type3A_180, %cond3A_181 : i32
    scf.if %cond3A_182 {
      %dma_start3A = arith.constant 0 : i32
      %dma_start3A_209 = tpu.memref_slice %arg7[%dma_start3A] : memref<2000xi32, #tpu.memory_space<vmem>> -> memref<80xi32, #tpu.memory_space<vmem>>
      %dma_start3A_210 = arith.constant 0 : i32
      %dma_start3A_211 = arith.constant 0 : i32
      %dma_start3A_212 = tpu.memref_slice %arg2[%dma_start3A_210, %dma_start3A_211] : memref<10000x128xf32, #tpu.memory_space<hbm>> -> memref<10000x128xf32, #tpu.memory_space<hbm>>
      tpu.enqueue_indirect_dma source(%dma_start3A_212 : memref<10000x128xf32, #tpu.memory_space<hbm>>) target(%arg9 : memref<80x128xf32, #tpu.memory_space<vmem>>) offsets(%dma_start3A_209 : memref<80xi32, #tpu.memory_space<vmem>>) semaphore(%arg12 : memref<!tpu.dma_semaphore, #tpu.memory_space<semaphore_mem>>)
    } else {
    }
    %eq3A_183 = arith.constant 1 : i32
    %eq3A_184 = arith.cmpi eq, %arg0, %eq3A_183 : i32
    %convert_element_type3A_185 = arith.extui %eq3A_184 : i1 to i32
    %cond3A_186 = arith.constant 0 : i32
    %cond3A_187 = arith.cmpi ne, %convert_element_type3A_185, %cond3A_186 : i32
    scf.if %cond3A_187 {
      %dma_start3A = arith.constant 0 : i32
      %dma_start3A_209 = tpu.memref_slice %arg7[%dma_start3A] : memref<2000xi32, #tpu.memory_space<vmem>> -> memref<80xi32, #tpu.memory_space<vmem>>
      %dma_start3A_210 = arith.constant 0 : i32
      %dma_start3A_211 = arith.constant 0 : i32
      %dma_start3A_212 = tpu.memref_slice %arg3[%dma_start3A_210, %dma_start3A_211] : memref<10000x128xf32, #tpu.memory_space<hbm>> -> memref<10000x128xf32, #tpu.memory_space<hbm>>
      tpu.enqueue_indirect_dma source(%dma_start3A_212 : memref<10000x128xf32, #tpu.memory_space<hbm>>) target(%arg9 : memref<80x128xf32, #tpu.memory_space<vmem>>) offsets(%dma_start3A_209 : memref<80xi32, #tpu.memory_space<vmem>>) semaphore(%arg12 : memref<!tpu.dma_semaphore, #tpu.memory_space<semaphore_mem>>)
    } else {
    }
    %scan3A_188 = arith.constant 0 : i32
    %scan3A_189 = arith.constant 0 : i32
    %scan3A_190 = arith.constant 12 : i32
    %scan3A_191 = arith.addi %scan3A_189, %scan3A_190 : i32
    %scan3A_192 = arith.constant 1 : i32
    %scan3A_193 = scf.for %scan3A_209 = %scan3A_189 to %scan3A_191 step %scan3A_192 iter_args(%scan3A_210 = %scan3A_188) -> (i32)  : i32 {
      %mul3A_211 = arith.constant 2 : i32
      %mul3A_212 = arith.muli %scan3A_209, %mul3A_211 : i32
      %add3A_213 = arith.constant 1 : i32
      %add3A_214 = arith.addi %mul3A_212, %add3A_213 : i32
      %mul3A_215 = arith.constant 80 : i32
      %mul3A_216 = arith.muli %add3A_214, %mul3A_215 : i32
      %eq3A_217 = arith.constant 0 : i32
      %eq3A_218 = arith.cmpi eq, %arg0, %eq3A_217 : i32
      %convert_element_type3A_219 = arith.extui %eq3A_218 : i1 to i32
      %cond3A_220 = arith.constant 0 : i32
      %cond3A_221 = arith.cmpi ne, %convert_element_type3A_219, %cond3A_220 : i32
      scf.if %cond3A_221 {
        %dma_start3A = tpu.memref_slice %arg7[%mul3A_216] : memref<2000xi32, #tpu.memory_space<vmem>> -> memref<80xi32, #tpu.memory_space<vmem>>
        %dma_start3A_254 = arith.constant 0 : i32
        %dma_start3A_255 = arith.constant 0 : i32
        %dma_start3A_256 = tpu.memref_slice %arg2[%dma_start3A_254, %dma_start3A_255] : memref<10000x128xf32, #tpu.memory_space<hbm>> -> memref<10000x128xf32, #tpu.memory_space<hbm>>
        tpu.enqueue_indirect_dma source(%dma_start3A_256 : memref<10000x128xf32, #tpu.memory_space<hbm>>) target(%arg10 : memref<80x128xf32, #tpu.memory_space<vmem>>) offsets(%dma_start3A : memref<80xi32, #tpu.memory_space<vmem>>) semaphore(%arg13 : memref<!tpu.dma_semaphore, #tpu.memory_space<semaphore_mem>>)
      } else {
      }
      %eq3A_222 = arith.constant 1 : i32
      %eq3A_223 = arith.cmpi eq, %arg0, %eq3A_222 : i32
      %convert_element_type3A_224 = arith.extui %eq3A_223 : i1 to i32
      %cond3A_225 = arith.constant 0 : i32
      %cond3A_226 = arith.cmpi ne, %convert_element_type3A_224, %cond3A_225 : i32
      scf.if %cond3A_226 {
        %dma_start3A = tpu.memref_slice %arg7[%mul3A_216] : memref<2000xi32, #tpu.memory_space<vmem>> -> memref<80xi32, #tpu.memory_space<vmem>>
        %dma_start3A_254 = arith.constant 0 : i32
        %dma_start3A_255 = arith.constant 0 : i32
        %dma_start3A_256 = tpu.memref_slice %arg3[%dma_start3A_254, %dma_start3A_255] : memref<10000x128xf32, #tpu.memory_space<hbm>> -> memref<10000x128xf32, #tpu.memory_space<hbm>>
        tpu.enqueue_indirect_dma source(%dma_start3A_256 : memref<10000x128xf32, #tpu.memory_space<hbm>>) target(%arg10 : memref<80x128xf32, #tpu.memory_space<vmem>>) offsets(%dma_start3A : memref<80xi32, #tpu.memory_space<vmem>>) semaphore(%arg13 : memref<!tpu.dma_semaphore, #tpu.memory_space<semaphore_mem>>)
      } else {
      }
      %mul3A_227 = arith.constant 80 : i32
      %mul3A_228 = arith.muli %mul3A_212, %mul3A_227 : i32
      %dma_wait3A_229 = tpu.memref_slice %arg7[%mul3A_228] : memref<2000xi32, #tpu.memory_space<vmem>> -> memref<80xi32, #tpu.memory_space<vmem>>
      %dma_wait3A_230 = arith.constant 0 : i32
      %dma_wait3A_231 = arith.constant 0 : i32
      %dma_wait3A_232 = tpu.memref_slice %arg2[%dma_wait3A_230, %dma_wait3A_231] : memref<10000x128xf32, #tpu.memory_space<hbm>> -> memref<10000x128xf32, #tpu.memory_space<hbm>>
      tpu.wait_indirect_dma semaphore(%arg12 : memref<!tpu.dma_semaphore, #tpu.memory_space<semaphore_mem>>) src(%dma_wait3A_232 : memref<10000x128xf32, #tpu.memory_space<hbm>>) dst(%arg9 : memref<80x128xf32, #tpu.memory_space<vmem>>)
      %mul3A_233 = arith.constant 80 : i32
      %mul3A_234 = arith.muli %mul3A_212, %mul3A_233 : i32
      "tpu.region"() ({
        %run_scoped3A = tpu.sem_alloc : memref<!tpu.dma_semaphore, #tpu.memory_space<semaphore_mem>>
        %dma_start3A = tpu.memref_slice %arg8[%mul3A_234] : memref<2000xi32, #tpu.memory_space<vmem>> -> memref<80xi32, #tpu.memory_space<vmem>>
        %dma_start3A_254 = arith.constant 0 : i32
        %dma_start3A_255 = arith.constant 0 : i32
        %dma_start3A_256 = tpu.memref_slice %arg11[%dma_start3A_254, %dma_start3A_255] : memref<10000x128xf32, #tpu.memory_space<vmem_shared>> -> memref<10000x128xf32, #tpu.memory_space<vmem_shared>>
        tpu.enqueue_indirect_dma source(%arg9 : memref<80x128xf32, #tpu.memory_space<vmem>>) target(%dma_start3A_256 : memref<10000x128xf32, #tpu.memory_space<vmem_shared>>) offsets(%dma_start3A : memref<80xi32, #tpu.memory_space<vmem>>) semaphore(%run_scoped3A : memref<!tpu.dma_semaphore, #tpu.memory_space<semaphore_mem>>) {add = true}
        %dma_wait3A_257 = tpu.memref_slice %arg8[%mul3A_234] : memref<2000xi32, #tpu.memory_space<vmem>> -> memref<80xi32, #tpu.memory_space<vmem>>
        %dma_wait3A_258 = arith.constant 0 : i32
        %dma_wait3A_259 = arith.constant 0 : i32
        %dma_wait3A_260 = tpu.memref_slice %arg11[%dma_wait3A_258, %dma_wait3A_259] : memref<10000x128xf32, #tpu.memory_space<vmem_shared>> -> memref<10000x128xf32, #tpu.memory_space<vmem_shared>>
        tpu.wait_indirect_dma semaphore(%run_scoped3A : memref<!tpu.dma_semaphore, #tpu.memory_space<semaphore_mem>>) src(%arg9 : memref<80x128xf32, #tpu.memory_space<vmem>>) dst(%dma_wait3A_260 : memref<10000x128xf32, #tpu.memory_space<vmem_shared>>)
        tpu.yield
      }) : () -> ()
      %add3A_235 = arith.constant 2 : i32
      %add3A_236 = arith.addi %mul3A_212, %add3A_235 : i32
      %lt3A = arith.constant 25 : i32
      %lt3A_237 = arith.cmpi slt, %add3A_236, %lt3A : i32
      %convert_element_type3A_238 = arith.extui %lt3A_237 : i1 to i32
      %cond3A_239 = arith.constant 0 : i32
      %cond3A_240 = arith.cmpi ne, %convert_element_type3A_238, %cond3A_239 : i32
      scf.if %cond3A_240 {
        %add3A_254 = arith.constant 2 : i32
        %add3A_255 = arith.addi %mul3A_212, %add3A_254 : i32
        %mul3A_256 = arith.constant 80 : i32
        %mul3A_257 = arith.muli %add3A_255, %mul3A_256 : i32
        %eq3A_258 = arith.constant 0 : i32
        %eq3A_259 = arith.cmpi eq, %arg0, %eq3A_258 : i32
        %convert_element_type3A_260 = arith.extui %eq3A_259 : i1 to i32
        %cond3A_261 = arith.constant 0 : i32
        %cond3A_262 = arith.cmpi ne, %convert_element_type3A_260, %cond3A_261 : i32
        scf.if %cond3A_262 {
          %dma_start3A = tpu.memref_slice %arg7[%mul3A_257] : memref<2000xi32, #tpu.memory_space<vmem>> -> memref<80xi32, #tpu.memory_space<vmem>>
          %dma_start3A_268 = arith.constant 0 : i32
          %dma_start3A_269 = arith.constant 0 : i32
          %dma_start3A_270 = tpu.memref_slice %arg2[%dma_start3A_268, %dma_start3A_269] : memref<10000x128xf32, #tpu.memory_space<hbm>> -> memref<10000x128xf32, #tpu.memory_space<hbm>>
          tpu.enqueue_indirect_dma source(%dma_start3A_270 : memref<10000x128xf32, #tpu.memory_space<hbm>>) target(%arg9 : memref<80x128xf32, #tpu.memory_space<vmem>>) offsets(%dma_start3A : memref<80xi32, #tpu.memory_space<vmem>>) semaphore(%arg12 : memref<!tpu.dma_semaphore, #tpu.memory_space<semaphore_mem>>)
        } else {
        }
        %eq3A_263 = arith.constant 1 : i32
        %eq3A_264 = arith.cmpi eq, %arg0, %eq3A_263 : i32
        %convert_element_type3A_265 = arith.extui %eq3A_264 : i1 to i32
        %cond3A_266 = arith.constant 0 : i32
        %cond3A_267 = arith.cmpi ne, %convert_element_type3A_265, %cond3A_266 : i32
        scf.if %cond3A_267 {
          %dma_start3A = tpu.memref_slice %arg7[%mul3A_257] : memref<2000xi32, #tpu.memory_space<vmem>> -> memref<80xi32, #tpu.memory_space<vmem>>
          %dma_start3A_268 = arith.constant 0 : i32
          %dma_start3A_269 = arith.constant 0 : i32
          %dma_start3A_270 = tpu.memref_slice %arg3[%dma_start3A_268, %dma_start3A_269] : memref<10000x128xf32, #tpu.memory_space<hbm>> -> memref<10000x128xf32, #tpu.memory_space<hbm>>
          tpu.enqueue_indirect_dma source(%dma_start3A_270 : memref<10000x128xf32, #tpu.memory_space<hbm>>) target(%arg9 : memref<80x128xf32, #tpu.memory_space<vmem>>) offsets(%dma_start3A : memref<80xi32, #tpu.memory_space<vmem>>) semaphore(%arg12 : memref<!tpu.dma_semaphore, #tpu.memory_space<semaphore_mem>>)
        } else {
        }
      } else {
      }
      %add3A_241 = arith.constant 1 : i32
      %add3A_242 = arith.addi %mul3A_212, %add3A_241 : i32
      %mul3A_243 = arith.constant 80 : i32
      %mul3A_244 = arith.muli %add3A_242, %mul3A_243 : i32
      %dma_wait3A_245 = tpu.memref_slice %arg7[%mul3A_244] : memref<2000xi32, #tpu.memory_space<vmem>> -> memref<80xi32, #tpu.memory_space<vmem>>
      %dma_wait3A_246 = arith.constant 0 : i32
      %dma_wait3A_247 = arith.constant 0 : i32
      %dma_wait3A_248 = tpu.memref_slice %arg2[%dma_wait3A_246, %dma_wait3A_247] : memref<10000x128xf32, #tpu.memory_space<hbm>> -> memref<10000x128xf32, #tpu.memory_space<hbm>>
      tpu.wait_indirect_dma semaphore(%arg13 : memref<!tpu.dma_semaphore, #tpu.memory_space<semaphore_mem>>) src(%dma_wait3A_248 : memref<10000x128xf32, #tpu.memory_space<hbm>>) dst(%arg10 : memref<80x128xf32, #tpu.memory_space<vmem>>)
      %add3A_249 = arith.constant 1 : i32
      %add3A_250 = arith.addi %mul3A_212, %add3A_249 : i32
      %mul3A_251 = arith.constant 80 : i32
      %mul3A_252 = arith.muli %add3A_250, %mul3A_251 : i32
      "tpu.region"() ({
        %run_scoped3A = tpu.sem_alloc : memref<!tpu.dma_semaphore, #tpu.memory_space<semaphore_mem>>
        %dma_start3A = tpu.memref_slice %arg8[%mul3A_252] : memref<2000xi32, #tpu.memory_space<vmem>> -> memref<80xi32, #tpu.memory_space<vmem>>
        %dma_start3A_254 = arith.constant 0 : i32
        %dma_start3A_255 = arith.constant 0 : i32
        %dma_start3A_256 = tpu.memref_slice %arg11[%dma_start3A_254, %dma_start3A_255] : memref<10000x128xf32, #tpu.memory_space<vmem_shared>> -> memref<10000x128xf32, #tpu.memory_space<vmem_shared>>
        tpu.enqueue_indirect_dma source(%arg10 : memref<80x128xf32, #tpu.memory_space<vmem>>) target(%dma_start3A_256 : memref<10000x128xf32, #tpu.memory_space<vmem_shared>>) offsets(%dma_start3A : memref<80xi32, #tpu.memory_space<vmem>>) semaphore(%run_scoped3A : memref<!tpu.dma_semaphore, #tpu.memory_space<semaphore_mem>>) {add = true}
        %dma_wait3A_257 = tpu.memref_slice %arg8[%mul3A_252] : memref<2000xi32, #tpu.memory_space<vmem>> -> memref<80xi32, #tpu.memory_space<vmem>>
        %dma_wait3A_258 = arith.constant 0 : i32
        %dma_wait3A_259 = arith.constant 0 : i32
        %dma_wait3A_260 = tpu.memref_slice %arg11[%dma_wait3A_258, %dma_wait3A_259] : memref<10000x128xf32, #tpu.memory_space<vmem_shared>> -> memref<10000x128xf32, #tpu.memory_space<vmem_shared>>
        tpu.wait_indirect_dma semaphore(%run_scoped3A : memref<!tpu.dma_semaphore, #tpu.memory_space<semaphore_mem>>) src(%arg10 : memref<80x128xf32, #tpu.memory_space<vmem>>) dst(%dma_wait3A_260 : memref<10000x128xf32, #tpu.memory_space<vmem_shared>>)
        tpu.yield
      }) : () -> ()
      %scan3A_253 = arith.constant 0 : i32
      scf.yield %scan3A_253 : i32
    }
    %scan3A_194 = arith.constant 12 : i32
    %dma_wait3A_195 = arith.constant 1920 : i32
    %dma_wait3A_196 = tpu.memref_slice %arg7[%dma_wait3A_195] : memref<2000xi32, #tpu.memory_space<vmem>> -> memref<80xi32, #tpu.memory_space<vmem>>
    %dma_wait3A_197 = arith.constant 0 : i32
    %dma_wait3A_198 = arith.constant 0 : i32
    %dma_wait3A_199 = tpu.memref_slice %arg2[%dma_wait3A_197, %dma_wait3A_198] : memref<10000x128xf32, #tpu.memory_space<hbm>> -> memref<10000x128xf32, #tpu.memory_space<hbm>>
    tpu.wait_indirect_dma semaphore(%arg12 : memref<!tpu.dma_semaphore, #tpu.memory_space<semaphore_mem>>) src(%dma_wait3A_199 : memref<10000x128xf32, #tpu.memory_space<hbm>>) dst(%arg9 : memref<80x128xf32, #tpu.memory_space<vmem>>)
    "tpu.region"() ({
      %run_scoped3A = tpu.sem_alloc : memref<!tpu.dma_semaphore, #tpu.memory_space<semaphore_mem>>
      %dma_start3A = arith.constant 1920 : i32
      %dma_start3A_209 = tpu.memref_slice %arg8[%dma_start3A] : memref<2000xi32, #tpu.memory_space<vmem>> -> memref<80xi32, #tpu.memory_space<vmem>>
      %dma_start3A_210 = arith.constant 0 : i32
      %dma_start3A_211 = arith.constant 0 : i32
      %dma_start3A_212 = tpu.memref_slice %arg11[%dma_start3A_210, %dma_start3A_211] : memref<10000x128xf32, #tpu.memory_space<vmem_shared>> -> memref<10000x128xf32, #tpu.memory_space<vmem_shared>>
      tpu.enqueue_indirect_dma source(%arg9 : memref<80x128xf32, #tpu.memory_space<vmem>>) target(%dma_start3A_212 : memref<10000x128xf32, #tpu.memory_space<vmem_shared>>) offsets(%dma_start3A_209 : memref<80xi32, #tpu.memory_space<vmem>>) semaphore(%run_scoped3A : memref<!tpu.dma_semaphore, #tpu.memory_space<semaphore_mem>>) {add = true}
      %dma_wait3A_213 = arith.constant 1920 : i32
      %dma_wait3A_214 = tpu.memref_slice %arg8[%dma_wait3A_213] : memref<2000xi32, #tpu.memory_space<vmem>> -> memref<80xi32, #tpu.memory_space<vmem>>
      %dma_wait3A_215 = arith.constant 0 : i32
      %dma_wait3A_216 = arith.constant 0 : i32
      %dma_wait3A_217 = tpu.memref_slice %arg11[%dma_wait3A_215, %dma_wait3A_216] : memref<10000x128xf32, #tpu.memory_space<vmem_shared>> -> memref<10000x128xf32, #tpu.memory_space<vmem_shared>>
      tpu.wait_indirect_dma semaphore(%run_scoped3A : memref<!tpu.dma_semaphore, #tpu.memory_space<semaphore_mem>>) src(%arg9 : memref<80x128xf32, #tpu.memory_space<vmem>>) dst(%dma_wait3A_217 : memref<10000x128xf32, #tpu.memory_space<vmem_shared>>)
      tpu.yield
    }) : () -> ()
    %barrier3A_200 = arith.constant 0 : index
    tpu.barrier barrier_id(%barrier3A_200)
    %mul3A_201 = arith.constant 624 : i32
    %mul3A_202 = arith.muli %arg1, %mul3A_201 : i32
    %add3A_203 = arith.addi %mul3A_0, %mul3A_202 : i32
    "tpu.region"() ({
      %run_scoped3A = tpu.sem_alloc : memref<!tpu.dma_semaphore, #tpu.memory_space<semaphore_mem>>
      %dma_start3A = arith.constant 0 : i32
      %dma_start3A_209 = tpu.memref_slice %arg6[%add3A_203, %dma_start3A] : memref<20000x128xf32, #tpu.memory_space<hbm>> -> memref<624x128xf32, #tpu.memory_space<hbm>>
      %dma_start3A_210 = arith.constant 0 : i32
      %dma_start3A_211 = tpu.memref_slice %arg11[%mul3A_202, %dma_start3A_210] : memref<10000x128xf32, #tpu.memory_space<vmem_shared>> -> memref<624x128xf32, #tpu.memory_space<vmem_shared>>
      tpu.enqueue_dma source(%dma_start3A_211 : memref<624x128xf32, #tpu.memory_space<vmem_shared>>) target(%dma_start3A_209 : memref<624x128xf32, #tpu.memory_space<hbm>>) target_semaphore(%run_scoped3A : memref<!tpu.dma_semaphore, #tpu.memory_space<semaphore_mem>>)
      %dma_wait3A_212 = arith.constant 0 : i32
      %dma_wait3A_213 = tpu.memref_slice %arg6[%add3A_203, %dma_wait3A_212] : memref<20000x128xf32, #tpu.memory_space<hbm>> -> memref<624x128xf32, #tpu.memory_space<hbm>>
      %dma_wait3A_214 = arith.constant 0 : i32
      %dma_wait3A_215 = tpu.memref_slice %arg11[%mul3A_202, %dma_wait3A_214] : memref<10000x128xf32, #tpu.memory_space<vmem_shared>> -> memref<624x128xf32, #tpu.memory_space<vmem_shared>>
      tpu.wait_dma2 semaphore(%run_scoped3A : memref<!tpu.dma_semaphore, #tpu.memory_space<semaphore_mem>>) src(%dma_wait3A_215 : memref<624x128xf32, #tpu.memory_space<vmem_shared>>) dst(%dma_wait3A_213 : memref<624x128xf32, #tpu.memory_space<hbm>>)
      tpu.yield
    }) : () -> ()
    %eq3A_204 = arith.constant 15 : i32
    %eq3A_205 = arith.cmpi eq, %arg1, %eq3A_204 : i32
    %convert_element_type3A_206 = arith.extui %eq3A_205 : i1 to i32
    %cond3A_207 = arith.constant 0 : i32
    %cond3A_208 = arith.cmpi ne, %convert_element_type3A_206, %cond3A_207 : i32
    scf.if %cond3A_208 {
      %add3A_209 = arith.constant 9984 : i32
      %add3A_210 = arith.addi %mul3A_0, %add3A_209 : i32
      "tpu.region"() ({
        %run_scoped3A = tpu.sem_alloc : memref<!tpu.dma_semaphore, #tpu.memory_space<semaphore_mem>>
        %dma_start3A = arith.constant 0 : i32
        %dma_start3A_211 = tpu.memref_slice %arg6[%add3A_210, %dma_start3A] : memref<20000x128xf32, #tpu.memory_space<hbm>> -> memref<16x128xf32, #tpu.memory_space<hbm>>
        %dma_start3A_212 = arith.constant 9984 : i32
        %dma_start3A_213 = arith.constant 0 : i32
        %dma_start3A_214 = tpu.memref_slice %arg11[%dma_start3A_212, %dma_start3A_213] : memref<10000x128xf32, #tpu.memory_space<vmem_shared>> -> memref<16x128xf32, #tpu.memory_space<vmem_shared>>
        tpu.enqueue_dma source(%dma_start3A_214 : memref<16x128xf32, #tpu.memory_space<vmem_shared>>) target(%dma_start3A_211 : memref<16x128xf32, #tpu.memory_space<hbm>>) target_semaphore(%run_scoped3A : memref<!tpu.dma_semaphore, #tpu.memory_space<semaphore_mem>>)
        %dma_wait3A_215 = arith.constant 0 : i32
        %dma_wait3A_216 = tpu.memref_slice %arg6[%add3A_210, %dma_wait3A_215] : memref<20000x128xf32, #tpu.memory_space<hbm>> -> memref<16x128xf32, #tpu.memory_space<hbm>>
        %dma_wait3A_217 = arith.constant 9984 : i32
        %dma_wait3A_218 = arith.constant 0 : i32
        %dma_wait3A_219 = tpu.memref_slice %arg11[%dma_wait3A_217, %dma_wait3A_218] : memref<10000x128xf32, #tpu.memory_space<vmem_shared>> -> memref<16x128xf32, #tpu.memory_space<vmem_shared>>
        tpu.wait_dma2 semaphore(%run_scoped3A : memref<!tpu.dma_semaphore, #tpu.memory_space<semaphore_mem>>) src(%dma_wait3A_219 : memref<16x128xf32, #tpu.memory_space<vmem_shared>>) dst(%dma_wait3A_216 : memref<16x128xf32, #tpu.memory_space<hbm>>)
        tpu.yield
      }) : () -> ()
    } else {
    }
    return
  }
}

module attributes {stable_mosaic.version = 14 : i64} {
  func.func @_mm_first_body(%arg0: i32, %arg1: memref<2000x128xf32, #tpu.memory_space<vmem>>, %arg2: memref<128x256xf32, #tpu.memory_space<vmem>>, %arg3: memref<2x2000x128xf32, #tpu.memory_space<vmem>>) attributes {dimension_semantics = [#tpu.dimension_semantics<arbitrary>], iteration_bounds = array<i64: 5>, scalar_prefetch = 0 : i64, scratch_operands = 0 : i64, tpu.core_type = #tpu.core_type<tc>, window_params = [{transform_indices = @transform_0, window_bounds = array<i64: 2000, 128>}, {pipeline_mode = #tpu.pipeline_mode<synchronous>, transform_indices = @transform_1, window_bounds = array<i64: 128, 256>}, {transform_indices = @transform_2, window_bounds = array<i64: 2, 2000, 128>}]} {
    %get3A = arith.constant 0 : index
    %get3A_0 = arith.constant 0 : index
    %get3A_1 = vector.load %arg1[%get3A, %get3A_0] : memref<2000x128xf32, #tpu.memory_space<vmem>>, vector<2000x128xf32>
    %get3A_2 = arith.constant 0 : index
    %get3A_3 = arith.constant 0 : index
    %get3A_4 = vector.load %arg2[%get3A_2, %get3A_3] : memref<128x256xf32, #tpu.memory_space<vmem>>, vector<128x256xf32>
    %dot_general3A = arith.constant dense<0.000000e+00> : vector<2000x256xf32>
    %dot_general3A_5 = tpu.matmul %get3A_1, %get3A_4, %dot_general3A {dimension_numbers = #tpu.dot_dimension_numbers<[1], [0], [0], [1], [0, 0, 1, 1], [], []>, transpose_lhs_hint = false} : vector<2000x128xf32>, vector<128x256xf32>, vector<2000x256xf32> -> vector<2000x256xf32>
    %slice3A = vector.extract_strided_slice %dot_general3A_5 {offsets = [0, 0], sizes = [2000, 128], strides = [1, 1]} : vector<2000x256xf32> to vector<2000x128xf32>
    %swap3A = arith.constant 0 : index
    %swap3A_6 = arith.constant 0 : index
    %swap3A_7 = arith.constant 0 : index
    %swap3A_8 = vector.load %arg3[%swap3A, %swap3A_6, %swap3A_7] : memref<2x2000x128xf32, #tpu.memory_space<vmem>>, vector<1x2000x128xf32>
    %swap3A_9 = vector.shape_cast %swap3A_8 : vector<1x2000x128xf32> to vector<2000x128xf32>
    %swap3A_10 = vector.shape_cast %slice3A : vector<2000x128xf32> to vector<1x2000x128xf32>
    tpu.vector_store %arg3[%swap3A, %swap3A_6, %swap3A_7], %swap3A_10 {strides = array<i32>} : memref<2x2000x128xf32, #tpu.memory_space<vmem>>, vector<1x2000x128xf32>,
    %slice3A_11 = vector.extract_strided_slice %dot_general3A_5 {offsets = [0, 128], sizes = [2000, 128], strides = [1, 1]} : vector<2000x256xf32> to vector<2000x128xf32>
    %swap3A_12 = arith.constant 1 : index
    %swap3A_13 = arith.constant 0 : index
    %swap3A_14 = arith.constant 0 : index
    %swap3A_15 = vector.load %arg3[%swap3A_12, %swap3A_13, %swap3A_14] : memref<2x2000x128xf32, #tpu.memory_space<vmem>>, vector<1x2000x128xf32>
    %swap3A_16 = vector.shape_cast %swap3A_15 : vector<1x2000x128xf32> to vector<2000x128xf32>
    %swap3A_17 = vector.shape_cast %slice3A_11 : vector<2000x128xf32> to vector<1x2000x128xf32>
    tpu.vector_store %arg3[%swap3A_12, %swap3A_13, %swap3A_14], %swap3A_17 {strides = array<i32>} : memref<2x2000x128xf32, #tpu.memory_space<vmem>>, vector<1x2000x128xf32>,
    return
  }
  func.func @transform_0(%arg0: i32) -> (i32, i32) {
    %c0_i32 = arith.constant 0 : i32
    %c0_i32_0 = arith.constant 0 : i32
    return %arg0, %c0_i32 : i32, i32
  }
  func.func @transform_1(%arg0: i32) -> (i32, i32) {
    %c0_i32 = arith.constant 0 : i32
    %c0_i32_0 = arith.constant 0 : i32
    %c0_i32_1 = arith.constant 0 : i32
    return %c0_i32, %c0_i32_0 : i32, i32
  }
  func.func @transform_2(%arg0: i32) -> (i32, i32, i32) {
    %c0_i32 = arith.constant 0 : i32
    %c0_i32_0 = arith.constant 0 : i32
    %c0_i32_1 = arith.constant 0 : i32
    return %c0_i32, %arg0, %c0_i32_0 : i32, i32, i32
  }
}

module attributes {stable_mosaic.version = 14 : i64} {
  func.func @_mm_mid_body(%arg0: i32, %arg1: memref<2x2000x128xf32, #tpu.memory_space<vmem>>, %arg2: memref<256x256xf32, #tpu.memory_space<vmem>>, %arg3: memref<2x2000x128xf32, #tpu.memory_space<vmem>>) attributes {dimension_semantics = [#tpu.dimension_semantics<arbitrary>], iteration_bounds = array<i64: 5>, scalar_prefetch = 0 : i64, scratch_operands = 0 : i64, tpu.core_type = #tpu.core_type<tc>, window_params = [{transform_indices = @transform_0, window_bounds = array<i64: 2, 2000, 128>}, {pipeline_mode = #tpu.pipeline_mode<synchronous>, transform_indices = @transform_1, window_bounds = array<i64: 256, 256>}, {transform_indices = @transform_2, window_bounds = array<i64: 2, 2000, 128>}]} {
    %get3A = arith.constant 0 : index
    %get3A_0 = arith.constant 0 : index
    %get3A_1 = arith.constant 0 : index
    %get3A_2 = vector.load %arg1[%get3A, %get3A_0, %get3A_1] : memref<2x2000x128xf32, #tpu.memory_space<vmem>>, vector<1x2000x128xf32>
    %get3A_3 = vector.shape_cast %get3A_2 : vector<1x2000x128xf32> to vector<2000x128xf32>
    %get3A_4 = arith.constant 1 : index
    %get3A_5 = arith.constant 0 : index
    %get3A_6 = arith.constant 0 : index
    %get3A_7 = vector.load %arg1[%get3A_4, %get3A_5, %get3A_6] : memref<2x2000x128xf32, #tpu.memory_space<vmem>>, vector<1x2000x128xf32>
    %get3A_8 = vector.shape_cast %get3A_7 : vector<1x2000x128xf32> to vector<2000x128xf32>
    %concatenate3A = tpu.concatenate %get3A_3, %get3A_8 in 1 : vector<2000x128xf32>, vector<2000x128xf32> -> vector<2000x256xf32>
    %tanh3A = math.tanh %concatenate3A : vector<2000x256xf32>
    %get3A_9 = arith.constant 0 : index
    %get3A_10 = arith.constant 0 : index
    %get3A_11 = vector.load %arg2[%get3A_9, %get3A_10] : memref<256x256xf32, #tpu.memory_space<vmem>>, vector<256x256xf32>
    %dot_general3A = arith.constant dense<0.000000e+00> : vector<2000x256xf32>
    %dot_general3A_12 = tpu.matmul %tanh3A, %get3A_11, %dot_general3A {dimension_numbers = #tpu.dot_dimension_numbers<[1], [0], [0], [1], [0, 0, 1, 1], [], []>, transpose_lhs_hint = false} : vector<2000x256xf32>, vector<256x256xf32>, vector<2000x256xf32> -> vector<2000x256xf32>
    %slice3A = vector.extract_strided_slice %dot_general3A_12 {offsets = [0, 0], sizes = [2000, 128], strides = [1, 1]} : vector<2000x256xf32> to vector<2000x128xf32>
    %swap3A = arith.constant 0 : index
    %swap3A_13 = arith.constant 0 : index
    %swap3A_14 = arith.constant 0 : index
    %swap3A_15 = vector.load %arg3[%swap3A, %swap3A_13, %swap3A_14] : memref<2x2000x128xf32, #tpu.memory_space<vmem>>, vector<1x2000x128xf32>
    %swap3A_16 = vector.shape_cast %swap3A_15 : vector<1x2000x128xf32> to vector<2000x128xf32>
    %swap3A_17 = vector.shape_cast %slice3A : vector<2000x128xf32> to vector<1x2000x128xf32>
    tpu.vector_store %arg3[%swap3A, %swap3A_13, %swap3A_14], %swap3A_17 {strides = array<i32>} : memref<2x2000x128xf32, #tpu.memory_space<vmem>>, vector<1x2000x128xf32>,
    %slice3A_18 = vector.extract_strided_slice %dot_general3A_12 {offsets = [0, 128], sizes = [2000, 128], strides = [1, 1]} : vector<2000x256xf32> to vector<2000x128xf32>
    %swap3A_19 = arith.constant 1 : index
    %swap3A_20 = arith.constant 0 : index
    %swap3A_21 = arith.constant 0 : index
    %swap3A_22 = vector.load %arg3[%swap3A_19, %swap3A_20, %swap3A_21] : memref<2x2000x128xf32, #tpu.memory_space<vmem>>, vector<1x2000x128xf32>
    %swap3A_23 = vector.shape_cast %swap3A_22 : vector<1x2000x128xf32> to vector<2000x128xf32>
    %swap3A_24 = vector.shape_cast %slice3A_18 : vector<2000x128xf32> to vector<1x2000x128xf32>
    tpu.vector_store %arg3[%swap3A_19, %swap3A_20, %swap3A_21], %swap3A_24 {strides = array<i32>} : memref<2x2000x128xf32, #tpu.memory_space<vmem>>, vector<1x2000x128xf32>,
    return
  }
  func.func @transform_0(%arg0: i32) -> (i32, i32, i32) {
    %c0_i32 = arith.constant 0 : i32
    %c0_i32_0 = arith.constant 0 : i32
    %c0_i32_1 = arith.constant 0 : i32
    return %c0_i32, %arg0, %c0_i32_0 : i32, i32, i32
  }
  func.func @transform_1(%arg0: i32) -> (i32, i32) {
    %c0_i32 = arith.constant 0 : i32
    %c0_i32_0 = arith.constant 0 : i32
    %c0_i32_1 = arith.constant 0 : i32
    return %c0_i32, %c0_i32_0 : i32, i32
  }
  func.func @transform_2(%arg0: i32) -> (i32, i32, i32) {
    %c0_i32 = arith.constant 0 : i32
    %c0_i32_0 = arith.constant 0 : i32
    %c0_i32_1 = arith.constant 0 : i32
    return %c0_i32, %arg0, %c0_i32_0 : i32, i32, i32
  }
}

module attributes {stable_mosaic.version = 14 : i64} {
  func.func @_mm_full_body(%arg0: i32, %arg1: memref<2x2000x128xf32, #tpu.memory_space<vmem>>, %arg2: memref<256x128xf32, #tpu.memory_space<vmem>>, %arg3: memref<2000x128xf32, #tpu.memory_space<vmem>>) attributes {dimension_semantics = [#tpu.dimension_semantics<arbitrary>], iteration_bounds = array<i64: 5>, scalar_prefetch = 0 : i64, scratch_operands = 0 : i64, tpu.core_type = #tpu.core_type<tc>, window_params = [{transform_indices = @transform_0, window_bounds = array<i64: 2, 2000, 128>}, {pipeline_mode = #tpu.pipeline_mode<synchronous>, transform_indices = @transform_1, window_bounds = array<i64: 256, 128>}, {transform_indices = @transform_2, window_bounds = array<i64: 2000, 128>}]} {
    %get3A = arith.constant 0 : index
    %get3A_0 = arith.constant 0 : index
    %get3A_1 = arith.constant 0 : index
    %get3A_2 = vector.load %arg1[%get3A, %get3A_0, %get3A_1] : memref<2x2000x128xf32, #tpu.memory_space<vmem>>, vector<1x2000x128xf32>
    %get3A_3 = vector.shape_cast %get3A_2 : vector<1x2000x128xf32> to vector<2000x128xf32>
    %get3A_4 = arith.constant 1 : index
    %get3A_5 = arith.constant 0 : index
    %get3A_6 = arith.constant 0 : index
    %get3A_7 = vector.load %arg1[%get3A_4, %get3A_5, %get3A_6] : memref<2x2000x128xf32, #tpu.memory_space<vmem>>, vector<1x2000x128xf32>
    %get3A_8 = vector.shape_cast %get3A_7 : vector<1x2000x128xf32> to vector<2000x128xf32>
    %concatenate3A = tpu.concatenate %get3A_3, %get3A_8 in 1 : vector<2000x128xf32>, vector<2000x128xf32> -> vector<2000x256xf32>
    %tanh3A = math.tanh %concatenate3A : vector<2000x256xf32>
    %get3A_9 = arith.constant 0 : index
    %get3A_10 = arith.constant 0 : index
    %get3A_11 = vector.load %arg2[%get3A_9, %get3A_10] : memref<256x128xf32, #tpu.memory_space<vmem>>, vector<256x128xf32>
    %dot_general3A = arith.constant dense<0.000000e+00> : vector<2000x128xf32>
    %dot_general3A_12 = tpu.matmul %tanh3A, %get3A_11, %dot_general3A {dimension_numbers = #tpu.dot_dimension_numbers<[1], [0], [0], [1], [0, 0, 1, 1], [], []>, transpose_lhs_hint = false} : vector<2000x256xf32>, vector<256x128xf32>, vector<2000x128xf32> -> vector<2000x128xf32>
    %swap3A = arith.constant 0 : index
    %swap3A_13 = arith.constant 0 : index
    %swap3A_14 = vector.load %arg3[%swap3A, %swap3A_13] : memref<2000x128xf32, #tpu.memory_space<vmem>>, vector<2000x128xf32>
    tpu.vector_store %arg3[%swap3A, %swap3A_13], %dot_general3A_12 {strides = array<i32>} : memref<2000x128xf32, #tpu.memory_space<vmem>>, vector<2000x128xf32>,
    return
  }
  func.func @transform_0(%arg0: i32) -> (i32, i32, i32) {
    %c0_i32 = arith.constant 0 : i32
    %c0_i32_0 = arith.constant 0 : i32
    %c0_i32_1 = arith.constant 0 : i32
    return %c0_i32, %arg0, %c0_i32_0 : i32, i32, i32
  }
  func.func @transform_1(%arg0: i32) -> (i32, i32) {
    %c0_i32 = arith.constant 0 : i32
    %c0_i32_0 = arith.constant 0 : i32
    %c0_i32_1 = arith.constant 0 : i32
    return %c0_i32, %c0_i32_0 : i32, i32
  }
  func.func @transform_2(%arg0: i32) -> (i32, i32) {
    %c0_i32 = arith.constant 0 : i32
    %c0_i32_0 = arith.constant 0 : i32
    return %arg0, %c0_i32 : i32, i32
  }
}

module attributes {stable_mosaic.version = 14 : i64} {
  func.func @_tanh_sum_body(%arg0: i32, %arg1: memref<2x2000x128xf32, #tpu.memory_space<vmem>>, %arg2: memref<2000x128xf32, #tpu.memory_space<vmem>>) attributes {dimension_semantics = [#tpu.dimension_semantics<arbitrary>], iteration_bounds = array<i64: 5>, scalar_prefetch = 0 : i64, scratch_operands = 0 : i64, tpu.core_type = #tpu.core_type<tc>, window_params = [{transform_indices = @transform_0, window_bounds = array<i64: 2, 2000, 128>}, {transform_indices = @transform_1, window_bounds = array<i64: 2000, 128>}]} {
    %get3A = arith.constant 0 : index
    %get3A_0 = arith.constant 0 : index
    %get3A_1 = arith.constant 0 : index
    %get3A_2 = vector.load %arg1[%get3A, %get3A_0, %get3A_1] : memref<2x2000x128xf32, #tpu.memory_space<vmem>>, vector<1x2000x128xf32>
    %get3A_3 = vector.shape_cast %get3A_2 : vector<1x2000x128xf32> to vector<2000x128xf32>
    %get3A_4 = arith.constant 1 : index
    %get3A_5 = arith.constant 0 : index
    %get3A_6 = arith.constant 0 : index
    %get3A_7 = vector.load %arg1[%get3A_4, %get3A_5, %get3A_6] : memref<2x2000x128xf32, #tpu.memory_space<vmem>>, vector<1x2000x128xf32>
    %get3A_8 = vector.shape_cast %get3A_7 : vector<1x2000x128xf32> to vector<2000x128xf32>
    %add3A = arith.addf %get3A_3, %get3A_8 : vector<2000x128xf32>
    %tanh3A = math.tanh %add3A : vector<2000x128xf32>
    %swap3A = arith.constant 0 : index
    %swap3A_9 = arith.constant 0 : index
    %swap3A_10 = vector.load %arg2[%swap3A, %swap3A_9] : memref<2000x128xf32, #tpu.memory_space<vmem>>, vector<2000x128xf32>
    tpu.vector_store %arg2[%swap3A, %swap3A_9], %tanh3A {strides = array<i32>} : memref<2000x128xf32, #tpu.memory_space<vmem>>, vector<2000x128xf32>,
    return
  }
  func.func @transform_0(%arg0: i32) -> (i32, i32, i32) {
    %c0_i32 = arith.constant 0 : i32
    %c0_i32_0 = arith.constant 0 : i32
    %c0_i32_1 = arith.constant 0 : i32
    return %c0_i32, %arg0, %c0_i32_0 : i32, i32, i32
  }
  func.func @transform_1(%arg0: i32) -> (i32, i32) {
    %c0_i32 = arith.constant 0 : i32
    %c0_i32_0 = arith.constant 0 : i32
    return %arg0, %c0_i32 : i32, i32
  }
}

</mosaic_0001>

<sc_bundles>
// kernel: kernel.12.cloned.1.call-start
scs
__scs_entry_jumppad:
0x0: {  	(pc) =	sbr.rel $0x88, $3  }
0x1: {  	(tag) =	ssettag $0x0;
	lr =	simm.s32 $0x1  }
0x2: {  	[smem:$0x3F9C] =	sst lr;
	_ =	strace $0xD0000000  }
0x3: {  	_ = 	snop  }
0x4: {  	_ = 	snop  }
0x5: {  	_ = 	snop  }
0x6: {  	_ = 	snop  }
0x7: {  	_ = 	snop  }
__scs_overlays_trampoline_lowered:
0x8: {  	[smem:$0x3FAB] =	sst s0  }
0x9: {  	[smem:$0x3FAC] =	sst s1  }
0xa: {  	[smem:$0x3FAD] =	sst s2  }
0xb: {  	[smem:$0x3FAE] =	sst s3  }
0xc: {  	[smem:$0x3FAF] =	sst s4  }
0xd: {  	[smem:$0x3FB0] =	sst s5  }
0xe: {  	[smem:$0x3FB1] =	sst s6  }
0xf: {  	[smem:$0x3FB2] =	sst s7  }
0x10: {  	[smem:$0x3FB3] =	sst s8  }
0x11: {  	[smem:$0x3FB4] =	sst s9;
	s0 =	simm.s32 @!p0 $0x0  }
0x12: {  	s1 =	sld [smem:$0x3F9A];
	s0 =	simm.s32 @p0 $0x1  }
0x13: {  	[smem:$0x3FB5] =	sst s0;
	s0 =	simm.s32 @!p1 $0x0  }
0x14: {  	s2 =	sld [smem:$0x3F99];
	s0 =	simm.s32 @p1 $0x1  }
0x15: {  	[smem:$0x3FB6] =	sst s0;
	s0 =	simm.s32 @!p2 $0x0  }
0x16: {  	s3 =	sld [smem:$0x3FDB];
	s0 =	simm.s32 @p2 $0x1  }
0x17: {  	s4 =	simm.s32 $0x1BF5;
	[smem:$0x3FB8] =	sst s0  }
0x18: {  	s0 =	sld [smem:$0x3F9B];
	_ =	swait.ge [sflag:s4], $0x0  }
0x19: {  	s7 =	sld [smem:$0x3F9C]  }
0x1a: {  	s8 =	sadd.s32 $0xFFFFE003, lr  }
0x1b: {  	s9 =	sadd.s32 $0xFFFFFEF7, lr;
	s5 =	simm.s32 $0xFFFFFFFF;
	p2 =	slt.u32 s8, $0xFFFFF086  }
0x1c: {  	p1 =	slt.u32 s9, $0xF7A;
	s5 =	simm.s32 @!p2 $0x0  }
0x1d: {  	s5 =	simm.s32 @p1 $0x1;
	p0 =	seq.s32 s7, s2  }
0x1e: {  	s7 =	smul.u32 @!p0 $0xF7A, s2;
	p2 =	seq.s32 @!p0 s5, $0x0  }
0x1f: {  	s9 =	smul.u32 $0xF7A, s1;
	s8 =	simm.s32 @!p0 $0x1BF5;
	p2 =	por !p2, p0  }
0x20: {  	[sflag:s8] =	ssyncset.s32 @!p0 $0xFFFFF086;
	s6 =	sadd.s32 @!p0 s3, s7;
	s7 =	simm.s32 @!p0 $0x108  }
0x21: {  	s3 =	sadd.s32 s3, s9;
	s6 =	sadd.s32 @!p0 $0x88, s6;
	s7 =	simm.s32 @p2 $0x1082  }
0x22: {  	[simem:s7], [sflag:s8] =	dma.local @!p0 [hbm:s6], $0xF7A  }
0x23: {  	s9 =	sor.u32 $0xD0000000, s2;
	s6 =	simm.s32 $0x108;
	_ =	swait.ge @!p0 [sflag:s8], $0x0  }
0x24: {  	s3 =	sadd.s32 $0x88, s3;
	s6 =	simm.s32 @!p1 $0x1082;
	[sflag:s4] =	ssyncset.s32 $0xFFFFF086  }
0x25: {  	[simem:s6], [sflag:s4] =	dma.local [hbm:s3], $0xF7A  }
0x26: {  	[smem:$0x3F9C] =	sst s1;
	(tag) =	ssettag s2;
	_ =	strace s9  }
0x27: {  	s1 =	sld [smem:$0x3FAC]  }
0x28: {  	s2 =	sld [smem:$0x3FAD]  }
0x29: {  	s4 =	sld [smem:$0x3FAF]  }
0x2a: {  	p0 =	seq.s32 s5, $0x0;
	s5 =	sld [smem:$0x3FB0]  }
0x2b: {  	s6 =	sld [smem:$0x3FB1]  }
0x2c: {  	s7 =	sld [smem:$0x3FB2]  }
0x2d: {  	s3 =	simm.s32 $0x108;
	s8 =	sld [smem:$0x3FB3]  }
0x2e: {  	s3 =	simm.s32 @!p0 $0x1082;
	s9 =	sld [smem:$0x3FB4]  }
0x2f: {  	lr =	sadd.s32 s0, s3;
	s0 =	sld [smem:$0x3FAB]  }
0x30: {  	s3 =	sld [smem:$0x3FAE]  }
0x31: {  	[smem:$0x3FB7] =	sst s10  }
0x32: {  	s10 =	sld [smem:$0x3FB5];
	_ =	sdelay $0x3  }
0x33: {  	p0 =	seq.s32 s10, $0x1;
	s10 =	sld [smem:$0x3FB7];
	_ =	sdelay $0x3  }
0x34: {  	[smem:$0x3FB7] =	sst s10  }
0x35: {  	s10 =	sld [smem:$0x3FB6];
	_ =	sdelay $0x3  }
0x36: {  	p1 =	seq.s32 s10, $0x1;
	s10 =	sld [smem:$0x3FB7];
	_ =	sdelay $0x3  }
0x37: {  	[smem:$0x3FB7] =	sst s10  }
0x38: {  	s10 =	sld [smem:$0x3FB8]  }
0x39: {  	_ = 	snop;
	(pc) =	sbr.ind lr, $3  }
0x3a: {  	_ = 	snop  }
0x3b: {  	_ = 	snop  }
0x3c: {  	p2 =	seq.s32 s10, $0x1;
	s10 =	sld [smem:$0x3FB7]  }
0x3d: {  	_ =	shalt  }
0x3e: {  	_ =	shalt  }
0x3f: {  	_ =	shalt  }
0x40: {  	_ =	shalt  }
0x41: {  	_ =	shalt  }
0x42: {  	_ =	shalt  }
0x43: {  	_ =	shalt  }
0x44: {  	_ =	shalt  }
0x45: {  	_ =	shalt  }
0x46: {  	_ =	shalt  }
0x47: {  	_ =	shalt  }
0x48: {  	_ =	shalt  }
0x49: {  	_ =	shalt  }
0x4a: {  	_ =	shalt  }
0x4b: {  	_ =	shalt  }
0x4c: {  	_ =	shalt  }
0x4d: {  	_ =	shalt  }
0x4e: {  	_ =	shalt  }
0x4f: {  	_ =	shalt  }
0x50: {  	_ =	shalt  }
0x51: {  	_ =	shalt  }
0x52: {  	_ =	shalt  }
0x53: {  	_ =	shalt  }
0x54: {  	_ =	shalt  }
0x55: {  	_ =	shalt  }
0x56: {  	_ =	shalt  }
0x57: {  	_ =	shalt  }
0x58: {  	_ =	shalt  }
0x59: {  	_ =	shalt  }
0x5a: {  	_ =	shalt  }
0x5b: {  	_ =	shalt  }
0x5c: {  	_ =	shalt  }
0x5d: {  	_ =	shalt  }
0x5e: {  	_ =	shalt  }
0x5f: {  	_ =	shalt  }
0x60: {  	_ =	shalt  }
0x61: {  	_ =	shalt  }
0x62: {  	_ =	shalt  }
0x63: {  	_ =	shalt  }
0x64: {  	_ =	shalt  }
0x65: {  	_ =	shalt  }
0x66: {  	_ =	shalt  }
0x67: {  	_ =	shalt  }
0x68: {  	_ =	shalt  }
0x69: {  	_ =	shalt  }
0x6a: {  	_ =	shalt  }
0x6b: {  	_ =	shalt  }
0x6c: {  	_ =	shalt  }
0x6d: {  	_ =	shalt  }
0x6e: {  	_ =	shalt  }
0x6f: {  	_ =	shalt  }
0x70: {  	_ =	shalt  }
0x71: {  	_ =	shalt  }
0x72: {  	_ =	shalt  }
0x73: {  	_ =	shalt  }
0x74: {  	_ =	shalt  }
0x75: {  	_ =	shalt  }
0x76: {  	_ =	shalt  }
0x77: {  	_ =	shalt  }
0x78: {  	_ =	shalt  }
0x79: {  	_ =	shalt  }
0x7a: {  	_ =	shalt  }
0x7b: {  	_ =	shalt  }
0x7c: {  	_ =	shalt  }
0x7d: {  	_ =	shalt  }
0x7e: {  	_ =	shalt  }
0x7f: {  	_ =	shalt  }
0x80: {  	_ =	shalt  }
0x81: {  	_ =	shalt  }
0x82: {  	_ =	shalt  }
0x83: {  	_ =	shalt  }
0x84: {  	_ =	shalt  }
0x85: {  	_ =	shalt  }
0x86: {  	_ =	shalt  }
0x87: {  	_ =	shalt  }
.Lfunc_end0:
.L_simem_size_0:
called_computation.1_lowered:
.L_overlay_start_0:
0x88: {  	s2 =	sld [smem:$0x3FD9]  }
0x89: {  	s3 =	sld [smem:$0x3FFE];
	_ =	sdelay $0x1  }
0x8a: {  	s1 =	srdreg.scid  }
0x8b: {  	s0 =	sand.u32 $0x1, s1  }
0x8c: {  	s17 =	sshll.u32 s0, $0xA;
	s2 =	sadd.s32 s3, s2  }
0x8d: {  	s2 =	sadd.s32 s2, s17  }
0x8e: {  	[smem:$0x3FC3] =	sst s2  }
0x8f: {  	_ = 	snop  }
0x90: {  	s2 =	sld [smem:$0x3FD0];
	(tm) =	ssettm $0x1  }
0x91: {  	s18 =	sld [smem:$0x3FFB];
	_ =	sdelay $0x3  }
0x92: {  	_ =	strace s18  }
0x93: {  	s3 =	sld [smem:$0x3FFC];
	_ =	sdelay $0x3  }
0x94: {  	_ =	strace s3  }
0x95: {  	s3 =	sld [smem:$0x3FFD];
	_ =	sdelay $0x3  }
0x96: {  	_ =	strace s3  }
0x97: {  	_ =	strace $0x8FFFFFFF  }
0x98: {  	s19 =	sld [smem:$0x3FDB];
	_ =	sdelay $0x1  }
0x99: {  	s4 =	simm.s32 $_scs_section_size  }
0x9a: {  	s5 =	simm.s32 $_size__tile_overlayer_lowered;
	s6 =	simm.s32 $_tile_overlayer_lowered  }
0x9b: {  	s22 =	simm.s32 $0x1BFF;
	s21 =	sshll.u32 s6, $0x1;
	s3 =	sadd.s32 s4, s19  }
0x9c: {  	s7 =	simm.s32 $0x0;
	s20 =	sshll.u32 s5, $0x1;
	s5 =	sadd.s32 s21, s3  }
0x9d: {  	[timem:s7], [sflag:s22] =	dma.local [hbm:s5], s20  }
0x9e: {  	_ =	swait.ge [sflag:s22], s20  }
0x9f: {  	s4 =	ssub.s32 $0x0, s20;
	[sflag:s22] =	ssyncset.done $0x0  }
0xa0: {  	[sflag:s22] =	ssyncadd.s32 s4;
	_ =	sdelay $0x1  }
0xa1: {  	s23 =	simm.s32 $0x1B8B  }
0xa2: {  	_ =	swait.ge [sflag:s23], $0x1  }
0xa3: {  	[sflag:s23] =	ssyncset.done $0x0  }
0xa4: {  	s25 =	simm.s32 $0x1B8E;
	s24 =	sld [smem:$0x3FFE];
	[sflag:s23] =	ssyncadd.s32 $0xFFFFFFFF  }
0xa5: {  	s26 =	simm.s32 $execute0_lowered;
	[smem:$0x3FD2] =	sst s25  }
0xa6: {  	s5 =	sshll.u32 s26, $0x1;
	_ =	strace $0x80000049;
	[dreg:$0x1] =	wrdreg $0xFFFFFFFF  }
0xa7: {  	s28 =	simm.s32 $_size_execute0_lowered;
	s3 =	sadd.s32 s3, s5;
	[dreg:$0x0] =	wrdreg $0x0  }
0xa8: {  	s5 =	sshll.u32 s28, $0x1;
	[dreg:$0x2] =	wrdreg s3  }
0xa9: {  	[dreg:$0x3] =	wrdreg s5  }
0xaa: {  	[dreg:$0x4] =	wrdreg $0xC0  }
0xab: {  	_ =	task [dreg:s7], $0x5FFFF  }
0xac: {  	[dreg:$0x1] =	wrdreg $0xFFFFFFFF  }
0xad: {  	[dreg:$0x0] =	wrdreg $0x60  }
0xae: {  	[dreg:$0x2] =	wrdreg s24  }
0xaf: {  	[dreg:$0x3] =	wrdreg s2  }
0xb0: {  	[dreg:$0x4] =	wrdreg $0xC0000  }
0xb1: {  	[dreg:$0x5] =	wrdreg $0x9  }
0xb2: {  	_ =	task.clear_ibuf [dreg:s7], $0x6FFFF;
	_ =	strace $0x90000049  }
0xb3: {  	s29 =	simm.s32 $0x9;
	_ =	strace $0x8000004B  }
0xb4: {  	_ =	swait.ge [sflag:s29], $0x1  }
0xb5: {  	[sflag:s29] =	ssyncadd.s32 $0xFFFFFFFF  }
0xb6: {  	_ =	strace $0x9000004B  }
0xb7: {  	_ =	sfence  }
0xb8: {  	s30 =	sld [smem:$0x0];
	_ =	sdelay $0x2  }
0xb9: {  	s31 =	sshll.u32 s1, $0xD;
	s1 =	sshrl.u32 s1, $0x2  }
0xba: {  	s3 =	sand.u32 $0x4000, s31;
	s1 =	sadd.s32 s1, s30  }
0xbb: {  	s0 =	sor.u32 s3, s0;
	s1 =	sshll.u32 s1, $0x11  }
0xbc: {  	s0 =	sor.u32 s1, s0  }
0xbd: {  	s0 =	sadd.s32 $0x8F2B, s0  }
0xbe: {  	[sflag:s0] =	ssyncadd.remote.s32 $0x1  }
0xbf: {  	_ =	sfence.sel $0xFFFF  }
0xc0: {  	[dreg:$0x0] =	wrdreg $0xFFFFFFFF;
	(pc) =	sbr.abs _section_cstart, $3  }
0xc1: {  	[dreg:$0x1] =	wrdreg $0xFFFFFFFF  }
0xc2: {  	_ =	task.clear_ibuf [dreg:s7], $0x2FFFF;
	_ =	strace $0x9FFFFFFF  }
0xc3: {  	(tm) =	ssettm $0x7FFFFFFF  }
tec
execute0_lowered:
.L_overlay_start_1:
0x0: {  	(tag) =	ssettag $0x1  }
0x1: {  	s0 =	rddreg [dreg:$0x0]  }
0x2: {  	s1 =	rddreg [dreg:$0x1]  }
0x3: {  	s2 =	rddreg [dreg:$0x2];
	s4 =	simm.s32 $0x0  }
0x4: {  	s3 =	srdreg.scid;
	s24 =	stileid.u32;
	s28 =	simm.s32 $0x7000  }
0x5: {  	s29 =	simm.s32 $0x2000;
	s30 =	simm.s32 $0x2;
	s31 =	simm.s32 $0x1  }
0x6: {  	[smem:$0x7FF] =	sst s4;
	s5 =	sadd.s32 $0x15400, s0;
	s6 =	smul.u32 $0x4E20, s24  }
0x7: {  	s3 =	sand.u32 $0x1, s3;
	s7 =	sadd.s32 $0xB600, s0;
	s9 =	smul.u32 $0x4E200, s24  }
0x8: {  	s17 =	sadd.s32 $0x1800, s0;
	s0 =	sadd.s32 $0x3C600, s0;
	_ =	strace $0x8000004A  }
0x9: {  	s8 =	ssub.s32 $0x2, s3;
	s19 =	smul.u32 $0x27100, s3;
	p0 =	seq.s32 s3, $0x0  }
0xa: {  	s3 =	smul.u32 $0x138800, s3;
	s10 =	sshrl.u32 s8, $0x1;
	s15 =	sshrl.u32 s6, $0x3  }
0xb: {  	s16 =	sshrl.u32 s9, $0x2;
	s1 =	smov.u32 @p0 s5;
	p0 =	sne.s32 s24, $0xF  }
0xc: {  	s21 =	ssub.s32 s8, s10;
	s18 =	sadd.s32 s7, s15;
	s6 =	sadd.s32 s16, s2  }
0xd: {  	s20 =	sadd.s32 s17, s15;
	s11 =	sadd.s32 $0x1F4, s15;
	s13 =	sadd.s32 $0x3E8, s15  }
0xe: {  	s16 =	sadd.s32 $0x5DC, s15;
	s3 =	sshrl.u32 s3, $0x3;
	[dreg:$0x4] =	wrdreg s18  }
0xf: {  	[dreg:$0x5] =	wrdreg s20;
	s22 =	sadd.s32 $0x5000, s6;
	s23 =	sadd.s32 $0xA000, s6  }
0x10: {  	s25 =	sadd.s32 s7, s11;
	s11 =	sadd.s32 s17, s11;
	s12 =	sadd.s32 s7, s13  }
0x11: {  	s13 =	sadd.s32 s17, s13;
	s20 =	smul.u32 $0x4E000, s24;
	[dreg:$0x6] =	wrdreg s22  }
0x12: {  	s14 =	sadd.s32 s7, s16;
	s18 =	sadd.s32 $0x7D0, s15;
	[dreg:$0x7] =	wrdreg s23  }
0x13: {  	s15 =	sadd.s32 s17, s16;
	s21 =	smax.u32 s21, $0x1;
	[dreg:$0x8] =	wrdreg s25  }
0x14: {  	s22 =	smul.u32 $0x2700, s24;
	s16 =	sadd.s32 s7, s18;
	s17 =	sadd.s32 s17, s18  }
0x15: {  	s18 =	sadd.s32 $0xF000, s6;
	s25 =	sadd.s32 $0x138000, s2;
	s26 =	sshrl.u32 s20, $0x2  }
0x16: {  	s23 =	simm.s32 $0x1000;
	s25 =	sshrl.u32 @!p0 s25, $0x3;
	s7 =	sadd.s32 s26, s2  }
0x17: {  	s19 =	sadd.s32 s22, s19;
	s22 =	simm.s32 $0x3;
	s26 =	simm.s32 $0xA0  }
0x18: {  	s19 =	sadd.s32 s0, s19;
	s0 =	sadd.s32 s0, s3;
	s24 =	sshrl.u32 s7, $0x3  }
0x19: {  	v0 =	vimm.f32 $0.0e+00;
	s3 =	simm.s32 $0x0;
	s20 =	sadd.s32 $0x27000, s0;
	s0 =	simm.s32 $0x1F00  }
.LBB2_1:
0x1a: {  	s5 =	rddreg [dreg:$0x4]  }
0x1b: {  	[tilespmem:s4], [sflag:$0x3] =	stream.linear.gather [hbm4b:s5+s4], $0xFA0, $0x38;
	[tilespmem:$0x1F880] =	vst v63  }
0x1c: {  	_ =	swait.ge [sflag:s22], $0xFA0  }
0x1d: {  	[sflag:s22] =	ssyncset.done $0x0  }
0x1e: {  	s10 =	rddreg [dreg:$0x5];
	[sflag:s22] =	ssyncadd.s32 $0xFFFFF060  }
0x1f: {  	[tilespmem:s23], [sflag:$0x3] =	stream.linear.gather [hbm4b:s10+s4], $0xFA0, $0x38;
	[tilespmem:$0x1F880] =	vst v63  }
0x20: {  	_ =	swait.ge [sflag:s22], $0xFA0  }
0x21: {  	[sflag:s22] =	ssyncset.done $0x0  }
0x22: {  	s7 =	simm.s32 $0x3C0;
	s5 =	simm.s32 $0x70;
	[sflag:s22] =	ssyncadd.s32 $0xFFFFF060  }
0x23: {  	[tilespmem:s28], [sflag:$0x2] =	stream.indirect.gather [hbm4b:s1+s26], $0x80, s4, s26, $0xb8;
	[tilespmem:$0x1F880] =	vst v63  }
.LBB2_2:
0x24: {  	p1 =	sne.s32 s7, $0x13FC0;
	[tilespmem:s5+$0x2000] =	vst v0  }
0x25: {  	[tilespmem:s5+$0x1F90] =	vst v0  }
0x26: {  	[tilespmem:s5+$0x1FA0] =	vst v0  }
.Ltmp0:
0x27: {  	[tilespmem:s5+$0x1FB0] =	vst v0;
	(pc) =	sbr.rel @p1 .LBB2_2-.Ltmp0, $4  }
0x28: {  	[tilespmem:s5+$0x1FC0] =	vst v0  }
0x29: {  	[tilespmem:s5+$0x1FD0] =	vst v0  }
0x2a: {  	[tilespmem:s5+$0x1FE0] =	vst v0  }
0x2b: {  	[tilespmem:s5+$0x1FF0] =	vst v0;
	s5 =	sshra.s32 s7, $0x2;
	s7 =	sadd.s32 $0x200, s7  }
0x2c: {  	[tilespmem:s5+$0x2000] =	vst v0  }
0x2d: {  	[tilespmem:s5+$0x1F90] =	vst v0  }
0x2e: {  	[tilespmem:s5+$0x1FA0] =	vst v0  }
0x2f: {  	[tilespmem:s5+$0x1FB0] =	vst v0  }
0x30: {  	[tilespmem:s5+$0x1FC0] =	vst v0  }
0x31: {  	[tilespmem:s5+$0x1FD0] =	vst v0  }
0x32: {  	[tilespmem:s5+$0x1FE0] =	vst v0  }
0x33: {  	[tilespmem:s5+$0x1FF0] =	vst v0  }
0x34: {  	[spmem:s6] =	stream.linear.scatter [tilespmem:s29], [sflag:$0x3], $0x5000, $0x38;
	[tilespmem:$0x1F880] =	vst v63  }
0x35: {  	_ =	swait.ge [sflag:s22], $0x5000  }
0x36: {  	[sflag:s22] =	ssyncset.done $0x0  }
0x37: {  	s9 =	rddreg [dreg:$0x6];
	[sflag:s22] =	ssyncadd.s32 $0xFFFFB000  }
0x38: {  	[spmem:s9] =	stream.linear.scatter [tilespmem:s29], [sflag:$0x3], $0x5000, $0x38;
	[tilespmem:$0x1F880] =	vst v63  }
0x39: {  	_ =	swait.ge [sflag:s22], $0x5000  }
0x3a: {  	[sflag:s22] =	ssyncset.done $0x0  }
0x3b: {  	s10 =	rddreg [dreg:$0x7];
	[sflag:s22] =	ssyncadd.s32 $0xFFFFB000  }
0x3c: {  	[spmem:s10] =	stream.linear.scatter [tilespmem:s29], [sflag:$0x3], $0x5000, $0x38;
	[tilespmem:$0x1F880] =	vst v63  }
0x3d: {  	_ =	swait.ge [sflag:s22], $0x5000  }
0x3e: {  	[sflag:s22] =	ssyncset.done $0x0  }
0x3f: {  	[sflag:s22] =	ssyncadd.s32 $0xFFFFB000  }
0x40: {  	[spmem:s18] =	stream.linear.scatter [tilespmem:s29], [sflag:$0x3], $0x4880, $0x38;
	[tilespmem:$0x1F880] =	vst v63  }
0x41: {  	_ =	swait.ge [sflag:s22], $0x4880  }
0x42: {  	[sflag:s22] =	ssyncset.done $0x0  }
0x43: {  	[sflag:s22] =	ssyncadd.s32 $0xFFFFB780  }
0x44: {  	s7 =	simm.s32 $0xA0;
	[bflag:$0x0] =	sbarrier.arrive $0xFFFF  }
0x45: {  	[tilespmem:s29], [sflag:$0x1] =	stream.indirect.gather [hbm4b:s1+s26], $0x80, s7, s26, $0xb8;
	[tilespmem:$0x1F880] =	vst v63  }
0x46: {  	_ =	swait.ge [sflag:s30], $0x5000  }
0x47: {  	[sflag:s30] =	ssyncset.done $0x0  }
0x48: {  	s8 =	simm.s32 $0x1000;
	[sflag:s30] =	ssyncadd.s32 $0xFFFFB000  }
0x49: {  	[spmem:s2] =	stream.indirect.scatter.add.f32 [tilespmem:s28], [sflag:$0x3], $0x80, s8, s26, $0xb8;
	[tilespmem:$0x1F880] =	vst v63  }
0x4a: {  	_ =	swait.ge [sflag:s22], $0x5000  }
0x4b: {  	[sflag:s22] =	ssyncset.done $0x0  }
0x4c: {  	s9 =	simm.s32 $0x140;
	[sflag:s22] =	ssyncadd.s32 $0xFFFFB000  }
0x4d: {  	[tilespmem:s28], [sflag:$0x2] =	stream.indirect.gather [hbm4b:s1+s26], $0x80, s9, s26, $0xb8;
	[tilespmem:$0x1F880] =	vst v63  }
0x4e: {  	_ =	swait.ge [sflag:s31], $0x5000  }
0x4f: {  	[sflag:s31] =	ssyncset.done $0x0  }
0x50: {  	s10 =	simm.s32 $0x10A0;
	[sflag:s31] =	ssyncadd.s32 $0xFFFFB000  }
0x51: {  	[spmem:s2] =	stream.indirect.scatter.add.f32 [tilespmem:s29], [sflag:$0x3], $0x80, s10, s26, $0xb8;
	[tilespmem:$0x1F880] =	vst v63  }
0x52: {  	_ =	swait.ge [sflag:s22], $0x5000  }
0x53: {  	s5 =	simm.s32 $0x140;
	s7 =	simm.s32 $0xA00;
	[sflag:s22] =	ssyncset.done $0x0  }
.LBB2_4:
0x54: {  	s8 =	sadd.s32 $0xA0, s5  }
0x55: {  	[sflag:s22] =	ssyncadd.s32 $0xFFFFB000;
	s9 =	smov.u32 s7;
	s10 =	sadd.s32 $0x500, s7  }
0x56: {  	[tilespmem:s29], [sflag:$0x1] =	stream.indirect.gather [hbm4b:s1+s26], $0x80, s8, s26, $0xb8;
	[tilespmem:$0x1F880] =	vst v63  }
0x57: {  	p1 =	sne.s32 s7, $0x3700;
	_ =	swait.ge [sflag:s30], $0x5000  }
0x58: {  	[sflag:s30] =	ssyncset.done $0x0  }
0x59: {  	s7 =	sadd.s32 $0x1000, s5;
	[sflag:s30] =	ssyncadd.s32 $0xFFFFB000  }
0x5a: {  	[spmem:s2] =	stream.indirect.scatter.add.f32 [tilespmem:s28], [sflag:$0x3], $0x80, s7, s26, $0xb8;
	[tilespmem:$0x1F880] =	vst v63  }
0x5b: {  	_ =	swait.ge [sflag:s22], $0x5000  }
0x5c: {  	[sflag:s22] =	ssyncset.done $0x0  }
0x5d: {  	s7 =	sadd.s32 $0x140, s5;
	[sflag:s22] =	ssyncadd.s32 $0xFFFFB000  }
0x5e: {  	[tilespmem:s28], [sflag:$0x2] =	stream.indirect.gather [hbm4b:s1+s26], $0x80, s7, s26, $0xb8;
	[tilespmem:$0x1F880] =	vst v63  }
0x5f: {  	_ =	swait.ge [sflag:s31], $0x5000  }
.Ltmp1:
0x60: {  	[sflag:s31] =	ssyncset.done $0x0;
	(pc) =	sbr.rel @p1 .LBB2_4-.Ltmp1, $4  }
0x61: {  	s5 =	sadd.s32 $0x10A0, s5;
	[sflag:s31] =	ssyncadd.s32 $0xFFFFB000  }
0x62: {  	[spmem:s2] =	stream.indirect.scatter.add.f32 [tilespmem:s29], [sflag:$0x3], $0x80, s5, s26, $0xb8;
	[tilespmem:$0x1F880] =	vst v63  }
0x63: {  	_ =	swait.ge [sflag:s22], $0x5000  }
0x64: {  	s7 =	smov.u32 s10;
	s5 =	sshra.s32 s9, $0x2;
	[sflag:s22] =	ssyncset.done $0x0  }
0x65: {  	s7 =	sadd.s32 $0xA0, s5;
	[sflag:s22] =	ssyncadd.s32 $0xFFFFB000  }
0x66: {  	[tilespmem:s29], [sflag:$0x1] =	stream.indirect.gather [hbm4b:s1+s26], $0x80, s7, s26, $0xb8;
	[tilespmem:$0x1F880] =	vst v63  }
0x67: {  	_ =	swait.ge [sflag:s30], $0x5000  }
0x68: {  	[sflag:s30] =	ssyncset.done $0x0  }
0x69: {  	s9 =	sadd.s32 $0x1000, s5;
	[sflag:s30] =	ssyncadd.s32 $0xFFFFB000  }
0x6a: {  	[spmem:s2] =	stream.indirect.scatter.add.f32 [tilespmem:s28], [sflag:$0x3], $0x80, s9, s26, $0xb8;
	[tilespmem:$0x1F880] =	vst v63  }
0x6b: {  	_ =	swait.ge [sflag:s22], $0x5000  }
0x6c: {  	[sflag:s22] =	ssyncset.done $0x0  }
0x6d: {  	s10 =	sadd.s32 $0x140, s5;
	[sflag:s22] =	ssyncadd.s32 $0xFFFFB000  }
0x6e: {  	[tilespmem:s28], [sflag:$0x2] =	stream.indirect.gather [hbm4b:s1+s26], $0x80, s10, s26, $0xb8;
	[tilespmem:$0x1F880] =	vst v63  }
0x6f: {  	_ =	swait.ge [sflag:s31], $0x5000  }
0x70: {  	[sflag:s31] =	ssyncset.done $0x0  }
0x71: {  	s8 =	sadd.s32 $0x10A0, s5;
	[sflag:s31] =	ssyncadd.s32 $0xFFFFB000  }
0x72: {  	[spmem:s2] =	stream.indirect.scatter.add.f32 [tilespmem:s29], [sflag:$0x3], $0x80, s8, s26, $0xb8;
	[tilespmem:$0x1F880] =	vst v63  }
0x73: {  	_ =	swait.ge [sflag:s22], $0x5000  }
0x74: {  	[sflag:s22] =	ssyncset.done $0x0  }
0x75: {  	[sflag:s22] =	ssyncadd.s32 $0xFFFFB000  }
0x76: {  	_ =	swait.ge [sflag:s30], $0x5000  }
0x77: {  	[sflag:s30] =	ssyncset.done $0x0  }
0x78: {  	[sflag:s30] =	ssyncadd.s32 $0xFFFFB000  }
0x79: {  	[spmem:s2] =	stream.indirect.scatter.add.f32 [tilespmem:s28], [sflag:$0x3], $0x80, s0, s26, $0xb8;
	[tilespmem:$0x1F880] =	vst v63  }
0x7a: {  	_ =	swait.ge [sflag:s22], $0x5000  }
0x7b: {  	[sflag:s22] =	ssyncset.done $0x0  }
0x7c: {  	s9 =	simm.s32 $0x0;
	s10 =	rddreg [dreg:$0x8];
	[sflag:s22] =	ssyncadd.s32 $0xFFFFB000  }
0x7d: {  	[tilespmem:s9], [sflag:$0x3] =	stream.linear.gather [hbm4b:s10+s9], $0xFA0, $0x38;
	[tilespmem:$0x1F880] =	vst v63  }
0x7e: {  	_ =	swait.ge [sflag:s22], $0xFA0  }
0x7f: {  	[sflag:s22] =	ssyncset.done $0x0  }
0x80: {  	[sflag:s22] =	ssyncadd.s32 $0xFFFFF060  }
0x81: {  	[tilespmem:s23], [sflag:$0x3] =	stream.linear.gather [hbm4b:s11+s9], $0xFA0, $0x38;
	[tilespmem:$0x1F880] =	vst v63  }
0x82: {  	_ =	swait.ge [sflag:s22], $0xFA0  }
0x83: {  	[sflag:s22] =	ssyncset.done $0x0  }
0x84: {  	[sflag:s22] =	ssyncadd.s32 $0xFFFFF060  }
0x85: {  	[tilespmem:s29], [sflag:$0x1] =	stream.indirect.gather [hbm4b:s1+s26], $0x80, s9, s26, $0xb8;
	[tilespmem:$0x1F880] =	vst v63  }
0x86: {  	s7 =	simm.s32 $0xA0  }
0x87: {  	[tilespmem:s28], [sflag:$0x2] =	stream.indirect.gather [hbm4b:s1+s26], $0x80, s7, s26, $0xb8;
	[tilespmem:$0x1F880] =	vst v63  }
0x88: {  	_ =	swait.ge [sflag:s31], $0x5000  }
0x89: {  	[sflag:s31] =	ssyncset.done $0x0  }
0x8a: {  	s8 =	simm.s32 $0x1000;
	[sflag:s31] =	ssyncadd.s32 $0xFFFFB000  }
0x8b: {  	[spmem:s2] =	stream.indirect.scatter.add.f32 [tilespmem:s29], [sflag:$0x3], $0x80, s8, s26, $0xb8;
	[tilespmem:$0x1F880] =	vst v63  }
0x8c: {  	_ =	swait.ge [sflag:s22], $0x5000  }
0x8d: {  	[sflag:s22] =	ssyncset.done $0x0  }
0x8e: {  	s9 =	simm.s32 $0x140;
	[sflag:s22] =	ssyncadd.s32 $0xFFFFB000  }
0x8f: {  	[tilespmem:s29], [sflag:$0x1] =	stream.indirect.gather [hbm4b:s1+s26], $0x80, s9, s26, $0xb8;
	[tilespmem:$0x1F880] =	vst v63  }
0x90: {  	_ =	swait.ge [sflag:s30], $0x5000  }
0x91: {  	[sflag:s30] =	ssyncset.done $0x0  }
0x92: {  	s10 =	simm.s32 $0x10A0;
	[sflag:s30] =	ssyncadd.s32 $0xFFFFB000  }
0x93: {  	[spmem:s2] =	stream.indirect.scatter.add.f32 [tilespmem:s28], [sflag:$0x3], $0x80, s10, s26, $0xb8;
	[tilespmem:$0x1F880] =	vst v63  }
0x94: {  	_ =	swait.ge [sflag:s22], $0x5000  }
0x95: {  	s5 =	simm.s32 $0x140;
	s7 =	simm.s32 $0xA00;
	[sflag:s22] =	ssyncset.done $0x0  }
.LBB2_6:
0x96: {  	s8 =	sadd.s32 $0xA0, s5  }
0x97: {  	[sflag:s22] =	ssyncadd.s32 $0xFFFFB000;
	s9 =	smov.u32 s7;
	s10 =	sadd.s32 $0x500, s7  }
0x98: {  	[tilespmem:s28], [sflag:$0x2] =	stream.indirect.gather [hbm4b:s1+s26], $0x80, s8, s26, $0xb8;
	[tilespmem:$0x1F880] =	vst v63  }
0x99: {  	p1 =	sne.s32 s7, $0x3700;
	_ =	swait.ge [sflag:s31], $0x5000  }
0x9a: {  	[sflag:s31] =	ssyncset.done $0x0  }
0x9b: {  	s7 =	sadd.s32 $0x1000, s5;
	[sflag:s31] =	ssyncadd.s32 $0xFFFFB000  }
0x9c: {  	[spmem:s2] =	stream.indirect.scatter.add.f32 [tilespmem:s29], [sflag:$0x3], $0x80, s7, s26, $0xb8;
	[tilespmem:$0x1F880] =	vst v63  }
0x9d: {  	_ =	swait.ge [sflag:s22], $0x5000  }
0x9e: {  	[sflag:s22] =	ssyncset.done $0x0  }
0x9f: {  	s7 =	sadd.s32 $0x140, s5;
	[sflag:s22] =	ssyncadd.s32 $0xFFFFB000  }
0xa0: {  	[tilespmem:s29], [sflag:$0x1] =	stream.indirect.gather [hbm4b:s1+s26], $0x80, s7, s26, $0xb8;
	[tilespmem:$0x1F880] =	vst v63  }
0xa1: {  	_ =	swait.ge [sflag:s30], $0x5000  }
.Ltmp2:
0xa2: {  	[sflag:s30] =	ssyncset.done $0x0;
	(pc) =	sbr.rel @p1 .LBB2_6-.Ltmp2, $4  }
0xa3: {  	s5 =	sadd.s32 $0x10A0, s5;
	[sflag:s30] =	ssyncadd.s32 $0xFFFFB000  }
0xa4: {  	[spmem:s2] =	stream.indirect.scatter.add.f32 [tilespmem:s28], [sflag:$0x3], $0x80, s5, s26, $0xb8;
	[tilespmem:$0x1F880] =	vst v63  }
0xa5: {  	_ =	swait.ge [sflag:s22], $0x5000  }
0xa6: {  	s7 =	smov.u32 s10;
	s5 =	sshra.s32 s9, $0x2;
	[sflag:s22] =	ssyncset.done $0x0  }
0xa7: {  	s7 =	sadd.s32 $0xA0, s5;
	[sflag:s22] =	ssyncadd.s32 $0xFFFFB000  }
0xa8: {  	[tilespmem:s28], [sflag:$0x2] =	stream.indirect.gather [hbm4b:s1+s26], $0x80, s7, s26, $0xb8;
	[tilespmem:$0x1F880] =	vst v63  }
0xa9: {  	_ =	swait.ge [sflag:s31], $0x5000  }
0xaa: {  	[sflag:s31] =	ssyncset.done $0x0  }
0xab: {  	s10 =	sadd.s32 $0x1000, s5;
	[sflag:s31] =	ssyncadd.s32 $0xFFFFB000  }
0xac: {  	[spmem:s2] =	stream.indirect.scatter.add.f32 [tilespmem:s29], [sflag:$0x3], $0x80, s10, s26, $0xb8;
	[tilespmem:$0x1F880] =	vst v63  }
0xad: {  	_ =	swait.ge [sflag:s22], $0x5000  }
0xae: {  	[sflag:s22] =	ssyncset.done $0x0  }
0xaf: {  	s8 =	sadd.s32 $0x140, s5;
	[sflag:s22] =	ssyncadd.s32 $0xFFFFB000  }
0xb0: {  	[tilespmem:s29], [sflag:$0x1] =	stream.indirect.gather [hbm4b:s1+s26], $0x80, s8, s26, $0xb8;
	[tilespmem:$0x1F880] =	vst v63  }
0xb1: {  	_ =	swait.ge [sflag:s30], $0x5000  }
0xb2: {  	[sflag:s30] =	ssyncset.done $0x0  }
0xb3: {  	s9 =	sadd.s32 $0x10A0, s5;
	[sflag:s30] =	ssyncadd.s32 $0xFFFFB000  }
0xb4: {  	[spmem:s2] =	stream.indirect.scatter.add.f32 [tilespmem:s28], [sflag:$0x3], $0x80, s9, s26, $0xb8;
	[tilespmem:$0x1F880] =	vst v63  }
0xb5: {  	_ =	swait.ge [sflag:s22], $0x5000  }
0xb6: {  	[sflag:s22] =	ssyncset.done $0x0  }
0xb7: {  	[sflag:s22] =	ssyncadd.s32 $0xFFFFB000  }
0xb8: {  	_ =	swait.ge [sflag:s31], $0x5000  }
0xb9: {  	[sflag:s31] =	ssyncset.done $0x0  }
0xba: {  	[sflag:s31] =	ssyncadd.s32 $0xFFFFB000  }
0xbb: {  	[spmem:s2] =	stream.indirect.scatter.add.f32 [tilespmem:s29], [sflag:$0x3], $0x80, s0, s26, $0xb8;
	[tilespmem:$0x1F880] =	vst v63  }
0xbc: {  	_ =	swait.ge [sflag:s22], $0x5000  }
0xbd: {  	[sflag:s22] =	ssyncset.done $0x0  }
0xbe: {  	s10 =	simm.s32 $0x0;
	[sflag:s22] =	ssyncadd.s32 $0xFFFFB000  }
0xbf: {  	[tilespmem:s10], [sflag:$0x3] =	stream.linear.gather [hbm4b:s12+s10], $0xFA0, $0x38;
	[tilespmem:$0x1F880] =	vst v63  }
0xc0: {  	_ =	swait.ge [sflag:s22], $0xFA0  }
0xc1: {  	[sflag:s22] =	ssyncset.done $0x0  }
0xc2: {  	[sflag:s22] =	ssyncadd.s32 $0xFFFFF060  }
0xc3: {  	[tilespmem:s23], [sflag:$0x3] =	stream.linear.gather [hbm4b:s13+s10], $0xFA0, $0x38;
	[tilespmem:$0x1F880] =	vst v63  }
0xc4: {  	_ =	swait.ge [sflag:s22], $0xFA0  }
0xc5: {  	[sflag:s22] =	ssyncset.done $0x0  }
0xc6: {  	[sflag:s22] =	ssyncadd.s32 $0xFFFFF060  }
0xc7: {  	[tilespmem:s29], [sflag:$0x1] =	stream.indirect.gather [hbm4b:s1+s26], $0x80, s10, s26, $0xb8;
	[tilespmem:$0x1F880] =	vst v63  }
0xc8: {  	s7 =	simm.s32 $0xA0  }
0xc9: {  	[tilespmem:s28], [sflag:$0x2] =	stream.indirect.gather [hbm4b:s1+s26], $0x80, s7, s26, $0xb8;
	[tilespmem:$0x1F880] =	vst v63  }
0xca: {  	_ =	swait.ge [sflag:s31], $0x5000  }
0xcb: {  	[sflag:s31] =	ssyncset.done $0x0  }
0xcc: {  	s8 =	simm.s32 $0x1000;
	[sflag:s31] =	ssyncadd.s32 $0xFFFFB000  }
0xcd: {  	[spmem:s2] =	stream.indirect.scatter.add.f32 [tilespmem:s29], [sflag:$0x3], $0x80, s8, s26, $0xb8;
	[tilespmem:$0x1F880] =	vst v63  }
0xce: {  	_ =	swait.ge [sflag:s22], $0x5000  }
0xcf: {  	[sflag:s22] =	ssyncset.done $0x0  }
0xd0: {  	s9 =	simm.s32 $0x140;
	[sflag:s22] =	ssyncadd.s32 $0xFFFFB000  }
0xd1: {  	[tilespmem:s29], [sflag:$0x1] =	stream.indirect.gather [hbm4b:s1+s26], $0x80, s9, s26, $0xb8;
	[tilespmem:$0x1F880] =	vst v63  }
0xd2: {  	_ =	swait.ge [sflag:s30], $0x5000  }
0xd3: {  	[sflag:s30] =	ssyncset.done $0x0  }
0xd4: {  	s10 =	simm.s32 $0x10A0;
	[sflag:s30] =	ssyncadd.s32 $0xFFFFB000  }
0xd5: {  	[spmem:s2] =	stream.indirect.scatter.add.f32 [tilespmem:s28], [sflag:$0x3], $0x80, s10, s26, $0xb8;
	[tilespmem:$0x1F880] =	vst v63  }
0xd6: {  	_ =	swait.ge [sflag:s22], $0x5000  }
0xd7: {  	s5 =	simm.s32 $0x140;
	s7 =	simm.s32 $0xA00;
	[sflag:s22] =	ssyncset.done $0x0  }
.LBB2_8:
0xd8: {  	s8 =	sadd.s32 $0xA0, s5  }
0xd9: {  	[sflag:s22] =	ssyncadd.s32 $0xFFFFB000;
	s9 =	smov.u32 s7;
	s10 =	sadd.s32 $0x500, s7  }
0xda: {  	[tilespmem:s28], [sflag:$0x2] =	stream.indirect.gather [hbm4b:s1+s26], $0x80, s8, s26, $0xb8;
	[tilespmem:$0x1F880] =	vst v63  }
0xdb: {  	p1 =	sne.s32 s7, $0x3700;
	_ =	swait.ge [sflag:s31], $0x5000  }
0xdc: {  	[sflag:s31] =	ssyncset.done $0x0  }
0xdd: {  	s7 =	sadd.s32 $0x1000, s5;
	[sflag:s31] =	ssyncadd.s32 $0xFFFFB000  }
0xde: {  	[spmem:s2] =	stream.indirect.scatter.add.f32 [tilespmem:s29], [sflag:$0x3], $0x80, s7, s26, $0xb8;
	[tilespmem:$0x1F880] =	vst v63  }
0xdf: {  	_ =	swait.ge [sflag:s22], $0x5000  }
0xe0: {  	[sflag:s22] =	ssyncset.done $0x0  }
0xe1: {  	s7 =	sadd.s32 $0x140, s5;
	[sflag:s22] =	ssyncadd.s32 $0xFFFFB000  }
0xe2: {  	[tilespmem:s29], [sflag:$0x1] =	stream.indirect.gather [hbm4b:s1+s26], $0x80, s7, s26, $0xb8;
	[tilespmem:$0x1F880] =	vst v63  }
0xe3: {  	_ =	swait.ge [sflag:s30], $0x5000  }
.Ltmp3:
0xe4: {  	[sflag:s30] =	ssyncset.done $0x0;
	(pc) =	sbr.rel @p1 .LBB2_8-.Ltmp3, $4  }
0xe5: {  	s5 =	sadd.s32 $0x10A0, s5;
	[sflag:s30] =	ssyncadd.s32 $0xFFFFB000  }
0xe6: {  	[spmem:s2] =	stream.indirect.scatter.add.f32 [tilespmem:s28], [sflag:$0x3], $0x80, s5, s26, $0xb8;
	[tilespmem:$0x1F880] =	vst v63  }
0xe7: {  	_ =	swait.ge [sflag:s22], $0x5000  }
0xe8: {  	s7 =	smov.u32 s10;
	s5 =	sshra.s32 s9, $0x2;
	[sflag:s22] =	ssyncset.done $0x0  }
0xe9: {  	s7 =	sadd.s32 $0xA0, s5;
	[sflag:s22] =	ssyncadd.s32 $0xFFFFB000  }
0xea: {  	[tilespmem:s28], [sflag:$0x2] =	stream.indirect.gather [hbm4b:s1+s26], $0x80, s7, s26, $0xb8;
	[tilespmem:$0x1F880] =	vst v63  }
0xeb: {  	_ =	swait.ge [sflag:s31], $0x5000  }
0xec: {  	[sflag:s31] =	ssyncset.done $0x0  }
0xed: {  	s10 =	sadd.s32 $0x1000, s5;
	[sflag:s31] =	ssyncadd.s32 $0xFFFFB000  }
0xee: {  	[spmem:s2] =	stream.indirect.scatter.add.f32 [tilespmem:s29], [sflag:$0x3], $0x80, s10, s26, $0xb8;
	[tilespmem:$0x1F880] =	vst v63  }
0xef: {  	_ =	swait.ge [sflag:s22], $0x5000  }
0xf0: {  	[sflag:s22] =	ssyncset.done $0x0  }
0xf1: {  	s8 =	sadd.s32 $0x140, s5;
	[sflag:s22] =	ssyncadd.s32 $0xFFFFB000  }
0xf2: {  	[tilespmem:s29], [sflag:$0x1] =	stream.indirect.gather [hbm4b:s1+s26], $0x80, s8, s26, $0xb8;
	[tilespmem:$0x1F880] =	vst v63  }
0xf3: {  	_ =	swait.ge [sflag:s30], $0x5000  }
0xf4: {  	[sflag:s30] =	ssyncset.done $0x0  }
0xf5: {  	s9 =	sadd.s32 $0x10A0, s5;
	[sflag:s30] =	ssyncadd.s32 $0xFFFFB000  }
0xf6: {  	[spmem:s2] =	stream.indirect.scatter.add.f32 [tilespmem:s28], [sflag:$0x3], $0x80, s9, s26, $0xb8;
	[tilespmem:$0x1F880] =	vst v63  }
0xf7: {  	_ =	swait.ge [sflag:s22], $0x5000  }
0xf8: {  	[sflag:s22] =	ssyncset.done $0x0  }
0xf9: {  	[sflag:s22] =	ssyncadd.s32 $0xFFFFB000  }
0xfa: {  	_ =	swait.ge [sflag:s31], $0x5000  }
0xfb: {  	[sflag:s31] =	ssyncset.done $0x0  }
0xfc: {  	[sflag:s31] =	ssyncadd.s32 $0xFFFFB000  }
0xfd: {  	[spmem:s2] =	stream.indirect.scatter.add.f32 [tilespmem:s29], [sflag:$0x3], $0x80, s0, s26, $0xb8;
	[tilespmem:$0x1F880] =	vst v63  }
0xfe: {  	_ =	swait.ge [sflag:s22], $0x5000  }
0xff: {  	[sflag:s22] =	ssyncset.done $0x0  }
0x100: {  	s10 =	simm.s32 $0x0;
	[sflag:s22] =	ssyncadd.s32 $0xFFFFB000  }
0x101: {  	[tilespmem:s10], [sflag:$0x3] =	stream.linear.gather [hbm4b:s14+s10], $0xFA0, $0x38;
	[tilespmem:$0x1F880] =	vst v63  }
0x102: {  	_ =	swait.ge [sflag:s22], $0xFA0  }
0x103: {  	[sflag:s22] =	ssyncset.done $0x0  }
0x104: {  	[sflag:s22] =	ssyncadd.s32 $0xFFFFF060  }
0x105: {  	[tilespmem:s23], [sflag:$0x3] =	stream.linear.gather [hbm4b:s15+s10], $0xFA0, $0x38;
	[tilespmem:$0x1F880] =	vst v63  }
0x106: {  	_ =	swait.ge [sflag:s22], $0xFA0  }
0x107: {  	[sflag:s22] =	ssyncset.done $0x0  }
0x108: {  	[sflag:s22] =	ssyncadd.s32 $0xFFFFF060  }
0x109: {  	[tilespmem:s29], [sflag:$0x1] =	stream.indirect.gather [hbm4b:s1+s26], $0x80, s10, s26, $0xb8;
	[tilespmem:$0x1F880] =	vst v63  }
0x10a: {  	s7 =	simm.s32 $0xA0  }
0x10b: {  	[tilespmem:s28], [sflag:$0x2] =	stream.indirect.gather [hbm4b:s1+s26], $0x80, s7, s26, $0xb8;
	[tilespmem:$0x1F880] =	vst v63  }
0x10c: {  	_ =	swait.ge [sflag:s31], $0x5000  }
0x10d: {  	[sflag:s31] =	ssyncset.done $0x0  }
0x10e: {  	s8 =	simm.s32 $0x1000;
	[sflag:s31] =	ssyncadd.s32 $0xFFFFB000  }
0x10f: {  	[spmem:s2] =	stream.indirect.scatter.add.f32 [tilespmem:s29], [sflag:$0x3], $0x80, s8, s26, $0xb8;
	[tilespmem:$0x1F880] =	vst v63  }
0x110: {  	_ =	swait.ge [sflag:s22], $0x5000  }
0x111: {  	[sflag:s22] =	ssyncset.done $0x0  }
0x112: {  	s9 =	simm.s32 $0x140;
	[sflag:s22] =	ssyncadd.s32 $0xFFFFB000  }
0x113: {  	[tilespmem:s29], [sflag:$0x1] =	stream.indirect.gather [hbm4b:s1+s26], $0x80, s9, s26, $0xb8;
	[tilespmem:$0x1F880] =	vst v63  }
0x114: {  	_ =	swait.ge [sflag:s30], $0x5000  }
0x115: {  	[sflag:s30] =	ssyncset.done $0x0  }
0x116: {  	s10 =	simm.s32 $0x10A0;
	[sflag:s30] =	ssyncadd.s32 $0xFFFFB000  }
0x117: {  	[spmem:s2] =	stream.indirect.scatter.add.f32 [tilespmem:s28], [sflag:$0x3], $0x80, s10, s26, $0xb8;
	[tilespmem:$0x1F880] =	vst v63  }
0x118: {  	_ =	swait.ge [sflag:s22], $0x5000  }
0x119: {  	s5 =	simm.s32 $0x140;
	s7 =	simm.s32 $0xA00;
	[sflag:s22] =	ssyncset.done $0x0  }
.LBB2_10:
0x11a: {  	s8 =	sadd.s32 $0xA0, s5  }
0x11b: {  	[sflag:s22] =	ssyncadd.s32 $0xFFFFB000;
	s9 =	smov.u32 s7;
	s10 =	sadd.s32 $0x500, s7  }
0x11c: {  	[tilespmem:s28], [sflag:$0x2] =	stream.indirect.gather [hbm4b:s1+s26], $0x80, s8, s26, $0xb8;
	[tilespmem:$0x1F880] =	vst v63  }
0x11d: {  	p1 =	sne.s32 s7, $0x3700;
	_ =	swait.ge [sflag:s31], $0x5000  }
0x11e: {  	[sflag:s31] =	ssyncset.done $0x0  }
0x11f: {  	s7 =	sadd.s32 $0x1000, s5;
	[sflag:s31] =	ssyncadd.s32 $0xFFFFB000  }
0x120: {  	[spmem:s2] =	stream.indirect.scatter.add.f32 [tilespmem:s29], [sflag:$0x3], $0x80, s7, s26, $0xb8;
	[tilespmem:$0x1F880] =	vst v63  }
0x121: {  	_ =	swait.ge [sflag:s22], $0x5000  }
0x122: {  	[sflag:s22] =	ssyncset.done $0x0  }
0x123: {  	s7 =	sadd.s32 $0x140, s5;
	[sflag:s22] =	ssyncadd.s32 $0xFFFFB000  }
0x124: {  	[tilespmem:s29], [sflag:$0x1] =	stream.indirect.gather [hbm4b:s1+s26], $0x80, s7, s26, $0xb8;
	[tilespmem:$0x1F880] =	vst v63  }
0x125: {  	_ =	swait.ge [sflag:s30], $0x5000  }
.Ltmp4:
0x126: {  	[sflag:s30] =	ssyncset.done $0x0;
	(pc) =	sbr.rel @p1 .LBB2_10-.Ltmp4, $4  }
0x127: {  	s5 =	sadd.s32 $0x10A0, s5;
	[sflag:s30] =	ssyncadd.s32 $0xFFFFB000  }
0x128: {  	[spmem:s2] =	stream.indirect.scatter.add.f32 [tilespmem:s28], [sflag:$0x3], $0x80, s5, s26, $0xb8;
	[tilespmem:$0x1F880] =	vst v63  }
0x129: {  	_ =	swait.ge [sflag:s22], $0x5000  }
0x12a: {  	s7 =	smov.u32 s10;
	s5 =	sshra.s32 s9, $0x2;
	[sflag:s22] =	ssyncset.done $0x0  }
0x12b: {  	s7 =	sadd.s32 $0xA0, s5;
	[sflag:s22] =	ssyncadd.s32 $0xFFFFB000  }
0x12c: {  	[tilespmem:s28], [sflag:$0x2] =	stream.indirect.gather [hbm4b:s1+s26], $0x80, s7, s26, $0xb8;
	[tilespmem:$0x1F880] =	vst v63  }
0x12d: {  	_ =	swait.ge [sflag:s31], $0x5000  }
0x12e: {  	[sflag:s31] =	ssyncset.done $0x0  }
0x12f: {  	s10 =	sadd.s32 $0x1000, s5;
	[sflag:s31] =	ssyncadd.s32 $0xFFFFB000  }
0x130: {  	[spmem:s2] =	stream.indirect.scatter.add.f32 [tilespmem:s29], [sflag:$0x3], $0x80, s10, s26, $0xb8;
	[tilespmem:$0x1F880] =	vst v63  }
0x131: {  	_ =	swait.ge [sflag:s22], $0x5000  }
0x132: {  	[sflag:s22] =	ssyncset.done $0x0  }
0x133: {  	s8 =	sadd.s32 $0x140, s5;
	[sflag:s22] =	ssyncadd.s32 $0xFFFFB000  }
0x134: {  	[tilespmem:s29], [sflag:$0x1] =	stream.indirect.gather [hbm4b:s1+s26], $0x80, s8, s26, $0xb8;
	[tilespmem:$0x1F880] =	vst v63  }
0x135: {  	_ =	swait.ge [sflag:s30], $0x5000  }
0x136: {  	[sflag:s30] =	ssyncset.done $0x0  }
0x137: {  	s9 =	sadd.s32 $0x10A0, s5;
	[sflag:s30] =	ssyncadd.s32 $0xFFFFB000  }
0x138: {  	[spmem:s2] =	stream.indirect.scatter.add.f32 [tilespmem:s28], [sflag:$0x3], $0x80, s9, s26, $0xb8;
	[tilespmem:$0x1F880] =	vst v63  }
0x139: {  	_ =	swait.ge [sflag:s22], $0x5000  }
0x13a: {  	[sflag:s22] =	ssyncset.done $0x0  }
0x13b: {  	[sflag:s22] =	ssyncadd.s32 $0xFFFFB000  }
0x13c: {  	_ =	swait.ge [sflag:s31], $0x5000  }
0x13d: {  	[sflag:s31] =	ssyncset.done $0x0  }
0x13e: {  	[sflag:s31] =	ssyncadd.s32 $0xFFFFB000  }
0x13f: {  	[spmem:s2] =	stream.indirect.scatter.add.f32 [tilespmem:s29], [sflag:$0x3], $0x80, s0, s26, $0xb8;
	[tilespmem:$0x1F880] =	vst v63  }
0x140: {  	_ =	swait.ge [sflag:s22], $0x5000  }
0x141: {  	[sflag:s22] =	ssyncset.done $0x0  }
0x142: {  	s10 =	simm.s32 $0x0;
	[sflag:s22] =	ssyncadd.s32 $0xFFFFB000  }
0x143: {  	[tilespmem:s10], [sflag:$0x3] =	stream.linear.gather [hbm4b:s16+s10], $0xFA0, $0x38;
	[tilespmem:$0x1F880] =	vst v63  }
0x144: {  	_ =	swait.ge [sflag:s22], $0xFA0  }
0x145: {  	[sflag:s22] =	ssyncset.done $0x0  }
0x146: {  	[sflag:s22] =	ssyncadd.s32 $0xFFFFF060  }
0x147: {  	[tilespmem:s23], [sflag:$0x3] =	stream.linear.gather [hbm4b:s17+s10], $0xFA0, $0x38;
	[tilespmem:$0x1F880] =	vst v63  }
0x148: {  	_ =	swait.ge [sflag:s22], $0xFA0  }
0x149: {  	[sflag:s22] =	ssyncset.done $0x0  }
0x14a: {  	[sflag:s22] =	ssyncadd.s32 $0xFFFFF060  }
0x14b: {  	[tilespmem:s29], [sflag:$0x1] =	stream.indirect.gather [hbm4b:s1+s26], $0x80, s10, s26, $0xb8;
	[tilespmem:$0x1F880] =	vst v63  }
0x14c: {  	s7 =	simm.s32 $0xA0  }
0x14d: {  	[tilespmem:s28], [sflag:$0x2] =	stream.indirect.gather [hbm4b:s1+s26], $0x80, s7, s26, $0xb8;
	[tilespmem:$0x1F880] =	vst v63  }
0x14e: {  	_ =	swait.ge [sflag:s31], $0x5000  }
0x14f: {  	[sflag:s31] =	ssyncset.done $0x0  }
0x150: {  	s8 =	simm.s32 $0x1000;
	[sflag:s31] =	ssyncadd.s32 $0xFFFFB000  }
0x151: {  	[spmem:s2] =	stream.indirect.scatter.add.f32 [tilespmem:s29], [sflag:$0x3], $0x80, s8, s26, $0xb8;
	[tilespmem:$0x1F880] =	vst v63  }
0x152: {  	_ =	swait.ge [sflag:s22], $0x5000  }
0x153: {  	[sflag:s22] =	ssyncset.done $0x0  }
0x154: {  	s9 =	simm.s32 $0x140;
	[sflag:s22] =	ssyncadd.s32 $0xFFFFB000  }
0x155: {  	[tilespmem:s29], [sflag:$0x1] =	stream.indirect.gather [hbm4b:s1+s26], $0x80, s9, s26, $0xb8;
	[tilespmem:$0x1F880] =	vst v63  }
0x156: {  	_ =	swait.ge [sflag:s30], $0x5000  }
0x157: {  	[sflag:s30] =	ssyncset.done $0x0  }
0x158: {  	s10 =	simm.s32 $0x10A0;
	[sflag:s30] =	ssyncadd.s32 $0xFFFFB000  }
0x159: {  	[spmem:s2] =	stream.indirect.scatter.add.f32 [tilespmem:s28], [sflag:$0x3], $0x80, s10, s26, $0xb8;
	[tilespmem:$0x1F880] =	vst v63  }
0x15a: {  	_ =	swait.ge [sflag:s22], $0x5000  }
0x15b: {  	s5 =	simm.s32 $0x140;
	s7 =	simm.s32 $0xA00;
	[sflag:s22] =	ssyncset.done $0x0  }
.LBB2_12:
0x15c: {  	s8 =	sadd.s32 $0xA0, s5  }
0x15d: {  	[sflag:s22] =	ssyncadd.s32 $0xFFFFB000;
	s9 =	smov.u32 s7;
	s10 =	sadd.s32 $0x500, s7  }
0x15e: {  	[tilespmem:s28], [sflag:$0x2] =	stream.indirect.gather [hbm4b:s1+s26], $0x80, s8, s26, $0xb8;
	[tilespmem:$0x1F880] =	vst v63  }
0x15f: {  	p1 =	sne.s32 s7, $0x3700;
	_ =	swait.ge [sflag:s31], $0x5000  }
0x160: {  	[sflag:s31] =	ssyncset.done $0x0  }
0x161: {  	s7 =	sadd.s32 $0x1000, s5;
	[sflag:s31] =	ssyncadd.s32 $0xFFFFB000  }
0x162: {  	[spmem:s2] =	stream.indirect.scatter.add.f32 [tilespmem:s29], [sflag:$0x3], $0x80, s7, s26, $0xb8;
	[tilespmem:$0x1F880] =	vst v63  }
0x163: {  	_ =	swait.ge [sflag:s22], $0x5000  }
0x164: {  	[sflag:s22] =	ssyncset.done $0x0  }
0x165: {  	s7 =	sadd.s32 $0x140, s5;
	[sflag:s22] =	ssyncadd.s32 $0xFFFFB000  }
0x166: {  	[tilespmem:s29], [sflag:$0x1] =	stream.indirect.gather [hbm4b:s1+s26], $0x80, s7, s26, $0xb8;
	[tilespmem:$0x1F880] =	vst v63  }
0x167: {  	_ =	swait.ge [sflag:s30], $0x5000  }
.Ltmp5:
0x168: {  	[sflag:s30] =	ssyncset.done $0x0;
	(pc) =	sbr.rel @p1 .LBB2_12-.Ltmp5, $4  }
0x169: {  	s5 =	sadd.s32 $0x10A0, s5;
	[sflag:s30] =	ssyncadd.s32 $0xFFFFB000  }
0x16a: {  	[spmem:s2] =	stream.indirect.scatter.add.f32 [tilespmem:s28], [sflag:$0x3], $0x80, s5, s26, $0xb8;
	[tilespmem:$0x1F880] =	vst v63  }
0x16b: {  	_ =	swait.ge [sflag:s22], $0x5000  }
0x16c: {  	s7 =	smov.u32 s10;
	s5 =	sshra.s32 s9, $0x2;
	[sflag:s22] =	ssyncset.done $0x0  }
0x16d: {  	s7 =	sadd.s32 $0xA0, s5;
	[sflag:s22] =	ssyncadd.s32 $0xFFFFB000  }
0x16e: {  	[tilespmem:s28], [sflag:$0x2] =	stream.indirect.gather [hbm4b:s1+s26], $0x80, s7, s26, $0xb8;
	[tilespmem:$0x1F880] =	vst v63  }
0x16f: {  	_ =	swait.ge [sflag:s31], $0x5000  }
0x170: {  	[sflag:s31] =	ssyncset.done $0x0  }
0x171: {  	s10 =	sadd.s32 $0x1000, s5;
	[sflag:s31] =	ssyncadd.s32 $0xFFFFB000  }
0x172: {  	[spmem:s2] =	stream.indirect.scatter.add.f32 [tilespmem:s29], [sflag:$0x3], $0x80, s10, s26, $0xb8;
	[tilespmem:$0x1F880] =	vst v63  }
0x173: {  	_ =	swait.ge [sflag:s22], $0x5000  }
0x174: {  	[sflag:s22] =	ssyncset.done $0x0  }
0x175: {  	s8 =	sadd.s32 $0x140, s5;
	[sflag:s22] =	ssyncadd.s32 $0xFFFFB000  }
0x176: {  	[tilespmem:s29], [sflag:$0x1] =	stream.indirect.gather [hbm4b:s1+s26], $0x80, s8, s26, $0xb8;
	[tilespmem:$0x1F880] =	vst v63  }
0x177: {  	_ =	swait.ge [sflag:s30], $0x5000  }
0x178: {  	[sflag:s30] =	ssyncset.done $0x0  }
0x179: {  	s9 =	sadd.s32 $0x10A0, s5;
	[sflag:s30] =	ssyncadd.s32 $0xFFFFB000  }
0x17a: {  	[spmem:s2] =	stream.indirect.scatter.add.f32 [tilespmem:s28], [sflag:$0x3], $0x80, s9, s26, $0xb8;
	[tilespmem:$0x1F880] =	vst v63  }
0x17b: {  	_ =	swait.ge [sflag:s22], $0x5000  }
0x17c: {  	[sflag:s22] =	ssyncset.done $0x0  }
0x17d: {  	[sflag:s22] =	ssyncadd.s32 $0xFFFFB000  }
0x17e: {  	_ =	swait.ge [sflag:s31], $0x5000  }
0x17f: {  	[sflag:s31] =	ssyncset.done $0x0  }
0x180: {  	[sflag:s31] =	ssyncadd.s32 $0xFFFFB000  }
0x181: {  	[spmem:s2] =	stream.indirect.scatter.add.f32 [tilespmem:s29], [sflag:$0x3], $0x80, s0, s26, $0xb8;
	[tilespmem:$0x1F880] =	vst v63  }
0x182: {  	_ =	swait.ge [sflag:s22], $0x5000  }
0x183: {  	s10 =	stileid.u32;
	[sflag:s22] =	ssyncset.done $0x0  }
0x184: {  	s5 =	sshll.u32 s10, $0x6;
	[sflag:s22] =	ssyncadd.s32 $0xFFFFB000  }
0x185: {  	s5 =	sor.u32 $0x1C03, s5;
	[bflag:$0x0] =	sbarrier.arrive $0xFFFF  }
0x186: {  	[hbm:s19], [sflag:s5] =	dma.local [spmem:s24], $0x2700  }
0x187: {  	_ =	swait.ge [sflag:s22], $0x2700  }
0x188: {  	s3 =	sadd.s32 $0x1, s3;
	[sflag:s22] =	ssyncset.done $0x0  }
0x189: {  	p1 =	sne.s32 s3, s21;
	[sflag:s22] =	ssyncadd.s32 $0xFFFFD900  }
0x18a: {  	[hbm:s20], [sflag:s5] =	dma.local @!p0 [spmem:s25], $0x100  }
.Ltmp6:
0x18b: {  	_ = 	snop;
	(pc) =	sbr.rel @p1 .LBB2_1-.Ltmp6, $4  }
0x18c: {  	s5 =	simm.s32 @!p0 $0x3  }
0x18d: {  	_ =	swait.ge @!p0 [sflag:s5], $0x100  }
0x18e: {  	[sflag:s5] =	ssyncset.done @!p0 $0x0  }
0x18f: {  	[sflag:s5] =	ssyncadd.s32 @!p0 $0xFFFFFF00  }
0x190: {  	_ =	sfence.sel $0x180000  }
0x191: {  	[bflag:$0x0] =	sbarrier.arrive $0xFFFF  }
0x192: {  	_ =	strace $0x9000004A  }
0x193: {  	s0 =	stileid.u32;
	[bflag:$0x2] =	sbarrier.arrive $0xFFFF  }
0x194: {  	p0 =	sne.s32 s0, $0x0;
	s0 =	rddreg [dreg:$0x3]  }
0x195: {  	s0 =	sadd.s32 @!p0 $0x100000, s0  }
0x196: {  	[sflag:s0] =	ssyncadd.tile.s32 @!p0 $0x1;
	_ =	shalt  }
.Lfunc_end2:
_tile_overlayer_lowered:
.L_overlay_start_2:
0x197: {  	(tag) =	ssettag $0x2  }
0x198: {  	s0 =	rddreg [dreg:$0x0];
	s2 =	stileid.u32  }
0x199: {  	s1 =	rddreg [dreg:$0x1];
	p0 =	sne.s32 s2, $0x0  }
0x19a: {  	s3 =	rddreg [dreg:$0x2];
	[bflag:$0x3] =	sbarrier.arrive $0xFFFF;
	s2 =	simm.s32 @!p0 $0x1C03  }
0x19b: {  	[timem:s3], [sflag:s2] =	dma.local @!p0 [hbm:s0], s1  }
0x19c: {  	s0 =	simm.s32 @!p0 $0x3  }
0x19d: {  	_ =	swait.ge @!p0 [sflag:s0], s1  }
0x19e: {  	s1 =	ssub.s32 @!p0 $0x0, s1;
	[sflag:s0] =	ssyncset.done @!p0 $0x0  }
0x19f: {  	[sflag:s0] =	ssyncadd.s32 @!p0 s1  }
0x1a0: {  	[bflag:$0x3] =	sbarrier.arrive $0xFFFF  }
0x1a1: {  	_ =	shalt  }

// kernel: kernel.15.cloned.1.call-start
scs
__scs_entry_jumppad:
0x0: {  	(pc) =	sbr.rel $0x88, $3  }
0x1: {  	(tag) =	ssettag $0x0;
	lr =	simm.s32 $0x1  }
0x2: {  	[smem:$0x3F9C] =	sst lr;
	_ =	strace $0xD0000000  }
0x3: {  	_ = 	snop  }
0x4: {  	_ = 	snop  }
0x5: {  	_ = 	snop  }
0x6: {  	_ = 	snop  }
0x7: {  	_ = 	snop  }
__scs_overlays_trampoline_lowered:
0x8: {  	[smem:$0x3FAB] =	sst s0  }
0x9: {  	[smem:$0x3FAC] =	sst s1  }
0xa: {  	[smem:$0x3FAD] =	sst s2  }
0xb: {  	[smem:$0x3FAE] =	sst s3  }
0xc: {  	[smem:$0x3FAF] =	sst s4  }
0xd: {  	[smem:$0x3FB0] =	sst s5  }
0xe: {  	[smem:$0x3FB1] =	sst s6  }
0xf: {  	[smem:$0x3FB2] =	sst s7  }
0x10: {  	[smem:$0x3FB3] =	sst s8  }
0x11: {  	[smem:$0x3FB4] =	sst s9;
	s0 =	simm.s32 @!p0 $0x0  }
0x12: {  	s1 =	sld [smem:$0x3F9A];
	s0 =	simm.s32 @p0 $0x1  }
0x13: {  	[smem:$0x3FB5] =	sst s0;
	s0 =	simm.s32 @!p1 $0x0  }
0x14: {  	s2 =	sld [smem:$0x3F99];
	s0 =	simm.s32 @p1 $0x1  }
0x15: {  	[smem:$0x3FB6] =	sst s0;
	s0 =	simm.s32 @!p2 $0x0  }
0x16: {  	s3 =	sld [smem:$0x3FDB];
	s0 =	simm.s32 @p2 $0x1  }
0x17: {  	s4 =	simm.s32 $0x1BF5;
	[smem:$0x3FB8] =	sst s0  }
0x18: {  	s0 =	sld [smem:$0x3F9B];
	_ =	swait.ge [sflag:s4], $0x0  }
0x19: {  	s7 =	sld [smem:$0x3F9C]  }
0x1a: {  	s8 =	sadd.s32 $0xFFFFE003, lr  }
0x1b: {  	s9 =	sadd.s32 $0xFFFFFEF7, lr;
	s5 =	simm.s32 $0xFFFFFFFF;
	p2 =	slt.u32 s8, $0xFFFFF086  }
0x1c: {  	p1 =	slt.u32 s9, $0xF7A;
	s5 =	simm.s32 @!p2 $0x0  }
0x1d: {  	s5 =	simm.s32 @p1 $0x1;
	p0 =	seq.s32 s7, s2  }
0x1e: {  	s7 =	smul.u32 @!p0 $0xF7A, s2;
	p2 =	seq.s32 @!p0 s5, $0x0  }
0x1f: {  	s9 =	smul.u32 $0xF7A, s1;
	s8 =	simm.s32 @!p0 $0x1BF5;
	p2 =	por !p2, p0  }
0x20: {  	[sflag:s8] =	ssyncset.s32 @!p0 $0xFFFFF086;
	s6 =	sadd.s32 @!p0 s3, s7;
	s7 =	simm.s32 @!p0 $0x108  }
0x21: {  	s3 =	sadd.s32 s3, s9;
	s6 =	sadd.s32 @!p0 $0x88, s6;
	s7 =	simm.s32 @p2 $0x1082  }
0x22: {  	[simem:s7], [sflag:s8] =	dma.local @!p0 [hbm:s6], $0xF7A  }
0x23: {  	s9 =	sor.u32 $0xD0000000, s2;
	s6 =	simm.s32 $0x108;
	_ =	swait.ge @!p0 [sflag:s8], $0x0  }
0x24: {  	s3 =	sadd.s32 $0x88, s3;
	s6 =	simm.s32 @!p1 $0x1082;
	[sflag:s4] =	ssyncset.s32 $0xFFFFF086  }
0x25: {  	[simem:s6], [sflag:s4] =	dma.local [hbm:s3], $0xF7A  }
0x26: {  	[smem:$0x3F9C] =	sst s1;
	(tag) =	ssettag s2;
	_ =	strace s9  }
0x27: {  	s1 =	sld [smem:$0x3FAC]  }
0x28: {  	s2 =	sld [smem:$0x3FAD]  }
0x29: {  	s4 =	sld [smem:$0x3FAF]  }
0x2a: {  	p0 =	seq.s32 s5, $0x0;
	s5 =	sld [smem:$0x3FB0]  }
0x2b: {  	s6 =	sld [smem:$0x3FB1]  }
0x2c: {  	s7 =	sld [smem:$0x3FB2]  }
0x2d: {  	s3 =	simm.s32 $0x108;
	s8 =	sld [smem:$0x3FB3]  }
0x2e: {  	s3 =	simm.s32 @!p0 $0x1082;
	s9 =	sld [smem:$0x3FB4]  }
0x2f: {  	lr =	sadd.s32 s0, s3;
	s0 =	sld [smem:$0x3FAB]  }
0x30: {  	s3 =	sld [smem:$0x3FAE]  }
0x31: {  	[smem:$0x3FB7] =	sst s10  }
0x32: {  	s10 =	sld [smem:$0x3FB5];
	_ =	sdelay $0x3  }
0x33: {  	p0 =	seq.s32 s10, $0x1;
	s10 =	sld [smem:$0x3FB7];
	_ =	sdelay $0x3  }
0x34: {  	[smem:$0x3FB7] =	sst s10  }
0x35: {  	s10 =	sld [smem:$0x3FB6];
	_ =	sdelay $0x3  }
0x36: {  	p1 =	seq.s32 s10, $0x1;
	s10 =	sld [smem:$0x3FB7];
	_ =	sdelay $0x3  }
0x37: {  	[smem:$0x3FB7] =	sst s10  }
0x38: {  	s10 =	sld [smem:$0x3FB8]  }
0x39: {  	_ = 	snop;
	(pc) =	sbr.ind lr, $3  }
0x3a: {  	_ = 	snop  }
0x3b: {  	_ = 	snop  }
0x3c: {  	p2 =	seq.s32 s10, $0x1;
	s10 =	sld [smem:$0x3FB7]  }
0x3d: {  	_ =	shalt  }
0x3e: {  	_ =	shalt  }
0x3f: {  	_ =	shalt  }
0x40: {  	_ =	shalt  }
0x41: {  	_ =	shalt  }
0x42: {  	_ =	shalt  }
0x43: {  	_ =	shalt  }
0x44: {  	_ =	shalt  }
0x45: {  	_ =	shalt  }
0x46: {  	_ =	shalt  }
0x47: {  	_ =	shalt  }
0x48: {  	_ =	shalt  }
0x49: {  	_ =	shalt  }
0x4a: {  	_ =	shalt  }
0x4b: {  	_ =	shalt  }
0x4c: {  	_ =	shalt  }
0x4d: {  	_ =	shalt  }
0x4e: {  	_ =	shalt  }
0x4f: {  	_ =	shalt  }
0x50: {  	_ =	shalt  }
0x51: {  	_ =	shalt  }
0x52: {  	_ =	shalt  }
0x53: {  	_ =	shalt  }
0x54: {  	_ =	shalt  }
0x55: {  	_ =	shalt  }
0x56: {  	_ =	shalt  }
0x57: {  	_ =	shalt  }
0x58: {  	_ =	shalt  }
0x59: {  	_ =	shalt  }
0x5a: {  	_ =	shalt  }
0x5b: {  	_ =	shalt  }
0x5c: {  	_ =	shalt  }
0x5d: {  	_ =	shalt  }
0x5e: {  	_ =	shalt  }
0x5f: {  	_ =	shalt  }
0x60: {  	_ =	shalt  }
0x61: {  	_ =	shalt  }
0x62: {  	_ =	shalt  }
0x63: {  	_ =	shalt  }
0x64: {  	_ =	shalt  }
0x65: {  	_ =	shalt  }
0x66: {  	_ =	shalt  }
0x67: {  	_ =	shalt  }
0x68: {  	_ =	shalt  }
0x69: {  	_ =	shalt  }
0x6a: {  	_ =	shalt  }
0x6b: {  	_ =	shalt  }
0x6c: {  	_ =	shalt  }
0x6d: {  	_ =	shalt  }
0x6e: {  	_ =	shalt  }
0x6f: {  	_ =	shalt  }
0x70: {  	_ =	shalt  }
0x71: {  	_ =	shalt  }
0x72: {  	_ =	shalt  }
0x73: {  	_ =	shalt  }
0x74: {  	_ =	shalt  }
0x75: {  	_ =	shalt  }
0x76: {  	_ =	shalt  }
0x77: {  	_ =	shalt  }
0x78: {  	_ =	shalt  }
0x79: {  	_ =	shalt  }
0x7a: {  	_ =	shalt  }
0x7b: {  	_ =	shalt  }
0x7c: {  	_ =	shalt  }
0x7d: {  	_ =	shalt  }
0x7e: {  	_ =	shalt  }
0x7f: {  	_ =	shalt  }
0x80: {  	_ =	shalt  }
0x81: {  	_ =	shalt  }
0x82: {  	_ =	shalt  }
0x83: {  	_ =	shalt  }
0x84: {  	_ =	shalt  }
0x85: {  	_ =	shalt  }
0x86: {  	_ =	shalt  }
0x87: {  	_ =	shalt  }
.Lfunc_end0:
.L_simem_size_0:
called_computation.2_lowered:
.L_overlay_start_0:
0x88: {  	s2 =	sld [smem:$0x3FD9]  }
0x89: {  	s3 =	sld [smem:$0x3FFE];
	_ =	sdelay $0x1  }
0x8a: {  	s1 =	srdreg.scid  }
0x8b: {  	s0 =	sand.u32 $0x1, s1  }
0x8c: {  	s17 =	sshll.u32 s0, $0xA;
	s2 =	sadd.s32 s3, s2  }
0x8d: {  	s2 =	sadd.s32 s2, s17  }
0x8e: {  	[smem:$0x3FC3] =	sst s2  }
0x8f: {  	_ = 	snop  }
0x90: {  	s2 =	sld [smem:$0x3FD0];
	(tm) =	ssettm $0x1  }
0x91: {  	s18 =	sld [smem:$0x3FFB];
	_ =	sdelay $0x3  }
0x92: {  	_ =	strace s18  }
0x93: {  	s3 =	sld [smem:$0x3FFC];
	_ =	sdelay $0x3  }
0x94: {  	_ =	strace s3  }
0x95: {  	s3 =	sld [smem:$0x3FFD];
	_ =	sdelay $0x3  }
0x96: {  	_ =	strace s3  }
0x97: {  	_ =	strace $0x8FFFFFFF  }
0x98: {  	s19 =	sld [smem:$0x3FDB];
	_ =	sdelay $0x1  }
0x99: {  	s4 =	simm.s32 $_scs_section_size  }
0x9a: {  	s5 =	simm.s32 $_size__tile_overlayer_lowered;
	s6 =	simm.s32 $_tile_overlayer_lowered  }
0x9b: {  	s22 =	simm.s32 $0x1BFF;
	s21 =	sshll.u32 s6, $0x1;
	s3 =	sadd.s32 s4, s19  }
0x9c: {  	s7 =	simm.s32 $0x0;
	s20 =	sshll.u32 s5, $0x1;
	s5 =	sadd.s32 s21, s3  }
0x9d: {  	[timem:s7], [sflag:s22] =	dma.local [hbm:s5], s20  }
0x9e: {  	_ =	swait.ge [sflag:s22], s20  }
0x9f: {  	s4 =	ssub.s32 $0x0, s20;
	[sflag:s22] =	ssyncset.done $0x0  }
0xa0: {  	[sflag:s22] =	ssyncadd.s32 s4;
	_ =	sdelay $0x1  }
0xa1: {  	s23 =	simm.s32 $0x1B8B  }
0xa2: {  	_ =	swait.ge [sflag:s23], $0x1  }
0xa3: {  	[sflag:s23] =	ssyncset.done $0x0  }
0xa4: {  	s25 =	simm.s32 $0x1B8E;
	s24 =	sld [smem:$0x3FFE];
	[sflag:s23] =	ssyncadd.s32 $0xFFFFFFFF  }
0xa5: {  	s26 =	simm.s32 $execute0_lowered;
	[smem:$0x3FD2] =	sst s25  }
0xa6: {  	s5 =	sshll.u32 s26, $0x1;
	_ =	strace $0x8000004C;
	[dreg:$0x1] =	wrdreg $0xFFFFFFFF  }
0xa7: {  	s28 =	simm.s32 $_size_execute0_lowered;
	s3 =	sadd.s32 s3, s5;
	[dreg:$0x0] =	wrdreg $0x0  }
0xa8: {  	s5 =	sshll.u32 s28, $0x1;
	[dreg:$0x2] =	wrdreg s3  }
0xa9: {  	[dreg:$0x3] =	wrdreg s5  }
0xaa: {  	[dreg:$0x4] =	wrdreg $0xC0  }
0xab: {  	_ =	task [dreg:s7], $0x5FFFF  }
0xac: {  	[dreg:$0x1] =	wrdreg $0xFFFFFFFF  }
0xad: {  	[dreg:$0x0] =	wrdreg $0x60  }
0xae: {  	[dreg:$0x2] =	wrdreg s2  }
0xaf: {  	[dreg:$0x3] =	wrdreg s24  }
0xb0: {  	[dreg:$0x4] =	wrdreg $0x60000  }
0xb1: {  	[dreg:$0x5] =	wrdreg $0x9  }
0xb2: {  	_ =	task.clear_ibuf [dreg:s7], $0x6FFFF;
	_ =	strace $0x9000004C  }
0xb3: {  	s29 =	simm.s32 $0x9;
	_ =	strace $0x8000004E  }
0xb4: {  	_ =	swait.ge [sflag:s29], $0x1  }
0xb5: {  	[sflag:s29] =	ssyncadd.s32 $0xFFFFFFFF  }
0xb6: {  	_ =	strace $0x9000004E  }
0xb7: {  	_ =	sfence  }
0xb8: {  	s30 =	sld [smem:$0x0];
	_ =	sdelay $0x2  }
0xb9: {  	s31 =	sshll.u32 s1, $0xD;
	s1 =	sshrl.u32 s1, $0x2  }
0xba: {  	s3 =	sand.u32 $0x4000, s31;
	s1 =	sadd.s32 s1, s30  }
0xbb: {  	s0 =	sor.u32 s3, s0;
	s1 =	sshll.u32 s1, $0x11  }
0xbc: {  	s0 =	sor.u32 s1, s0  }
0xbd: {  	s0 =	sadd.s32 $0x8F2B, s0  }
0xbe: {  	[sflag:s0] =	ssyncadd.remote.s32 $0x1  }
0xbf: {  	_ =	sfence.sel $0xFFFF  }
0xc0: {  	[dreg:$0x0] =	wrdreg $0xFFFFFFFF;
	(pc) =	sbr.abs _section_cstart, $3  }
0xc1: {  	[dreg:$0x1] =	wrdreg $0xFFFFFFFF  }
0xc2: {  	_ =	task.clear_ibuf [dreg:s7], $0x2FFFF;
	_ =	strace $0x9FFFFFFF  }
0xc3: {  	(tm) =	ssettm $0x7FFFFFFF  }
tec
execute0_lowered:
.L_overlay_start_1:
0x0: {  	(tag) =	ssettag $0x1  }
0x1: {  	s1 =	rddreg [dreg:$0x0]  }
0x2: {  	s0 =	rddreg [dreg:$0x1]  }
0x3: {  	s2 =	rddreg [dreg:$0x2];
	s3 =	srdreg.scid  }
0x4: {  	s4 =	simm.s32 $0x0;
	s12 =	stileid.u32;
	s29 =	simm.s32 $0x3  }
0x5: {  	s30 =	simm.s32 $0x800;
	s31 =	simm.s32 $0x50;
	s5 =	smul.u32 $0x2710, s12  }
0x6: {  	s3 =	sand.u32 $0x1, s3;
	[smem:$0x7FF] =	sst s4;
	s8 =	smul.u32 $0x4E200, s12  }
0x7: {  	s7 =	sadd.s32 $0xB600, s0;
	s9 =	sadd.s32 $0x1800, s0;
	s25 =	smul.u32 $0x2700, s12  }
0x8: {  	s0 =	sadd.s32 $0x15400, s0;
	p0 =	sne.s32 s12, $0xF;
	s6 =	smul.u32 $0x27100, s3  }
0x9: {  	_ =	strace $0x8000004D;
	s10 =	ssub.s32 $0x2, s3;
	s3 =	smul.u32 $0x138800, s3  }
0xa: {  	s11 =	sshrl.u32 s10, $0x1;
	s8 =	sshrl.u32 s8, $0x2;
	s5 =	sadd.s32 s5, s6  }
0xb: {  	s10 =	ssub.s32 s10, s11;
	s6 =	sadd.s32 s25, s6;
	s14 =	sshrl.u32 s5, $0x3  }
0xc: {  	s3 =	sshrl.u32 s3, $0x3;
	s5 =	sadd.s32 s8, s2;
	s17 =	sadd.s32 s7, s14  }
0xd: {  	s3 =	sadd.s32 s0, s3;
	s18 =	sadd.s32 s9, s14;
	[dreg:$0x4] =	wrdreg s17  }
0xe: {  	s19 =	sadd.s32 $0x2800, s5;
	s20 =	sadd.s32 $0x5000, s5;
	[dreg:$0x5] =	wrdreg s18  }
0xf: {  	s21 =	sadd.s32 $0x7800, s5;
	s22 =	sadd.s32 $0xFA, s14;
	[dreg:$0x6] =	wrdreg s19  }
0x10: {  	s23 =	sadd.s32 $0x1F4, s14;
	s16 =	sadd.s32 $0x2EE, s14;
	[dreg:$0x7] =	wrdreg s20  }
0x11: {  	s11 =	sadd.s32 $0x3E8, s14;
	s28 =	sadd.s32 $0x11800, s5;
	[dreg:$0x8] =	wrdreg s21  }
0x12: {  	s13 =	sadd.s32 s7, s22;
	s8 =	sadd.s32 s9, s22;
	s24 =	sadd.s32 s7, s23  }
0x13: {  	s20 =	smul.u32 $0x4E000, s12;
	s15 =	sadd.s32 s7, s16;
	s16 =	sadd.s32 s9, s16  }
0x14: {  	s17 =	sadd.s32 s7, s11;
	s18 =	sadd.s32 s9, s11;
	s19 =	sadd.s32 $0xA000, s5  }
0x15: {  	s21 =	sadd.s32 s0, s6;
	s0 =	sadd.s32 $0x138000, s2;
	[dreg:$0x9] =	wrdreg s13  }
0x16: {  	s22 =	sadd.s32 $0x27000, s3;
	s3 =	simm.s32 $0x1000;
	[dreg:$0xa] =	wrdreg s8  }
0x17: {  	s6 =	simm.s32 $0x2;
	[dreg:$0xb] =	wrdreg s24;
	s8 =	sadd.s32 s9, s23  }
0x18: {  	s23 =	smax.u32 s10, $0x1;
	s25 =	sshrl.u32 @!p0 s0, $0x3;
	s0 =	simm.s32 $0x3800  }
0x19: {  	s9 =	simm.s32 $0x0;
	[dreg:$0xc] =	wrdreg s8;
	s26 =	sshrl.u32 s20, $0x2  }
0x1a: {  	s20 =	sadd.s32 $0xC800, s5;
	s8 =	simm.s32 $0xF80;
	s7 =	sadd.s32 s26, s2  }
0x1b: {  	v0 =	vimm.f32 $0.0e+00;
	s26 =	sadd.s32 $0xF000, s5;
	s24 =	sshrl.u32 s7, $0x3;
	s7 =	simm.s32 $0x1  }
.LBB2_1:
0x1c: {  	s10 =	rddreg [dreg:$0x4]  }
0x1d: {  	[tilespmem:s4], [sflag:$0x3] =	stream.linear.gather [hbm4b:s10+s4], $0x7D0, $0x38;
	[tilespmem:$0x19880] =	vst v63  }
0x1e: {  	_ =	swait.ge [sflag:s29], $0x7D0  }
0x1f: {  	[sflag:s29] =	ssyncset.done $0x0  }
0x20: {  	s14 =	rddreg [dreg:$0x5];
	[sflag:s29] =	ssyncadd.s32 $0xFFFFF830  }
0x21: {  	[tilespmem:s30], [sflag:$0x3] =	stream.linear.gather [hbm4b:s14+s4], $0x7D0, $0x38;
	[tilespmem:$0x19880] =	vst v63  }
0x22: {  	_ =	swait.ge [sflag:s29], $0x7D0  }
0x23: {  	[sflag:s29] =	ssyncset.done $0x0  }
0x24: {  	s11 =	simm.s32 $0x3C0;
	s10 =	simm.s32 $0x70;
	[sflag:s29] =	ssyncadd.s32 $0xFFFFF830  }
0x25: {  	[tilespmem:s0], [sflag:$0x2] =	stream.indirect.gather [hbm4b:s1+s31], $0x80, s4, s31, $0xb8;
	[tilespmem:$0x19880] =	vst v63  }
.LBB2_2:
0x26: {  	p1 =	sne.s32 s11, $0x9FC0;
	[tilespmem:s10+$0x1000] =	vst v0  }
0x27: {  	[tilespmem:s10+$0xF90] =	vst v0  }
0x28: {  	[tilespmem:s10+$0xFA0] =	vst v0  }
.Ltmp0:
0x29: {  	[tilespmem:s10+$0xFB0] =	vst v0;
	(pc) =	sbr.rel @p1 .LBB2_2-.Ltmp0, $4  }
0x2a: {  	[tilespmem:s10+$0xFC0] =	vst v0  }
0x2b: {  	[tilespmem:s10+$0xFD0] =	vst v0  }
0x2c: {  	[tilespmem:s10+$0xFE0] =	vst v0  }
0x2d: {  	[tilespmem:s10+$0xFF0] =	vst v0;
	s10 =	sshra.s32 s11, $0x2;
	s11 =	sadd.s32 $0x200, s11  }
0x2e: {  	[tilespmem:s10+$0x1000] =	vst v0  }
0x2f: {  	[tilespmem:s10+$0xF90] =	vst v0  }
0x30: {  	[tilespmem:s10+$0xFA0] =	vst v0  }
0x31: {  	[tilespmem:s10+$0xFB0] =	vst v0  }
0x32: {  	[tilespmem:s10+$0xFC0] =	vst v0  }
0x33: {  	[tilespmem:s10+$0xFD0] =	vst v0  }
0x34: {  	[tilespmem:s10+$0xFE0] =	vst v0  }
0x35: {  	[tilespmem:s10+$0xFF0] =	vst v0  }
0x36: {  	[spmem:s5] =	stream.linear.scatter [tilespmem:s3], [sflag:$0x3], $0x2800, $0x38;
	[tilespmem:$0x19880] =	vst v63  }
0x37: {  	_ =	swait.ge [sflag:s29], $0x2800  }
0x38: {  	[sflag:s29] =	ssyncset.done $0x0  }
0x39: {  	s12 =	rddreg [dreg:$0x6];
	[sflag:s29] =	ssyncadd.s32 $0xFFFFD800  }
0x3a: {  	[spmem:s12] =	stream.linear.scatter [tilespmem:s3], [sflag:$0x3], $0x2800, $0x38;
	[tilespmem:$0x19880] =	vst v63  }
0x3b: {  	_ =	swait.ge [sflag:s29], $0x2800  }
0x3c: {  	[sflag:s29] =	ssyncset.done $0x0  }
0x3d: {  	s13 =	rddreg [dreg:$0x7];
	[sflag:s29] =	ssyncadd.s32 $0xFFFFD800  }
0x3e: {  	[spmem:s13] =	stream.linear.scatter [tilespmem:s3], [sflag:$0x3], $0x2800, $0x38;
	[tilespmem:$0x19880] =	vst v63  }
0x3f: {  	_ =	swait.ge [sflag:s29], $0x2800  }
0x40: {  	[sflag:s29] =	ssyncset.done $0x0  }
0x41: {  	s14 =	rddreg [dreg:$0x8];
	[sflag:s29] =	ssyncadd.s32 $0xFFFFD800  }
0x42: {  	[spmem:s14] =	stream.linear.scatter [tilespmem:s3], [sflag:$0x3], $0x2800, $0x38;
	[tilespmem:$0x19880] =	vst v63  }
0x43: {  	_ =	swait.ge [sflag:s29], $0x2800  }
0x44: {  	[sflag:s29] =	ssyncset.done $0x0  }
0x45: {  	[sflag:s29] =	ssyncadd.s32 $0xFFFFD800  }
0x46: {  	[spmem:s19] =	stream.linear.scatter [tilespmem:s3], [sflag:$0x3], $0x2800, $0x38;
	[tilespmem:$0x19880] =	vst v63  }
0x47: {  	_ =	swait.ge [sflag:s29], $0x2800  }
0x48: {  	[sflag:s29] =	ssyncset.done $0x0  }
0x49: {  	[sflag:s29] =	ssyncadd.s32 $0xFFFFD800  }
0x4a: {  	[spmem:s20] =	stream.linear.scatter [tilespmem:s3], [sflag:$0x3], $0x2800, $0x38;
	[tilespmem:$0x19880] =	vst v63  }
0x4b: {  	_ =	swait.ge [sflag:s29], $0x2800  }
0x4c: {  	[sflag:s29] =	ssyncset.done $0x0  }
0x4d: {  	[sflag:s29] =	ssyncadd.s32 $0xFFFFD800  }
0x4e: {  	[spmem:s26] =	stream.linear.scatter [tilespmem:s3], [sflag:$0x3], $0x2800, $0x38;
	[tilespmem:$0x19880] =	vst v63  }
0x4f: {  	_ =	swait.ge [sflag:s29], $0x2800  }
0x50: {  	[sflag:s29] =	ssyncset.done $0x0  }
0x51: {  	[sflag:s29] =	ssyncadd.s32 $0xFFFFD800  }
0x52: {  	[spmem:s28] =	stream.linear.scatter [tilespmem:s3], [sflag:$0x3], $0x2080, $0x38;
	[tilespmem:$0x19880] =	vst v63  }
0x53: {  	_ =	swait.ge [sflag:s29], $0x2080  }
0x54: {  	[sflag:s29] =	ssyncset.done $0x0  }
0x55: {  	[sflag:s29] =	ssyncadd.s32 $0xFFFFDF80  }
0x56: {  	s11 =	simm.s32 $0x50;
	[bflag:$0x0] =	sbarrier.arrive $0xFFFF  }
0x57: {  	[tilespmem:s3], [sflag:$0x1] =	stream.indirect.gather [hbm4b:s1+s31], $0x80, s11, s31, $0xb8;
	[tilespmem:$0x19880] =	vst v63  }
0x58: {  	_ =	swait.ge [sflag:s6], $0x2800  }
0x59: {  	[sflag:s6] =	ssyncset.done $0x0  }
0x5a: {  	s12 =	simm.s32 $0x800;
	[sflag:s6] =	ssyncadd.s32 $0xFFFFD800  }
0x5b: {  	[spmem:s2] =	stream.indirect.scatter.add.f32 [tilespmem:s0], [sflag:$0x3], $0x80, s12, s31, $0xb8;
	[tilespmem:$0x19880] =	vst v63  }
0x5c: {  	_ =	swait.ge [sflag:s29], $0x2800  }
0x5d: {  	[sflag:s29] =	ssyncset.done $0x0  }
0x5e: {  	s13 =	simm.s32 $0xA0;
	[sflag:s29] =	ssyncadd.s32 $0xFFFFD800  }
0x5f: {  	[tilespmem:s0], [sflag:$0x2] =	stream.indirect.gather [hbm4b:s1+s31], $0x80, s13, s31, $0xb8;
	[tilespmem:$0x19880] =	vst v63  }
0x60: {  	_ =	swait.ge [sflag:s7], $0x2800  }
0x61: {  	[sflag:s7] =	ssyncset.done $0x0  }
0x62: {  	s14 =	simm.s32 $0x850;
	[sflag:s7] =	ssyncadd.s32 $0xFFFFD800  }
0x63: {  	[spmem:s2] =	stream.indirect.scatter.add.f32 [tilespmem:s3], [sflag:$0x3], $0x80, s14, s31, $0xb8;
	[tilespmem:$0x19880] =	vst v63  }
0x64: {  	_ =	swait.ge [sflag:s29], $0x2800  }
0x65: {  	s10 =	simm.s32 $0xA0;
	s11 =	simm.s32 $0x500;
	[sflag:s29] =	ssyncset.done $0x0  }
.LBB2_4:
0x66: {  	s12 =	sadd.s32 $0x50, s10  }
0x67: {  	[sflag:s29] =	ssyncadd.s32 $0xFFFFD800;
	s13 =	smov.u32 s11;
	s14 =	sadd.s32 $0x280, s11  }
0x68: {  	[tilespmem:s3], [sflag:$0x1] =	stream.indirect.gather [hbm4b:s1+s31], $0x80, s12, s31, $0xb8;
	[tilespmem:$0x19880] =	vst v63  }
0x69: {  	p1 =	sne.s32 s11, $0x1B80;
	_ =	swait.ge [sflag:s6], $0x2800  }
0x6a: {  	[sflag:s6] =	ssyncset.done $0x0  }
0x6b: {  	s11 =	sadd.s32 $0x800, s10;
	[sflag:s6] =	ssyncadd.s32 $0xFFFFD800  }
0x6c: {  	[spmem:s2] =	stream.indirect.scatter.add.f32 [tilespmem:s0], [sflag:$0x3], $0x80, s11, s31, $0xb8;
	[tilespmem:$0x19880] =	vst v63  }
0x6d: {  	_ =	swait.ge [sflag:s29], $0x2800  }
0x6e: {  	[sflag:s29] =	ssyncset.done $0x0  }
0x6f: {  	s11 =	sadd.s32 $0xA0, s10;
	[sflag:s29] =	ssyncadd.s32 $0xFFFFD800  }
0x70: {  	[tilespmem:s0], [sflag:$0x2] =	stream.indirect.gather [hbm4b:s1+s31], $0x80, s11, s31, $0xb8;
	[tilespmem:$0x19880] =	vst v63  }
0x71: {  	_ =	swait.ge [sflag:s7], $0x2800  }
.Ltmp1:
0x72: {  	[sflag:s7] =	ssyncset.done $0x0;
	(pc) =	sbr.rel @p1 .LBB2_4-.Ltmp1, $4  }
0x73: {  	s10 =	sadd.s32 $0x850, s10;
	[sflag:s7] =	ssyncadd.s32 $0xFFFFD800  }
0x74: {  	[spmem:s2] =	stream.indirect.scatter.add.f32 [tilespmem:s3], [sflag:$0x3], $0x80, s10, s31, $0xb8;
	[tilespmem:$0x19880] =	vst v63  }
0x75: {  	_ =	swait.ge [sflag:s29], $0x2800  }
0x76: {  	s11 =	smov.u32 s14;
	s10 =	sshra.s32 s13, $0x2;
	[sflag:s29] =	ssyncset.done $0x0  }
0x77: {  	s11 =	sadd.s32 $0x50, s10;
	[sflag:s29] =	ssyncadd.s32 $0xFFFFD800  }
0x78: {  	[tilespmem:s3], [sflag:$0x1] =	stream.indirect.gather [hbm4b:s1+s31], $0x80, s11, s31, $0xb8;
	[tilespmem:$0x19880] =	vst v63  }
0x79: {  	_ =	swait.ge [sflag:s6], $0x2800  }
0x7a: {  	[sflag:s6] =	ssyncset.done $0x0  }
0x7b: {  	s13 =	sadd.s32 $0x800, s10;
	[sflag:s6] =	ssyncadd.s32 $0xFFFFD800  }
0x7c: {  	[spmem:s2] =	stream.indirect.scatter.add.f32 [tilespmem:s0], [sflag:$0x3], $0x80, s13, s31, $0xb8;
	[tilespmem:$0x19880] =	vst v63  }
0x7d: {  	_ =	swait.ge [sflag:s29], $0x2800  }
0x7e: {  	[sflag:s29] =	ssyncset.done $0x0  }
0x7f: {  	s14 =	sadd.s32 $0xA0, s10;
	[sflag:s29] =	ssyncadd.s32 $0xFFFFD800  }
0x80: {  	[tilespmem:s0], [sflag:$0x2] =	stream.indirect.gather [hbm4b:s1+s31], $0x80, s14, s31, $0xb8;
	[tilespmem:$0x19880] =	vst v63  }
0x81: {  	_ =	swait.ge [sflag:s7], $0x2800  }
0x82: {  	[sflag:s7] =	ssyncset.done $0x0  }
0x83: {  	s11 =	sadd.s32 $0x850, s10;
	[sflag:s7] =	ssyncadd.s32 $0xFFFFD800  }
0x84: {  	[spmem:s2] =	stream.indirect.scatter.add.f32 [tilespmem:s3], [sflag:$0x3], $0x80, s11, s31, $0xb8;
	[tilespmem:$0x19880] =	vst v63  }
0x85: {  	_ =	swait.ge [sflag:s29], $0x2800  }
0x86: {  	[sflag:s29] =	ssyncset.done $0x0  }
0x87: {  	[sflag:s29] =	ssyncadd.s32 $0xFFFFD800  }
0x88: {  	_ =	swait.ge [sflag:s6], $0x2800  }
0x89: {  	[sflag:s6] =	ssyncset.done $0x0  }
0x8a: {  	[sflag:s6] =	ssyncadd.s32 $0xFFFFD800  }
0x8b: {  	[spmem:s2] =	stream.indirect.scatter.add.f32 [tilespmem:s0], [sflag:$0x3], $0x80, s8, s31, $0xb8;
	[tilespmem:$0x19880] =	vst v63  }
0x8c: {  	_ =	swait.ge [sflag:s29], $0x2800  }
0x8d: {  	[sflag:s29] =	ssyncset.done $0x0  }
0x8e: {  	s12 =	simm.s32 $0x0;
	s13 =	rddreg [dreg:$0x9];
	[sflag:s29] =	ssyncadd.s32 $0xFFFFD800  }
0x8f: {  	[tilespmem:s12], [sflag:$0x3] =	stream.linear.gather [hbm4b:s13+s12], $0x7D0, $0x38;
	[tilespmem:$0x19880] =	vst v63  }
0x90: {  	_ =	swait.ge [sflag:s29], $0x7D0  }
0x91: {  	[sflag:s29] =	ssyncset.done $0x0  }
0x92: {  	s14 =	rddreg [dreg:$0xa];
	[sflag:s29] =	ssyncadd.s32 $0xFFFFF830  }
0x93: {  	[tilespmem:s30], [sflag:$0x3] =	stream.linear.gather [hbm4b:s14+s12], $0x7D0, $0x38;
	[tilespmem:$0x19880] =	vst v63  }
0x94: {  	_ =	swait.ge [sflag:s29], $0x7D0  }
0x95: {  	[sflag:s29] =	ssyncset.done $0x0  }
0x96: {  	[sflag:s29] =	ssyncadd.s32 $0xFFFFF830  }
0x97: {  	[tilespmem:s3], [sflag:$0x1] =	stream.indirect.gather [hbm4b:s1+s31], $0x80, s12, s31, $0xb8;
	[tilespmem:$0x19880] =	vst v63  }
0x98: {  	s11 =	simm.s32 $0x50  }
0x99: {  	[tilespmem:s0], [sflag:$0x2] =	stream.indirect.gather [hbm4b:s1+s31], $0x80, s11, s31, $0xb8;
	[tilespmem:$0x19880] =	vst v63  }
0x9a: {  	_ =	swait.ge [sflag:s7], $0x2800  }
0x9b: {  	[sflag:s7] =	ssyncset.done $0x0  }
0x9c: {  	s12 =	simm.s32 $0x800;
	[sflag:s7] =	ssyncadd.s32 $0xFFFFD800  }
0x9d: {  	[spmem:s2] =	stream.indirect.scatter.add.f32 [tilespmem:s3], [sflag:$0x3], $0x80, s12, s31, $0xb8;
	[tilespmem:$0x19880] =	vst v63  }
0x9e: {  	_ =	swait.ge [sflag:s29], $0x2800  }
0x9f: {  	[sflag:s29] =	ssyncset.done $0x0  }
0xa0: {  	s13 =	simm.s32 $0xA0;
	[sflag:s29] =	ssyncadd.s32 $0xFFFFD800  }
0xa1: {  	[tilespmem:s3], [sflag:$0x1] =	stream.indirect.gather [hbm4b:s1+s31], $0x80, s13, s31, $0xb8;
	[tilespmem:$0x19880] =	vst v63  }
0xa2: {  	_ =	swait.ge [sflag:s6], $0x2800  }
0xa3: {  	[sflag:s6] =	ssyncset.done $0x0  }
0xa4: {  	s14 =	simm.s32 $0x850;
	[sflag:s6] =	ssyncadd.s32 $0xFFFFD800  }
0xa5: {  	[spmem:s2] =	stream.indirect.scatter.add.f32 [tilespmem:s0], [sflag:$0x3], $0x80, s14, s31, $0xb8;
	[tilespmem:$0x19880] =	vst v63  }
0xa6: {  	_ =	swait.ge [sflag:s29], $0x2800  }
0xa7: {  	s10 =	simm.s32 $0xA0;
	s11 =	simm.s32 $0x500;
	[sflag:s29] =	ssyncset.done $0x0  }
.LBB2_6:
0xa8: {  	s12 =	sadd.s32 $0x50, s10  }
0xa9: {  	[sflag:s29] =	ssyncadd.s32 $0xFFFFD800;
	s13 =	smov.u32 s11;
	s14 =	sadd.s32 $0x280, s11  }
0xaa: {  	[tilespmem:s0], [sflag:$0x2] =	stream.indirect.gather [hbm4b:s1+s31], $0x80, s12, s31, $0xb8;
	[tilespmem:$0x19880] =	vst v63  }
0xab: {  	p1 =	sne.s32 s11, $0x1B80;
	_ =	swait.ge [sflag:s7], $0x2800  }
0xac: {  	[sflag:s7] =	ssyncset.done $0x0  }
0xad: {  	s11 =	sadd.s32 $0x800, s10;
	[sflag:s7] =	ssyncadd.s32 $0xFFFFD800  }
0xae: {  	[spmem:s2] =	stream.indirect.scatter.add.f32 [tilespmem:s3], [sflag:$0x3], $0x80, s11, s31, $0xb8;
	[tilespmem:$0x19880] =	vst v63  }
0xaf: {  	_ =	swait.ge [sflag:s29], $0x2800  }
0xb0: {  	[sflag:s29] =	ssyncset.done $0x0  }
0xb1: {  	s11 =	sadd.s32 $0xA0, s10;
	[sflag:s29] =	ssyncadd.s32 $0xFFFFD800  }
0xb2: {  	[tilespmem:s3], [sflag:$0x1] =	stream.indirect.gather [hbm4b:s1+s31], $0x80, s11, s31, $0xb8;
	[tilespmem:$0x19880] =	vst v63  }
0xb3: {  	_ =	swait.ge [sflag:s6], $0x2800  }
.Ltmp2:
0xb4: {  	[sflag:s6] =	ssyncset.done $0x0;
	(pc) =	sbr.rel @p1 .LBB2_6-.Ltmp2, $4  }
0xb5: {  	s10 =	sadd.s32 $0x850, s10;
	[sflag:s6] =	ssyncadd.s32 $0xFFFFD800  }
0xb6: {  	[spmem:s2] =	stream.indirect.scatter.add.f32 [tilespmem:s0], [sflag:$0x3], $0x80, s10, s31, $0xb8;
	[tilespmem:$0x19880] =	vst v63  }
0xb7: {  	_ =	swait.ge [sflag:s29], $0x2800  }
0xb8: {  	s11 =	smov.u32 s14;
	s10 =	sshra.s32 s13, $0x2;
	[sflag:s29] =	ssyncset.done $0x0  }
0xb9: {  	s11 =	sadd.s32 $0x50, s10;
	[sflag:s29] =	ssyncadd.s32 $0xFFFFD800  }
0xba: {  	[tilespmem:s0], [sflag:$0x2] =	stream.indirect.gather [hbm4b:s1+s31], $0x80, s11, s31, $0xb8;
	[tilespmem:$0x19880] =	vst v63  }
0xbb: {  	_ =	swait.ge [sflag:s7], $0x2800  }
0xbc: {  	[sflag:s7] =	ssyncset.done $0x0  }
0xbd: {  	s13 =	sadd.s32 $0x800, s10;
	[sflag:s7] =	ssyncadd.s32 $0xFFFFD800  }
0xbe: {  	[spmem:s2] =	stream.indirect.scatter.add.f32 [tilespmem:s3], [sflag:$0x3], $0x80, s13, s31, $0xb8;
	[tilespmem:$0x19880] =	vst v63  }
0xbf: {  	_ =	swait.ge [sflag:s29], $0x2800  }
0xc0: {  	[sflag:s29] =	ssyncset.done $0x0  }
0xc1: {  	s14 =	sadd.s32 $0xA0, s10;
	[sflag:s29] =	ssyncadd.s32 $0xFFFFD800  }
0xc2: {  	[tilespmem:s3], [sflag:$0x1] =	stream.indirect.gather [hbm4b:s1+s31], $0x80, s14, s31, $0xb8;
	[tilespmem:$0x19880] =	vst v63  }
0xc3: {  	_ =	swait.ge [sflag:s6], $0x2800  }
0xc4: {  	[sflag:s6] =	ssyncset.done $0x0  }
0xc5: {  	s11 =	sadd.s32 $0x850, s10;
	[sflag:s6] =	ssyncadd.s32 $0xFFFFD800  }
0xc6: {  	[spmem:s2] =	stream.indirect.scatter.add.f32 [tilespmem:s0], [sflag:$0x3], $0x80, s11, s31, $0xb8;
	[tilespmem:$0x19880] =	vst v63  }
0xc7: {  	_ =	swait.ge [sflag:s29], $0x2800  }
0xc8: {  	[sflag:s29] =	ssyncset.done $0x0  }
0xc9: {  	[sflag:s29] =	ssyncadd.s32 $0xFFFFD800  }
0xca: {  	_ =	swait.ge [sflag:s7], $0x2800  }
0xcb: {  	[sflag:s7] =	ssyncset.done $0x0  }
0xcc: {  	[sflag:s7] =	ssyncadd.s32 $0xFFFFD800  }
0xcd: {  	[spmem:s2] =	stream.indirect.scatter.add.f32 [tilespmem:s3], [sflag:$0x3], $0x80, s8, s31, $0xb8;
	[tilespmem:$0x19880] =	vst v63  }
0xce: {  	_ =	swait.ge [sflag:s29], $0x2800  }
0xcf: {  	[sflag:s29] =	ssyncset.done $0x0  }
0xd0: {  	s12 =	simm.s32 $0x0;
	s13 =	rddreg [dreg:$0xb];
	[sflag:s29] =	ssyncadd.s32 $0xFFFFD800  }
0xd1: {  	[tilespmem:s12], [sflag:$0x3] =	stream.linear.gather [hbm4b:s13+s12], $0x7D0, $0x38;
	[tilespmem:$0x19880] =	vst v63  }
0xd2: {  	_ =	swait.ge [sflag:s29], $0x7D0  }
0xd3: {  	[sflag:s29] =	ssyncset.done $0x0  }
0xd4: {  	s14 =	rddreg [dreg:$0xc];
	[sflag:s29] =	ssyncadd.s32 $0xFFFFF830  }
0xd5: {  	[tilespmem:s30], [sflag:$0x3] =	stream.linear.gather [hbm4b:s14+s12], $0x7D0, $0x38;
	[tilespmem:$0x19880] =	vst v63  }
0xd6: {  	_ =	swait.ge [sflag:s29], $0x7D0  }
0xd7: {  	[sflag:s29] =	ssyncset.done $0x0  }
0xd8: {  	[sflag:s29] =	ssyncadd.s32 $0xFFFFF830  }
0xd9: {  	[tilespmem:s3], [sflag:$0x1] =	stream.indirect.gather [hbm4b:s1+s31], $0x80, s12, s31, $0xb8;
	[tilespmem:$0x19880] =	vst v63  }
0xda: {  	s11 =	simm.s32 $0x50  }
0xdb: {  	[tilespmem:s0], [sflag:$0x2] =	stream.indirect.gather [hbm4b:s1+s31], $0x80, s11, s31, $0xb8;
	[tilespmem:$0x19880] =	vst v63  }
0xdc: {  	_ =	swait.ge [sflag:s7], $0x2800  }
0xdd: {  	[sflag:s7] =	ssyncset.done $0x0  }
0xde: {  	s12 =	simm.s32 $0x800;
	[sflag:s7] =	ssyncadd.s32 $0xFFFFD800  }
0xdf: {  	[spmem:s2] =	stream.indirect.scatter.add.f32 [tilespmem:s3], [sflag:$0x3], $0x80, s12, s31, $0xb8;
	[tilespmem:$0x19880] =	vst v63  }
0xe0: {  	_ =	swait.ge [sflag:s29], $0x2800  }
0xe1: {  	[sflag:s29] =	ssyncset.done $0x0  }
0xe2: {  	s13 =	simm.s32 $0xA0;
	[sflag:s29] =	ssyncadd.s32 $0xFFFFD800  }
0xe3: {  	[tilespmem:s3], [sflag:$0x1] =	stream.indirect.gather [hbm4b:s1+s31], $0x80, s13, s31, $0xb8;
	[tilespmem:$0x19880] =	vst v63  }
0xe4: {  	_ =	swait.ge [sflag:s6], $0x2800  }
0xe5: {  	[sflag:s6] =	ssyncset.done $0x0  }
0xe6: {  	s14 =	simm.s32 $0x850;
	[sflag:s6] =	ssyncadd.s32 $0xFFFFD800  }
0xe7: {  	[spmem:s2] =	stream.indirect.scatter.add.f32 [tilespmem:s0], [sflag:$0x3], $0x80, s14, s31, $0xb8;
	[tilespmem:$0x19880] =	vst v63  }
0xe8: {  	_ =	swait.ge [sflag:s29], $0x2800  }
0xe9: {  	s10 =	simm.s32 $0xA0;
	s11 =	simm.s32 $0x500;
	[sflag:s29] =	ssyncset.done $0x0  }
.LBB2_8:
0xea: {  	s12 =	sadd.s32 $0x50, s10  }
0xeb: {  	[sflag:s29] =	ssyncadd.s32 $0xFFFFD800;
	s13 =	smov.u32 s11;
	s14 =	sadd.s32 $0x280, s11  }
0xec: {  	[tilespmem:s0], [sflag:$0x2] =	stream.indirect.gather [hbm4b:s1+s31], $0x80, s12, s31, $0xb8;
	[tilespmem:$0x19880] =	vst v63  }
0xed: {  	p1 =	sne.s32 s11, $0x1B80;
	_ =	swait.ge [sflag:s7], $0x2800  }
0xee: {  	[sflag:s7] =	ssyncset.done $0x0  }
0xef: {  	s11 =	sadd.s32 $0x800, s10;
	[sflag:s7] =	ssyncadd.s32 $0xFFFFD800  }
0xf0: {  	[spmem:s2] =	stream.indirect.scatter.add.f32 [tilespmem:s3], [sflag:$0x3], $0x80, s11, s31, $0xb8;
	[tilespmem:$0x19880] =	vst v63  }
0xf1: {  	_ =	swait.ge [sflag:s29], $0x2800  }
0xf2: {  	[sflag:s29] =	ssyncset.done $0x0  }
0xf3: {  	s11 =	sadd.s32 $0xA0, s10;
	[sflag:s29] =	ssyncadd.s32 $0xFFFFD800  }
0xf4: {  	[tilespmem:s3], [sflag:$0x1] =	stream.indirect.gather [hbm4b:s1+s31], $0x80, s11, s31, $0xb8;
	[tilespmem:$0x19880] =	vst v63  }
0xf5: {  	_ =	swait.ge [sflag:s6], $0x2800  }
.Ltmp3:
0xf6: {  	[sflag:s6] =	ssyncset.done $0x0;
	(pc) =	sbr.rel @p1 .LBB2_8-.Ltmp3, $4  }
0xf7: {  	s10 =	sadd.s32 $0x850, s10;
	[sflag:s6] =	ssyncadd.s32 $0xFFFFD800  }
0xf8: {  	[spmem:s2] =	stream.indirect.scatter.add.f32 [tilespmem:s0], [sflag:$0x3], $0x80, s10, s31, $0xb8;
	[tilespmem:$0x19880] =	vst v63  }
0xf9: {  	_ =	swait.ge [sflag:s29], $0x2800  }
0xfa: {  	s11 =	smov.u32 s14;
	s10 =	sshra.s32 s13, $0x2;
	[sflag:s29] =	ssyncset.done $0x0  }
0xfb: {  	s11 =	sadd.s32 $0x50, s10;
	[sflag:s29] =	ssyncadd.s32 $0xFFFFD800  }
0xfc: {  	[tilespmem:s0], [sflag:$0x2] =	stream.indirect.gather [hbm4b:s1+s31], $0x80, s11, s31, $0xb8;
	[tilespmem:$0x19880] =	vst v63  }
0xfd: {  	_ =	swait.ge [sflag:s7], $0x2800  }
0xfe: {  	[sflag:s7] =	ssyncset.done $0x0  }
0xff: {  	s14 =	sadd.s32 $0x800, s10;
	[sflag:s7] =	ssyncadd.s32 $0xFFFFD800  }
0x100: {  	[spmem:s2] =	stream.indirect.scatter.add.f32 [tilespmem:s3], [sflag:$0x3], $0x80, s14, s31, $0xb8;
	[tilespmem:$0x19880] =	vst v63  }
0x101: {  	_ =	swait.ge [sflag:s29], $0x2800  }
0x102: {  	[sflag:s29] =	ssyncset.done $0x0  }
0x103: {  	s12 =	sadd.s32 $0xA0, s10;
	[sflag:s29] =	ssyncadd.s32 $0xFFFFD800  }
0x104: {  	[tilespmem:s3], [sflag:$0x1] =	stream.indirect.gather [hbm4b:s1+s31], $0x80, s12, s31, $0xb8;
	[tilespmem:$0x19880] =	vst v63  }
0x105: {  	_ =	swait.ge [sflag:s6], $0x2800  }
0x106: {  	[sflag:s6] =	ssyncset.done $0x0  }
0x107: {  	s13 =	sadd.s32 $0x850, s10;
	[sflag:s6] =	ssyncadd.s32 $0xFFFFD800  }
0x108: {  	[spmem:s2] =	stream.indirect.scatter.add.f32 [tilespmem:s0], [sflag:$0x3], $0x80, s13, s31, $0xb8;
	[tilespmem:$0x19880] =	vst v63  }
0x109: {  	_ =	swait.ge [sflag:s29], $0x2800  }
0x10a: {  	[sflag:s29] =	ssyncset.done $0x0  }
0x10b: {  	[sflag:s29] =	ssyncadd.s32 $0xFFFFD800  }
0x10c: {  	_ =	swait.ge [sflag:s7], $0x2800  }
0x10d: {  	[sflag:s7] =	ssyncset.done $0x0  }
0x10e: {  	[sflag:s7] =	ssyncadd.s32 $0xFFFFD800  }
0x10f: {  	[spmem:s2] =	stream.indirect.scatter.add.f32 [tilespmem:s3], [sflag:$0x3], $0x80, s8, s31, $0xb8;
	[tilespmem:$0x19880] =	vst v63  }
0x110: {  	_ =	swait.ge [sflag:s29], $0x2800  }
0x111: {  	[sflag:s29] =	ssyncset.done $0x0  }
0x112: {  	s14 =	simm.s32 $0x0;
	[sflag:s29] =	ssyncadd.s32 $0xFFFFD800  }
0x113: {  	[tilespmem:s14], [sflag:$0x3] =	stream.linear.gather [hbm4b:s15+s14], $0x7D0, $0x38;
	[tilespmem:$0x19880] =	vst v63  }
0x114: {  	_ =	swait.ge [sflag:s29], $0x7D0  }
0x115: {  	[sflag:s29] =	ssyncset.done $0x0  }
0x116: {  	[sflag:s29] =	ssyncadd.s32 $0xFFFFF830  }
0x117: {  	[tilespmem:s30], [sflag:$0x3] =	stream.linear.gather [hbm4b:s16+s14], $0x7D0, $0x38;
	[tilespmem:$0x19880] =	vst v63  }
0x118: {  	_ =	swait.ge [sflag:s29], $0x7D0  }
0x119: {  	[sflag:s29] =	ssyncset.done $0x0  }
0x11a: {  	[sflag:s29] =	ssyncadd.s32 $0xFFFFF830  }
0x11b: {  	[tilespmem:s3], [sflag:$0x1] =	stream.indirect.gather [hbm4b:s1+s31], $0x80, s14, s31, $0xb8;
	[tilespmem:$0x19880] =	vst v63  }
0x11c: {  	s11 =	simm.s32 $0x50  }
0x11d: {  	[tilespmem:s0], [sflag:$0x2] =	stream.indirect.gather [hbm4b:s1+s31], $0x80, s11, s31, $0xb8;
	[tilespmem:$0x19880] =	vst v63  }
0x11e: {  	_ =	swait.ge [sflag:s7], $0x2800  }
0x11f: {  	[sflag:s7] =	ssyncset.done $0x0  }
0x120: {  	s12 =	simm.s32 $0x800;
	[sflag:s7] =	ssyncadd.s32 $0xFFFFD800  }
0x121: {  	[spmem:s2] =	stream.indirect.scatter.add.f32 [tilespmem:s3], [sflag:$0x3], $0x80, s12, s31, $0xb8;
	[tilespmem:$0x19880] =	vst v63  }
0x122: {  	_ =	swait.ge [sflag:s29], $0x2800  }
0x123: {  	[sflag:s29] =	ssyncset.done $0x0  }
0x124: {  	s13 =	simm.s32 $0xA0;
	[sflag:s29] =	ssyncadd.s32 $0xFFFFD800  }
0x125: {  	[tilespmem:s3], [sflag:$0x1] =	stream.indirect.gather [hbm4b:s1+s31], $0x80, s13, s31, $0xb8;
	[tilespmem:$0x19880] =	vst v63  }
0x126: {  	_ =	swait.ge [sflag:s6], $0x2800  }
0x127: {  	[sflag:s6] =	ssyncset.done $0x0  }
0x128: {  	s14 =	simm.s32 $0x850;
	[sflag:s6] =	ssyncadd.s32 $0xFFFFD800  }
0x129: {  	[spmem:s2] =	stream.indirect.scatter.add.f32 [tilespmem:s0], [sflag:$0x3], $0x80, s14, s31, $0xb8;
	[tilespmem:$0x19880] =	vst v63  }
0x12a: {  	_ =	swait.ge [sflag:s29], $0x2800  }
0x12b: {  	s10 =	simm.s32 $0xA0;
	s11 =	simm.s32 $0x500;
	[sflag:s29] =	ssyncset.done $0x0  }
.LBB2_10:
0x12c: {  	s12 =	sadd.s32 $0x50, s10  }
0x12d: {  	[sflag:s29] =	ssyncadd.s32 $0xFFFFD800;
	s13 =	smov.u32 s11;
	s14 =	sadd.s32 $0x280, s11  }
0x12e: {  	[tilespmem:s0], [sflag:$0x2] =	stream.indirect.gather [hbm4b:s1+s31], $0x80, s12, s31, $0xb8;
	[tilespmem:$0x19880] =	vst v63  }
0x12f: {  	p1 =	sne.s32 s11, $0x1B80;
	_ =	swait.ge [sflag:s7], $0x2800  }
0x130: {  	[sflag:s7] =	ssyncset.done $0x0  }
0x131: {  	s11 =	sadd.s32 $0x800, s10;
	[sflag:s7] =	ssyncadd.s32 $0xFFFFD800  }
0x132: {  	[spmem:s2] =	stream.indirect.scatter.add.f32 [tilespmem:s3], [sflag:$0x3], $0x80, s11, s31, $0xb8;
	[tilespmem:$0x19880] =	vst v63  }
0x133: {  	_ =	swait.ge [sflag:s29], $0x2800  }
0x134: {  	[sflag:s29] =	ssyncset.done $0x0  }
0x135: {  	s11 =	sadd.s32 $0xA0, s10;
	[sflag:s29] =	ssyncadd.s32 $0xFFFFD800  }
0x136: {  	[tilespmem:s3], [sflag:$0x1] =	stream.indirect.gather [hbm4b:s1+s31], $0x80, s11, s31, $0xb8;
	[tilespmem:$0x19880] =	vst v63  }
0x137: {  	_ =	swait.ge [sflag:s6], $0x2800  }
.Ltmp4:
0x138: {  	[sflag:s6] =	ssyncset.done $0x0;
	(pc) =	sbr.rel @p1 .LBB2_10-.Ltmp4, $4  }
0x139: {  	s10 =	sadd.s32 $0x850, s10;
	[sflag:s6] =	ssyncadd.s32 $0xFFFFD800  }
0x13a: {  	[spmem:s2] =	stream.indirect.scatter.add.f32 [tilespmem:s0], [sflag:$0x3], $0x80, s10, s31, $0xb8;
	[tilespmem:$0x19880] =	vst v63  }
0x13b: {  	_ =	swait.ge [sflag:s29], $0x2800  }
0x13c: {  	s11 =	smov.u32 s14;
	s10 =	sshra.s32 s13, $0x2;
	[sflag:s29] =	ssyncset.done $0x0  }
0x13d: {  	s11 =	sadd.s32 $0x50, s10;
	[sflag:s29] =	ssyncadd.s32 $0xFFFFD800  }
0x13e: {  	[tilespmem:s0], [sflag:$0x2] =	stream.indirect.gather [hbm4b:s1+s31], $0x80, s11, s31, $0xb8;
	[tilespmem:$0x19880] =	vst v63  }
0x13f: {  	_ =	swait.ge [sflag:s7], $0x2800  }
0x140: {  	[sflag:s7] =	ssyncset.done $0x0  }
0x141: {  	s14 =	sadd.s32 $0x800, s10;
	[sflag:s7] =	ssyncadd.s32 $0xFFFFD800  }
0x142: {  	[spmem:s2] =	stream.indirect.scatter.add.f32 [tilespmem:s3], [sflag:$0x3], $0x80, s14, s31, $0xb8;
	[tilespmem:$0x19880] =	vst v63  }
0x143: {  	_ =	swait.ge [sflag:s29], $0x2800  }
0x144: {  	[sflag:s29] =	ssyncset.done $0x0  }
0x145: {  	s12 =	sadd.s32 $0xA0, s10;
	[sflag:s29] =	ssyncadd.s32 $0xFFFFD800  }
0x146: {  	[tilespmem:s3], [sflag:$0x1] =	stream.indirect.gather [hbm4b:s1+s31], $0x80, s12, s31, $0xb8;
	[tilespmem:$0x19880] =	vst v63  }
0x147: {  	_ =	swait.ge [sflag:s6], $0x2800  }
0x148: {  	[sflag:s6] =	ssyncset.done $0x0  }
0x149: {  	s13 =	sadd.s32 $0x850, s10;
	[sflag:s6] =	ssyncadd.s32 $0xFFFFD800  }
0x14a: {  	[spmem:s2] =	stream.indirect.scatter.add.f32 [tilespmem:s0], [sflag:$0x3], $0x80, s13, s31, $0xb8;
	[tilespmem:$0x19880] =	vst v63  }
0x14b: {  	_ =	swait.ge [sflag:s29], $0x2800  }
0x14c: {  	[sflag:s29] =	ssyncset.done $0x0  }
0x14d: {  	[sflag:s29] =	ssyncadd.s32 $0xFFFFD800  }
0x14e: {  	_ =	swait.ge [sflag:s7], $0x2800  }
0x14f: {  	[sflag:s7] =	ssyncset.done $0x0  }
0x150: {  	[sflag:s7] =	ssyncadd.s32 $0xFFFFD800  }
0x151: {  	[spmem:s2] =	stream.indirect.scatter.add.f32 [tilespmem:s3], [sflag:$0x3], $0x80, s8, s31, $0xb8;
	[tilespmem:$0x19880] =	vst v63  }
0x152: {  	_ =	swait.ge [sflag:s29], $0x2800  }
0x153: {  	[sflag:s29] =	ssyncset.done $0x0  }
0x154: {  	s14 =	simm.s32 $0x0;
	[sflag:s29] =	ssyncadd.s32 $0xFFFFD800  }
0x155: {  	[tilespmem:s14], [sflag:$0x3] =	stream.linear.gather [hbm4b:s17+s14], $0x7D0, $0x38;
	[tilespmem:$0x19880] =	vst v63  }
0x156: {  	_ =	swait.ge [sflag:s29], $0x7D0  }
0x157: {  	[sflag:s29] =	ssyncset.done $0x0  }
0x158: {  	[sflag:s29] =	ssyncadd.s32 $0xFFFFF830  }
0x159: {  	[tilespmem:s30], [sflag:$0x3] =	stream.linear.gather [hbm4b:s18+s14], $0x7D0, $0x38;
	[tilespmem:$0x19880] =	vst v63  }
0x15a: {  	_ =	swait.ge [sflag:s29], $0x7D0  }
0x15b: {  	[sflag:s29] =	ssyncset.done $0x0  }
0x15c: {  	[sflag:s29] =	ssyncadd.s32 $0xFFFFF830  }
0x15d: {  	[tilespmem:s3], [sflag:$0x1] =	stream.indirect.gather [hbm4b:s1+s31], $0x80, s14, s31, $0xb8;
	[tilespmem:$0x19880] =	vst v63  }
0x15e: {  	s11 =	simm.s32 $0x50  }
0x15f: {  	[tilespmem:s0], [sflag:$0x2] =	stream.indirect.gather [hbm4b:s1+s31], $0x80, s11, s31, $0xb8;
	[tilespmem:$0x19880] =	vst v63  }
0x160: {  	_ =	swait.ge [sflag:s7], $0x2800  }
0x161: {  	[sflag:s7] =	ssyncset.done $0x0  }
0x162: {  	s12 =	simm.s32 $0x800;
	[sflag:s7] =	ssyncadd.s32 $0xFFFFD800  }
0x163: {  	[spmem:s2] =	stream.indirect.scatter.add.f32 [tilespmem:s3], [sflag:$0x3], $0x80, s12, s31, $0xb8;
	[tilespmem:$0x19880] =	vst v63  }
0x164: {  	_ =	swait.ge [sflag:s29], $0x2800  }
0x165: {  	[sflag:s29] =	ssyncset.done $0x0  }
0x166: {  	s13 =	simm.s32 $0xA0;
	[sflag:s29] =	ssyncadd.s32 $0xFFFFD800  }
0x167: {  	[tilespmem:s3], [sflag:$0x1] =	stream.indirect.gather [hbm4b:s1+s31], $0x80, s13, s31, $0xb8;
	[tilespmem:$0x19880] =	vst v63  }
0x168: {  	_ =	swait.ge [sflag:s6], $0x2800  }
0x169: {  	[sflag:s6] =	ssyncset.done $0x0  }
0x16a: {  	s14 =	simm.s32 $0x850;
	[sflag:s6] =	ssyncadd.s32 $0xFFFFD800  }
0x16b: {  	[spmem:s2] =	stream.indirect.scatter.add.f32 [tilespmem:s0], [sflag:$0x3], $0x80, s14, s31, $0xb8;
	[tilespmem:$0x19880] =	vst v63  }
0x16c: {  	_ =	swait.ge [sflag:s29], $0x2800  }
0x16d: {  	s10 =	simm.s32 $0xA0;
	s11 =	simm.s32 $0x500;
	[sflag:s29] =	ssyncset.done $0x0  }
.LBB2_12:
0x16e: {  	s12 =	sadd.s32 $0x50, s10  }
0x16f: {  	[sflag:s29] =	ssyncadd.s32 $0xFFFFD800;
	s13 =	smov.u32 s11;
	s14 =	sadd.s32 $0x280, s11  }
0x170: {  	[tilespmem:s0], [sflag:$0x2] =	stream.indirect.gather [hbm4b:s1+s31], $0x80, s12, s31, $0xb8;
	[tilespmem:$0x19880] =	vst v63  }
0x171: {  	p1 =	sne.s32 s11, $0x1B80;
	_ =	swait.ge [sflag:s7], $0x2800  }
0x172: {  	[sflag:s7] =	ssyncset.done $0x0  }
0x173: {  	s11 =	sadd.s32 $0x800, s10;
	[sflag:s7] =	ssyncadd.s32 $0xFFFFD800  }
0x174: {  	[spmem:s2] =	stream.indirect.scatter.add.f32 [tilespmem:s3], [sflag:$0x3], $0x80, s11, s31, $0xb8;
	[tilespmem:$0x19880] =	vst v63  }
0x175: {  	_ =	swait.ge [sflag:s29], $0x2800  }
0x176: {  	[sflag:s29] =	ssyncset.done $0x0  }
0x177: {  	s11 =	sadd.s32 $0xA0, s10;
	[sflag:s29] =	ssyncadd.s32 $0xFFFFD800  }
0x178: {  	[tilespmem:s3], [sflag:$0x1] =	stream.indirect.gather [hbm4b:s1+s31], $0x80, s11, s31, $0xb8;
	[tilespmem:$0x19880] =	vst v63  }
0x179: {  	_ =	swait.ge [sflag:s6], $0x2800  }
.Ltmp5:
0x17a: {  	[sflag:s6] =	ssyncset.done $0x0;
	(pc) =	sbr.rel @p1 .LBB2_12-.Ltmp5, $4  }
0x17b: {  	s10 =	sadd.s32 $0x850, s10;
	[sflag:s6] =	ssyncadd.s32 $0xFFFFD800  }
0x17c: {  	[spmem:s2] =	stream.indirect.scatter.add.f32 [tilespmem:s0], [sflag:$0x3], $0x80, s10, s31, $0xb8;
	[tilespmem:$0x19880] =	vst v63  }
0x17d: {  	_ =	swait.ge [sflag:s29], $0x2800  }
0x17e: {  	s11 =	smov.u32 s14;
	s10 =	sshra.s32 s13, $0x2;
	[sflag:s29] =	ssyncset.done $0x0  }
0x17f: {  	s11 =	sadd.s32 $0x50, s10;
	[sflag:s29] =	ssyncadd.s32 $0xFFFFD800  }
0x180: {  	[tilespmem:s0], [sflag:$0x2] =	stream.indirect.gather [hbm4b:s1+s31], $0x80, s11, s31, $0xb8;
	[tilespmem:$0x19880] =	vst v63  }
0x181: {  	_ =	swait.ge [sflag:s7], $0x2800  }
0x182: {  	[sflag:s7] =	ssyncset.done $0x0  }
0x183: {  	s14 =	sadd.s32 $0x800, s10;
	[sflag:s7] =	ssyncadd.s32 $0xFFFFD800  }
0x184: {  	[spmem:s2] =	stream.indirect.scatter.add.f32 [tilespmem:s3], [sflag:$0x3], $0x80, s14, s31, $0xb8;
	[tilespmem:$0x19880] =	vst v63  }
0x185: {  	_ =	swait.ge [sflag:s29], $0x2800  }
0x186: {  	[sflag:s29] =	ssyncset.done $0x0  }
0x187: {  	s12 =	sadd.s32 $0xA0, s10;
	[sflag:s29] =	ssyncadd.s32 $0xFFFFD800  }
0x188: {  	[tilespmem:s3], [sflag:$0x1] =	stream.indirect.gather [hbm4b:s1+s31], $0x80, s12, s31, $0xb8;
	[tilespmem:$0x19880] =	vst v63  }
0x189: {  	_ =	swait.ge [sflag:s6], $0x2800  }
0x18a: {  	[sflag:s6] =	ssyncset.done $0x0  }
0x18b: {  	s13 =	sadd.s32 $0x850, s10;
	[sflag:s6] =	ssyncadd.s32 $0xFFFFD800  }
0x18c: {  	[spmem:s2] =	stream.indirect.scatter.add.f32 [tilespmem:s0], [sflag:$0x3], $0x80, s13, s31, $0xb8;
	[tilespmem:$0x19880] =	vst v63  }
0x18d: {  	_ =	swait.ge [sflag:s29], $0x2800  }
0x18e: {  	[sflag:s29] =	ssyncset.done $0x0  }
0x18f: {  	[sflag:s29] =	ssyncadd.s32 $0xFFFFD800  }
0x190: {  	_ =	swait.ge [sflag:s7], $0x2800  }
0x191: {  	[sflag:s7] =	ssyncset.done $0x0  }
0x192: {  	[sflag:s7] =	ssyncadd.s32 $0xFFFFD800  }
0x193: {  	[spmem:s2] =	stream.indirect.scatter.add.f32 [tilespmem:s3], [sflag:$0x3], $0x80, s8, s31, $0xb8;
	[tilespmem:$0x19880] =	vst v63  }
0x194: {  	_ =	swait.ge [sflag:s29], $0x2800  }
0x195: {  	s14 =	stileid.u32;
	[sflag:s29] =	ssyncset.done $0x0  }
0x196: {  	s10 =	sshll.u32 s14, $0x6;
	[sflag:s29] =	ssyncadd.s32 $0xFFFFD800  }
0x197: {  	s10 =	sor.u32 $0x1C03, s10;
	[bflag:$0x0] =	sbarrier.arrive $0xFFFF  }
0x198: {  	[hbm:s21], [sflag:s10] =	dma.local [spmem:s24], $0x2700  }
0x199: {  	_ =	swait.ge [sflag:s29], $0x2700  }
0x19a: {  	s9 =	sadd.s32 $0x1, s9;
	[sflag:s29] =	ssyncset.done $0x0  }
0x19b: {  	p1 =	sne.s32 s9, s23;
	[sflag:s29] =	ssyncadd.s32 $0xFFFFD900  }
0x19c: {  	[hbm:s22], [sflag:s10] =	dma.local @!p0 [spmem:s25], $0x100  }
.Ltmp6:
0x19d: {  	_ = 	snop;
	(pc) =	sbr.rel @p1 .LBB2_1-.Ltmp6, $4  }
0x19e: {  	s10 =	simm.s32 @!p0 $0x3  }
0x19f: {  	_ =	swait.ge @!p0 [sflag:s10], $0x100  }
0x1a0: {  	[sflag:s10] =	ssyncset.done @!p0 $0x0  }
0x1a1: {  	[sflag:s10] =	ssyncadd.s32 @!p0 $0xFFFFFF00  }
0x1a2: {  	_ =	sfence.sel $0x180000  }
0x1a3: {  	[bflag:$0x0] =	sbarrier.arrive $0xFFFF  }
0x1a4: {  	_ =	strace $0x9000004D  }
0x1a5: {  	s0 =	stileid.u32;
	[bflag:$0x2] =	sbarrier.arrive $0xFFFF  }
0x1a6: {  	p0 =	sne.s32 s0, $0x0;
	s0 =	rddreg [dreg:$0x3]  }
0x1a7: {  	s0 =	sadd.s32 @!p0 $0x100000, s0  }
0x1a8: {  	[sflag:s0] =	ssyncadd.tile.s32 @!p0 $0x1;
	_ =	shalt  }
.Lfunc_end2:
_tile_overlayer_lowered:
.L_overlay_start_2:
0x1a9: {  	(tag) =	ssettag $0x2  }
0x1aa: {  	s0 =	rddreg [dreg:$0x0];
	s2 =	stileid.u32  }
0x1ab: {  	s1 =	rddreg [dreg:$0x1];
	p0 =	sne.s32 s2, $0x0  }
0x1ac: {  	s3 =	rddreg [dreg:$0x2];
	[bflag:$0x3] =	sbarrier.arrive $0xFFFF;
	s2 =	simm.s32 @!p0 $0x1C03  }
0x1ad: {  	[timem:s3], [sflag:s2] =	dma.local @!p0 [hbm:s0], s1  }
0x1ae: {  	s0 =	simm.s32 @!p0 $0x3  }
0x1af: {  	_ =	swait.ge @!p0 [sflag:s0], s1  }
0x1b0: {  	s1 =	ssub.s32 @!p0 $0x0, s1;
	[sflag:s0] =	ssyncset.done @!p0 $0x0  }
0x1b1: {  	[sflag:s0] =	ssyncadd.s32 @!p0 s1  }
0x1b2: {  	[bflag:$0x3] =	sbarrier.arrive $0xFFFF  }
0x1b3: {  	_ =	shalt  }

// kernel: kernel.9.cloned.1.call-start
scs
__scs_entry_jumppad:
0x0: {  	(pc) =	sbr.rel $0x88, $3  }
0x1: {  	(tag) =	ssettag $0x0;
	lr =	simm.s32 $0x1  }
0x2: {  	[smem:$0x3F9C] =	sst lr;
	_ =	strace $0xD0000000  }
0x3: {  	_ = 	snop  }
0x4: {  	_ = 	snop  }
0x5: {  	_ = 	snop  }
0x6: {  	_ = 	snop  }
0x7: {  	_ = 	snop  }
__scs_overlays_trampoline_lowered:
0x8: {  	[smem:$0x3FAB] =	sst s0  }
0x9: {  	[smem:$0x3FAC] =	sst s1  }
0xa: {  	[smem:$0x3FAD] =	sst s2  }
0xb: {  	[smem:$0x3FAE] =	sst s3  }
0xc: {  	[smem:$0x3FAF] =	sst s4  }
0xd: {  	[smem:$0x3FB0] =	sst s5  }
0xe: {  	[smem:$0x3FB1] =	sst s6  }
0xf: {  	[smem:$0x3FB2] =	sst s7  }
0x10: {  	[smem:$0x3FB3] =	sst s8  }
0x11: {  	[smem:$0x3FB4] =	sst s9;
	s0 =	simm.s32 @!p0 $0x0  }
0x12: {  	s1 =	sld [smem:$0x3F9A];
	s0 =	simm.s32 @p0 $0x1  }
0x13: {  	[smem:$0x3FB5] =	sst s0;
	s0 =	simm.s32 @!p1 $0x0  }
0x14: {  	s2 =	sld [smem:$0x3F99];
	s0 =	simm.s32 @p1 $0x1  }
0x15: {  	[smem:$0x3FB6] =	sst s0;
	s0 =	simm.s32 @!p2 $0x0  }
0x16: {  	s3 =	sld [smem:$0x3FDB];
	s0 =	simm.s32 @p2 $0x1  }
0x17: {  	s4 =	simm.s32 $0x1BF5;
	[smem:$0x3FB8] =	sst s0  }
0x18: {  	s0 =	sld [smem:$0x3F9B];
	_ =	swait.ge [sflag:s4], $0x0  }
0x19: {  	s7 =	sld [smem:$0x3F9C]  }
0x1a: {  	s8 =	sadd.s32 $0xFFFFE003, lr  }
0x1b: {  	s9 =	sadd.s32 $0xFFFFFEF7, lr;
	s5 =	simm.s32 $0xFFFFFFFF;
	p2 =	slt.u32 s8, $0xFFFFF086  }
0x1c: {  	p1 =	slt.u32 s9, $0xF7A;
	s5 =	simm.s32 @!p2 $0x0  }
0x1d: {  	s5 =	simm.s32 @p1 $0x1;
	p0 =	seq.s32 s7, s2  }
0x1e: {  	s7 =	smul.u32 @!p0 $0xF7A, s2;
	p2 =	seq.s32 @!p0 s5, $0x0  }
0x1f: {  	s9 =	smul.u32 $0xF7A, s1;
	s8 =	simm.s32 @!p0 $0x1BF5;
	p2 =	por !p2, p0  }
0x20: {  	[sflag:s8] =	ssyncset.s32 @!p0 $0xFFFFF086;
	s6 =	sadd.s32 @!p0 s3, s7;
	s7 =	simm.s32 @!p0 $0x108  }
0x21: {  	s3 =	sadd.s32 s3, s9;
	s6 =	sadd.s32 @!p0 $0x88, s6;
	s7 =	simm.s32 @p2 $0x1082  }
0x22: {  	[simem:s7], [sflag:s8] =	dma.local @!p0 [hbm:s6], $0xF7A  }
0x23: {  	s9 =	sor.u32 $0xD0000000, s2;
	s6 =	simm.s32 $0x108;
	_ =	swait.ge @!p0 [sflag:s8], $0x0  }
0x24: {  	s3 =	sadd.s32 $0x88, s3;
	s6 =	simm.s32 @!p1 $0x1082;
	[sflag:s4] =	ssyncset.s32 $0xFFFFF086  }
0x25: {  	[simem:s6], [sflag:s4] =	dma.local [hbm:s3], $0xF7A  }
0x26: {  	[smem:$0x3F9C] =	sst s1;
	(tag) =	ssettag s2;
	_ =	strace s9  }
0x27: {  	s1 =	sld [smem:$0x3FAC]  }
0x28: {  	s2 =	sld [smem:$0x3FAD]  }
0x29: {  	s4 =	sld [smem:$0x3FAF]  }
0x2a: {  	p0 =	seq.s32 s5, $0x0;
	s5 =	sld [smem:$0x3FB0]  }
0x2b: {  	s6 =	sld [smem:$0x3FB1]  }
0x2c: {  	s7 =	sld [smem:$0x3FB2]  }
0x2d: {  	s3 =	simm.s32 $0x108;
	s8 =	sld [smem:$0x3FB3]  }
0x2e: {  	s3 =	simm.s32 @!p0 $0x1082;
	s9 =	sld [smem:$0x3FB4]  }
0x2f: {  	lr =	sadd.s32 s0, s3;
	s0 =	sld [smem:$0x3FAB]  }
0x30: {  	s3 =	sld [smem:$0x3FAE]  }
0x31: {  	[smem:$0x3FB7] =	sst s10  }
0x32: {  	s10 =	sld [smem:$0x3FB5];
	_ =	sdelay $0x3  }
0x33: {  	p0 =	seq.s32 s10, $0x1;
	s10 =	sld [smem:$0x3FB7];
	_ =	sdelay $0x3  }
0x34: {  	[smem:$0x3FB7] =	sst s10  }
0x35: {  	s10 =	sld [smem:$0x3FB6];
	_ =	sdelay $0x3  }
0x36: {  	p1 =	seq.s32 s10, $0x1;
	s10 =	sld [smem:$0x3FB7];
	_ =	sdelay $0x3  }
0x37: {  	[smem:$0x3FB7] =	sst s10  }
0x38: {  	s10 =	sld [smem:$0x3FB8]  }
0x39: {  	_ = 	snop;
	(pc) =	sbr.ind lr, $3  }
0x3a: {  	_ = 	snop  }
0x3b: {  	_ = 	snop  }
0x3c: {  	p2 =	seq.s32 s10, $0x1;
	s10 =	sld [smem:$0x3FB7]  }
0x3d: {  	_ =	shalt  }
0x3e: {  	_ =	shalt  }
0x3f: {  	_ =	shalt  }
0x40: {  	_ =	shalt  }
0x41: {  	_ =	shalt  }
0x42: {  	_ =	shalt  }
0x43: {  	_ =	shalt  }
0x44: {  	_ =	shalt  }
0x45: {  	_ =	shalt  }
0x46: {  	_ =	shalt  }
0x47: {  	_ =	shalt  }
0x48: {  	_ =	shalt  }
0x49: {  	_ =	shalt  }
0x4a: {  	_ =	shalt  }
0x4b: {  	_ =	shalt  }
0x4c: {  	_ =	shalt  }
0x4d: {  	_ =	shalt  }
0x4e: {  	_ =	shalt  }
0x4f: {  	_ =	shalt  }
0x50: {  	_ =	shalt  }
0x51: {  	_ =	shalt  }
0x52: {  	_ =	shalt  }
0x53: {  	_ =	shalt  }
0x54: {  	_ =	shalt  }
0x55: {  	_ =	shalt  }
0x56: {  	_ =	shalt  }
0x57: {  	_ =	shalt  }
0x58: {  	_ =	shalt  }
0x59: {  	_ =	shalt  }
0x5a: {  	_ =	shalt  }
0x5b: {  	_ =	shalt  }
0x5c: {  	_ =	shalt  }
0x5d: {  	_ =	shalt  }
0x5e: {  	_ =	shalt  }
0x5f: {  	_ =	shalt  }
0x60: {  	_ =	shalt  }
0x61: {  	_ =	shalt  }
0x62: {  	_ =	shalt  }
0x63: {  	_ =	shalt  }
0x64: {  	_ =	shalt  }
0x65: {  	_ =	shalt  }
0x66: {  	_ =	shalt  }
0x67: {  	_ =	shalt  }
0x68: {  	_ =	shalt  }
0x69: {  	_ =	shalt  }
0x6a: {  	_ =	shalt  }
0x6b: {  	_ =	shalt  }
0x6c: {  	_ =	shalt  }
0x6d: {  	_ =	shalt  }
0x6e: {  	_ =	shalt  }
0x6f: {  	_ =	shalt  }
0x70: {  	_ =	shalt  }
0x71: {  	_ =	shalt  }
0x72: {  	_ =	shalt  }
0x73: {  	_ =	shalt  }
0x74: {  	_ =	shalt  }
0x75: {  	_ =	shalt  }
0x76: {  	_ =	shalt  }
0x77: {  	_ =	shalt  }
0x78: {  	_ =	shalt  }
0x79: {  	_ =	shalt  }
0x7a: {  	_ =	shalt  }
0x7b: {  	_ =	shalt  }
0x7c: {  	_ =	shalt  }
0x7d: {  	_ =	shalt  }
0x7e: {  	_ =	shalt  }
0x7f: {  	_ =	shalt  }
0x80: {  	_ =	shalt  }
0x81: {  	_ =	shalt  }
0x82: {  	_ =	shalt  }
0x83: {  	_ =	shalt  }
0x84: {  	_ =	shalt  }
0x85: {  	_ =	shalt  }
0x86: {  	_ =	shalt  }
0x87: {  	_ =	shalt  }
.Lfunc_end0:
.L_simem_size_0:
called_computation_lowered:
.L_overlay_start_0:
0x88: {  	s2 =	sld [smem:$0x3FD9]  }
0x89: {  	s3 =	sld [smem:$0x3FFE];
	_ =	sdelay $0x1  }
0x8a: {  	s1 =	srdreg.scid  }
0x8b: {  	s0 =	sand.u32 $0x1, s1  }
0x8c: {  	s17 =	sshll.u32 s0, $0xA;
	s2 =	sadd.s32 s3, s2  }
0x8d: {  	s2 =	sadd.s32 s2, s17  }
0x8e: {  	[smem:$0x3FC3] =	sst s2  }
0x8f: {  	_ = 	snop  }
0x90: {  	s2 =	sld [smem:$0x3FD0];
	(tm) =	ssettm $0x1  }
0x91: {  	s18 =	sld [smem:$0x3FFB];
	_ =	sdelay $0x3  }
0x92: {  	_ =	strace s18  }
0x93: {  	s3 =	sld [smem:$0x3FFC];
	_ =	sdelay $0x3  }
0x94: {  	_ =	strace s3  }
0x95: {  	s3 =	sld [smem:$0x3FFD];
	_ =	sdelay $0x3  }
0x96: {  	_ =	strace s3  }
0x97: {  	_ =	strace $0x8FFFFFFF  }
0x98: {  	s19 =	sld [smem:$0x3FDB];
	_ =	sdelay $0x1  }
0x99: {  	s4 =	simm.s32 $_scs_section_size  }
0x9a: {  	s5 =	simm.s32 $_size__tile_overlayer_lowered;
	s6 =	simm.s32 $_tile_overlayer_lowered  }
0x9b: {  	s22 =	simm.s32 $0x1BFF;
	s21 =	sshll.u32 s6, $0x1;
	s3 =	sadd.s32 s4, s19  }
0x9c: {  	s7 =	simm.s32 $0x0;
	s20 =	sshll.u32 s5, $0x1;
	s5 =	sadd.s32 s21, s3  }
0x9d: {  	[timem:s7], [sflag:s22] =	dma.local [hbm:s5], s20  }
0x9e: {  	_ =	swait.ge [sflag:s22], s20  }
0x9f: {  	s4 =	ssub.s32 $0x0, s20;
	[sflag:s22] =	ssyncset.done $0x0  }
0xa0: {  	[sflag:s22] =	ssyncadd.s32 s4;
	_ =	sdelay $0x1  }
0xa1: {  	s23 =	simm.s32 $0x1B8B  }
0xa2: {  	_ =	swait.ge [sflag:s23], $0x1  }
0xa3: {  	[sflag:s23] =	ssyncset.done $0x0  }
0xa4: {  	s25 =	simm.s32 $0x1B8E;
	s24 =	sld [smem:$0x3FFE];
	[sflag:s23] =	ssyncadd.s32 $0xFFFFFFFF  }
0xa5: {  	s26 =	simm.s32 $execute0_lowered;
	[smem:$0x3FD2] =	sst s25  }
0xa6: {  	s5 =	sshll.u32 s26, $0x1;
	_ =	strace $0x80000046;
	[dreg:$0x1] =	wrdreg $0xFFFFFFFF  }
0xa7: {  	s28 =	simm.s32 $_size_execute0_lowered;
	s3 =	sadd.s32 s3, s5;
	[dreg:$0x0] =	wrdreg $0x0  }
0xa8: {  	s5 =	sshll.u32 s28, $0x1;
	[dreg:$0x2] =	wrdreg s3  }
0xa9: {  	[dreg:$0x3] =	wrdreg s5  }
0xaa: {  	[dreg:$0x4] =	wrdreg $0xC0  }
0xab: {  	_ =	task [dreg:s7], $0x5FFFF  }
0xac: {  	[dreg:$0x1] =	wrdreg $0xFFFFFFFF  }
0xad: {  	[dreg:$0x0] =	wrdreg $0x60  }
0xae: {  	[dreg:$0x2] =	wrdreg s24  }
0xaf: {  	[dreg:$0x3] =	wrdreg s2  }
0xb0: {  	[dreg:$0x4] =	wrdreg $0xC0000  }
0xb1: {  	[dreg:$0x5] =	wrdreg $0x9  }
0xb2: {  	_ =	task.clear_ibuf [dreg:s7], $0x6FFFF;
	_ =	strace $0x90000046  }
0xb3: {  	s29 =	simm.s32 $0x9;
	_ =	strace $0x80000048  }
0xb4: {  	_ =	swait.ge [sflag:s29], $0x1  }
0xb5: {  	[sflag:s29] =	ssyncadd.s32 $0xFFFFFFFF  }
0xb6: {  	_ =	strace $0x90000048  }
0xb7: {  	_ =	sfence  }
0xb8: {  	s30 =	sld [smem:$0x0];
	_ =	sdelay $0x2  }
0xb9: {  	s31 =	sshll.u32 s1, $0xD;
	s1 =	sshrl.u32 s1, $0x2  }
0xba: {  	s3 =	sand.u32 $0x4000, s31;
	s1 =	sadd.s32 s1, s30  }
0xbb: {  	s0 =	sor.u32 s3, s0;
	s1 =	sshll.u32 s1, $0x11  }
0xbc: {  	s0 =	sor.u32 s1, s0  }
0xbd: {  	s0 =	sadd.s32 $0x8F2B, s0  }
0xbe: {  	[sflag:s0] =	ssyncadd.remote.s32 $0x1  }
0xbf: {  	_ =	sfence.sel $0xFFFF  }
0xc0: {  	[dreg:$0x0] =	wrdreg $0xFFFFFFFF;
	(pc) =	sbr.abs _section_cstart, $3  }
0xc1: {  	[dreg:$0x1] =	wrdreg $0xFFFFFFFF  }
0xc2: {  	_ =	task.clear_ibuf [dreg:s7], $0x2FFFF;
	_ =	strace $0x9FFFFFFF  }
0xc3: {  	(tm) =	ssettm $0x7FFFFFFF  }
tec
execute0_lowered:
.L_overlay_start_1:
0x0: {  	(tag) =	ssettag $0x1  }
0x1: {  	s0 =	rddreg [dreg:$0x0]  }
0x2: {  	s1 =	rddreg [dreg:$0x1]  }
0x3: {  	s2 =	rddreg [dreg:$0x2];
	s4 =	simm.s32 $0x0  }
0x4: {  	s3 =	srdreg.scid;
	s24 =	stileid.u32;
	s28 =	simm.s32 $0x7000  }
0x5: {  	s29 =	simm.s32 $0x2000;
	s30 =	simm.s32 $0x2;
	s31 =	simm.s32 $0x1  }
0x6: {  	[smem:$0x7FF] =	sst s4;
	s5 =	sadd.s32 $0x15400, s0;
	s6 =	smul.u32 $0x4E20, s24  }
0x7: {  	s3 =	sand.u32 $0x1, s3;
	s7 =	sadd.s32 $0xB600, s0;
	s9 =	smul.u32 $0x4E200, s24  }
0x8: {  	s17 =	sadd.s32 $0x1800, s0;
	s0 =	sadd.s32 $0x3C600, s0;
	_ =	strace $0x80000047  }
0x9: {  	s8 =	ssub.s32 $0x2, s3;
	s19 =	smul.u32 $0x27100, s3;
	p0 =	seq.s32 s3, $0x0  }
0xa: {  	s3 =	smul.u32 $0x138800, s3;
	s10 =	sshrl.u32 s8, $0x1;
	s15 =	sshrl.u32 s6, $0x3  }
0xb: {  	s16 =	sshrl.u32 s9, $0x2;
	s1 =	smov.u32 @p0 s5;
	p0 =	sne.s32 s24, $0xF  }
0xc: {  	s21 =	ssub.s32 s8, s10;
	s18 =	sadd.s32 s7, s15;
	s6 =	sadd.s32 s16, s2  }
0xd: {  	s20 =	sadd.s32 s17, s15;
	s11 =	sadd.s32 $0x1F4, s15;
	s13 =	sadd.s32 $0x3E8, s15  }
0xe: {  	s16 =	sadd.s32 $0x5DC, s15;
	s3 =	sshrl.u32 s3, $0x3;
	[dreg:$0x4] =	wrdreg s18  }
0xf: {  	[dreg:$0x5] =	wrdreg s20;
	s22 =	sadd.s32 $0x5000, s6;
	s23 =	sadd.s32 $0xA000, s6  }
0x10: {  	s25 =	sadd.s32 s7, s11;
	s11 =	sadd.s32 s17, s11;
	s12 =	sadd.s32 s7, s13  }
0x11: {  	s13 =	sadd.s32 s17, s13;
	s20 =	smul.u32 $0x4E000, s24;
	[dreg:$0x6] =	wrdreg s22  }
0x12: {  	s14 =	sadd.s32 s7, s16;
	s18 =	sadd.s32 $0x7D0, s15;
	[dreg:$0x7] =	wrdreg s23  }
0x13: {  	s15 =	sadd.s32 s17, s16;
	s21 =	smax.u32 s21, $0x1;
	[dreg:$0x8] =	wrdreg s25  }
0x14: {  	s22 =	smul.u32 $0x2700, s24;
	s16 =	sadd.s32 s7, s18;
	s17 =	sadd.s32 s17, s18  }
0x15: {  	s18 =	sadd.s32 $0xF000, s6;
	s25 =	sadd.s32 $0x138000, s2;
	s26 =	sshrl.u32 s20, $0x2  }
0x16: {  	s23 =	simm.s32 $0x1000;
	s25 =	sshrl.u32 @!p0 s25, $0x3;
	s7 =	sadd.s32 s26, s2  }
0x17: {  	s19 =	sadd.s32 s22, s19;
	s22 =	simm.s32 $0x3;
	s26 =	simm.s32 $0xA0  }
0x18: {  	s19 =	sadd.s32 s0, s19;
	s0 =	sadd.s32 s0, s3;
	s24 =	sshrl.u32 s7, $0x3  }
0x19: {  	v0 =	vimm.f32 $0.0e+00;
	s3 =	simm.s32 $0x0;
	s20 =	sadd.s32 $0x27000, s0;
	s0 =	simm.s32 $0x1F00  }
.LBB2_1:
0x1a: {  	s5 =	rddreg [dreg:$0x4]  }
0x1b: {  	[tilespmem:s4], [sflag:$0x3] =	stream.linear.gather [hbm4b:s5+s4], $0xFA0, $0x38;
	[tilespmem:$0x1F880] =	vst v63  }
0x1c: {  	_ =	swait.ge [sflag:s22], $0xFA0  }
0x1d: {  	[sflag:s22] =	ssyncset.done $0x0  }
0x1e: {  	s10 =	rddreg [dreg:$0x5];
	[sflag:s22] =	ssyncadd.s32 $0xFFFFF060  }
0x1f: {  	[tilespmem:s23], [sflag:$0x3] =	stream.linear.gather [hbm4b:s10+s4], $0xFA0, $0x38;
	[tilespmem:$0x1F880] =	vst v63  }
0x20: {  	_ =	swait.ge [sflag:s22], $0xFA0  }
0x21: {  	[sflag:s22] =	ssyncset.done $0x0  }
0x22: {  	s7 =	simm.s32 $0x3C0;
	s5 =	simm.s32 $0x70;
	[sflag:s22] =	ssyncadd.s32 $0xFFFFF060  }
0x23: {  	[tilespmem:s28], [sflag:$0x2] =	stream.indirect.gather [hbm4b:s1+s26], $0x80, s4, s26, $0xb8;
	[tilespmem:$0x1F880] =	vst v63  }
.LBB2_2:
0x24: {  	p1 =	sne.s32 s7, $0x13FC0;
	[tilespmem:s5+$0x2000] =	vst v0  }
0x25: {  	[tilespmem:s5+$0x1F90] =	vst v0  }
0x26: {  	[tilespmem:s5+$0x1FA0] =	vst v0  }
.Ltmp0:
0x27: {  	[tilespmem:s5+$0x1FB0] =	vst v0;
	(pc) =	sbr.rel @p1 .LBB2_2-.Ltmp0, $4  }
0x28: {  	[tilespmem:s5+$0x1FC0] =	vst v0  }
0x29: {  	[tilespmem:s5+$0x1FD0] =	vst v0  }
0x2a: {  	[tilespmem:s5+$0x1FE0] =	vst v0  }
0x2b: {  	[tilespmem:s5+$0x1FF0] =	vst v0;
	s5 =	sshra.s32 s7, $0x2;
	s7 =	sadd.s32 $0x200, s7  }
0x2c: {  	[tilespmem:s5+$0x2000] =	vst v0  }
0x2d: {  	[tilespmem:s5+$0x1F90] =	vst v0  }
0x2e: {  	[tilespmem:s5+$0x1FA0] =	vst v0  }
0x2f: {  	[tilespmem:s5+$0x1FB0] =	vst v0  }
0x30: {  	[tilespmem:s5+$0x1FC0] =	vst v0  }
0x31: {  	[tilespmem:s5+$0x1FD0] =	vst v0  }
0x32: {  	[tilespmem:s5+$0x1FE0] =	vst v0  }
0x33: {  	[tilespmem:s5+$0x1FF0] =	vst v0  }
0x34: {  	[spmem:s6] =	stream.linear.scatter [tilespmem:s29], [sflag:$0x3], $0x5000, $0x38;
	[tilespmem:$0x1F880] =	vst v63  }
0x35: {  	_ =	swait.ge [sflag:s22], $0x5000  }
0x36: {  	[sflag:s22] =	ssyncset.done $0x0  }
0x37: {  	s9 =	rddreg [dreg:$0x6];
	[sflag:s22] =	ssyncadd.s32 $0xFFFFB000  }
0x38: {  	[spmem:s9] =	stream.linear.scatter [tilespmem:s29], [sflag:$0x3], $0x5000, $0x38;
	[tilespmem:$0x1F880] =	vst v63  }
0x39: {  	_ =	swait.ge [sflag:s22], $0x5000  }
0x3a: {  	[sflag:s22] =	ssyncset.done $0x0  }
0x3b: {  	s10 =	rddreg [dreg:$0x7];
	[sflag:s22] =	ssyncadd.s32 $0xFFFFB000  }
0x3c: {  	[spmem:s10] =	stream.linear.scatter [tilespmem:s29], [sflag:$0x3], $0x5000, $0x38;
	[tilespmem:$0x1F880] =	vst v63  }
0x3d: {  	_ =	swait.ge [sflag:s22], $0x5000  }
0x3e: {  	[sflag:s22] =	ssyncset.done $0x0  }
0x3f: {  	[sflag:s22] =	ssyncadd.s32 $0xFFFFB000  }
0x40: {  	[spmem:s18] =	stream.linear.scatter [tilespmem:s29], [sflag:$0x3], $0x4880, $0x38;
	[tilespmem:$0x1F880] =	vst v63  }
0x41: {  	_ =	swait.ge [sflag:s22], $0x4880  }
0x42: {  	[sflag:s22] =	ssyncset.done $0x0  }
0x43: {  	[sflag:s22] =	ssyncadd.s32 $0xFFFFB780  }
0x44: {  	s7 =	simm.s32 $0xA0;
	[bflag:$0x0] =	sbarrier.arrive $0xFFFF  }
0x45: {  	[tilespmem:s29], [sflag:$0x1] =	stream.indirect.gather [hbm4b:s1+s26], $0x80, s7, s26, $0xb8;
	[tilespmem:$0x1F880] =	vst v63  }
0x46: {  	_ =	swait.ge [sflag:s30], $0x5000  }
0x47: {  	[sflag:s30] =	ssyncset.done $0x0  }
0x48: {  	s8 =	simm.s32 $0x1000;
	[sflag:s30] =	ssyncadd.s32 $0xFFFFB000  }
0x49: {  	[spmem:s2] =	stream.indirect.scatter.add.f32 [tilespmem:s28], [sflag:$0x3], $0x80, s8, s26, $0xb8;
	[tilespmem:$0x1F880] =	vst v63  }
0x4a: {  	_ =	swait.ge [sflag:s22], $0x5000  }
0x4b: {  	[sflag:s22] =	ssyncset.done $0x0  }
0x4c: {  	s9 =	simm.s32 $0x140;
	[sflag:s22] =	ssyncadd.s32 $0xFFFFB000  }
0x4d: {  	[tilespmem:s28], [sflag:$0x2] =	stream.indirect.gather [hbm4b:s1+s26], $0x80, s9, s26, $0xb8;
	[tilespmem:$0x1F880] =	vst v63  }
0x4e: {  	_ =	swait.ge [sflag:s31], $0x5000  }
0x4f: {  	[sflag:s31] =	ssyncset.done $0x0  }
0x50: {  	s10 =	simm.s32 $0x10A0;
	[sflag:s31] =	ssyncadd.s32 $0xFFFFB000  }
0x51: {  	[spmem:s2] =	stream.indirect.scatter.add.f32 [tilespmem:s29], [sflag:$0x3], $0x80, s10, s26, $0xb8;
	[tilespmem:$0x1F880] =	vst v63  }
0x52: {  	_ =	swait.ge [sflag:s22], $0x5000  }
0x53: {  	s5 =	simm.s32 $0x140;
	s7 =	simm.s32 $0xA00;
	[sflag:s22] =	ssyncset.done $0x0  }
.LBB2_4:
0x54: {  	s8 =	sadd.s32 $0xA0, s5  }
0x55: {  	[sflag:s22] =	ssyncadd.s32 $0xFFFFB000;
	s9 =	smov.u32 s7;
	s10 =	sadd.s32 $0x500, s7  }
0x56: {  	[tilespmem:s29], [sflag:$0x1] =	stream.indirect.gather [hbm4b:s1+s26], $0x80, s8, s26, $0xb8;
	[tilespmem:$0x1F880] =	vst v63  }
0x57: {  	p1 =	sne.s32 s7, $0x3700;
	_ =	swait.ge [sflag:s30], $0x5000  }
0x58: {  	[sflag:s30] =	ssyncset.done $0x0  }
0x59: {  	s7 =	sadd.s32 $0x1000, s5;
	[sflag:s30] =	ssyncadd.s32 $0xFFFFB000  }
0x5a: {  	[spmem:s2] =	stream.indirect.scatter.add.f32 [tilespmem:s28], [sflag:$0x3], $0x80, s7, s26, $0xb8;
	[tilespmem:$0x1F880] =	vst v63  }
0x5b: {  	_ =	swait.ge [sflag:s22], $0x5000  }
0x5c: {  	[sflag:s22] =	ssyncset.done $0x0  }
0x5d: {  	s7 =	sadd.s32 $0x140, s5;
	[sflag:s22] =	ssyncadd.s32 $0xFFFFB000  }
0x5e: {  	[tilespmem:s28], [sflag:$0x2] =	stream.indirect.gather [hbm4b:s1+s26], $0x80, s7, s26, $0xb8;
	[tilespmem:$0x1F880] =	vst v63  }
0x5f: {  	_ =	swait.ge [sflag:s31], $0x5000  }
.Ltmp1:
0x60: {  	[sflag:s31] =	ssyncset.done $0x0;
	(pc) =	sbr.rel @p1 .LBB2_4-.Ltmp1, $4  }
0x61: {  	s5 =	sadd.s32 $0x10A0, s5;
	[sflag:s31] =	ssyncadd.s32 $0xFFFFB000  }
0x62: {  	[spmem:s2] =	stream.indirect.scatter.add.f32 [tilespmem:s29], [sflag:$0x3], $0x80, s5, s26, $0xb8;
	[tilespmem:$0x1F880] =	vst v63  }
0x63: {  	_ =	swait.ge [sflag:s22], $0x5000  }
0x64: {  	s7 =	smov.u32 s10;
	s5 =	sshra.s32 s9, $0x2;
	[sflag:s22] =	ssyncset.done $0x0  }
0x65: {  	s7 =	sadd.s32 $0xA0, s5;
	[sflag:s22] =	ssyncadd.s32 $0xFFFFB000  }
0x66: {  	[tilespmem:s29], [sflag:$0x1] =	stream.indirect.gather [hbm4b:s1+s26], $0x80, s7, s26, $0xb8;
	[tilespmem:$0x1F880] =	vst v63  }
0x67: {  	_ =	swait.ge [sflag:s30], $0x5000  }
0x68: {  	[sflag:s30] =	ssyncset.done $0x0  }
0x69: {  	s9 =	sadd.s32 $0x1000, s5;
	[sflag:s30] =	ssyncadd.s32 $0xFFFFB000  }
0x6a: {  	[spmem:s2] =	stream.indirect.scatter.add.f32 [tilespmem:s28], [sflag:$0x3], $0x80, s9, s26, $0xb8;
	[tilespmem:$0x1F880] =	vst v63  }
0x6b: {  	_ =	swait.ge [sflag:s22], $0x5000  }
0x6c: {  	[sflag:s22] =	ssyncset.done $0x0  }
0x6d: {  	s10 =	sadd.s32 $0x140, s5;
	[sflag:s22] =	ssyncadd.s32 $0xFFFFB000  }
0x6e: {  	[tilespmem:s28], [sflag:$0x2] =	stream.indirect.gather [hbm4b:s1+s26], $0x80, s10, s26, $0xb8;
	[tilespmem:$0x1F880] =	vst v63  }
0x6f: {  	_ =	swait.ge [sflag:s31], $0x5000  }
0x70: {  	[sflag:s31] =	ssyncset.done $0x0  }
0x71: {  	s8 =	sadd.s32 $0x10A0, s5;
	[sflag:s31] =	ssyncadd.s32 $0xFFFFB000  }
0x72: {  	[spmem:s2] =	stream.indirect.scatter.add.f32 [tilespmem:s29], [sflag:$0x3], $0x80, s8, s26, $0xb8;
	[tilespmem:$0x1F880] =	vst v63  }
0x73: {  	_ =	swait.ge [sflag:s22], $0x5000  }
0x74: {  	[sflag:s22] =	ssyncset.done $0x0  }
0x75: {  	[sflag:s22] =	ssyncadd.s32 $0xFFFFB000  }
0x76: {  	_ =	swait.ge [sflag:s30], $0x5000  }
0x77: {  	[sflag:s30] =	ssyncset.done $0x0  }
0x78: {  	[sflag:s30] =	ssyncadd.s32 $0xFFFFB000  }
0x79: {  	[spmem:s2] =	stream.indirect.scatter.add.f32 [tilespmem:s28], [sflag:$0x3], $0x80, s0, s26, $0xb8;
	[tilespmem:$0x1F880] =	vst v63  }
0x7a: {  	_ =	swait.ge [sflag:s22], $0x5000  }
0x7b: {  	[sflag:s22] =	ssyncset.done $0x0  }
0x7c: {  	s9 =	simm.s32 $0x0;
	s10 =	rddreg [dreg:$0x8];
	[sflag:s22] =	ssyncadd.s32 $0xFFFFB000  }
0x7d: {  	[tilespmem:s9], [sflag:$0x3] =	stream.linear.gather [hbm4b:s10+s9], $0xFA0, $0x38;
	[tilespmem:$0x1F880] =	vst v63  }
0x7e: {  	_ =	swait.ge [sflag:s22], $0xFA0  }
0x7f: {  	[sflag:s22] =	ssyncset.done $0x0  }
0x80: {  	[sflag:s22] =	ssyncadd.s32 $0xFFFFF060  }
0x81: {  	[tilespmem:s23], [sflag:$0x3] =	stream.linear.gather [hbm4b:s11+s9], $0xFA0, $0x38;
	[tilespmem:$0x1F880] =	vst v63  }
0x82: {  	_ =	swait.ge [sflag:s22], $0xFA0  }
0x83: {  	[sflag:s22] =	ssyncset.done $0x0  }
0x84: {  	[sflag:s22] =	ssyncadd.s32 $0xFFFFF060  }
0x85: {  	[tilespmem:s29], [sflag:$0x1] =	stream.indirect.gather [hbm4b:s1+s26], $0x80, s9, s26, $0xb8;
	[tilespmem:$0x1F880] =	vst v63  }
0x86: {  	s7 =	simm.s32 $0xA0  }
0x87: {  	[tilespmem:s28], [sflag:$0x2] =	stream.indirect.gather [hbm4b:s1+s26], $0x80, s7, s26, $0xb8;
	[tilespmem:$0x1F880] =	vst v63  }
0x88: {  	_ =	swait.ge [sflag:s31], $0x5000  }
0x89: {  	[sflag:s31] =	ssyncset.done $0x0  }
0x8a: {  	s8 =	simm.s32 $0x1000;
	[sflag:s31] =	ssyncadd.s32 $0xFFFFB000  }
0x8b: {  	[spmem:s2] =	stream.indirect.scatter.add.f32 [tilespmem:s29], [sflag:$0x3], $0x80, s8, s26, $0xb8;
	[tilespmem:$0x1F880] =	vst v63  }
0x8c: {  	_ =	swait.ge [sflag:s22], $0x5000  }
0x8d: {  	[sflag:s22] =	ssyncset.done $0x0  }
0x8e: {  	s9 =	simm.s32 $0x140;
	[sflag:s22] =	ssyncadd.s32 $0xFFFFB000  }
0x8f: {  	[tilespmem:s29], [sflag:$0x1] =	stream.indirect.gather [hbm4b:s1+s26], $0x80, s9, s26, $0xb8;
	[tilespmem:$0x1F880] =	vst v63  }
0x90: {  	_ =	swait.ge [sflag:s30], $0x5000  }
0x91: {  	[sflag:s30] =	ssyncset.done $0x0  }
0x92: {  	s10 =	simm.s32 $0x10A0;
	[sflag:s30] =	ssyncadd.s32 $0xFFFFB000  }
0x93: {  	[spmem:s2] =	stream.indirect.scatter.add.f32 [tilespmem:s28], [sflag:$0x3], $0x80, s10, s26, $0xb8;
	[tilespmem:$0x1F880] =	vst v63  }
0x94: {  	_ =	swait.ge [sflag:s22], $0x5000  }
0x95: {  	s5 =	simm.s32 $0x140;
	s7 =	simm.s32 $0xA00;
	[sflag:s22] =	ssyncset.done $0x0  }
.LBB2_6:
0x96: {  	s8 =	sadd.s32 $0xA0, s5  }
0x97: {  	[sflag:s22] =	ssyncadd.s32 $0xFFFFB000;
	s9 =	smov.u32 s7;
	s10 =	sadd.s32 $0x500, s7  }
0x98: {  	[tilespmem:s28], [sflag:$0x2] =	stream.indirect.gather [hbm4b:s1+s26], $0x80, s8, s26, $0xb8;
	[tilespmem:$0x1F880] =	vst v63  }
0x99: {  	p1 =	sne.s32 s7, $0x3700;
	_ =	swait.ge [sflag:s31], $0x5000  }
0x9a: {  	[sflag:s31] =	ssyncset.done $0x0  }
0x9b: {  	s7 =	sadd.s32 $0x1000, s5;
	[sflag:s31] =	ssyncadd.s32 $0xFFFFB000  }
0x9c: {  	[spmem:s2] =	stream.indirect.scatter.add.f32 [tilespmem:s29], [sflag:$0x3], $0x80, s7, s26, $0xb8;
	[tilespmem:$0x1F880] =	vst v63  }
0x9d: {  	_ =	swait.ge [sflag:s22], $0x5000  }
0x9e: {  	[sflag:s22] =	ssyncset.done $0x0  }
0x9f: {  	s7 =	sadd.s32 $0x140, s5;
	[sflag:s22] =	ssyncadd.s32 $0xFFFFB000  }
0xa0: {  	[tilespmem:s29], [sflag:$0x1] =	stream.indirect.gather [hbm4b:s1+s26], $0x80, s7, s26, $0xb8;
	[tilespmem:$0x1F880] =	vst v63  }
0xa1: {  	_ =	swait.ge [sflag:s30], $0x5000  }
.Ltmp2:
0xa2: {  	[sflag:s30] =	ssyncset.done $0x0;
	(pc) =	sbr.rel @p1 .LBB2_6-.Ltmp2, $4  }
0xa3: {  	s5 =	sadd.s32 $0x10A0, s5;
	[sflag:s30] =	ssyncadd.s32 $0xFFFFB000  }
0xa4: {  	[spmem:s2] =	stream.indirect.scatter.add.f32 [tilespmem:s28], [sflag:$0x3], $0x80, s5, s26, $0xb8;
	[tilespmem:$0x1F880] =	vst v63  }
0xa5: {  	_ =	swait.ge [sflag:s22], $0x5000  }
0xa6: {  	s7 =	smov.u32 s10;
	s5 =	sshra.s32 s9, $0x2;
	[sflag:s22] =	ssyncset.done $0x0  }
0xa7: {  	s7 =	sadd.s32 $0xA0, s5;
	[sflag:s22] =	ssyncadd.s32 $0xFFFFB000  }
0xa8: {  	[tilespmem:s28], [sflag:$0x2] =	stream.indirect.gather [hbm4b:s1+s26], $0x80, s7, s26, $0xb8;
	[tilespmem:$0x1F880] =	vst v63  }
0xa9: {  	_ =	swait.ge [sflag:s31], $0x5000  }
0xaa: {  	[sflag:s31] =	ssyncset.done $0x0  }
0xab: {  	s10 =	sadd.s32 $0x1000, s5;
	[sflag:s31] =	ssyncadd.s32 $0xFFFFB000  }
0xac: {  	[spmem:s2] =	stream.indirect.scatter.add.f32 [tilespmem:s29], [sflag:$0x3], $0x80, s10, s26, $0xb8;
	[tilespmem:$0x1F880] =	vst v63  }
0xad: {  	_ =	swait.ge [sflag:s22], $0x5000  }
0xae: {  	[sflag:s22] =	ssyncset.done $0x0  }
0xaf: {  	s8 =	sadd.s32 $0x140, s5;
	[sflag:s22] =	ssyncadd.s32 $0xFFFFB000  }
0xb0: {  	[tilespmem:s29], [sflag:$0x1] =	stream.indirect.gather [hbm4b:s1+s26], $0x80, s8, s26, $0xb8;
	[tilespmem:$0x1F880] =	vst v63  }
0xb1: {  	_ =	swait.ge [sflag:s30], $0x5000  }
0xb2: {  	[sflag:s30] =	ssyncset.done $0x0  }
0xb3: {  	s9 =	sadd.s32 $0x10A0, s5;
	[sflag:s30] =	ssyncadd.s32 $0xFFFFB000  }
0xb4: {  	[spmem:s2] =	stream.indirect.scatter.add.f32 [tilespmem:s28], [sflag:$0x3], $0x80, s9, s26, $0xb8;
	[tilespmem:$0x1F880] =	vst v63  }
0xb5: {  	_ =	swait.ge [sflag:s22], $0x5000  }
0xb6: {  	[sflag:s22] =	ssyncset.done $0x0  }
0xb7: {  	[sflag:s22] =	ssyncadd.s32 $0xFFFFB000  }
0xb8: {  	_ =	swait.ge [sflag:s31], $0x5000  }
0xb9: {  	[sflag:s31] =	ssyncset.done $0x0  }
0xba: {  	[sflag:s31] =	ssyncadd.s32 $0xFFFFB000  }
0xbb: {  	[spmem:s2] =	stream.indirect.scatter.add.f32 [tilespmem:s29], [sflag:$0x3], $0x80, s0, s26, $0xb8;
	[tilespmem:$0x1F880] =	vst v63  }
0xbc: {  	_ =	swait.ge [sflag:s22], $0x5000  }
0xbd: {  	[sflag:s22] =	ssyncset.done $0x0  }
0xbe: {  	s10 =	simm.s32 $0x0;
	[sflag:s22] =	ssyncadd.s32 $0xFFFFB000  }
0xbf: {  	[tilespmem:s10], [sflag:$0x3] =	stream.linear.gather [hbm4b:s12+s10], $0xFA0, $0x38;
	[tilespmem:$0x1F880] =	vst v63  }
0xc0: {  	_ =	swait.ge [sflag:s22], $0xFA0  }
0xc1: {  	[sflag:s22] =	ssyncset.done $0x0  }
0xc2: {  	[sflag:s22] =	ssyncadd.s32 $0xFFFFF060  }
0xc3: {  	[tilespmem:s23], [sflag:$0x3] =	stream.linear.gather [hbm4b:s13+s10], $0xFA0, $0x38;
	[tilespmem:$0x1F880] =	vst v63  }
0xc4: {  	_ =	swait.ge [sflag:s22], $0xFA0  }
0xc5: {  	[sflag:s22] =	ssyncset.done $0x0  }
0xc6: {  	[sflag:s22] =	ssyncadd.s32 $0xFFFFF060  }
0xc7: {  	[tilespmem:s29], [sflag:$0x1] =	stream.indirect.gather [hbm4b:s1+s26], $0x80, s10, s26, $0xb8;
	[tilespmem:$0x1F880] =	vst v63  }
0xc8: {  	s7 =	simm.s32 $0xA0  }
0xc9: {  	[tilespmem:s28], [sflag:$0x2] =	stream.indirect.gather [hbm4b:s1+s26], $0x80, s7, s26, $0xb8;
	[tilespmem:$0x1F880] =	vst v63  }
0xca: {  	_ =	swait.ge [sflag:s31], $0x5000  }
0xcb: {  	[sflag:s31] =	ssyncset.done $0x0  }
0xcc: {  	s8 =	simm.s32 $0x1000;
	[sflag:s31] =	ssyncadd.s32 $0xFFFFB000  }
0xcd: {  	[spmem:s2] =	stream.indirect.scatter.add.f32 [tilespmem:s29], [sflag:$0x3], $0x80, s8, s26, $0xb8;
	[tilespmem:$0x1F880] =	vst v63  }
0xce: {  	_ =	swait.ge [sflag:s22], $0x5000  }
0xcf: {  	[sflag:s22] =	ssyncset.done $0x0  }
0xd0: {  	s9 =	simm.s32 $0x140;
	[sflag:s22] =	ssyncadd.s32 $0xFFFFB000  }
0xd1: {  	[tilespmem:s29], [sflag:$0x1] =	stream.indirect.gather [hbm4b:s1+s26], $0x80, s9, s26, $0xb8;
	[tilespmem:$0x1F880] =	vst v63  }
0xd2: {  	_ =	swait.ge [sflag:s30], $0x5000  }
0xd3: {  	[sflag:s30] =	ssyncset.done $0x0  }
0xd4: {  	s10 =	simm.s32 $0x10A0;
	[sflag:s30] =	ssyncadd.s32 $0xFFFFB000  }
0xd5: {  	[spmem:s2] =	stream.indirect.scatter.add.f32 [tilespmem:s28], [sflag:$0x3], $0x80, s10, s26, $0xb8;
	[tilespmem:$0x1F880] =	vst v63  }
0xd6: {  	_ =	swait.ge [sflag:s22], $0x5000  }
0xd7: {  	s5 =	simm.s32 $0x140;
	s7 =	simm.s32 $0xA00;
	[sflag:s22] =	ssyncset.done $0x0  }
.LBB2_8:
0xd8: {  	s8 =	sadd.s32 $0xA0, s5  }
0xd9: {  	[sflag:s22] =	ssyncadd.s32 $0xFFFFB000;
	s9 =	smov.u32 s7;
	s10 =	sadd.s32 $0x500, s7  }
0xda: {  	[tilespmem:s28], [sflag:$0x2] =	stream.indirect.gather [hbm4b:s1+s26], $0x80, s8, s26, $0xb8;
	[tilespmem:$0x1F880] =	vst v63  }
0xdb: {  	p1 =	sne.s32 s7, $0x3700;
	_ =	swait.ge [sflag:s31], $0x5000  }
0xdc: {  	[sflag:s31] =	ssyncset.done $0x0  }
0xdd: {  	s7 =	sadd.s32 $0x1000, s5;
	[sflag:s31] =	ssyncadd.s32 $0xFFFFB000  }
0xde: {  	[spmem:s2] =	stream.indirect.scatter.add.f32 [tilespmem:s29], [sflag:$0x3], $0x80, s7, s26, $0xb8;
	[tilespmem:$0x1F880] =	vst v63  }
0xdf: {  	_ =	swait.ge [sflag:s22], $0x5000  }
0xe0: {  	[sflag:s22] =	ssyncset.done $0x0  }
0xe1: {  	s7 =	sadd.s32 $0x140, s5;
	[sflag:s22] =	ssyncadd.s32 $0xFFFFB000  }
0xe2: {  	[tilespmem:s29], [sflag:$0x1] =	stream.indirect.gather [hbm4b:s1+s26], $0x80, s7, s26, $0xb8;
	[tilespmem:$0x1F880] =	vst v63  }
0xe3: {  	_ =	swait.ge [sflag:s30], $0x5000  }
.Ltmp3:
0xe4: {  	[sflag:s30] =	ssyncset.done $0x0;
	(pc) =	sbr.rel @p1 .LBB2_8-.Ltmp3, $4  }
0xe5: {  	s5 =	sadd.s32 $0x10A0, s5;
	[sflag:s30] =	ssyncadd.s32 $0xFFFFB000  }
0xe6: {  	[spmem:s2] =	stream.indirect.scatter.add.f32 [tilespmem:s28], [sflag:$0x3], $0x80, s5, s26, $0xb8;
	[tilespmem:$0x1F880] =	vst v63  }
0xe7: {  	_ =	swait.ge [sflag:s22], $0x5000  }
0xe8: {  	s7 =	smov.u32 s10;
	s5 =	sshra.s32 s9, $0x2;
	[sflag:s22] =	ssyncset.done $0x0  }
0xe9: {  	s7 =	sadd.s32 $0xA0, s5;
	[sflag:s22] =	ssyncadd.s32 $0xFFFFB000  }
0xea: {  	[tilespmem:s28], [sflag:$0x2] =	stream.indirect.gather [hbm4b:s1+s26], $0x80, s7, s26, $0xb8;
	[tilespmem:$0x1F880] =	vst v63  }
0xeb: {  	_ =	swait.ge [sflag:s31], $0x5000  }
0xec: {  	[sflag:s31] =	ssyncset.done $0x0  }
0xed: {  	s10 =	sadd.s32 $0x1000, s5;
	[sflag:s31] =	ssyncadd.s32 $0xFFFFB000  }
0xee: {  	[spmem:s2] =	stream.indirect.scatter.add.f32 [tilespmem:s29], [sflag:$0x3], $0x80, s10, s26, $0xb8;
	[tilespmem:$0x1F880] =	vst v63  }
0xef: {  	_ =	swait.ge [sflag:s22], $0x5000  }
0xf0: {  	[sflag:s22] =	ssyncset.done $0x0  }
0xf1: {  	s8 =	sadd.s32 $0x140, s5;
	[sflag:s22] =	ssyncadd.s32 $0xFFFFB000  }
0xf2: {  	[tilespmem:s29], [sflag:$0x1] =	stream.indirect.gather [hbm4b:s1+s26], $0x80, s8, s26, $0xb8;
	[tilespmem:$0x1F880] =	vst v63  }
0xf3: {  	_ =	swait.ge [sflag:s30], $0x5000  }
0xf4: {  	[sflag:s30] =	ssyncset.done $0x0  }
0xf5: {  	s9 =	sadd.s32 $0x10A0, s5;
	[sflag:s30] =	ssyncadd.s32 $0xFFFFB000  }
0xf6: {  	[spmem:s2] =	stream.indirect.scatter.add.f32 [tilespmem:s28], [sflag:$0x3], $0x80, s9, s26, $0xb8;
	[tilespmem:$0x1F880] =	vst v63  }
0xf7: {  	_ =	swait.ge [sflag:s22], $0x5000  }
0xf8: {  	[sflag:s22] =	ssyncset.done $0x0  }
0xf9: {  	[sflag:s22] =	ssyncadd.s32 $0xFFFFB000  }
0xfa: {  	_ =	swait.ge [sflag:s31], $0x5000  }
0xfb: {  	[sflag:s31] =	ssyncset.done $0x0  }
0xfc: {  	[sflag:s31] =	ssyncadd.s32 $0xFFFFB000  }
0xfd: {  	[spmem:s2] =	stream.indirect.scatter.add.f32 [tilespmem:s29], [sflag:$0x3], $0x80, s0, s26, $0xb8;
	[tilespmem:$0x1F880] =	vst v63  }
0xfe: {  	_ =	swait.ge [sflag:s22], $0x5000  }
0xff: {  	[sflag:s22] =	ssyncset.done $0x0  }
0x100: {  	s10 =	simm.s32 $0x0;
	[sflag:s22] =	ssyncadd.s32 $0xFFFFB000  }
0x101: {  	[tilespmem:s10], [sflag:$0x3] =	stream.linear.gather [hbm4b:s14+s10], $0xFA0, $0x38;
	[tilespmem:$0x1F880] =	vst v63  }
0x102: {  	_ =	swait.ge [sflag:s22], $0xFA0  }
0x103: {  	[sflag:s22] =	ssyncset.done $0x0  }
0x104: {  	[sflag:s22] =	ssyncadd.s32 $0xFFFFF060  }
0x105: {  	[tilespmem:s23], [sflag:$0x3] =	stream.linear.gather [hbm4b:s15+s10], $0xFA0, $0x38;
	[tilespmem:$0x1F880] =	vst v63  }
0x106: {  	_ =	swait.ge [sflag:s22], $0xFA0  }
0x107: {  	[sflag:s22] =	ssyncset.done $0x0  }
0x108: {  	[sflag:s22] =	ssyncadd.s32 $0xFFFFF060  }
0x109: {  	[tilespmem:s29], [sflag:$0x1] =	stream.indirect.gather [hbm4b:s1+s26], $0x80, s10, s26, $0xb8;
	[tilespmem:$0x1F880] =	vst v63  }
0x10a: {  	s7 =	simm.s32 $0xA0  }
0x10b: {  	[tilespmem:s28], [sflag:$0x2] =	stream.indirect.gather [hbm4b:s1+s26], $0x80, s7, s26, $0xb8;
	[tilespmem:$0x1F880] =	vst v63  }
0x10c: {  	_ =	swait.ge [sflag:s31], $0x5000  }
0x10d: {  	[sflag:s31] =	ssyncset.done $0x0  }
0x10e: {  	s8 =	simm.s32 $0x1000;
	[sflag:s31] =	ssyncadd.s32 $0xFFFFB000  }
0x10f: {  	[spmem:s2] =	stream.indirect.scatter.add.f32 [tilespmem:s29], [sflag:$0x3], $0x80, s8, s26, $0xb8;
	[tilespmem:$0x1F880] =	vst v63  }
0x110: {  	_ =	swait.ge [sflag:s22], $0x5000  }
0x111: {  	[sflag:s22] =	ssyncset.done $0x0  }
0x112: {  	s9 =	simm.s32 $0x140;
	[sflag:s22] =	ssyncadd.s32 $0xFFFFB000  }
0x113: {  	[tilespmem:s29], [sflag:$0x1] =	stream.indirect.gather [hbm4b:s1+s26], $0x80, s9, s26, $0xb8;
	[tilespmem:$0x1F880] =	vst v63  }
0x114: {  	_ =	swait.ge [sflag:s30], $0x5000  }
0x115: {  	[sflag:s30] =	ssyncset.done $0x0  }
0x116: {  	s10 =	simm.s32 $0x10A0;
	[sflag:s30] =	ssyncadd.s32 $0xFFFFB000  }
0x117: {  	[spmem:s2] =	stream.indirect.scatter.add.f32 [tilespmem:s28], [sflag:$0x3], $0x80, s10, s26, $0xb8;
	[tilespmem:$0x1F880] =	vst v63  }
0x118: {  	_ =	swait.ge [sflag:s22], $0x5000  }
0x119: {  	s5 =	simm.s32 $0x140;
	s7 =	simm.s32 $0xA00;
	[sflag:s22] =	ssyncset.done $0x0  }
.LBB2_10:
0x11a: {  	s8 =	sadd.s32 $0xA0, s5  }
0x11b: {  	[sflag:s22] =	ssyncadd.s32 $0xFFFFB000;
	s9 =	smov.u32 s7;
	s10 =	sadd.s32 $0x500, s7  }
0x11c: {  	[tilespmem:s28], [sflag:$0x2] =	stream.indirect.gather [hbm4b:s1+s26], $0x80, s8, s26, $0xb8;
	[tilespmem:$0x1F880] =	vst v63  }
0x11d: {  	p1 =	sne.s32 s7, $0x3700;
	_ =	swait.ge [sflag:s31], $0x5000  }
0x11e: {  	[sflag:s31] =	ssyncset.done $0x0  }
0x11f: {  	s7 =	sadd.s32 $0x1000, s5;
	[sflag:s31] =	ssyncadd.s32 $0xFFFFB000  }
0x120: {  	[spmem:s2] =	stream.indirect.scatter.add.f32 [tilespmem:s29], [sflag:$0x3], $0x80, s7, s26, $0xb8;
	[tilespmem:$0x1F880] =	vst v63  }
0x121: {  	_ =	swait.ge [sflag:s22], $0x5000  }
0x122: {  	[sflag:s22] =	ssyncset.done $0x0  }
0x123: {  	s7 =	sadd.s32 $0x140, s5;
	[sflag:s22] =	ssyncadd.s32 $0xFFFFB000  }
0x124: {  	[tilespmem:s29], [sflag:$0x1] =	stream.indirect.gather [hbm4b:s1+s26], $0x80, s7, s26, $0xb8;
	[tilespmem:$0x1F880] =	vst v63  }
0x125: {  	_ =	swait.ge [sflag:s30], $0x5000  }
.Ltmp4:
0x126: {  	[sflag:s30] =	ssyncset.done $0x0;
	(pc) =	sbr.rel @p1 .LBB2_10-.Ltmp4, $4  }
0x127: {  	s5 =	sadd.s32 $0x10A0, s5;
	[sflag:s30] =	ssyncadd.s32 $0xFFFFB000  }
0x128: {  	[spmem:s2] =	stream.indirect.scatter.add.f32 [tilespmem:s28], [sflag:$0x3], $0x80, s5, s26, $0xb8;
	[tilespmem:$0x1F880] =	vst v63  }
0x129: {  	_ =	swait.ge [sflag:s22], $0x5000  }
0x12a: {  	s7 =	smov.u32 s10;
	s5 =	sshra.s32 s9, $0x2;
	[sflag:s22] =	ssyncset.done $0x0  }
0x12b: {  	s7 =	sadd.s32 $0xA0, s5;
	[sflag:s22] =	ssyncadd.s32 $0xFFFFB000  }
0x12c: {  	[tilespmem:s28], [sflag:$0x2] =	stream.indirect.gather [hbm4b:s1+s26], $0x80, s7, s26, $0xb8;
	[tilespmem:$0x1F880] =	vst v63  }
0x12d: {  	_ =	swait.ge [sflag:s31], $0x5000  }
0x12e: {  	[sflag:s31] =	ssyncset.done $0x0  }
0x12f: {  	s10 =	sadd.s32 $0x1000, s5;
	[sflag:s31] =	ssyncadd.s32 $0xFFFFB000  }
0x130: {  	[spmem:s2] =	stream.indirect.scatter.add.f32 [tilespmem:s29], [sflag:$0x3], $0x80, s10, s26, $0xb8;
	[tilespmem:$0x1F880] =	vst v63  }
0x131: {  	_ =	swait.ge [sflag:s22], $0x5000  }
0x132: {  	[sflag:s22] =	ssyncset.done $0x0  }
0x133: {  	s8 =	sadd.s32 $0x140, s5;
	[sflag:s22] =	ssyncadd.s32 $0xFFFFB000  }
0x134: {  	[tilespmem:s29], [sflag:$0x1] =	stream.indirect.gather [hbm4b:s1+s26], $0x80, s8, s26, $0xb8;
	[tilespmem:$0x1F880] =	vst v63  }
0x135: {  	_ =	swait.ge [sflag:s30], $0x5000  }
0x136: {  	[sflag:s30] =	ssyncset.done $0x0  }
0x137: {  	s9 =	sadd.s32 $0x10A0, s5;
	[sflag:s30] =	ssyncadd.s32 $0xFFFFB000  }
0x138: {  	[spmem:s2] =	stream.indirect.scatter.add.f32 [tilespmem:s28], [sflag:$0x3], $0x80, s9, s26, $0xb8;
	[tilespmem:$0x1F880] =	vst v63  }
0x139: {  	_ =	swait.ge [sflag:s22], $0x5000  }
0x13a: {  	[sflag:s22] =	ssyncset.done $0x0  }
0x13b: {  	[sflag:s22] =	ssyncadd.s32 $0xFFFFB000  }
0x13c: {  	_ =	swait.ge [sflag:s31], $0x5000  }
0x13d: {  	[sflag:s31] =	ssyncset.done $0x0  }
0x13e: {  	[sflag:s31] =	ssyncadd.s32 $0xFFFFB000  }
0x13f: {  	[spmem:s2] =	stream.indirect.scatter.add.f32 [tilespmem:s29], [sflag:$0x3], $0x80, s0, s26, $0xb8;
	[tilespmem:$0x1F880] =	vst v63  }
0x140: {  	_ =	swait.ge [sflag:s22], $0x5000  }
0x141: {  	[sflag:s22] =	ssyncset.done $0x0  }
0x142: {  	s10 =	simm.s32 $0x0;
	[sflag:s22] =	ssyncadd.s32 $0xFFFFB000  }
0x143: {  	[tilespmem:s10], [sflag:$0x3] =	stream.linear.gather [hbm4b:s16+s10], $0xFA0, $0x38;
	[tilespmem:$0x1F880] =	vst v63  }
0x144: {  	_ =	swait.ge [sflag:s22], $0xFA0  }
0x145: {  	[sflag:s22] =	ssyncset.done $0x0  }
0x146: {  	[sflag:s22] =	ssyncadd.s32 $0xFFFFF060  }
0x147: {  	[tilespmem:s23], [sflag:$0x3] =	stream.linear.gather [hbm4b:s17+s10], $0xFA0, $0x38;
	[tilespmem:$0x1F880] =	vst v63  }
0x148: {  	_ =	swait.ge [sflag:s22], $0xFA0  }
0x149: {  	[sflag:s22] =	ssyncset.done $0x0  }
0x14a: {  	[sflag:s22] =	ssyncadd.s32 $0xFFFFF060  }
0x14b: {  	[tilespmem:s29], [sflag:$0x1] =	stream.indirect.gather [hbm4b:s1+s26], $0x80, s10, s26, $0xb8;
	[tilespmem:$0x1F880] =	vst v63  }
0x14c: {  	s7 =	simm.s32 $0xA0  }
0x14d: {  	[tilespmem:s28], [sflag:$0x2] =	stream.indirect.gather [hbm4b:s1+s26], $0x80, s7, s26, $0xb8;
	[tilespmem:$0x1F880] =	vst v63  }
0x14e: {  	_ =	swait.ge [sflag:s31], $0x5000  }
0x14f: {  	[sflag:s31] =	ssyncset.done $0x0  }
0x150: {  	s8 =	simm.s32 $0x1000;
	[sflag:s31] =	ssyncadd.s32 $0xFFFFB000  }
0x151: {  	[spmem:s2] =	stream.indirect.scatter.add.f32 [tilespmem:s29], [sflag:$0x3], $0x80, s8, s26, $0xb8;
	[tilespmem:$0x1F880] =	vst v63  }
0x152: {  	_ =	swait.ge [sflag:s22], $0x5000  }
0x153: {  	[sflag:s22] =	ssyncset.done $0x0  }
0x154: {  	s9 =	simm.s32 $0x140;
	[sflag:s22] =	ssyncadd.s32 $0xFFFFB000  }
0x155: {  	[tilespmem:s29], [sflag:$0x1] =	stream.indirect.gather [hbm4b:s1+s26], $0x80, s9, s26, $0xb8;
	[tilespmem:$0x1F880] =	vst v63  }
0x156: {  	_ =	swait.ge [sflag:s30], $0x5000  }
0x157: {  	[sflag:s30] =	ssyncset.done $0x0  }
0x158: {  	s10 =	simm.s32 $0x10A0;
	[sflag:s30] =	ssyncadd.s32 $0xFFFFB000  }
0x159: {  	[spmem:s2] =	stream.indirect.scatter.add.f32 [tilespmem:s28], [sflag:$0x3], $0x80, s10, s26, $0xb8;
	[tilespmem:$0x1F880] =	vst v63  }
0x15a: {  	_ =	swait.ge [sflag:s22], $0x5000  }
0x15b: {  	s5 =	simm.s32 $0x140;
	s7 =	simm.s32 $0xA00;
	[sflag:s22] =	ssyncset.done $0x0  }
.LBB2_12:
0x15c: {  	s8 =	sadd.s32 $0xA0, s5  }
0x15d: {  	[sflag:s22] =	ssyncadd.s32 $0xFFFFB000;
	s9 =	smov.u32 s7;
	s10 =	sadd.s32 $0x500, s7  }
0x15e: {  	[tilespmem:s28], [sflag:$0x2] =	stream.indirect.gather [hbm4b:s1+s26], $0x80, s8, s26, $0xb8;
	[tilespmem:$0x1F880] =	vst v63  }
0x15f: {  	p1 =	sne.s32 s7, $0x3700;
	_ =	swait.ge [sflag:s31], $0x5000  }
0x160: {  	[sflag:s31] =	ssyncset.done $0x0  }
0x161: {  	s7 =	sadd.s32 $0x1000, s5;
	[sflag:s31] =	ssyncadd.s32 $0xFFFFB000  }
0x162: {  	[spmem:s2] =	stream.indirect.scatter.add.f32 [tilespmem:s29], [sflag:$0x3], $0x80, s7, s26, $0xb8;
	[tilespmem:$0x1F880] =	vst v63  }
0x163: {  	_ =	swait.ge [sflag:s22], $0x5000  }
0x164: {  	[sflag:s22] =	ssyncset.done $0x0  }
0x165: {  	s7 =	sadd.s32 $0x140, s5;
	[sflag:s22] =	ssyncadd.s32 $0xFFFFB000  }
0x166: {  	[tilespmem:s29], [sflag:$0x1] =	stream.indirect.gather [hbm4b:s1+s26], $0x80, s7, s26, $0xb8;
	[tilespmem:$0x1F880] =	vst v63  }
0x167: {  	_ =	swait.ge [sflag:s30], $0x5000  }
.Ltmp5:
0x168: {  	[sflag:s30] =	ssyncset.done $0x0;
	(pc) =	sbr.rel @p1 .LBB2_12-.Ltmp5, $4  }
0x169: {  	s5 =	sadd.s32 $0x10A0, s5;
	[sflag:s30] =	ssyncadd.s32 $0xFFFFB000  }
0x16a: {  	[spmem:s2] =	stream.indirect.scatter.add.f32 [tilespmem:s28], [sflag:$0x3], $0x80, s5, s26, $0xb8;
	[tilespmem:$0x1F880] =	vst v63  }
0x16b: {  	_ =	swait.ge [sflag:s22], $0x5000  }
0x16c: {  	s7 =	smov.u32 s10;
	s5 =	sshra.s32 s9, $0x2;
	[sflag:s22] =	ssyncset.done $0x0  }
0x16d: {  	s7 =	sadd.s32 $0xA0, s5;
	[sflag:s22] =	ssyncadd.s32 $0xFFFFB000  }
0x16e: {  	[tilespmem:s28], [sflag:$0x2] =	stream.indirect.gather [hbm4b:s1+s26], $0x80, s7, s26, $0xb8;
	[tilespmem:$0x1F880] =	vst v63  }
0x16f: {  	_ =	swait.ge [sflag:s31], $0x5000  }
0x170: {  	[sflag:s31] =	ssyncset.done $0x0  }
0x171: {  	s10 =	sadd.s32 $0x1000, s5;
	[sflag:s31] =	ssyncadd.s32 $0xFFFFB000  }
0x172: {  	[spmem:s2] =	stream.indirect.scatter.add.f32 [tilespmem:s29], [sflag:$0x3], $0x80, s10, s26, $0xb8;
	[tilespmem:$0x1F880] =	vst v63  }
0x173: {  	_ =	swait.ge [sflag:s22], $0x5000  }
0x174: {  	[sflag:s22] =	ssyncset.done $0x0  }
0x175: {  	s8 =	sadd.s32 $0x140, s5;
	[sflag:s22] =	ssyncadd.s32 $0xFFFFB000  }
0x176: {  	[tilespmem:s29], [sflag:$0x1] =	stream.indirect.gather [hbm4b:s1+s26], $0x80, s8, s26, $0xb8;
	[tilespmem:$0x1F880] =	vst v63  }
0x177: {  	_ =	swait.ge [sflag:s30], $0x5000  }
0x178: {  	[sflag:s30] =	ssyncset.done $0x0  }
0x179: {  	s9 =	sadd.s32 $0x10A0, s5;
	[sflag:s30] =	ssyncadd.s32 $0xFFFFB000  }
0x17a: {  	[spmem:s2] =	stream.indirect.scatter.add.f32 [tilespmem:s28], [sflag:$0x3], $0x80, s9, s26, $0xb8;
	[tilespmem:$0x1F880] =	vst v63  }
0x17b: {  	_ =	swait.ge [sflag:s22], $0x5000  }
0x17c: {  	[sflag:s22] =	ssyncset.done $0x0  }
0x17d: {  	[sflag:s22] =	ssyncadd.s32 $0xFFFFB000  }
0x17e: {  	_ =	swait.ge [sflag:s31], $0x5000  }
0x17f: {  	[sflag:s31] =	ssyncset.done $0x0  }
0x180: {  	[sflag:s31] =	ssyncadd.s32 $0xFFFFB000  }
0x181: {  	[spmem:s2] =	stream.indirect.scatter.add.f32 [tilespmem:s29], [sflag:$0x3], $0x80, s0, s26, $0xb8;
	[tilespmem:$0x1F880] =	vst v63  }
0x182: {  	_ =	swait.ge [sflag:s22], $0x5000  }
0x183: {  	s10 =	stileid.u32;
	[sflag:s22] =	ssyncset.done $0x0  }
0x184: {  	s5 =	sshll.u32 s10, $0x6;
	[sflag:s22] =	ssyncadd.s32 $0xFFFFB000  }
0x185: {  	s5 =	sor.u32 $0x1C03, s5;
	[bflag:$0x0] =	sbarrier.arrive $0xFFFF  }
0x186: {  	[hbm:s19], [sflag:s5] =	dma.local [spmem:s24], $0x2700  }
0x187: {  	_ =	swait.ge [sflag:s22], $0x2700  }
0x188: {  	s3 =	sadd.s32 $0x1, s3;
	[sflag:s22] =	ssyncset.done $0x0  }
0x189: {  	p1 =	sne.s32 s3, s21;
	[sflag:s22] =	ssyncadd.s32 $0xFFFFD900  }
0x18a: {  	[hbm:s20], [sflag:s5] =	dma.local @!p0 [spmem:s25], $0x100  }
.Ltmp6:
0x18b: {  	_ = 	snop;
	(pc) =	sbr.rel @p1 .LBB2_1-.Ltmp6, $4  }
0x18c: {  	s5 =	simm.s32 @!p0 $0x3  }
0x18d: {  	_ =	swait.ge @!p0 [sflag:s5], $0x100  }
0x18e: {  	[sflag:s5] =	ssyncset.done @!p0 $0x0  }
0x18f: {  	[sflag:s5] =	ssyncadd.s32 @!p0 $0xFFFFFF00  }
0x190: {  	_ =	sfence.sel $0x180000  }
0x191: {  	[bflag:$0x0] =	sbarrier.arrive $0xFFFF  }
0x192: {  	_ =	strace $0x90000047  }
0x193: {  	s0 =	stileid.u32;
	[bflag:$0x2] =	sbarrier.arrive $0xFFFF  }
0x194: {  	p0 =	sne.s32 s0, $0x0;
	s0 =	rddreg [dreg:$0x3]  }
0x195: {  	s0 =	sadd.s32 @!p0 $0x100000, s0  }
0x196: {  	[sflag:s0] =	ssyncadd.tile.s32 @!p0 $0x1;
	_ =	shalt  }
.Lfunc_end2:
_tile_overlayer_lowered:
.L_overlay_start_2:
0x197: {  	(tag) =	ssettag $0x2  }
0x198: {  	s0 =	rddreg [dreg:$0x0];
	s2 =	stileid.u32  }
0x199: {  	s1 =	rddreg [dreg:$0x1];
	p0 =	sne.s32 s2, $0x0  }
0x19a: {  	s3 =	rddreg [dreg:$0x2];
	[bflag:$0x3] =	sbarrier.arrive $0xFFFF;
	s2 =	simm.s32 @!p0 $0x1C03  }
0x19b: {  	[timem:s3], [sflag:s2] =	dma.local @!p0 [hbm:s0], s1  }
0x19c: {  	s0 =	simm.s32 @!p0 $0x3  }
0x19d: {  	_ =	swait.ge @!p0 [sflag:s0], s1  }
0x19e: {  	s1 =	ssub.s32 @!p0 $0x0, s1;
	[sflag:s0] =	ssyncset.done @!p0 $0x0  }
0x19f: {  	[sflag:s0] =	ssyncadd.s32 @!p0 s1  }
0x1a0: {  	[bflag:$0x3] =	sbarrier.arrive $0xFFFF  }
0x1a1: {  	_ =	shalt  }

</sc_bundles>
